<compile_context>
chip_gen: v7x
topology: tpu7x:2x2x1
jax: 0.10.2.dev20260603
libtpu: 0.0.44.dev20260713+nightly
codegen_flags: <defaults>
</compile_context>

<pallas_src>
import functools

import jax
import jax.numpy as jnp
from jax import lax
from jax.experimental import pallas as pl
from jax.experimental.pallas import tpu as pltpu
from jax.experimental.pallas import tpu_sc as plsc

N = 10000
NPAD = 10240
E = 320000
P = 100000
DP = 128
DH = DP // 2
W32 = DP // 2
PPAD = 102400
PTOT = 3 * PPAD
NC, NS = 2, 16
NW = NC * NS
EPS = E // NS
RPT = NPAD // NS
PPW = PTOT // NW
KE = 80
KP = 120
NCE = EPS // KE
NCP = PPW // KP



def _linear(vf, Wp, bp):
    BM = 400

    def body(x_ref, w_ref, b_ref, o_ref):
        res = (
            jnp.dot(x_ref[...], w_ref[...], preferred_element_type=jnp.float32)
            + b_ref[...]
        )
        o_ref[0] = res[:, :DH]
        o_ref[1] = res[:, DH:]

    return pl.pallas_call(
        body,
        grid=(N // BM,),
        in_specs=[
            pl.BlockSpec((BM, DP), lambda i: (i, 0)),
            pl.BlockSpec((DP, DP), lambda i: (0, 0)),
            pl.BlockSpec((1, DP), lambda i: (0, 0)),
        ],
        out_specs=pl.BlockSpec((NC, BM, DH), lambda i: (0, i, 0)),
        out_shape=jax.ShapeDtypeStruct((NC, N, DH), jnp.float32),
    )(vf, Wp, bp)



def _edge_agg(h2, ecomb):
    mesh = plsc.VectorSubcoreMesh(core_axis_name="c", subcore_axis_name="s")

    @functools.partial(
        pl.kernel,
        out_type=jax.ShapeDtypeStruct((NC, NPAD, DH), jnp.float32),
        mesh=mesh,
        compiler_params=pltpu.CompilerParams(use_tc_tiling_on_sc=False),
        scratch_types=[
            pltpu.VMEM((2 * NCE, KE), jnp.int32),
            pltpu.VMEM((2, KE, DH), jnp.float32),
            pltpu.VMEM_SHARED((NPAD, DH), jnp.float32),
            pltpu.SemaphoreType.DMA,
            pltpu.SemaphoreType.DMA,
            pltpu.SemaphoreType.DMA,
            pltpu.SemaphoreType.DMA,
            pltpu.SemaphoreType.DMA,
        ],
    )
    def k(h_hbm, e_hbm, out_hbm, idx, rows, acc,
          isem, g0, g1, s0, s1):
        cid = lax.axis_index("c")
        sid = lax.axis_index("s")
        gsem = (g0, g1)
        ssem = (s0, s1)

        pltpu.async_copy(
            e_hbm.at[pl.ds(sid * 2 * NCE, 2 * NCE)], idx, isem
        )

        @pl.loop(0, KE, step=8)
        def _(r):
            for dr in range(8):
                for l in range(DH // 16):
                    rows[0, r + dr, pl.ds(l * 16, 16)] = jnp.zeros(
                        (16,), jnp.float32
                    )

        for z in range(RPT // KE):
            pltpu.sync_copy(
                rows.at[0], acc.at[pl.ds(sid * RPT + z * KE, KE)]
            )
        pltpu.make_async_copy(
            e_hbm.at[pl.ds(sid * 2 * NCE, 2 * NCE)], idx, isem
        ).wait()
        plsc.subcore_barrier()

        def fire_gather(chunk, b):
            pltpu.async_copy(
                h_hbm.at[cid].at[idx.at[2 * chunk]], rows.at[b], gsem[b]
            )

        fire_gather(0, 0)
        fire_gather(1, 1)

        @pl.loop(0, NCE, step=2)
        def _(it):
            for b in range(2):
                chunk = it + b
                pltpu.make_async_copy(
                    h_hbm.at[cid].at[idx.at[0]], rows.at[b], gsem[b]
                ).wait()

                @pl.when(it >= 2)
                def _():
                    pltpu.make_async_copy(
                        rows.at[b], acc.at[idx.at[1]], ssem[b]
                    ).wait()

                pltpu.async_copy(
                    rows.at[b], acc.at[idx.at[2 * chunk + 1]], ssem[b],
                    add=True,
                )

                @pl.when(chunk + 2 < NCE)
                def _():
                    fire_gather(chunk + 2, b)

        for b in range(2):
            pltpu.make_async_copy(
                rows.at[b], acc.at[idx.at[1]], ssem[b]
            ).wait()
        plsc.subcore_barrier()
        for z in range(RPT // KE):
            pltpu.sync_copy(
                acc.at[pl.ds(sid * RPT + z * KE, KE)], rows.at[0]
            )
            pltpu.sync_copy(
                rows.at[0], out_hbm.at[cid, pl.ds(sid * RPT + z * KE, KE)]
            )

    return k(h2, ecomb)



def _finalize_gf(partials):
    BM = 512

    def body(p_ref, o_ref):
        x0 = p_ref[0]
        x1 = p_ref[1]
        li = lax.broadcasted_iota(jnp.int32, (BM, DH), 1)
        deg = jnp.sum(jnp.where(li == 100 - DH, x1, 0.0), axis=1, keepdims=True)
        r = 1.0 / jnp.maximum(deg, 1.0)
        g0 = jnp.maximum(x0 * r, 0.0)
        g1 = jnp.maximum(x1 * r, 0.0)

        def bf16_bits(x):
            u = jax.lax.bitcast_convert_type(x, jnp.int32)
            u = u + 0x7FFF + ((u >> 16) & 1)
            return jax.lax.shift_right_logical(u, 16)

        o_ref[...] = bf16_bits(g0) | jax.lax.shift_left(bf16_bits(g1), 16)

    return pl.pallas_call(
        body,
        grid=(NPAD // BM,),
        in_specs=[pl.BlockSpec((NC, BM, DH), lambda i: (0, i, 0))],
        out_specs=pl.BlockSpec((BM, DH), lambda i: (i, 0)),
        out_shape=jax.ShapeDtypeStruct((NPAD, DH), jnp.int32),
    )(partials)



def _pair_diff(gf32, pcomb):
    mesh = plsc.VectorSubcoreMesh(core_axis_name="c", subcore_axis_name="s")

    @functools.partial(
        pl.kernel,
        out_type=jax.ShapeDtypeStruct((PTOT, W32), jnp.int32),
        mesh=mesh,
        compiler_params=pltpu.CompilerParams(
            use_tc_tiling_on_sc=False, needs_layout_passes=False
        ),
        scratch_types=[
            pltpu.VMEM((2 * NCP, KP), jnp.int32),
            pltpu.VMEM((4, KP, W32), jnp.int32),
            pltpu.VMEM((4, KP, W32), jnp.int32),
            pltpu.VMEM((4, KP, W32), jnp.int32),
            pltpu.SemaphoreType.DMA,
            pltpu.SemaphoreType.DMA,
            pltpu.SemaphoreType.DMA,
            pltpu.SemaphoreType.DMA,
            pltpu.SemaphoreType.DMA,
            pltpu.SemaphoreType.DMA,
            pltpu.SemaphoreType.DMA,
            pltpu.SemaphoreType.DMA,
            pltpu.SemaphoreType.DMA,
            pltpu.SemaphoreType.DMA,
            pltpu.SemaphoreType.DMA,
            pltpu.SemaphoreType.DMA,
            pltpu.SemaphoreType.DMA,
        ],
    )
    def k(gf_hbm, p_hbm, out_hbm, idx, ra, rb, rc,
          isem, ga0, ga1, ga2, ga3, gb0, gb1, gb2, gb3,
          ss0, ss1, ss2, ss3):
        cid = lax.axis_index("c")
        sid = lax.axis_index("s")
        w = cid * NS + sid
        gA = (ga0, ga1, ga2, ga3)
        gB = (gb0, gb1, gb2, gb3)
        ssem = (ss0, ss1, ss2, ss3)

        pltpu.async_copy(
            p_hbm.at[pl.ds(w * 2 * NCP, 2 * NCP)], idx, isem
        )
        pltpu.make_async_copy(
            p_hbm.at[pl.ds(w * 2 * NCP, 2 * NCP)], idx, isem
        ).wait()

        def fire_gathers(chunk, b):
            pltpu.async_copy(gf_hbm.at[idx.at[2 * chunk]], ra.at[b], gA[b])
            pltpu.async_copy(gf_hbm.at[idx.at[2 * chunk + 1]], rb.at[b], gB[b])

        for b in range(4):
            fire_gathers(b, b)

        @pl.loop(0, NCP, step=4)
        def _(it):
            for b in range(4):
                chunk = it + b
                pltpu.make_async_copy(
                    gf_hbm.at[idx.at[0]], ra.at[b], gA[b]
                ).wait()
                pltpu.make_async_copy(
                    gf_hbm.at[idx.at[0]], rb.at[b], gB[b]
                ).wait()

                @pl.when(it >= 4)
                def _():
                    pltpu.make_async_copy(
                        rc.at[b], out_hbm.at[pl.ds(0, KP)], ssem[b]
                    ).wait()

                @pl.loop(0, KP, step=4)
                def _(r):
                    for dr in range(4):
                        for l in range(W32 // 16):
                            sl = pl.ds(l * 16, 16)
                            va = plsc.bitcast(ra[b, r + dr, sl], jnp.bfloat16)
                            vb = plsc.bitcast(rb[b, r + dr, sl], jnp.bfloat16)
                            rc[b, r + dr, sl] = plsc.bitcast(
                                jnp.abs(va - vb), jnp.int32
                            )

                @pl.when(chunk + 4 < NCP)
                def _():
                    fire_gathers(chunk + 4, b)

                base = w * PPW + chunk * KP
                pltpu.async_copy(
                    rc.at[b], out_hbm.at[pl.ds(base, KP)], ssem[b]
                )

        for b in range(4):
            pltpu.make_async_copy(
                rc.at[b], out_hbm.at[pl.ds(0, KP)], ssem[b]
            ).wait()

    return k(gf32, pcomb)



def _head_loss(dmat, W1lo, W1hi, b1p, w2p, b2, tvec):
    BM = 1024
    G = PTOT // BM
    DHID = 64
    SCALE = 1.0 / P

    def body(d_ref, w1lo_ref, w1hi_ref, b1_ref, w2_ref, b2_ref, t_ref, o_ref):
        i = pl.program_id(0)
        d32 = d_ref[...]
        dlo = jax.lax.bitcast_convert_type(
            jax.lax.shift_left(d32, 16), jnp.float32
        )
        dhi = jax.lax.bitcast_convert_type(
            d32 & jnp.int32(-65536), jnp.float32
        )
        hdn = jnp.maximum(
            jnp.dot(dlo, w1lo_ref[...], preferred_element_type=jnp.float32)
            + jnp.dot(dhi, w1hi_ref[...], preferred_element_type=jnp.float32)
            + b1_ref[...],
            0.0,
        )
        lg = jnp.sum(hdn * w2_ref[...], axis=1, keepdims=True) + b2_ref[...]
        t = t_ref[...]
        row = i * BM + lax.broadcasted_iota(jnp.int32, (BM, 1), 0)
        sidx = (row >= PPAD).astype(jnp.int32) + (row >= 2 * PPAD).astype(
            jnp.int32
        )
        wgt = jnp.where(row - sidx * PPAD < P, SCALE, 0.0)
        bce = jnp.maximum(lg, 0.0) - lg * t + jnp.log1p(jnp.exp(-jnp.abs(lg)))
        part = jnp.reshape(jnp.sum(bce * wgt), (1, 1))

        @pl.when(i == 0)
        def _():
            o_ref[...] = part

        @pl.when(i > 0)
        def _():
            o_ref[...] += part

    return pl.pallas_call(
        body,
        grid=(G,),
        in_specs=[
            pl.BlockSpec((BM, W32), lambda i: (i, 0)),
            pl.BlockSpec((W32, DHID), lambda i: (0, 0)),
            pl.BlockSpec((W32, DHID), lambda i: (0, 0)),
            pl.BlockSpec((1, DHID), lambda i: (0, 0)),
            pl.BlockSpec((1, DHID), lambda i: (0, 0)),
            pl.BlockSpec((1, 1), lambda i: (0, 0)),
            pl.BlockSpec((BM, 1), lambda i: (i, 0)),
        ],
        out_specs=pl.BlockSpec((1, 1), lambda i: (0, 0)),
        out_shape=jax.ShapeDtypeStruct((1, 1), jnp.float32),
    )(dmat, W1lo, W1hi, b1p, w2p, b2, tvec)


def kernel(vertex_features, edge_index, pairs_cells, pairs_cols, pairs_rows,
           targets_cells, targets_cols, targets_rows,
           W_gcnn, b_gcnn, W_h1, b_h1, W_h2, b_h2):
    f32 = jnp.float32
    src = edge_index[0]
    dst = edge_index[1]
    ecomb = jnp.stack(
        [src.reshape(NS, NCE, KE), dst.reshape(NS, NCE, KE)], axis=2
    ).reshape(NS * NCE * 2, KE)

    Wp = jnp.pad(W_gcnn, ((0, 0), (0, DP - 100)))
    bp = jnp.concatenate(
        [b_gcnn, jnp.ones((1,), f32), jnp.zeros((DP - 101,), f32)]
    ).reshape(1, DP)
    W1lo = jnp.pad(W_h1[0:64], ((0, 0), (0, 14)))
    W1hi = jnp.pad(W_h1[64:100], ((0, 28), (0, 14)))
    b1p = jnp.pad(b_h1, (0, 14)).reshape(1, 64)
    w2p = jnp.pad(W_h2[:, 0], (0, 14)).reshape(1, 64)
    b2 = b_h2.reshape(1, 1)

    def padset(x):
        return jnp.pad(x, (0, PPAD - P))

    h2 = _linear(vertex_features, Wp, bp)
    partials = _edge_agg(h2, ecomb)
    gf32 = _finalize_gf(partials)

    pa = jnp.concatenate(
        [padset(pairs_cells[:, 0]), padset(pairs_cols[:, 0]),
         padset(pairs_rows[:, 0])]
    )
    pb = jnp.concatenate(
        [padset(pairs_cells[:, 1]), padset(pairs_cols[:, 1]),
         padset(pairs_rows[:, 1])]
    )
    pcomb = jnp.stack(
        [pa.reshape(NW, NCP, KP), pb.reshape(NW, NCP, KP)], axis=2
    ).reshape(NW * NCP * 2, KP)
    tvec = jnp.concatenate(
        [
            padset(targets_cells.astype(f32)),
            padset(targets_cols.astype(f32)),
            padset(targets_rows.astype(f32)),
        ]
    ).reshape(PTOT, 1)
    dmat32 = _pair_diff(gf32, pcomb)
    return _head_loss(dmat32, W1lo, W1hi, b1p, w2p, b2, tvec)[0, 0]

# --- scband reference (transcript-rebuilt; emitter-appended) ---
"""Pipeline reference for scband-vex-mout-net-55654186222400 (READ-ONLY COPY).

The authoritative reference and input builder live on the scoring server;
editing this copy changes nothing except your own understanding.
"""

import jax, jax.numpy as jnp
import numpy as np

N = 10000
E = 320000
D_IN = 128
D_OUT = 100
D_HID = 50
P = 100000


def setup_inputs(seed: int = 0) -> dict:
    key = jax.random.key(seed)
    ks = jax.random.split(key, 16)
    inp = {}
    inp["vertex_features"] = jax.random.normal(ks[0], (N, D_IN), dtype=jnp.float32)
    inp["edge_index"] = jax.random.randint(ks[1], (2, E), 0, N, dtype=jnp.int32)
    inp["pairs_cells"] = jax.random.randint(ks[2], (P, 2), 0, N, dtype=jnp.int32)
    inp["pairs_cols"] = jax.random.randint(ks[3], (P, 2), 0, N, dtype=jnp.int32)
    inp["pairs_rows"] = jax.random.randint(ks[4], (P, 2), 0, N, dtype=jnp.int32)
    inp["targets_cells"] = jax.random.randint(ks[5], (P,), 0, 2, dtype=jnp.int32)
    inp["targets_cols"] = jax.random.randint(ks[6], (P,), 0, 2, dtype=jnp.int32)
    inp["targets_rows"] = jax.random.randint(ks[7], (P,), 0, 2, dtype=jnp.int32)
    inp["W_gcnn"] = jax.random.normal(ks[8], (D_IN, D_OUT), dtype=jnp.float32) * (1.0 / np.sqrt(D_IN))
    inp["b_gcnn"] = jnp.zeros((D_OUT,), dtype=jnp.float32)
    inp["W_h1"] = jax.random.normal(ks[9], (D_OUT, D_HID), dtype=jnp.float32) * (1.0 / np.sqrt(D_OUT))
    inp["b_h1"] = jnp.zeros((D_HID,), dtype=jnp.float32)
    inp["W_h2"] = jax.random.normal(ks[10], (D_HID, 1), dtype=jnp.float32) * (1.0 / np.sqrt(D_HID))
    inp["b_h2"] = jnp.zeros((1,), dtype=jnp.float32)
    return inp


def _bce_with_logits(logits, targets):
    # numerically stable BCEWithLogitsLoss (mean reduction), matches torch
    return jnp.mean(jnp.maximum(logits, 0.0) - logits * targets + jnp.log1p(jnp.exp(-jnp.abs(logits))))


def reference(vertex_features, edge_index, pairs_cells, pairs_cols, pairs_rows,
              targets_cells, targets_cols, targets_rows,
              W_gcnn, b_gcnn, W_h1, b_h1, W_h2, b_h2):
    src = edge_index[0]
    dst = edge_index[1]
    # gcnn (SimpleNet): linear transform + mean-aggregation message passing + relu
    h = vertex_features @ W_gcnn + b_gcnn
    msgs = jnp.take(h, src, axis=0)
    agg = jax.ops.segment_sum(msgs, dst, num_segments=N)
    deg = jax.ops.segment_sum(jnp.ones((E,), dtype=jnp.float32), dst, num_segments=N)
    graph_features = jax.nn.relu(agg / jnp.maximum(deg, 1.0)[:, None])

    def head(feats):
        hdn = jax.nn.relu(feats @ W_h1 + b_h1)
        return (hdn @ W_h2 + b_h2).reshape(-1)

    def pair_feats(pairs):
        # get_sample_features with abs_dist distance_func
        a = jnp.take(graph_features, pairs[:, 0], axis=0)
        b = jnp.take(graph_features, pairs[:, 1], axis=0)
        return jnp.abs(a - b)

    loss_cells = _bce_with_logits(head(pair_feats(pairs_cells)), targets_cells.astype(jnp.float32))
    loss_cols = _bce_with_logits(head(pair_feats(pairs_cols)), targets_cols.astype(jnp.float32))
    loss_rows = _bce_with_logits(head(pair_feats(pairs_rows)), targets_rows.astype(jnp.float32))
    return loss_cells + loss_cols + loss_rows

if __name__ == "__main__":
    import jax
    _d = setup_inputs()
    print(jax.jit(kernel)(*tuple(_d.values())))

</pallas_src>

<mosaic_0001>
#map = affine_map<(d0, d1) -> (0, 0, 0)>
#map1 = affine_map<(d0, d1) -> (0, 0)>
module attributes {stable_mosaic.version = 14 : i64} {
  func.func @k(%arg0: i32, %arg1: i32, %arg2: memref<2x10000x64xf32, #tpu.memory_space<hbm>>, %arg3: memref<8000x80xi32, #tpu.memory_space<hbm>>, %arg4: memref<2x10240x64xf32, #tpu.memory_space<hbm>>, %arg5: memref<500x80xi32, #tpu.memory_space<vmem>>, %arg6: memref<2x80x64xf32, #tpu.memory_space<vmem>>, %arg7: memref<10240x64xf32, #tpu.memory_space<vmem_shared>>, %arg8: memref<!tpu.dma_semaphore, #tpu.memory_space<semaphore_mem>>, %arg9: memref<!tpu.dma_semaphore, #tpu.memory_space<semaphore_mem>>, %arg10: memref<!tpu.dma_semaphore, #tpu.memory_space<semaphore_mem>>, %arg11: memref<!tpu.dma_semaphore, #tpu.memory_space<semaphore_mem>>, %arg12: memref<!tpu.dma_semaphore, #tpu.memory_space<semaphore_mem>>) attributes {dimension_semantics = [#tpu.dimension_semantics<core_parallel>, #tpu.dimension_semantics<subcore_parallel>], iteration_bounds = array<i64: 2, 16>, scalar_prefetch = 0 : i64, scratch_operands = 8 : i64, tpu.core_type = #tpu.core_type<sc_vector_subcore>, window_params = [{transform_indices = #map}, {transform_indices = #map1}, {transform_indices = #map}]} {
    %mul3A = arith.constant 2 : i32
    %mul3A_0 = arith.muli %arg1, %mul3A : i32
    %mul3A_1 = arith.constant 250 : i32
    %mul3A_2 = arith.muli %mul3A_0, %mul3A_1 : i32
    %dma_start3A = arith.constant 0 : i32
    %dma_start3A_3 = tpu.memref_slice %arg3[%mul3A_2, %dma_start3A] : memref<8000x80xi32, #tpu.memory_space<hbm>> -> memref<500x80xi32, #tpu.memory_space<hbm>>
    %dma_start3A_4 = arith.constant 0 : i32
    %dma_start3A_5 = tpu.memref_slice %arg3[%mul3A_2, %dma_start3A_4] : memref<8000x80xi32, #tpu.memory_space<hbm>> -> memref<500x80xi32, #tpu.memory_space<hbm>>
    tpu.enqueue_dma source(%dma_start3A_5 : memref<500x80xi32, #tpu.memory_space<hbm>>) target(%arg5 : memref<500x80xi32, #tpu.memory_space<vmem>>) target_semaphore(%arg8 : memref<!tpu.dma_semaphore, #tpu.memory_space<semaphore_mem>>)
    %scan3A = arith.constant 0 : i32
    %scan3A_6 = arith.constant 10 : i32
    %scan3A_7 = arith.addi %scan3A, %scan3A_6 : i32
    %scan3A_8 = arith.constant 1 : i32
    scf.for %scan3A_197 = %scan3A to %scan3A_7 step %scan3A_8  : i32 {
      %mul3A_198 = arith.constant 8 : i32
      %mul3A_199 = arith.muli %scan3A_197, %mul3A_198 : i32
      %add3A_200 = arith.constant 0 : i32
      %add3A_201 = arith.addi %add3A_200, %mul3A_199 : i32
      %broadcast_in_dim3A = arith.constant 0.000000e+00 : f32
      %broadcast_in_dim3A_202 = vector.broadcast %broadcast_in_dim3A : f32 to vector<16xf32>
      %add3A_203 = arith.constant 0 : i32
      %add3A_204 = arith.addi %add3A_201, %add3A_203 : i32
      %swap3A = arith.constant 0 : i32
      %swap3A_205 = arith.index_cast %swap3A : i32 to index
      %swap3A_206 = arith.index_cast %add3A_204 : i32 to index
      %swap3A_207 = arith.constant 0 : index
      %swap3A_208 = tpu.vector_load %arg6[%swap3A_205, %swap3A_206, %swap3A_207] {strides = array<i32>} : memref<2x80x64xf32, #tpu.memory_space<vmem>>, vector<1x1x16xf32>,
      %swap3A_209 = vector.shape_cast %swap3A_208 : vector<1x1x16xf32> to vector<16xf32>
      %swap3A_210 = vector.shape_cast %broadcast_in_dim3A_202 : vector<16xf32> to vector<1x1x16xf32>
      tpu.vector_store %arg6[%swap3A_205, %swap3A_206, %swap3A_207], %swap3A_210 {strides = array<i32>} : memref<2x80x64xf32, #tpu.memory_space<vmem>>, vector<1x1x16xf32>,
      %broadcast_in_dim3A_211 = arith.constant 0.000000e+00 : f32
      %broadcast_in_dim3A_212 = vector.broadcast %broadcast_in_dim3A_211 : f32 to vector<16xf32>
      %add3A_213 = arith.constant 0 : i32
      %add3A_214 = arith.addi %add3A_201, %add3A_213 : i32
      %swap3A_215 = arith.constant 0 : i32
      %swap3A_216 = arith.index_cast %swap3A_215 : i32 to index
      %swap3A_217 = arith.index_cast %add3A_214 : i32 to index
      %swap3A_218 = arith.constant 16 : index
      %swap3A_219 = tpu.vector_load %arg6[%swap3A_216, %swap3A_217, %swap3A_218] {strides = array<i32>} : memref<2x80x64xf32, #tpu.memory_space<vmem>>, vector<1x1x16xf32>,
      %swap3A_220 = vector.shape_cast %swap3A_219 : vector<1x1x16xf32> to vector<16xf32>
      %swap3A_221 = vector.shape_cast %broadcast_in_dim3A_212 : vector<16xf32> to vector<1x1x16xf32>
      tpu.vector_store %arg6[%swap3A_216, %swap3A_217, %swap3A_218], %swap3A_221 {strides = array<i32>} : memref<2x80x64xf32, #tpu.memory_space<vmem>>, vector<1x1x16xf32>,
      %broadcast_in_dim3A_222 = arith.constant 0.000000e+00 : f32
      %broadcast_in_dim3A_223 = vector.broadcast %broadcast_in_dim3A_222 : f32 to vector<16xf32>
      %add3A_224 = arith.constant 0 : i32
      %add3A_225 = arith.addi %add3A_201, %add3A_224 : i32
      %swap3A_226 = arith.constant 0 : i32
      %swap3A_227 = arith.index_cast %swap3A_226 : i32 to index
      %swap3A_228 = arith.index_cast %add3A_225 : i32 to index
      %swap3A_229 = arith.constant 32 : index
      %swap3A_230 = tpu.vector_load %arg6[%swap3A_227, %swap3A_228, %swap3A_229] {strides = array<i32>} : memref<2x80x64xf32, #tpu.memory_space<vmem>>, vector<1x1x16xf32>,
      %swap3A_231 = vector.shape_cast %swap3A_230 : vector<1x1x16xf32> to vector<16xf32>
      %swap3A_232 = vector.shape_cast %broadcast_in_dim3A_223 : vector<16xf32> to vector<1x1x16xf32>
      tpu.vector_store %arg6[%swap3A_227, %swap3A_228, %swap3A_229], %swap3A_232 {strides = array<i32>} : memref<2x80x64xf32, #tpu.memory_space<vmem>>, vector<1x1x16xf32>,
      %broadcast_in_dim3A_233 = arith.constant 0.000000e+00 : f32
      %broadcast_in_dim3A_234 = vector.broadcast %broadcast_in_dim3A_233 : f32 to vector<16xf32>
      %add3A_235 = arith.constant 0 : i32
      %add3A_236 = arith.addi %add3A_201, %add3A_235 : i32
      %swap3A_237 = arith.constant 0 : i32
      %swap3A_238 = arith.index_cast %swap3A_237 : i32 to index
      %swap3A_239 = arith.index_cast %add3A_236 : i32 to index
      %swap3A_240 = arith.constant 48 : index
      %swap3A_241 = tpu.vector_load %arg6[%swap3A_238, %swap3A_239, %swap3A_240] {strides = array<i32>} : memref<2x80x64xf32, #tpu.memory_space<vmem>>, vector<1x1x16xf32>,
      %swap3A_242 = vector.shape_cast %swap3A_241 : vector<1x1x16xf32> to vector<16xf32>
      %swap3A_243 = vector.shape_cast %broadcast_in_dim3A_234 : vector<16xf32> to vector<1x1x16xf32>
      tpu.vector_store %arg6[%swap3A_238, %swap3A_239, %swap3A_240], %swap3A_243 {strides = array<i32>} : memref<2x80x64xf32, #tpu.memory_space<vmem>>, vector<1x1x16xf32>,
      %broadcast_in_dim3A_244 = arith.constant 0.000000e+00 : f32
      %broadcast_in_dim3A_245 = vector.broadcast %broadcast_in_dim3A_244 : f32 to vector<16xf32>
      %add3A_246 = arith.constant 1 : i32
      %add3A_247 = arith.addi %add3A_201, %add3A_246 : i32
      %swap3A_248 = arith.constant 0 : i32
      %swap3A_249 = arith.index_cast %swap3A_248 : i32 to index
      %swap3A_250 = arith.index_cast %add3A_247 : i32 to index
      %swap3A_251 = arith.constant 0 : index
      %swap3A_252 = tpu.vector_load %arg6[%swap3A_249, %swap3A_250, %swap3A_251] {strides = array<i32>} : memref<2x80x64xf32, #tpu.memory_space<vmem>>, vector<1x1x16xf32>,
      %swap3A_253 = vector.shape_cast %swap3A_252 : vector<1x1x16xf32> to vector<16xf32>
      %swap3A_254 = vector.shape_cast %broadcast_in_dim3A_245 : vector<16xf32> to vector<1x1x16xf32>
      tpu.vector_store %arg6[%swap3A_249, %swap3A_250, %swap3A_251], %swap3A_254 {strides = array<i32>} : memref<2x80x64xf32, #tpu.memory_space<vmem>>, vector<1x1x16xf32>,
      %broadcast_in_dim3A_255 = arith.constant 0.000000e+00 : f32
      %broadcast_in_dim3A_256 = vector.broadcast %broadcast_in_dim3A_255 : f32 to vector<16xf32>
      %add3A_257 = arith.constant 1 : i32
      %add3A_258 = arith.addi %add3A_201, %add3A_257 : i32
      %swap3A_259 = arith.constant 0 : i32
      %swap3A_260 = arith.index_cast %swap3A_259 : i32 to index
      %swap3A_261 = arith.index_cast %add3A_258 : i32 to index
      %swap3A_262 = arith.constant 16 : index
      %swap3A_263 = tpu.vector_load %arg6[%swap3A_260, %swap3A_261, %swap3A_262] {strides = array<i32>} : memref<2x80x64xf32, #tpu.memory_space<vmem>>, vector<1x1x16xf32>,
      %swap3A_264 = vector.shape_cast %swap3A_263 : vector<1x1x16xf32> to vector<16xf32>
      %swap3A_265 = vector.shape_cast %broadcast_in_dim3A_256 : vector<16xf32> to vector<1x1x16xf32>
      tpu.vector_store %arg6[%swap3A_260, %swap3A_261, %swap3A_262], %swap3A_265 {strides = array<i32>} : memref<2x80x64xf32, #tpu.memory_space<vmem>>, vector<1x1x16xf32>,
      %broadcast_in_dim3A_266 = arith.constant 0.000000e+00 : f32
      %broadcast_in_dim3A_267 = vector.broadcast %broadcast_in_dim3A_266 : f32 to vector<16xf32>
      %add3A_268 = arith.constant 1 : i32
      %add3A_269 = arith.addi %add3A_201, %add3A_268 : i32
      %swap3A_270 = arith.constant 0 : i32
      %swap3A_271 = arith.index_cast %swap3A_270 : i32 to index
      %swap3A_272 = arith.index_cast %add3A_269 : i32 to index
      %swap3A_273 = arith.constant 32 : index
      %swap3A_274 = tpu.vector_load %arg6[%swap3A_271, %swap3A_272, %swap3A_273] {strides = array<i32>} : memref<2x80x64xf32, #tpu.memory_space<vmem>>, vector<1x1x16xf32>,
      %swap3A_275 = vector.shape_cast %swap3A_274 : vector<1x1x16xf32> to vector<16xf32>
      %swap3A_276 = vector.shape_cast %broadcast_in_dim3A_267 : vector<16xf32> to vector<1x1x16xf32>
      tpu.vector_store %arg6[%swap3A_271, %swap3A_272, %swap3A_273], %swap3A_276 {strides = array<i32>} : memref<2x80x64xf32, #tpu.memory_space<vmem>>, vector<1x1x16xf32>,
      %broadcast_in_dim3A_277 = arith.constant 0.000000e+00 : f32
      %broadcast_in_dim3A_278 = vector.broadcast %broadcast_in_dim3A_277 : f32 to vector<16xf32>
      %add3A_279 = arith.constant 1 : i32
      %add3A_280 = arith.addi %add3A_201, %add3A_279 : i32
      %swap3A_281 = arith.constant 0 : i32
      %swap3A_282 = arith.index_cast %swap3A_281 : i32 to index
      %swap3A_283 = arith.index_cast %add3A_280 : i32 to index
      %swap3A_284 = arith.constant 48 : index
      %swap3A_285 = tpu.vector_load %arg6[%swap3A_282, %swap3A_283, %swap3A_284] {strides = array<i32>} : memref<2x80x64xf32, #tpu.memory_space<vmem>>, vector<1x1x16xf32>,
      %swap3A_286 = vector.shape_cast %swap3A_285 : vector<1x1x16xf32> to vector<16xf32>
      %swap3A_287 = vector.shape_cast %broadcast_in_dim3A_278 : vector<16xf32> to vector<1x1x16xf32>
      tpu.vector_store %arg6[%swap3A_282, %swap3A_283, %swap3A_284], %swap3A_287 {strides = array<i32>} : memref<2x80x64xf32, #tpu.memory_space<vmem>>, vector<1x1x16xf32>,
      %broadcast_in_dim3A_288 = arith.constant 0.000000e+00 : f32
      %broadcast_in_dim3A_289 = vector.broadcast %broadcast_in_dim3A_288 : f32 to vector<16xf32>
      %add3A_290 = arith.constant 2 : i32
      %add3A_291 = arith.addi %add3A_201, %add3A_290 : i32
      %swap3A_292 = arith.constant 0 : i32
      %swap3A_293 = arith.index_cast %swap3A_292 : i32 to index
      %swap3A_294 = arith.index_cast %add3A_291 : i32 to index
      %swap3A_295 = arith.constant 0 : index
      %swap3A_296 = tpu.vector_load %arg6[%swap3A_293, %swap3A_294, %swap3A_295] {strides = array<i32>} : memref<2x80x64xf32, #tpu.memory_space<vmem>>, vector<1x1x16xf32>,
      %swap3A_297 = vector.shape_cast %swap3A_296 : vector<1x1x16xf32> to vector<16xf32>
      %swap3A_298 = vector.shape_cast %broadcast_in_dim3A_289 : vector<16xf32> to vector<1x1x16xf32>
      tpu.vector_store %arg6[%swap3A_293, %swap3A_294, %swap3A_295], %swap3A_298 {strides = array<i32>} : memref<2x80x64xf32, #tpu.memory_space<vmem>>, vector<1x1x16xf32>,
      %broadcast_in_dim3A_299 = arith.constant 0.000000e+00 : f32
      %broadcast_in_dim3A_300 = vector.broadcast %broadcast_in_dim3A_299 : f32 to vector<16xf32>
      %add3A_301 = arith.constant 2 : i32
      %add3A_302 = arith.addi %add3A_201, %add3A_301 : i32
      %swap3A_303 = arith.constant 0 : i32
      %swap3A_304 = arith.index_cast %swap3A_303 : i32 to index
      %swap3A_305 = arith.index_cast %add3A_302 : i32 to index
      %swap3A_306 = arith.constant 16 : index
      %swap3A_307 = tpu.vector_load %arg6[%swap3A_304, %swap3A_305, %swap3A_306] {strides = array<i32>} : memref<2x80x64xf32, #tpu.memory_space<vmem>>, vector<1x1x16xf32>,
      %swap3A_308 = vector.shape_cast %swap3A_307 : vector<1x1x16xf32> to vector<16xf32>
      %swap3A_309 = vector.shape_cast %broadcast_in_dim3A_300 : vector<16xf32> to vector<1x1x16xf32>
      tpu.vector_store %arg6[%swap3A_304, %swap3A_305, %swap3A_306], %swap3A_309 {strides = array<i32>} : memref<2x80x64xf32, #tpu.memory_space<vmem>>, vector<1x1x16xf32>,
      %broadcast_in_dim3A_310 = arith.constant 0.000000e+00 : f32
      %broadcast_in_dim3A_311 = vector.broadcast %broadcast_in_dim3A_310 : f32 to vector<16xf32>
      %add3A_312 = arith.constant 2 : i32
      %add3A_313 = arith.addi %add3A_201, %add3A_312 : i32
      %swap3A_314 = arith.constant 0 : i32
      %swap3A_315 = arith.index_cast %swap3A_314 : i32 to index
      %swap3A_316 = arith.index_cast %add3A_313 : i32 to index
      %swap3A_317 = arith.constant 32 : index
      %swap3A_318 = tpu.vector_load %arg6[%swap3A_315, %swap3A_316, %swap3A_317] {strides = array<i32>} : memref<2x80x64xf32, #tpu.memory_space<vmem>>, vector<1x1x16xf32>,
      %swap3A_319 = vector.shape_cast %swap3A_318 : vector<1x1x16xf32> to vector<16xf32>
      %swap3A_320 = vector.shape_cast %broadcast_in_dim3A_311 : vector<16xf32> to vector<1x1x16xf32>
      tpu.vector_store %arg6[%swap3A_315, %swap3A_316, %swap3A_317], %swap3A_320 {strides = array<i32>} : memref<2x80x64xf32, #tpu.memory_space<vmem>>, vector<1x1x16xf32>,
      %broadcast_in_dim3A_321 = arith.constant 0.000000e+00 : f32
      %broadcast_in_dim3A_322 = vector.broadcast %broadcast_in_dim3A_321 : f32 to vector<16xf32>
      %add3A_323 = arith.constant 2 : i32
      %add3A_324 = arith.addi %add3A_201, %add3A_323 : i32
      %swap3A_325 = arith.constant 0 : i32
      %swap3A_326 = arith.index_cast %swap3A_325 : i32 to index
      %swap3A_327 = arith.index_cast %add3A_324 : i32 to index
      %swap3A_328 = arith.constant 48 : index
      %swap3A_329 = tpu.vector_load %arg6[%swap3A_326, %swap3A_327, %swap3A_328] {strides = array<i32>} : memref<2x80x64xf32, #tpu.memory_space<vmem>>, vector<1x1x16xf32>,
      %swap3A_330 = vector.shape_cast %swap3A_329 : vector<1x1x16xf32> to vector<16xf32>
      %swap3A_331 = vector.shape_cast %broadcast_in_dim3A_322 : vector<16xf32> to vector<1x1x16xf32>
      tpu.vector_store %arg6[%swap3A_326, %swap3A_327, %swap3A_328], %swap3A_331 {strides = array<i32>} : memref<2x80x64xf32, #tpu.memory_space<vmem>>, vector<1x1x16xf32>,
      %broadcast_in_dim3A_332 = arith.constant 0.000000e+00 : f32
      %broadcast_in_dim3A_333 = vector.broadcast %broadcast_in_dim3A_332 : f32 to vector<16xf32>
      %add3A_334 = arith.constant 3 : i32
      %add3A_335 = arith.addi %add3A_201, %add3A_334 : i32
      %swap3A_336 = arith.constant 0 : i32
      %swap3A_337 = arith.index_cast %swap3A_336 : i32 to index
      %swap3A_338 = arith.index_cast %add3A_335 : i32 to index
      %swap3A_339 = arith.constant 0 : index
      %swap3A_340 = tpu.vector_load %arg6[%swap3A_337, %swap3A_338, %swap3A_339] {strides = array<i32>} : memref<2x80x64xf32, #tpu.memory_space<vmem>>, vector<1x1x16xf32>,
      %swap3A_341 = vector.shape_cast %swap3A_340 : vector<1x1x16xf32> to vector<16xf32>
      %swap3A_342 = vector.shape_cast %broadcast_in_dim3A_333 : vector<16xf32> to vector<1x1x16xf32>
      tpu.vector_store %arg6[%swap3A_337, %swap3A_338, %swap3A_339], %swap3A_342 {strides = array<i32>} : memref<2x80x64xf32, #tpu.memory_space<vmem>>, vector<1x1x16xf32>,
      %broadcast_in_dim3A_343 = arith.constant 0.000000e+00 : f32
      %broadcast_in_dim3A_344 = vector.broadcast %broadcast_in_dim3A_343 : f32 to vector<16xf32>
      %add3A_345 = arith.constant 3 : i32
      %add3A_346 = arith.addi %add3A_201, %add3A_345 : i32
      %swap3A_347 = arith.constant 0 : i32
      %swap3A_348 = arith.index_cast %swap3A_347 : i32 to index
      %swap3A_349 = arith.index_cast %add3A_346 : i32 to index
      %swap3A_350 = arith.constant 16 : index
      %swap3A_351 = tpu.vector_load %arg6[%swap3A_348, %swap3A_349, %swap3A_350] {strides = array<i32>} : memref<2x80x64xf32, #tpu.memory_space<vmem>>, vector<1x1x16xf32>,
      %swap3A_352 = vector.shape_cast %swap3A_351 : vector<1x1x16xf32> to vector<16xf32>
      %swap3A_353 = vector.shape_cast %broadcast_in_dim3A_344 : vector<16xf32> to vector<1x1x16xf32>
      tpu.vector_store %arg6[%swap3A_348, %swap3A_349, %swap3A_350], %swap3A_353 {strides = array<i32>} : memref<2x80x64xf32, #tpu.memory_space<vmem>>, vector<1x1x16xf32>,
      %broadcast_in_dim3A_354 = arith.constant 0.000000e+00 : f32
      %broadcast_in_dim3A_355 = vector.broadcast %broadcast_in_dim3A_354 : f32 to vector<16xf32>
      %add3A_356 = arith.constant 3 : i32
      %add3A_357 = arith.addi %add3A_201, %add3A_356 : i32
      %swap3A_358 = arith.constant 0 : i32
      %swap3A_359 = arith.index_cast %swap3A_358 : i32 to index
      %swap3A_360 = arith.index_cast %add3A_357 : i32 to index
      %swap3A_361 = arith.constant 32 : index
      %swap3A_362 = tpu.vector_load %arg6[%swap3A_359, %swap3A_360, %swap3A_361] {strides = array<i32>} : memref<2x80x64xf32, #tpu.memory_space<vmem>>, vector<1x1x16xf32>,
      %swap3A_363 = vector.shape_cast %swap3A_362 : vector<1x1x16xf32> to vector<16xf32>
      %swap3A_364 = vector.shape_cast %broadcast_in_dim3A_355 : vector<16xf32> to vector<1x1x16xf32>
      tpu.vector_store %arg6[%swap3A_359, %swap3A_360, %swap3A_361], %swap3A_364 {strides = array<i32>} : memref<2x80x64xf32, #tpu.memory_space<vmem>>, vector<1x1x16xf32>,
      %broadcast_in_dim3A_365 = arith.constant 0.000000e+00 : f32
      %broadcast_in_dim3A_366 = vector.broadcast %broadcast_in_dim3A_365 : f32 to vector<16xf32>
      %add3A_367 = arith.constant 3 : i32
      %add3A_368 = arith.addi %add3A_201, %add3A_367 : i32
      %swap3A_369 = arith.constant 0 : i32
      %swap3A_370 = arith.index_cast %swap3A_369 : i32 to index
      %swap3A_371 = arith.index_cast %add3A_368 : i32 to index
      %swap3A_372 = arith.constant 48 : index
      %swap3A_373 = tpu.vector_load %arg6[%swap3A_370, %swap3A_371, %swap3A_372] {strides = array<i32>} : memref<2x80x64xf32, #tpu.memory_space<vmem>>, vector<1x1x16xf32>,
      %swap3A_374 = vector.shape_cast %swap3A_373 : vector<1x1x16xf32> to vector<16xf32>
      %swap3A_375 = vector.shape_cast %broadcast_in_dim3A_366 : vector<16xf32> to vector<1x1x16xf32>
      tpu.vector_store %arg6[%swap3A_370, %swap3A_371, %swap3A_372], %swap3A_375 {strides = array<i32>} : memref<2x80x64xf32, #tpu.memory_space<vmem>>, vector<1x1x16xf32>,
      %broadcast_in_dim3A_376 = arith.constant 0.000000e+00 : f32
      %broadcast_in_dim3A_377 = vector.broadcast %broadcast_in_dim3A_376 : f32 to vector<16xf32>
      %add3A_378 = arith.constant 4 : i32
      %add3A_379 = arith.addi %add3A_201, %add3A_378 : i32
      %swap3A_380 = arith.constant 0 : i32
      %swap3A_381 = arith.index_cast %swap3A_380 : i32 to index
      %swap3A_382 = arith.index_cast %add3A_379 : i32 to index
      %swap3A_383 = arith.constant 0 : index
      %swap3A_384 = tpu.vector_load %arg6[%swap3A_381, %swap3A_382, %swap3A_383] {strides = array<i32>} : memref<2x80x64xf32, #tpu.memory_space<vmem>>, vector<1x1x16xf32>,
      %swap3A_385 = vector.shape_cast %swap3A_384 : vector<1x1x16xf32> to vector<16xf32>
      %swap3A_386 = vector.shape_cast %broadcast_in_dim3A_377 : vector<16xf32> to vector<1x1x16xf32>
      tpu.vector_store %arg6[%swap3A_381, %swap3A_382, %swap3A_383], %swap3A_386 {strides = array<i32>} : memref<2x80x64xf32, #tpu.memory_space<vmem>>, vector<1x1x16xf32>,
      %broadcast_in_dim3A_387 = arith.constant 0.000000e+00 : f32
      %broadcast_in_dim3A_388 = vector.broadcast %broadcast_in_dim3A_387 : f32 to vector<16xf32>
      %add3A_389 = arith.constant 4 : i32
      %add3A_390 = arith.addi %add3A_201, %add3A_389 : i32
      %swap3A_391 = arith.constant 0 : i32
      %swap3A_392 = arith.index_cast %swap3A_391 : i32 to index
      %swap3A_393 = arith.index_cast %add3A_390 : i32 to index
      %swap3A_394 = arith.constant 16 : index
      %swap3A_395 = tpu.vector_load %arg6[%swap3A_392, %swap3A_393, %swap3A_394] {strides = array<i32>} : memref<2x80x64xf32, #tpu.memory_space<vmem>>, vector<1x1x16xf32>,
      %swap3A_396 = vector.shape_cast %swap3A_395 : vector<1x1x16xf32> to vector<16xf32>
      %swap3A_397 = vector.shape_cast %broadcast_in_dim3A_388 : vector<16xf32> to vector<1x1x16xf32>
      tpu.vector_store %arg6[%swap3A_392, %swap3A_393, %swap3A_394], %swap3A_397 {strides = array<i32>} : memref<2x80x64xf32, #tpu.memory_space<vmem>>, vector<1x1x16xf32>,
      %broadcast_in_dim3A_398 = arith.constant 0.000000e+00 : f32
      %broadcast_in_dim3A_399 = vector.broadcast %broadcast_in_dim3A_398 : f32 to vector<16xf32>
      %add3A_400 = arith.constant 4 : i32
      %add3A_401 = arith.addi %add3A_201, %add3A_400 : i32
      %swap3A_402 = arith.constant 0 : i32
      %swap3A_403 = arith.index_cast %swap3A_402 : i32 to index
      %swap3A_404 = arith.index_cast %add3A_401 : i32 to index
      %swap3A_405 = arith.constant 32 : index
      %swap3A_406 = tpu.vector_load %arg6[%swap3A_403, %swap3A_404, %swap3A_405] {strides = array<i32>} : memref<2x80x64xf32, #tpu.memory_space<vmem>>, vector<1x1x16xf32>,
      %swap3A_407 = vector.shape_cast %swap3A_406 : vector<1x1x16xf32> to vector<16xf32>
      %swap3A_408 = vector.shape_cast %broadcast_in_dim3A_399 : vector<16xf32> to vector<1x1x16xf32>
      tpu.vector_store %arg6[%swap3A_403, %swap3A_404, %swap3A_405], %swap3A_408 {strides = array<i32>} : memref<2x80x64xf32, #tpu.memory_space<vmem>>, vector<1x1x16xf32>,
      %broadcast_in_dim3A_409 = arith.constant 0.000000e+00 : f32
      %broadcast_in_dim3A_410 = vector.broadcast %broadcast_in_dim3A_409 : f32 to vector<16xf32>
      %add3A_411 = arith.constant 4 : i32
      %add3A_412 = arith.addi %add3A_201, %add3A_411 : i32
      %swap3A_413 = arith.constant 0 : i32
      %swap3A_414 = arith.index_cast %swap3A_413 : i32 to index
      %swap3A_415 = arith.index_cast %add3A_412 : i32 to index
      %swap3A_416 = arith.constant 48 : index
      %swap3A_417 = tpu.vector_load %arg6[%swap3A_414, %swap3A_415, %swap3A_416] {strides = array<i32>} : memref<2x80x64xf32, #tpu.memory_space<vmem>>, vector<1x1x16xf32>,
      %swap3A_418 = vector.shape_cast %swap3A_417 : vector<1x1x16xf32> to vector<16xf32>
      %swap3A_419 = vector.shape_cast %broadcast_in_dim3A_410 : vector<16xf32> to vector<1x1x16xf32>
      tpu.vector_store %arg6[%swap3A_414, %swap3A_415, %swap3A_416], %swap3A_419 {strides = array<i32>} : memref<2x80x64xf32, #tpu.memory_space<vmem>>, vector<1x1x16xf32>,
      %broadcast_in_dim3A_420 = arith.constant 0.000000e+00 : f32
      %broadcast_in_dim3A_421 = vector.broadcast %broadcast_in_dim3A_420 : f32 to vector<16xf32>
      %add3A_422 = arith.constant 5 : i32
      %add3A_423 = arith.addi %add3A_201, %add3A_422 : i32
      %swap3A_424 = arith.constant 0 : i32
      %swap3A_425 = arith.index_cast %swap3A_424 : i32 to index
      %swap3A_426 = arith.index_cast %add3A_423 : i32 to index
      %swap3A_427 = arith.constant 0 : index
      %swap3A_428 = tpu.vector_load %arg6[%swap3A_425, %swap3A_426, %swap3A_427] {strides = array<i32>} : memref<2x80x64xf32, #tpu.memory_space<vmem>>, vector<1x1x16xf32>,
      %swap3A_429 = vector.shape_cast %swap3A_428 : vector<1x1x16xf32> to vector<16xf32>
      %swap3A_430 = vector.shape_cast %broadcast_in_dim3A_421 : vector<16xf32> to vector<1x1x16xf32>
      tpu.vector_store %arg6[%swap3A_425, %swap3A_426, %swap3A_427], %swap3A_430 {strides = array<i32>} : memref<2x80x64xf32, #tpu.memory_space<vmem>>, vector<1x1x16xf32>,
      %broadcast_in_dim3A_431 = arith.constant 0.000000e+00 : f32
      %broadcast_in_dim3A_432 = vector.broadcast %broadcast_in_dim3A_431 : f32 to vector<16xf32>
      %add3A_433 = arith.constant 5 : i32
      %add3A_434 = arith.addi %add3A_201, %add3A_433 : i32
      %swap3A_435 = arith.constant 0 : i32
      %swap3A_436 = arith.index_cast %swap3A_435 : i32 to index
      %swap3A_437 = arith.index_cast %add3A_434 : i32 to index
      %swap3A_438 = arith.constant 16 : index
      %swap3A_439 = tpu.vector_load %arg6[%swap3A_436, %swap3A_437, %swap3A_438] {strides = array<i32>} : memref<2x80x64xf32, #tpu.memory_space<vmem>>, vector<1x1x16xf32>,
      %swap3A_440 = vector.shape_cast %swap3A_439 : vector<1x1x16xf32> to vector<16xf32>
      %swap3A_441 = vector.shape_cast %broadcast_in_dim3A_432 : vector<16xf32> to vector<1x1x16xf32>
      tpu.vector_store %arg6[%swap3A_436, %swap3A_437, %swap3A_438], %swap3A_441 {strides = array<i32>} : memref<2x80x64xf32, #tpu.memory_space<vmem>>, vector<1x1x16xf32>,
      %broadcast_in_dim3A_442 = arith.constant 0.000000e+00 : f32
      %broadcast_in_dim3A_443 = vector.broadcast %broadcast_in_dim3A_442 : f32 to vector<16xf32>
      %add3A_444 = arith.constant 5 : i32
      %add3A_445 = arith.addi %add3A_201, %add3A_444 : i32
      %swap3A_446 = arith.constant 0 : i32
      %swap3A_447 = arith.index_cast %swap3A_446 : i32 to index
      %swap3A_448 = arith.index_cast %add3A_445 : i32 to index
      %swap3A_449 = arith.constant 32 : index
      %swap3A_450 = tpu.vector_load %arg6[%swap3A_447, %swap3A_448, %swap3A_449] {strides = array<i32>} : memref<2x80x64xf32, #tpu.memory_space<vmem>>, vector<1x1x16xf32>,
      %swap3A_451 = vector.shape_cast %swap3A_450 : vector<1x1x16xf32> to vector<16xf32>
      %swap3A_452 = vector.shape_cast %broadcast_in_dim3A_443 : vector<16xf32> to vector<1x1x16xf32>
      tpu.vector_store %arg6[%swap3A_447, %swap3A_448, %swap3A_449], %swap3A_452 {strides = array<i32>} : memref<2x80x64xf32, #tpu.memory_space<vmem>>, vector<1x1x16xf32>,
      %broadcast_in_dim3A_453 = arith.constant 0.000000e+00 : f32
      %broadcast_in_dim3A_454 = vector.broadcast %broadcast_in_dim3A_453 : f32 to vector<16xf32>
      %add3A_455 = arith.constant 5 : i32
      %add3A_456 = arith.addi %add3A_201, %add3A_455 : i32
      %swap3A_457 = arith.constant 0 : i32
      %swap3A_458 = arith.index_cast %swap3A_457 : i32 to index
      %swap3A_459 = arith.index_cast %add3A_456 : i32 to index
      %swap3A_460 = arith.constant 48 : index
      %swap3A_461 = tpu.vector_load %arg6[%swap3A_458, %swap3A_459, %swap3A_460] {strides = array<i32>} : memref<2x80x64xf32, #tpu.memory_space<vmem>>, vector<1x1x16xf32>,
      %swap3A_462 = vector.shape_cast %swap3A_461 : vector<1x1x16xf32> to vector<16xf32>
      %swap3A_463 = vector.shape_cast %broadcast_in_dim3A_454 : vector<16xf32> to vector<1x1x16xf32>
      tpu.vector_store %arg6[%swap3A_458, %swap3A_459, %swap3A_460], %swap3A_463 {strides = array<i32>} : memref<2x80x64xf32, #tpu.memory_space<vmem>>, vector<1x1x16xf32>,
      %broadcast_in_dim3A_464 = arith.constant 0.000000e+00 : f32
      %broadcast_in_dim3A_465 = vector.broadcast %broadcast_in_dim3A_464 : f32 to vector<16xf32>
      %add3A_466 = arith.constant 6 : i32
      %add3A_467 = arith.addi %add3A_201, %add3A_466 : i32
      %swap3A_468 = arith.constant 0 : i32
      %swap3A_469 = arith.index_cast %swap3A_468 : i32 to index
      %swap3A_470 = arith.index_cast %add3A_467 : i32 to index
      %swap3A_471 = arith.constant 0 : index
      %swap3A_472 = tpu.vector_load %arg6[%swap3A_469, %swap3A_470, %swap3A_471] {strides = array<i32>} : memref<2x80x64xf32, #tpu.memory_space<vmem>>, vector<1x1x16xf32>,
      %swap3A_473 = vector.shape_cast %swap3A_472 : vector<1x1x16xf32> to vector<16xf32>
      %swap3A_474 = vector.shape_cast %broadcast_in_dim3A_465 : vector<16xf32> to vector<1x1x16xf32>
      tpu.vector_store %arg6[%swap3A_469, %swap3A_470, %swap3A_471], %swap3A_474 {strides = array<i32>} : memref<2x80x64xf32, #tpu.memory_space<vmem>>, vector<1x1x16xf32>,
      %broadcast_in_dim3A_475 = arith.constant 0.000000e+00 : f32
      %broadcast_in_dim3A_476 = vector.broadcast %broadcast_in_dim3A_475 : f32 to vector<16xf32>
      %add3A_477 = arith.constant 6 : i32
      %add3A_478 = arith.addi %add3A_201, %add3A_477 : i32
      %swap3A_479 = arith.constant 0 : i32
      %swap3A_480 = arith.index_cast %swap3A_479 : i32 to index
      %swap3A_481 = arith.index_cast %add3A_478 : i32 to index
      %swap3A_482 = arith.constant 16 : index
      %swap3A_483 = tpu.vector_load %arg6[%swap3A_480, %swap3A_481, %swap3A_482] {strides = array<i32>} : memref<2x80x64xf32, #tpu.memory_space<vmem>>, vector<1x1x16xf32>,
      %swap3A_484 = vector.shape_cast %swap3A_483 : vector<1x1x16xf32> to vector<16xf32>
      %swap3A_485 = vector.shape_cast %broadcast_in_dim3A_476 : vector<16xf32> to vector<1x1x16xf32>
      tpu.vector_store %arg6[%swap3A_480, %swap3A_481, %swap3A_482], %swap3A_485 {strides = array<i32>} : memref<2x80x64xf32, #tpu.memory_space<vmem>>, vector<1x1x16xf32>,
      %broadcast_in_dim3A_486 = arith.constant 0.000000e+00 : f32
      %broadcast_in_dim3A_487 = vector.broadcast %broadcast_in_dim3A_486 : f32 to vector<16xf32>
      %add3A_488 = arith.constant 6 : i32
      %add3A_489 = arith.addi %add3A_201, %add3A_488 : i32
      %swap3A_490 = arith.constant 0 : i32
      %swap3A_491 = arith.index_cast %swap3A_490 : i32 to index
      %swap3A_492 = arith.index_cast %add3A_489 : i32 to index
      %swap3A_493 = arith.constant 32 : index
      %swap3A_494 = tpu.vector_load %arg6[%swap3A_491, %swap3A_492, %swap3A_493] {strides = array<i32>} : memref<2x80x64xf32, #tpu.memory_space<vmem>>, vector<1x1x16xf32>,
      %swap3A_495 = vector.shape_cast %swap3A_494 : vector<1x1x16xf32> to vector<16xf32>
      %swap3A_496 = vector.shape_cast %broadcast_in_dim3A_487 : vector<16xf32> to vector<1x1x16xf32>
      tpu.vector_store %arg6[%swap3A_491, %swap3A_492, %swap3A_493], %swap3A_496 {strides = array<i32>} : memref<2x80x64xf32, #tpu.memory_space<vmem>>, vector<1x1x16xf32>,
      %broadcast_in_dim3A_497 = arith.constant 0.000000e+00 : f32
      %broadcast_in_dim3A_498 = vector.broadcast %broadcast_in_dim3A_497 : f32 to vector<16xf32>
      %add3A_499 = arith.constant 6 : i32
      %add3A_500 = arith.addi %add3A_201, %add3A_499 : i32
      %swap3A_501 = arith.constant 0 : i32
      %swap3A_502 = arith.index_cast %swap3A_501 : i32 to index
      %swap3A_503 = arith.index_cast %add3A_500 : i32 to index
      %swap3A_504 = arith.constant 48 : index
      %swap3A_505 = tpu.vector_load %arg6[%swap3A_502, %swap3A_503, %swap3A_504] {strides = array<i32>} : memref<2x80x64xf32, #tpu.memory_space<vmem>>, vector<1x1x16xf32>,
      %swap3A_506 = vector.shape_cast %swap3A_505 : vector<1x1x16xf32> to vector<16xf32>
      %swap3A_507 = vector.shape_cast %broadcast_in_dim3A_498 : vector<16xf32> to vector<1x1x16xf32>
      tpu.vector_store %arg6[%swap3A_502, %swap3A_503, %swap3A_504], %swap3A_507 {strides = array<i32>} : memref<2x80x64xf32, #tpu.memory_space<vmem>>, vector<1x1x16xf32>,
      %broadcast_in_dim3A_508 = arith.constant 0.000000e+00 : f32
      %broadcast_in_dim3A_509 = vector.broadcast %broadcast_in_dim3A_508 : f32 to vector<16xf32>
      %add3A_510 = arith.constant 7 : i32
      %add3A_511 = arith.addi %add3A_201, %add3A_510 : i32
      %swap3A_512 = arith.constant 0 : i32
      %swap3A_513 = arith.index_cast %swap3A_512 : i32 to index
      %swap3A_514 = arith.index_cast %add3A_511 : i32 to index
      %swap3A_515 = arith.constant 0 : index
      %swap3A_516 = tpu.vector_load %arg6[%swap3A_513, %swap3A_514, %swap3A_515] {strides = array<i32>} : memref<2x80x64xf32, #tpu.memory_space<vmem>>, vector<1x1x16xf32>,
      %swap3A_517 = vector.shape_cast %swap3A_516 : vector<1x1x16xf32> to vector<16xf32>
      %swap3A_518 = vector.shape_cast %broadcast_in_dim3A_509 : vector<16xf32> to vector<1x1x16xf32>
      tpu.vector_store %arg6[%swap3A_513, %swap3A_514, %swap3A_515], %swap3A_518 {strides = array<i32>} : memref<2x80x64xf32, #tpu.memory_space<vmem>>, vector<1x1x16xf32>,
      %broadcast_in_dim3A_519 = arith.constant 0.000000e+00 : f32
      %broadcast_in_dim3A_520 = vector.broadcast %broadcast_in_dim3A_519 : f32 to vector<16xf32>
      %add3A_521 = arith.constant 7 : i32
      %add3A_522 = arith.addi %add3A_201, %add3A_521 : i32
      %swap3A_523 = arith.constant 0 : i32
      %swap3A_524 = arith.index_cast %swap3A_523 : i32 to index
      %swap3A_525 = arith.index_cast %add3A_522 : i32 to index
      %swap3A_526 = arith.constant 16 : index
      %swap3A_527 = tpu.vector_load %arg6[%swap3A_524, %swap3A_525, %swap3A_526] {strides = array<i32>} : memref<2x80x64xf32, #tpu.memory_space<vmem>>, vector<1x1x16xf32>,
      %swap3A_528 = vector.shape_cast %swap3A_527 : vector<1x1x16xf32> to vector<16xf32>
      %swap3A_529 = vector.shape_cast %broadcast_in_dim3A_520 : vector<16xf32> to vector<1x1x16xf32>
      tpu.vector_store %arg6[%swap3A_524, %swap3A_525, %swap3A_526], %swap3A_529 {strides = array<i32>} : memref<2x80x64xf32, #tpu.memory_space<vmem>>, vector<1x1x16xf32>,
      %broadcast_in_dim3A_530 = arith.constant 0.000000e+00 : f32
      %broadcast_in_dim3A_531 = vector.broadcast %broadcast_in_dim3A_530 : f32 to vector<16xf32>
      %add3A_532 = arith.constant 7 : i32
      %add3A_533 = arith.addi %add3A_201, %add3A_532 : i32
      %swap3A_534 = arith.constant 0 : i32
      %swap3A_535 = arith.index_cast %swap3A_534 : i32 to index
      %swap3A_536 = arith.index_cast %add3A_533 : i32 to index
      %swap3A_537 = arith.constant 32 : index
      %swap3A_538 = tpu.vector_load %arg6[%swap3A_535, %swap3A_536, %swap3A_537] {strides = array<i32>} : memref<2x80x64xf32, #tpu.memory_space<vmem>>, vector<1x1x16xf32>,
      %swap3A_539 = vector.shape_cast %swap3A_538 : vector<1x1x16xf32> to vector<16xf32>
      %swap3A_540 = vector.shape_cast %broadcast_in_dim3A_531 : vector<16xf32> to vector<1x1x16xf32>
      tpu.vector_store %arg6[%swap3A_535, %swap3A_536, %swap3A_537], %swap3A_540 {strides = array<i32>} : memref<2x80x64xf32, #tpu.memory_space<vmem>>, vector<1x1x16xf32>,
      %broadcast_in_dim3A_541 = arith.constant 0.000000e+00 : f32
      %broadcast_in_dim3A_542 = vector.broadcast %broadcast_in_dim3A_541 : f32 to vector<16xf32>
      %add3A_543 = arith.constant 7 : i32
      %add3A_544 = arith.addi %add3A_201, %add3A_543 : i32
      %swap3A_545 = arith.constant 0 : i32
      %swap3A_546 = arith.index_cast %swap3A_545 : i32 to index
      %swap3A_547 = arith.index_cast %add3A_544 : i32 to index
      %swap3A_548 = arith.constant 48 : index
      %swap3A_549 = tpu.vector_load %arg6[%swap3A_546, %swap3A_547, %swap3A_548] {strides = array<i32>} : memref<2x80x64xf32, #tpu.memory_space<vmem>>, vector<1x1x16xf32>,
      %swap3A_550 = vector.shape_cast %swap3A_549 : vector<1x1x16xf32> to vector<16xf32>
      %swap3A_551 = vector.shape_cast %broadcast_in_dim3A_542 : vector<16xf32> to vector<1x1x16xf32>
      tpu.vector_store %arg6[%swap3A_546, %swap3A_547, %swap3A_548], %swap3A_551 {strides = array<i32>} : memref<2x80x64xf32, #tpu.memory_space<vmem>>, vector<1x1x16xf32>,
    }
    %scan3A_9 = arith.constant 10 : i32
    %mul3A_10 = arith.constant 640 : i32
    %mul3A_11 = arith.muli %arg1, %mul3A_10 : i32
    %add3A = arith.constant 0 : i32
    %add3A_12 = arith.addi %mul3A_11, %add3A : i32
    %run_scoped3A = arith.constant 0 : i32
    "tpu.region"() ({
      %run_scoped3A_197 = tpu.sem_alloc : memref<!tpu.dma_semaphore, #tpu.memory_space<semaphore_mem>>
      %dma_start3A_198 = arith.constant 0 : i32
      %dma_start3A_199 = arith.constant 0 : i32
      %dma_start3A_200 = tpu.memref_slice %arg6[%run_scoped3A, %dma_start3A_198, %dma_start3A_199] : memref<2x80x64xf32, #tpu.memory_space<vmem>> -> memref<1x80x64xf32, #tpu.memory_space<vmem>>
      %dma_start3A_201 = tpu.memref_squeeze %dma_start3A_200 : memref<1x80x64xf32, #tpu.memory_space<vmem>> -> memref<80x64xf32, #tpu.memory_space<vmem>>
      %dma_start3A_202 = arith.constant 0 : i32
      %dma_start3A_203 = tpu.memref_slice %arg7[%add3A_12, %dma_start3A_202] : memref<10240x64xf32, #tpu.memory_space<vmem_shared>> -> memref<80x64xf32, #tpu.memory_space<vmem_shared>>
      %dma_start3A_204 = arith.constant 0 : i32
      %dma_start3A_205 = tpu.memref_slice %arg7[%add3A_12, %dma_start3A_204] : memref<10240x64xf32, #tpu.memory_space<vmem_shared>> -> memref<80x64xf32, #tpu.memory_space<vmem_shared>>
      %dma_start3A_206 = arith.constant 0 : i32
      %dma_start3A_207 = arith.constant 0 : i32
      %dma_start3A_208 = tpu.memref_slice %arg6[%run_scoped3A, %dma_start3A_206, %dma_start3A_207] : memref<2x80x64xf32, #tpu.memory_space<vmem>> -> memref<1x80x64xf32, #tpu.memory_space<vmem>>
      %dma_start3A_209 = tpu.memref_squeeze %dma_start3A_208 : memref<1x80x64xf32, #tpu.memory_space<vmem>> -> memref<80x64xf32, #tpu.memory_space<vmem>>
      tpu.enqueue_dma source(%dma_start3A_209 : memref<80x64xf32, #tpu.memory_space<vmem>>) target(%dma_start3A_205 : memref<80x64xf32, #tpu.memory_space<vmem_shared>>) target_semaphore(%run_scoped3A_197 : memref<!tpu.dma_semaphore, #tpu.memory_space<semaphore_mem>>)
      %dma_wait3A_210 = arith.constant 0 : i32
      %dma_wait3A_211 = arith.constant 0 : i32
      %dma_wait3A_212 = tpu.memref_slice %arg6[%run_scoped3A, %dma_wait3A_210, %dma_wait3A_211] : memref<2x80x64xf32, #tpu.memory_space<vmem>> -> memref<1x80x64xf32, #tpu.memory_space<vmem>>
      %dma_wait3A_213 = tpu.memref_squeeze %dma_wait3A_212 : memref<1x80x64xf32, #tpu.memory_space<vmem>> -> memref<80x64xf32, #tpu.memory_space<vmem>>
      %dma_wait3A_214 = arith.constant 0 : i32
      %dma_wait3A_215 = tpu.memref_slice %arg7[%add3A_12, %dma_wait3A_214] : memref<10240x64xf32, #tpu.memory_space<vmem_shared>> -> memref<80x64xf32, #tpu.memory_space<vmem_shared>>
      %dma_wait3A_216 = arith.constant 0 : i32
      %dma_wait3A_217 = tpu.memref_slice %arg7[%add3A_12, %dma_wait3A_216] : memref<10240x64xf32, #tpu.memory_space<vmem_shared>> -> memref<80x64xf32, #tpu.memory_space<vmem_shared>>
      %dma_wait3A_218 = arith.constant 0 : i32
      %dma_wait3A_219 = arith.constant 0 : i32
      %dma_wait3A_220 = tpu.memref_slice %arg6[%run_scoped3A, %dma_wait3A_218, %dma_wait3A_219] : memref<2x80x64xf32, #tpu.memory_space<vmem>> -> memref<1x80x64xf32, #tpu.memory_space<vmem>>
      %dma_wait3A_221 = tpu.memref_squeeze %dma_wait3A_220 : memref<1x80x64xf32, #tpu.memory_space<vmem>> -> memref<80x64xf32, #tpu.memory_space<vmem>>
      tpu.wait_dma2 semaphore(%run_scoped3A_197 : memref<!tpu.dma_semaphore, #tpu.memory_space<semaphore_mem>>) src(%dma_wait3A_221 : memref<80x64xf32, #tpu.memory_space<vmem>>) dst(%dma_wait3A_217 : memref<80x64xf32, #tpu.memory_space<vmem_shared>>)
      tpu.yield
    }) : () -> ()
    %mul3A_13 = arith.constant 640 : i32
    %mul3A_14 = arith.muli %arg1, %mul3A_13 : i32
    %add3A_15 = arith.constant 80 : i32
    %add3A_16 = arith.addi %mul3A_14, %add3A_15 : i32
    %run_scoped3A_17 = arith.constant 0 : i32
    "tpu.region"() ({
      %run_scoped3A_197 = tpu.sem_alloc : memref<!tpu.dma_semaphore, #tpu.memory_space<semaphore_mem>>
      %dma_start3A_198 = arith.constant 0 : i32
      %dma_start3A_199 = arith.constant 0 : i32
      %dma_start3A_200 = tpu.memref_slice %arg6[%run_scoped3A_17, %dma_start3A_198, %dma_start3A_199] : memref<2x80x64xf32, #tpu.memory_space<vmem>> -> memref<1x80x64xf32, #tpu.memory_space<vmem>>
      %dma_start3A_201 = tpu.memref_squeeze %dma_start3A_200 : memref<1x80x64xf32, #tpu.memory_space<vmem>> -> memref<80x64xf32, #tpu.memory_space<vmem>>
      %dma_start3A_202 = arith.constant 0 : i32
      %dma_start3A_203 = tpu.memref_slice %arg7[%add3A_16, %dma_start3A_202] : memref<10240x64xf32, #tpu.memory_space<vmem_shared>> -> memref<80x64xf32, #tpu.memory_space<vmem_shared>>
      %dma_start3A_204 = arith.constant 0 : i32
      %dma_start3A_205 = tpu.memref_slice %arg7[%add3A_16, %dma_start3A_204] : memref<10240x64xf32, #tpu.memory_space<vmem_shared>> -> memref<80x64xf32, #tpu.memory_space<vmem_shared>>
      %dma_start3A_206 = arith.constant 0 : i32
      %dma_start3A_207 = arith.constant 0 : i32
      %dma_start3A_208 = tpu.memref_slice %arg6[%run_scoped3A_17, %dma_start3A_206, %dma_start3A_207] : memref<2x80x64xf32, #tpu.memory_space<vmem>> -> memref<1x80x64xf32, #tpu.memory_space<vmem>>
      %dma_start3A_209 = tpu.memref_squeeze %dma_start3A_208 : memref<1x80x64xf32, #tpu.memory_space<vmem>> -> memref<80x64xf32, #tpu.memory_space<vmem>>
      tpu.enqueue_dma source(%dma_start3A_209 : memref<80x64xf32, #tpu.memory_space<vmem>>) target(%dma_start3A_205 : memref<80x64xf32, #tpu.memory_space<vmem_shared>>) target_semaphore(%run_scoped3A_197 : memref<!tpu.dma_semaphore, #tpu.memory_space<semaphore_mem>>)
      %dma_wait3A_210 = arith.constant 0 : i32
      %dma_wait3A_211 = arith.constant 0 : i32
      %dma_wait3A_212 = tpu.memref_slice %arg6[%run_scoped3A_17, %dma_wait3A_210, %dma_wait3A_211] : memref<2x80x64xf32, #tpu.memory_space<vmem>> -> memref<1x80x64xf32, #tpu.memory_space<vmem>>
      %dma_wait3A_213 = tpu.memref_squeeze %dma_wait3A_212 : memref<1x80x64xf32, #tpu.memory_space<vmem>> -> memref<80x64xf32, #tpu.memory_space<vmem>>
      %dma_wait3A_214 = arith.constant 0 : i32
      %dma_wait3A_215 = tpu.memref_slice %arg7[%add3A_16, %dma_wait3A_214] : memref<10240x64xf32, #tpu.memory_space<vmem_shared>> -> memref<80x64xf32, #tpu.memory_space<vmem_shared>>
      %dma_wait3A_216 = arith.constant 0 : i32
      %dma_wait3A_217 = tpu.memref_slice %arg7[%add3A_16, %dma_wait3A_216] : memref<10240x64xf32, #tpu.memory_space<vmem_shared>> -> memref<80x64xf32, #tpu.memory_space<vmem_shared>>
      %dma_wait3A_218 = arith.constant 0 : i32
      %dma_wait3A_219 = arith.constant 0 : i32
      %dma_wait3A_220 = tpu.memref_slice %arg6[%run_scoped3A_17, %dma_wait3A_218, %dma_wait3A_219] : memref<2x80x64xf32, #tpu.memory_space<vmem>> -> memref<1x80x64xf32, #tpu.memory_space<vmem>>
      %dma_wait3A_221 = tpu.memref_squeeze %dma_wait3A_220 : memref<1x80x64xf32, #tpu.memory_space<vmem>> -> memref<80x64xf32, #tpu.memory_space<vmem>>
      tpu.wait_dma2 semaphore(%run_scoped3A_197 : memref<!tpu.dma_semaphore, #tpu.memory_space<semaphore_mem>>) src(%dma_wait3A_221 : memref<80x64xf32, #tpu.memory_space<vmem>>) dst(%dma_wait3A_217 : memref<80x64xf32, #tpu.memory_space<vmem_shared>>)
      tpu.yield
    }) : () -> ()
    %mul3A_18 = arith.constant 640 : i32
    %mul3A_19 = arith.muli %arg1, %mul3A_18 : i32
    %add3A_20 = arith.constant 160 : i32
    %add3A_21 = arith.addi %mul3A_19, %add3A_20 : i32
    %run_scoped3A_22 = arith.constant 0 : i32
    "tpu.region"() ({
      %run_scoped3A_197 = tpu.sem_alloc : memref<!tpu.dma_semaphore, #tpu.memory_space<semaphore_mem>>
      %dma_start3A_198 = arith.constant 0 : i32
      %dma_start3A_199 = arith.constant 0 : i32
      %dma_start3A_200 = tpu.memref_slice %arg6[%run_scoped3A_22, %dma_start3A_198, %dma_start3A_199] : memref<2x80x64xf32, #tpu.memory_space<vmem>> -> memref<1x80x64xf32, #tpu.memory_space<vmem>>
      %dma_start3A_201 = tpu.memref_squeeze %dma_start3A_200 : memref<1x80x64xf32, #tpu.memory_space<vmem>> -> memref<80x64xf32, #tpu.memory_space<vmem>>
      %dma_start3A_202 = arith.constant 0 : i32
      %dma_start3A_203 = tpu.memref_slice %arg7[%add3A_21, %dma_start3A_202] : memref<10240x64xf32, #tpu.memory_space<vmem_shared>> -> memref<80x64xf32, #tpu.memory_space<vmem_shared>>
      %dma_start3A_204 = arith.constant 0 : i32
      %dma_start3A_205 = tpu.memref_slice %arg7[%add3A_21, %dma_start3A_204] : memref<10240x64xf32, #tpu.memory_space<vmem_shared>> -> memref<80x64xf32, #tpu.memory_space<vmem_shared>>
      %dma_start3A_206 = arith.constant 0 : i32
      %dma_start3A_207 = arith.constant 0 : i32
      %dma_start3A_208 = tpu.memref_slice %arg6[%run_scoped3A_22, %dma_start3A_206, %dma_start3A_207] : memref<2x80x64xf32, #tpu.memory_space<vmem>> -> memref<1x80x64xf32, #tpu.memory_space<vmem>>
      %dma_start3A_209 = tpu.memref_squeeze %dma_start3A_208 : memref<1x80x64xf32, #tpu.memory_space<vmem>> -> memref<80x64xf32, #tpu.memory_space<vmem>>
      tpu.enqueue_dma source(%dma_start3A_209 : memref<80x64xf32, #tpu.memory_space<vmem>>) target(%dma_start3A_205 : memref<80x64xf32, #tpu.memory_space<vmem_shared>>) target_semaphore(%run_scoped3A_197 : memref<!tpu.dma_semaphore, #tpu.memory_space<semaphore_mem>>)
      %dma_wait3A_210 = arith.constant 0 : i32
      %dma_wait3A_211 = arith.constant 0 : i32
      %dma_wait3A_212 = tpu.memref_slice %arg6[%run_scoped3A_22, %dma_wait3A_210, %dma_wait3A_211] : memref<2x80x64xf32, #tpu.memory_space<vmem>> -> memref<1x80x64xf32, #tpu.memory_space<vmem>>
      %dma_wait3A_213 = tpu.memref_squeeze %dma_wait3A_212 : memref<1x80x64xf32, #tpu.memory_space<vmem>> -> memref<80x64xf32, #tpu.memory_space<vmem>>
      %dma_wait3A_214 = arith.constant 0 : i32
      %dma_wait3A_215 = tpu.memref_slice %arg7[%add3A_21, %dma_wait3A_214] : memref<10240x64xf32, #tpu.memory_space<vmem_shared>> -> memref<80x64xf32, #tpu.memory_space<vmem_shared>>
      %dma_wait3A_216 = arith.constant 0 : i32
      %dma_wait3A_217 = tpu.memref_slice %arg7[%add3A_21, %dma_wait3A_216] : memref<10240x64xf32, #tpu.memory_space<vmem_shared>> -> memref<80x64xf32, #tpu.memory_space<vmem_shared>>
      %dma_wait3A_218 = arith.constant 0 : i32
      %dma_wait3A_219 = arith.constant 0 : i32
      %dma_wait3A_220 = tpu.memref_slice %arg6[%run_scoped3A_22, %dma_wait3A_218, %dma_wait3A_219] : memref<2x80x64xf32, #tpu.memory_space<vmem>> -> memref<1x80x64xf32, #tpu.memory_space<vmem>>
      %dma_wait3A_221 = tpu.memref_squeeze %dma_wait3A_220 : memref<1x80x64xf32, #tpu.memory_space<vmem>> -> memref<80x64xf32, #tpu.memory_space<vmem>>
      tpu.wait_dma2 semaphore(%run_scoped3A_197 : memref<!tpu.dma_semaphore, #tpu.memory_space<semaphore_mem>>) src(%dma_wait3A_221 : memref<80x64xf32, #tpu.memory_space<vmem>>) dst(%dma_wait3A_217 : memref<80x64xf32, #tpu.memory_space<vmem_shared>>)
      tpu.yield
    }) : () -> ()
    %mul3A_23 = arith.constant 640 : i32
    %mul3A_24 = arith.muli %arg1, %mul3A_23 : i32
    %add3A_25 = arith.constant 240 : i32
    %add3A_26 = arith.addi %mul3A_24, %add3A_25 : i32
    %run_scoped3A_27 = arith.constant 0 : i32
    "tpu.region"() ({
      %run_scoped3A_197 = tpu.sem_alloc : memref<!tpu.dma_semaphore, #tpu.memory_space<semaphore_mem>>
      %dma_start3A_198 = arith.constant 0 : i32
      %dma_start3A_199 = arith.constant 0 : i32
      %dma_start3A_200 = tpu.memref_slice %arg6[%run_scoped3A_27, %dma_start3A_198, %dma_start3A_199] : memref<2x80x64xf32, #tpu.memory_space<vmem>> -> memref<1x80x64xf32, #tpu.memory_space<vmem>>
      %dma_start3A_201 = tpu.memref_squeeze %dma_start3A_200 : memref<1x80x64xf32, #tpu.memory_space<vmem>> -> memref<80x64xf32, #tpu.memory_space<vmem>>
      %dma_start3A_202 = arith.constant 0 : i32
      %dma_start3A_203 = tpu.memref_slice %arg7[%add3A_26, %dma_start3A_202] : memref<10240x64xf32, #tpu.memory_space<vmem_shared>> -> memref<80x64xf32, #tpu.memory_space<vmem_shared>>
      %dma_start3A_204 = arith.constant 0 : i32
      %dma_start3A_205 = tpu.memref_slice %arg7[%add3A_26, %dma_start3A_204] : memref<10240x64xf32, #tpu.memory_space<vmem_shared>> -> memref<80x64xf32, #tpu.memory_space<vmem_shared>>
      %dma_start3A_206 = arith.constant 0 : i32
      %dma_start3A_207 = arith.constant 0 : i32
      %dma_start3A_208 = tpu.memref_slice %arg6[%run_scoped3A_27, %dma_start3A_206, %dma_start3A_207] : memref<2x80x64xf32, #tpu.memory_space<vmem>> -> memref<1x80x64xf32, #tpu.memory_space<vmem>>
      %dma_start3A_209 = tpu.memref_squeeze %dma_start3A_208 : memref<1x80x64xf32, #tpu.memory_space<vmem>> -> memref<80x64xf32, #tpu.memory_space<vmem>>
      tpu.enqueue_dma source(%dma_start3A_209 : memref<80x64xf32, #tpu.memory_space<vmem>>) target(%dma_start3A_205 : memref<80x64xf32, #tpu.memory_space<vmem_shared>>) target_semaphore(%run_scoped3A_197 : memref<!tpu.dma_semaphore, #tpu.memory_space<semaphore_mem>>)
      %dma_wait3A_210 = arith.constant 0 : i32
      %dma_wait3A_211 = arith.constant 0 : i32
      %dma_wait3A_212 = tpu.memref_slice %arg6[%run_scoped3A_27, %dma_wait3A_210, %dma_wait3A_211] : memref<2x80x64xf32, #tpu.memory_space<vmem>> -> memref<1x80x64xf32, #tpu.memory_space<vmem>>
      %dma_wait3A_213 = tpu.memref_squeeze %dma_wait3A_212 : memref<1x80x64xf32, #tpu.memory_space<vmem>> -> memref<80x64xf32, #tpu.memory_space<vmem>>
      %dma_wait3A_214 = arith.constant 0 : i32
      %dma_wait3A_215 = tpu.memref_slice %arg7[%add3A_26, %dma_wait3A_214] : memref<10240x64xf32, #tpu.memory_space<vmem_shared>> -> memref<80x64xf32, #tpu.memory_space<vmem_shared>>
      %dma_wait3A_216 = arith.constant 0 : i32
      %dma_wait3A_217 = tpu.memref_slice %arg7[%add3A_26, %dma_wait3A_216] : memref<10240x64xf32, #tpu.memory_space<vmem_shared>> -> memref<80x64xf32, #tpu.memory_space<vmem_shared>>
      %dma_wait3A_218 = arith.constant 0 : i32
      %dma_wait3A_219 = arith.constant 0 : i32
      %dma_wait3A_220 = tpu.memref_slice %arg6[%run_scoped3A_27, %dma_wait3A_218, %dma_wait3A_219] : memref<2x80x64xf32, #tpu.memory_space<vmem>> -> memref<1x80x64xf32, #tpu.memory_space<vmem>>
      %dma_wait3A_221 = tpu.memref_squeeze %dma_wait3A_220 : memref<1x80x64xf32, #tpu.memory_space<vmem>> -> memref<80x64xf32, #tpu.memory_space<vmem>>
      tpu.wait_dma2 semaphore(%run_scoped3A_197 : memref<!tpu.dma_semaphore, #tpu.memory_space<semaphore_mem>>) src(%dma_wait3A_221 : memref<80x64xf32, #tpu.memory_space<vmem>>) dst(%dma_wait3A_217 : memref<80x64xf32, #tpu.memory_space<vmem_shared>>)
      tpu.yield
    }) : () -> ()
    %mul3A_28 = arith.constant 640 : i32
    %mul3A_29 = arith.muli %arg1, %mul3A_28 : i32
    %add3A_30 = arith.constant 320 : i32
    %add3A_31 = arith.addi %mul3A_29, %add3A_30 : i32
    %run_scoped3A_32 = arith.constant 0 : i32
    "tpu.region"() ({
      %run_scoped3A_197 = tpu.sem_alloc : memref<!tpu.dma_semaphore, #tpu.memory_space<semaphore_mem>>
      %dma_start3A_198 = arith.constant 0 : i32
      %dma_start3A_199 = arith.constant 0 : i32
      %dma_start3A_200 = tpu.memref_slice %arg6[%run_scoped3A_32, %dma_start3A_198, %dma_start3A_199] : memref<2x80x64xf32, #tpu.memory_space<vmem>> -> memref<1x80x64xf32, #tpu.memory_space<vmem>>
      %dma_start3A_201 = tpu.memref_squeeze %dma_start3A_200 : memref<1x80x64xf32, #tpu.memory_space<vmem>> -> memref<80x64xf32, #tpu.memory_space<vmem>>
      %dma_start3A_202 = arith.constant 0 : i32
      %dma_start3A_203 = tpu.memref_slice %arg7[%add3A_31, %dma_start3A_202] : memref<10240x64xf32, #tpu.memory_space<vmem_shared>> -> memref<80x64xf32, #tpu.memory_space<vmem_shared>>
      %dma_start3A_204 = arith.constant 0 : i32
      %dma_start3A_205 = tpu.memref_slice %arg7[%add3A_31, %dma_start3A_204] : memref<10240x64xf32, #tpu.memory_space<vmem_shared>> -> memref<80x64xf32, #tpu.memory_space<vmem_shared>>
      %dma_start3A_206 = arith.constant 0 : i32
      %dma_start3A_207 = arith.constant 0 : i32
      %dma_start3A_208 = tpu.memref_slice %arg6[%run_scoped3A_32, %dma_start3A_206, %dma_start3A_207] : memref<2x80x64xf32, #tpu.memory_space<vmem>> -> memref<1x80x64xf32, #tpu.memory_space<vmem>>
      %dma_start3A_209 = tpu.memref_squeeze %dma_start3A_208 : memref<1x80x64xf32, #tpu.memory_space<vmem>> -> memref<80x64xf32, #tpu.memory_space<vmem>>
      tpu.enqueue_dma source(%dma_start3A_209 : memref<80x64xf32, #tpu.memory_space<vmem>>) target(%dma_start3A_205 : memref<80x64xf32, #tpu.memory_space<vmem_shared>>) target_semaphore(%run_scoped3A_197 : memref<!tpu.dma_semaphore, #tpu.memory_space<semaphore_mem>>)
      %dma_wait3A_210 = arith.constant 0 : i32
      %dma_wait3A_211 = arith.constant 0 : i32
      %dma_wait3A_212 = tpu.memref_slice %arg6[%run_scoped3A_32, %dma_wait3A_210, %dma_wait3A_211] : memref<2x80x64xf32, #tpu.memory_space<vmem>> -> memref<1x80x64xf32, #tpu.memory_space<vmem>>
      %dma_wait3A_213 = tpu.memref_squeeze %dma_wait3A_212 : memref<1x80x64xf32, #tpu.memory_space<vmem>> -> memref<80x64xf32, #tpu.memory_space<vmem>>
      %dma_wait3A_214 = arith.constant 0 : i32
      %dma_wait3A_215 = tpu.memref_slice %arg7[%add3A_31, %dma_wait3A_214] : memref<10240x64xf32, #tpu.memory_space<vmem_shared>> -> memref<80x64xf32, #tpu.memory_space<vmem_shared>>
      %dma_wait3A_216 = arith.constant 0 : i32
      %dma_wait3A_217 = tpu.memref_slice %arg7[%add3A_31, %dma_wait3A_216] : memref<10240x64xf32, #tpu.memory_space<vmem_shared>> -> memref<80x64xf32, #tpu.memory_space<vmem_shared>>
      %dma_wait3A_218 = arith.constant 0 : i32
      %dma_wait3A_219 = arith.constant 0 : i32
      %dma_wait3A_220 = tpu.memref_slice %arg6[%run_scoped3A_32, %dma_wait3A_218, %dma_wait3A_219] : memref<2x80x64xf32, #tpu.memory_space<vmem>> -> memref<1x80x64xf32, #tpu.memory_space<vmem>>
      %dma_wait3A_221 = tpu.memref_squeeze %dma_wait3A_220 : memref<1x80x64xf32, #tpu.memory_space<vmem>> -> memref<80x64xf32, #tpu.memory_space<vmem>>
      tpu.wait_dma2 semaphore(%run_scoped3A_197 : memref<!tpu.dma_semaphore, #tpu.memory_space<semaphore_mem>>) src(%dma_wait3A_221 : memref<80x64xf32, #tpu.memory_space<vmem>>) dst(%dma_wait3A_217 : memref<80x64xf32, #tpu.memory_space<vmem_shared>>)
      tpu.yield
    }) : () -> ()
    %mul3A_33 = arith.constant 640 : i32
    %mul3A_34 = arith.muli %arg1, %mul3A_33 : i32
    %add3A_35 = arith.constant 400 : i32
    %add3A_36 = arith.addi %mul3A_34, %add3A_35 : i32
    %run_scoped3A_37 = arith.constant 0 : i32
    "tpu.region"() ({
      %run_scoped3A_197 = tpu.sem_alloc : memref<!tpu.dma_semaphore, #tpu.memory_space<semaphore_mem>>
      %dma_start3A_198 = arith.constant 0 : i32
      %dma_start3A_199 = arith.constant 0 : i32
      %dma_start3A_200 = tpu.memref_slice %arg6[%run_scoped3A_37, %dma_start3A_198, %dma_start3A_199] : memref<2x80x64xf32, #tpu.memory_space<vmem>> -> memref<1x80x64xf32, #tpu.memory_space<vmem>>
      %dma_start3A_201 = tpu.memref_squeeze %dma_start3A_200 : memref<1x80x64xf32, #tpu.memory_space<vmem>> -> memref<80x64xf32, #tpu.memory_space<vmem>>
      %dma_start3A_202 = arith.constant 0 : i32
      %dma_start3A_203 = tpu.memref_slice %arg7[%add3A_36, %dma_start3A_202] : memref<10240x64xf32, #tpu.memory_space<vmem_shared>> -> memref<80x64xf32, #tpu.memory_space<vmem_shared>>
      %dma_start3A_204 = arith.constant 0 : i32
      %dma_start3A_205 = tpu.memref_slice %arg7[%add3A_36, %dma_start3A_204] : memref<10240x64xf32, #tpu.memory_space<vmem_shared>> -> memref<80x64xf32, #tpu.memory_space<vmem_shared>>
      %dma_start3A_206 = arith.constant 0 : i32
      %dma_start3A_207 = arith.constant 0 : i32
      %dma_start3A_208 = tpu.memref_slice %arg6[%run_scoped3A_37, %dma_start3A_206, %dma_start3A_207] : memref<2x80x64xf32, #tpu.memory_space<vmem>> -> memref<1x80x64xf32, #tpu.memory_space<vmem>>
      %dma_start3A_209 = tpu.memref_squeeze %dma_start3A_208 : memref<1x80x64xf32, #tpu.memory_space<vmem>> -> memref<80x64xf32, #tpu.memory_space<vmem>>
      tpu.enqueue_dma source(%dma_start3A_209 : memref<80x64xf32, #tpu.memory_space<vmem>>) target(%dma_start3A_205 : memref<80x64xf32, #tpu.memory_space<vmem_shared>>) target_semaphore(%run_scoped3A_197 : memref<!tpu.dma_semaphore, #tpu.memory_space<semaphore_mem>>)
      %dma_wait3A_210 = arith.constant 0 : i32
      %dma_wait3A_211 = arith.constant 0 : i32
      %dma_wait3A_212 = tpu.memref_slice %arg6[%run_scoped3A_37, %dma_wait3A_210, %dma_wait3A_211] : memref<2x80x64xf32, #tpu.memory_space<vmem>> -> memref<1x80x64xf32, #tpu.memory_space<vmem>>
      %dma_wait3A_213 = tpu.memref_squeeze %dma_wait3A_212 : memref<1x80x64xf32, #tpu.memory_space<vmem>> -> memref<80x64xf32, #tpu.memory_space<vmem>>
      %dma_wait3A_214 = arith.constant 0 : i32
      %dma_wait3A_215 = tpu.memref_slice %arg7[%add3A_36, %dma_wait3A_214] : memref<10240x64xf32, #tpu.memory_space<vmem_shared>> -> memref<80x64xf32, #tpu.memory_space<vmem_shared>>
      %dma_wait3A_216 = arith.constant 0 : i32
      %dma_wait3A_217 = tpu.memref_slice %arg7[%add3A_36, %dma_wait3A_216] : memref<10240x64xf32, #tpu.memory_space<vmem_shared>> -> memref<80x64xf32, #tpu.memory_space<vmem_shared>>
      %dma_wait3A_218 = arith.constant 0 : i32
      %dma_wait3A_219 = arith.constant 0 : i32
      %dma_wait3A_220 = tpu.memref_slice %arg6[%run_scoped3A_37, %dma_wait3A_218, %dma_wait3A_219] : memref<2x80x64xf32, #tpu.memory_space<vmem>> -> memref<1x80x64xf32, #tpu.memory_space<vmem>>
      %dma_wait3A_221 = tpu.memref_squeeze %dma_wait3A_220 : memref<1x80x64xf32, #tpu.memory_space<vmem>> -> memref<80x64xf32, #tpu.memory_space<vmem>>
      tpu.wait_dma2 semaphore(%run_scoped3A_197 : memref<!tpu.dma_semaphore, #tpu.memory_space<semaphore_mem>>) src(%dma_wait3A_221 : memref<80x64xf32, #tpu.memory_space<vmem>>) dst(%dma_wait3A_217 : memref<80x64xf32, #tpu.memory_space<vmem_shared>>)
      tpu.yield
    }) : () -> ()
    %mul3A_38 = arith.constant 640 : i32
    %mul3A_39 = arith.muli %arg1, %mul3A_38 : i32
    %add3A_40 = arith.constant 480 : i32
    %add3A_41 = arith.addi %mul3A_39, %add3A_40 : i32
    %run_scoped3A_42 = arith.constant 0 : i32
    "tpu.region"() ({
      %run_scoped3A_197 = tpu.sem_alloc : memref<!tpu.dma_semaphore, #tpu.memory_space<semaphore_mem>>
      %dma_start3A_198 = arith.constant 0 : i32
      %dma_start3A_199 = arith.constant 0 : i32
      %dma_start3A_200 = tpu.memref_slice %arg6[%run_scoped3A_42, %dma_start3A_198, %dma_start3A_199] : memref<2x80x64xf32, #tpu.memory_space<vmem>> -> memref<1x80x64xf32, #tpu.memory_space<vmem>>
      %dma_start3A_201 = tpu.memref_squeeze %dma_start3A_200 : memref<1x80x64xf32, #tpu.memory_space<vmem>> -> memref<80x64xf32, #tpu.memory_space<vmem>>
      %dma_start3A_202 = arith.constant 0 : i32
      %dma_start3A_203 = tpu.memref_slice %arg7[%add3A_41, %dma_start3A_202] : memref<10240x64xf32, #tpu.memory_space<vmem_shared>> -> memref<80x64xf32, #tpu.memory_space<vmem_shared>>
      %dma_start3A_204 = arith.constant 0 : i32
      %dma_start3A_205 = tpu.memref_slice %arg7[%add3A_41, %dma_start3A_204] : memref<10240x64xf32, #tpu.memory_space<vmem_shared>> -> memref<80x64xf32, #tpu.memory_space<vmem_shared>>
      %dma_start3A_206 = arith.constant 0 : i32
      %dma_start3A_207 = arith.constant 0 : i32
      %dma_start3A_208 = tpu.memref_slice %arg6[%run_scoped3A_42, %dma_start3A_206, %dma_start3A_207] : memref<2x80x64xf32, #tpu.memory_space<vmem>> -> memref<1x80x64xf32, #tpu.memory_space<vmem>>
      %dma_start3A_209 = tpu.memref_squeeze %dma_start3A_208 : memref<1x80x64xf32, #tpu.memory_space<vmem>> -> memref<80x64xf32, #tpu.memory_space<vmem>>
      tpu.enqueue_dma source(%dma_start3A_209 : memref<80x64xf32, #tpu.memory_space<vmem>>) target(%dma_start3A_205 : memref<80x64xf32, #tpu.memory_space<vmem_shared>>) target_semaphore(%run_scoped3A_197 : memref<!tpu.dma_semaphore, #tpu.memory_space<semaphore_mem>>)
      %dma_wait3A_210 = arith.constant 0 : i32
      %dma_wait3A_211 = arith.constant 0 : i32
      %dma_wait3A_212 = tpu.memref_slice %arg6[%run_scoped3A_42, %dma_wait3A_210, %dma_wait3A_211] : memref<2x80x64xf32, #tpu.memory_space<vmem>> -> memref<1x80x64xf32, #tpu.memory_space<vmem>>
      %dma_wait3A_213 = tpu.memref_squeeze %dma_wait3A_212 : memref<1x80x64xf32, #tpu.memory_space<vmem>> -> memref<80x64xf32, #tpu.memory_space<vmem>>
      %dma_wait3A_214 = arith.constant 0 : i32
      %dma_wait3A_215 = tpu.memref_slice %arg7[%add3A_41, %dma_wait3A_214] : memref<10240x64xf32, #tpu.memory_space<vmem_shared>> -> memref<80x64xf32, #tpu.memory_space<vmem_shared>>
      %dma_wait3A_216 = arith.constant 0 : i32
      %dma_wait3A_217 = tpu.memref_slice %arg7[%add3A_41, %dma_wait3A_216] : memref<10240x64xf32, #tpu.memory_space<vmem_shared>> -> memref<80x64xf32, #tpu.memory_space<vmem_shared>>
      %dma_wait3A_218 = arith.constant 0 : i32
      %dma_wait3A_219 = arith.constant 0 : i32
      %dma_wait3A_220 = tpu.memref_slice %arg6[%run_scoped3A_42, %dma_wait3A_218, %dma_wait3A_219] : memref<2x80x64xf32, #tpu.memory_space<vmem>> -> memref<1x80x64xf32, #tpu.memory_space<vmem>>
      %dma_wait3A_221 = tpu.memref_squeeze %dma_wait3A_220 : memref<1x80x64xf32, #tpu.memory_space<vmem>> -> memref<80x64xf32, #tpu.memory_space<vmem>>
      tpu.wait_dma2 semaphore(%run_scoped3A_197 : memref<!tpu.dma_semaphore, #tpu.memory_space<semaphore_mem>>) src(%dma_wait3A_221 : memref<80x64xf32, #tpu.memory_space<vmem>>) dst(%dma_wait3A_217 : memref<80x64xf32, #tpu.memory_space<vmem_shared>>)
      tpu.yield
    }) : () -> ()
    %mul3A_43 = arith.constant 640 : i32
    %mul3A_44 = arith.muli %arg1, %mul3A_43 : i32
    %add3A_45 = arith.constant 560 : i32
    %add3A_46 = arith.addi %mul3A_44, %add3A_45 : i32
    %run_scoped3A_47 = arith.constant 0 : i32
    "tpu.region"() ({
      %run_scoped3A_197 = tpu.sem_alloc : memref<!tpu.dma_semaphore, #tpu.memory_space<semaphore_mem>>
      %dma_start3A_198 = arith.constant 0 : i32
      %dma_start3A_199 = arith.constant 0 : i32
      %dma_start3A_200 = tpu.memref_slice %arg6[%run_scoped3A_47, %dma_start3A_198, %dma_start3A_199] : memref<2x80x64xf32, #tpu.memory_space<vmem>> -> memref<1x80x64xf32, #tpu.memory_space<vmem>>
      %dma_start3A_201 = tpu.memref_squeeze %dma_start3A_200 : memref<1x80x64xf32, #tpu.memory_space<vmem>> -> memref<80x64xf32, #tpu.memory_space<vmem>>
      %dma_start3A_202 = arith.constant 0 : i32
      %dma_start3A_203 = tpu.memref_slice %arg7[%add3A_46, %dma_start3A_202] : memref<10240x64xf32, #tpu.memory_space<vmem_shared>> -> memref<80x64xf32, #tpu.memory_space<vmem_shared>>
      %dma_start3A_204 = arith.constant 0 : i32
      %dma_start3A_205 = tpu.memref_slice %arg7[%add3A_46, %dma_start3A_204] : memref<10240x64xf32, #tpu.memory_space<vmem_shared>> -> memref<80x64xf32, #tpu.memory_space<vmem_shared>>
      %dma_start3A_206 = arith.constant 0 : i32
      %dma_start3A_207 = arith.constant 0 : i32
      %dma_start3A_208 = tpu.memref_slice %arg6[%run_scoped3A_47, %dma_start3A_206, %dma_start3A_207] : memref<2x80x64xf32, #tpu.memory_space<vmem>> -> memref<1x80x64xf32, #tpu.memory_space<vmem>>
      %dma_start3A_209 = tpu.memref_squeeze %dma_start3A_208 : memref<1x80x64xf32, #tpu.memory_space<vmem>> -> memref<80x64xf32, #tpu.memory_space<vmem>>
      tpu.enqueue_dma source(%dma_start3A_209 : memref<80x64xf32, #tpu.memory_space<vmem>>) target(%dma_start3A_205 : memref<80x64xf32, #tpu.memory_space<vmem_shared>>) target_semaphore(%run_scoped3A_197 : memref<!tpu.dma_semaphore, #tpu.memory_space<semaphore_mem>>)
      %dma_wait3A_210 = arith.constant 0 : i32
      %dma_wait3A_211 = arith.constant 0 : i32
      %dma_wait3A_212 = tpu.memref_slice %arg6[%run_scoped3A_47, %dma_wait3A_210, %dma_wait3A_211] : memref<2x80x64xf32, #tpu.memory_space<vmem>> -> memref<1x80x64xf32, #tpu.memory_space<vmem>>
      %dma_wait3A_213 = tpu.memref_squeeze %dma_wait3A_212 : memref<1x80x64xf32, #tpu.memory_space<vmem>> -> memref<80x64xf32, #tpu.memory_space<vmem>>
      %dma_wait3A_214 = arith.constant 0 : i32
      %dma_wait3A_215 = tpu.memref_slice %arg7[%add3A_46, %dma_wait3A_214] : memref<10240x64xf32, #tpu.memory_space<vmem_shared>> -> memref<80x64xf32, #tpu.memory_space<vmem_shared>>
      %dma_wait3A_216 = arith.constant 0 : i32
      %dma_wait3A_217 = tpu.memref_slice %arg7[%add3A_46, %dma_wait3A_216] : memref<10240x64xf32, #tpu.memory_space<vmem_shared>> -> memref<80x64xf32, #tpu.memory_space<vmem_shared>>
      %dma_wait3A_218 = arith.constant 0 : i32
      %dma_wait3A_219 = arith.constant 0 : i32
      %dma_wait3A_220 = tpu.memref_slice %arg6[%run_scoped3A_47, %dma_wait3A_218, %dma_wait3A_219] : memref<2x80x64xf32, #tpu.memory_space<vmem>> -> memref<1x80x64xf32, #tpu.memory_space<vmem>>
      %dma_wait3A_221 = tpu.memref_squeeze %dma_wait3A_220 : memref<1x80x64xf32, #tpu.memory_space<vmem>> -> memref<80x64xf32, #tpu.memory_space<vmem>>
      tpu.wait_dma2 semaphore(%run_scoped3A_197 : memref<!tpu.dma_semaphore, #tpu.memory_space<semaphore_mem>>) src(%dma_wait3A_221 : memref<80x64xf32, #tpu.memory_space<vmem>>) dst(%dma_wait3A_217 : memref<80x64xf32, #tpu.memory_space<vmem_shared>>)
      tpu.yield
    }) : () -> ()
    %mul3A_48 = arith.constant 2 : i32
    %mul3A_49 = arith.muli %arg1, %mul3A_48 : i32
    %mul3A_50 = arith.constant 250 : i32
    %mul3A_51 = arith.muli %mul3A_49, %mul3A_50 : i32
    %dma_wait3A = arith.constant 0 : i32
    %dma_wait3A_52 = tpu.memref_slice %arg3[%mul3A_51, %dma_wait3A] : memref<8000x80xi32, #tpu.memory_space<hbm>> -> memref<500x80xi32, #tpu.memory_space<hbm>>
    %dma_wait3A_53 = arith.constant 0 : i32
    %dma_wait3A_54 = tpu.memref_slice %arg3[%mul3A_51, %dma_wait3A_53] : memref<8000x80xi32, #tpu.memory_space<hbm>> -> memref<500x80xi32, #tpu.memory_space<hbm>>
    tpu.wait_dma2 semaphore(%arg8 : memref<!tpu.dma_semaphore, #tpu.memory_space<semaphore_mem>>) src(%dma_wait3A_54 : memref<500x80xi32, #tpu.memory_space<hbm>>) dst(%arg5 : memref<500x80xi32, #tpu.memory_space<vmem>>)
    %barrier3A = arith.constant 0 : index
    tpu.barrier barrier_id(%barrier3A)
    %dma_start3A_55 = arith.constant 0 : i32
    %dma_start3A_56 = arith.constant 0 : i32
    %dma_start3A_57 = arith.constant 0 : i32
    %dma_start3A_58 = arith.constant 0 : i32
    %dma_start3A_59 = tpu.memref_slice %arg6[%dma_start3A_56, %dma_start3A_57, %dma_start3A_58] : memref<2x80x64xf32, #tpu.memory_space<vmem>> -> memref<1x80x64xf32, #tpu.memory_space<vmem>>
    %dma_start3A_60 = tpu.memref_squeeze %dma_start3A_59 : memref<1x80x64xf32, #tpu.memory_space<vmem>> -> memref<80x64xf32, #tpu.memory_space<vmem>>
    %dma_start3A_61 = arith.constant 0 : i32
    %dma_start3A_62 = tpu.memref_slice %arg5[%dma_start3A_55, %dma_start3A_61] : memref<500x80xi32, #tpu.memory_space<vmem>> -> memref<1x80xi32, #tpu.memory_space<vmem>>
    %dma_start3A_63 = tpu.memref_squeeze %dma_start3A_62 : memref<1x80xi32, #tpu.memory_space<vmem>> -> memref<80xi32, #tpu.memory_space<vmem>>
    %dma_start3A_64 = arith.constant 0 : i32
    %dma_start3A_65 = arith.constant 0 : i32
    %dma_start3A_66 = tpu.memref_slice %arg2[%arg0, %dma_start3A_64, %dma_start3A_65] : memref<2x10000x64xf32, #tpu.memory_space<hbm>> -> memref<1x10000x64xf32, #tpu.memory_space<hbm>>
    %dma_start3A_67 = tpu.memref_squeeze %dma_start3A_66 : memref<1x10000x64xf32, #tpu.memory_space<hbm>> -> memref<10000x64xf32, #tpu.memory_space<hbm>>
    %dma_start3A_68 = arith.constant 0 : i32
    %dma_start3A_69 = arith.constant 0 : i32
    %dma_start3A_70 = tpu.memref_slice %dma_start3A_67[%dma_start3A_68, %dma_start3A_69] : memref<10000x64xf32, #tpu.memory_space<hbm>> -> memref<10000x64xf32, #tpu.memory_space<hbm>>
    tpu.enqueue_indirect_dma source(%dma_start3A_70 : memref<10000x64xf32, #tpu.memory_space<hbm>>) target(%dma_start3A_60 : memref<80x64xf32, #tpu.memory_space<vmem>>) offsets(%dma_start3A_63 : memref<80xi32, #tpu.memory_space<vmem>>) semaphore(%arg9 : memref<!tpu.dma_semaphore, #tpu.memory_space<semaphore_mem>>)
    %dma_start3A_71 = arith.constant 2 : i32
    %dma_start3A_72 = arith.constant 1 : i32
    %dma_start3A_73 = arith.constant 0 : i32
    %dma_start3A_74 = arith.constant 0 : i32
    %dma_start3A_75 = tpu.memref_slice %arg6[%dma_start3A_72, %dma_start3A_73, %dma_start3A_74] : memref<2x80x64xf32, #tpu.memory_space<vmem>> -> memref<1x80x64xf32, #tpu.memory_space<vmem>>
    %dma_start3A_76 = tpu.memref_squeeze %dma_start3A_75 : memref<1x80x64xf32, #tpu.memory_space<vmem>> -> memref<80x64xf32, #tpu.memory_space<vmem>>
    %dma_start3A_77 = arith.constant 0 : i32
    %dma_start3A_78 = tpu.memref_slice %arg5[%dma_start3A_71, %dma_start3A_77] : memref<500x80xi32, #tpu.memory_space<vmem>> -> memref<1x80xi32, #tpu.memory_space<vmem>>
    %dma_start3A_79 = tpu.memref_squeeze %dma_start3A_78 : memref<1x80xi32, #tpu.memory_space<vmem>> -> memref<80xi32, #tpu.memory_space<vmem>>
    %dma_start3A_80 = arith.constant 0 : i32
    %dma_start3A_81 = arith.constant 0 : i32
    %dma_start3A_82 = tpu.memref_slice %arg2[%arg0, %dma_start3A_80, %dma_start3A_81] : memref<2x10000x64xf32, #tpu.memory_space<hbm>> -> memref<1x10000x64xf32, #tpu.memory_space<hbm>>
    %dma_start3A_83 = tpu.memref_squeeze %dma_start3A_82 : memref<1x10000x64xf32, #tpu.memory_space<hbm>> -> memref<10000x64xf32, #tpu.memory_space<hbm>>
    %dma_start3A_84 = arith.constant 0 : i32
    %dma_start3A_85 = arith.constant 0 : i32
    %dma_start3A_86 = tpu.memref_slice %dma_start3A_83[%dma_start3A_84, %dma_start3A_85] : memref<10000x64xf32, #tpu.memory_space<hbm>> -> memref<10000x64xf32, #tpu.memory_space<hbm>>
    tpu.enqueue_indirect_dma source(%dma_start3A_86 : memref<10000x64xf32, #tpu.memory_space<hbm>>) target(%dma_start3A_76 : memref<80x64xf32, #tpu.memory_space<vmem>>) offsets(%dma_start3A_79 : memref<80xi32, #tpu.memory_space<vmem>>) semaphore(%arg10 : memref<!tpu.dma_semaphore, #tpu.memory_space<semaphore_mem>>)
    %scan3A_87 = arith.constant 0 : i32
    %scan3A_88 = arith.constant 125 : i32
    %scan3A_89 = arith.addi %scan3A_87, %scan3A_88 : i32
    %scan3A_90 = arith.constant 1 : i32
    scf.for %scan3A_197 = %scan3A_87 to %scan3A_89 step %scan3A_90  : i32 {
      %mul3A_198 = arith.constant 2 : i32
      %mul3A_199 = arith.muli %scan3A_197, %mul3A_198 : i32
      %add3A_200 = arith.constant 0 : i32
      %add3A_201 = arith.addi %add3A_200, %mul3A_199 : i32
      %add3A_202 = arith.constant 0 : i32
      %add3A_203 = arith.addi %add3A_201, %add3A_202 : i32
      %dma_wait3A_204 = arith.constant 0 : i32
      %dma_wait3A_205 = arith.constant 0 : i32
      %dma_wait3A_206 = arith.constant 0 : i32
      %dma_wait3A_207 = arith.constant 0 : i32
      %dma_wait3A_208 = tpu.memref_slice %arg6[%dma_wait3A_205, %dma_wait3A_206, %dma_wait3A_207] : memref<2x80x64xf32, #tpu.memory_space<vmem>> -> memref<1x80x64xf32, #tpu.memory_space<vmem>>
      %dma_wait3A_209 = tpu.memref_squeeze %dma_wait3A_208 : memref<1x80x64xf32, #tpu.memory_space<vmem>> -> memref<80x64xf32, #tpu.memory_space<vmem>>
      %dma_wait3A_210 = arith.constant 0 : i32
      %dma_wait3A_211 = tpu.memref_slice %arg5[%dma_wait3A_204, %dma_wait3A_210] : memref<500x80xi32, #tpu.memory_space<vmem>> -> memref<1x80xi32, #tpu.memory_space<vmem>>
      %dma_wait3A_212 = tpu.memref_squeeze %dma_wait3A_211 : memref<1x80xi32, #tpu.memory_space<vmem>> -> memref<80xi32, #tpu.memory_space<vmem>>
      %dma_wait3A_213 = arith.constant 0 : i32
      %dma_wait3A_214 = arith.constant 0 : i32
      %dma_wait3A_215 = tpu.memref_slice %arg2[%arg0, %dma_wait3A_213, %dma_wait3A_214] : memref<2x10000x64xf32, #tpu.memory_space<hbm>> -> memref<1x10000x64xf32, #tpu.memory_space<hbm>>
      %dma_wait3A_216 = tpu.memref_squeeze %dma_wait3A_215 : memref<1x10000x64xf32, #tpu.memory_space<hbm>> -> memref<10000x64xf32, #tpu.memory_space<hbm>>
      %dma_wait3A_217 = arith.constant 0 : i32
      %dma_wait3A_218 = arith.constant 0 : i32
      %dma_wait3A_219 = tpu.memref_slice %dma_wait3A_216[%dma_wait3A_217, %dma_wait3A_218] : memref<10000x64xf32, #tpu.memory_space<hbm>> -> memref<10000x64xf32, #tpu.memory_space<hbm>>
      tpu.wait_indirect_dma semaphore(%arg9 : memref<!tpu.dma_semaphore, #tpu.memory_space<semaphore_mem>>) src(%dma_wait3A_219 : memref<10000x64xf32, #tpu.memory_space<hbm>>) dst(%dma_wait3A_209 : memref<80x64xf32, #tpu.memory_space<vmem>>)
      %ge3A = arith.constant 2 : i32
      %ge3A_220 = arith.cmpi sge, %add3A_201, %ge3A : i32
      %convert_element_type3A = arith.extui %ge3A_220 : i1 to i32
      %cond3A = arith.constant 0 : i32
      %cond3A_221 = arith.cmpi ne, %convert_element_type3A, %cond3A : i32
      scf.if %cond3A_221 {
        %dma_wait3A_288 = arith.constant 0 : i32
        %dma_wait3A_289 = arith.constant 1 : i32
        %dma_wait3A_290 = arith.constant 0 : i32
        %dma_wait3A_291 = arith.constant 0 : i32
        %dma_wait3A_292 = tpu.memref_slice %arg6[%dma_wait3A_288, %dma_wait3A_290, %dma_wait3A_291] : memref<2x80x64xf32, #tpu.memory_space<vmem>> -> memref<1x80x64xf32, #tpu.memory_space<vmem>>
        %dma_wait3A_293 = tpu.memref_squeeze %dma_wait3A_292 : memref<1x80x64xf32, #tpu.memory_space<vmem>> -> memref<80x64xf32, #tpu.memory_space<vmem>>
        %dma_wait3A_294 = arith.constant 0 : i32
        %dma_wait3A_295 = tpu.memref_slice %arg5[%dma_wait3A_289, %dma_wait3A_294] : memref<500x80xi32, #tpu.memory_space<vmem>> -> memref<1x80xi32, #tpu.memory_space<vmem>>
        %dma_wait3A_296 = tpu.memref_squeeze %dma_wait3A_295 : memref<1x80xi32, #tpu.memory_space<vmem>> -> memref<80xi32, #tpu.memory_space<vmem>>
        %dma_wait3A_297 = arith.constant 0 : i32
        %dma_wait3A_298 = arith.constant 0 : i32
        %dma_wait3A_299 = tpu.memref_slice %arg7[%dma_wait3A_297, %dma_wait3A_298] : memref<10240x64xf32, #tpu.memory_space<vmem_shared>> -> memref<10240x64xf32, #tpu.memory_space<vmem_shared>>
        tpu.wait_indirect_dma semaphore(%arg11 : memref<!tpu.dma_semaphore, #tpu.memory_space<semaphore_mem>>) src(%dma_wait3A_293 : memref<80x64xf32, #tpu.memory_space<vmem>>) dst(%dma_wait3A_299 : memref<10240x64xf32, #tpu.memory_space<vmem_shared>>)
      } else {
      }
      %mul3A_222 = arith.constant 2 : i32
      %mul3A_223 = arith.muli %mul3A_222, %add3A_203 : i32
      %add3A_224 = arith.constant 1 : i32
      %add3A_225 = arith.addi %mul3A_223, %add3A_224 : i32
      %dma_start3A_226 = arith.constant 0 : i32
      %dma_start3A_227 = arith.constant 0 : i32
      %dma_start3A_228 = arith.constant 0 : i32
      %dma_start3A_229 = tpu.memref_slice %arg6[%dma_start3A_226, %dma_start3A_227, %dma_start3A_228] : memref<2x80x64xf32, #tpu.memory_space<vmem>> -> memref<1x80x64xf32, #tpu.memory_space<vmem>>
      %dma_start3A_230 = tpu.memref_squeeze %dma_start3A_229 : memref<1x80x64xf32, #tpu.memory_space<vmem>> -> memref<80x64xf32, #tpu.memory_space<vmem>>
      %dma_start3A_231 = arith.constant 0 : i32
      %dma_start3A_232 = tpu.memref_slice %arg5[%add3A_225, %dma_start3A_231] : memref<500x80xi32, #tpu.memory_space<vmem>> -> memref<1x80xi32, #tpu.memory_space<vmem>>
      %dma_start3A_233 = tpu.memref_squeeze %dma_start3A_232 : memref<1x80xi32, #tpu.memory_space<vmem>> -> memref<80xi32, #tpu.memory_space<vmem>>
      %dma_start3A_234 = arith.constant 0 : i32
      %dma_start3A_235 = arith.constant 0 : i32
      %dma_start3A_236 = tpu.memref_slice %arg7[%dma_start3A_234, %dma_start3A_235] : memref<10240x64xf32, #tpu.memory_space<vmem_shared>> -> memref<10240x64xf32, #tpu.memory_space<vmem_shared>>
      tpu.enqueue_indirect_dma source(%dma_start3A_230 : memref<80x64xf32, #tpu.memory_space<vmem>>) target(%dma_start3A_236 : memref<10240x64xf32, #tpu.memory_space<vmem_shared>>) offsets(%dma_start3A_233 : memref<80xi32, #tpu.memory_space<vmem>>) semaphore(%arg11 : memref<!tpu.dma_semaphore, #tpu.memory_space<semaphore_mem>>) {add = true}
      %add3A_237 = arith.constant 2 : i32
      %add3A_238 = arith.addi %add3A_203, %add3A_237 : i32
      %lt3A = arith.constant 250 : i32
      %lt3A_239 = arith.cmpi slt, %add3A_238, %lt3A : i32
      %convert_element_type3A_240 = arith.extui %lt3A_239 : i1 to i32
      %cond3A_241 = arith.constant 0 : i32
      %cond3A_242 = arith.cmpi ne, %convert_element_type3A_240, %cond3A_241 : i32
      scf.if %cond3A_242 {
        %add3A_288 = arith.constant 2 : i32
        %add3A_289 = arith.addi %add3A_203, %add3A_288 : i32
        %mul3A_290 = arith.constant 2 : i32
        %mul3A_291 = arith.muli %mul3A_290, %add3A_289 : i32
        %dma_start3A_292 = arith.constant 0 : i32
        %dma_start3A_293 = arith.constant 0 : i32
        %dma_start3A_294 = arith.constant 0 : i32
        %dma_start3A_295 = tpu.memref_slice %arg6[%dma_start3A_292, %dma_start3A_293, %dma_start3A_294] : memref<2x80x64xf32, #tpu.memory_space<vmem>> -> memref<1x80x64xf32, #tpu.memory_space<vmem>>
        %dma_start3A_296 = tpu.memref_squeeze %dma_start3A_295 : memref<1x80x64xf32, #tpu.memory_space<vmem>> -> memref<80x64xf32, #tpu.memory_space<vmem>>
        %dma_start3A_297 = arith.constant 0 : i32
        %dma_start3A_298 = tpu.memref_slice %arg5[%mul3A_291, %dma_start3A_297] : memref<500x80xi32, #tpu.memory_space<vmem>> -> memref<1x80xi32, #tpu.memory_space<vmem>>
        %dma_start3A_299 = tpu.memref_squeeze %dma_start3A_298 : memref<1x80xi32, #tpu.memory_space<vmem>> -> memref<80xi32, #tpu.memory_space<vmem>>
        %dma_start3A_300 = arith.constant 0 : i32
        %dma_start3A_301 = arith.constant 0 : i32
        %dma_start3A_302 = tpu.memref_slice %arg2[%arg0, %dma_start3A_300, %dma_start3A_301] : memref<2x10000x64xf32, #tpu.memory_space<hbm>> -> memref<1x10000x64xf32, #tpu.memory_space<hbm>>
        %dma_start3A_303 = tpu.memref_squeeze %dma_start3A_302 : memref<1x10000x64xf32, #tpu.memory_space<hbm>> -> memref<10000x64xf32, #tpu.memory_space<hbm>>
        %dma_start3A_304 = arith.constant 0 : i32
        %dma_start3A_305 = arith.constant 0 : i32
        %dma_start3A_306 = tpu.memref_slice %dma_start3A_303[%dma_start3A_304, %dma_start3A_305] : memref<10000x64xf32, #tpu.memory_space<hbm>> -> memref<10000x64xf32, #tpu.memory_space<hbm>>
        tpu.enqueue_indirect_dma source(%dma_start3A_306 : memref<10000x64xf32, #tpu.memory_space<hbm>>) target(%dma_start3A_296 : memref<80x64xf32, #tpu.memory_space<vmem>>) offsets(%dma_start3A_299 : memref<80xi32, #tpu.memory_space<vmem>>) semaphore(%arg9 : memref<!tpu.dma_semaphore, #tpu.memory_space<semaphore_mem>>)
      } else {
      }
      %add3A_243 = arith.constant 1 : i32
      %add3A_244 = arith.addi %add3A_201, %add3A_243 : i32
      %dma_wait3A_245 = arith.constant 0 : i32
      %dma_wait3A_246 = arith.constant 1 : i32
      %dma_wait3A_247 = arith.constant 0 : i32
      %dma_wait3A_248 = arith.constant 0 : i32
      %dma_wait3A_249 = tpu.memref_slice %arg6[%dma_wait3A_246, %dma_wait3A_247, %dma_wait3A_248] : memref<2x80x64xf32, #tpu.memory_space<vmem>> -> memref<1x80x64xf32, #tpu.memory_space<vmem>>
      %dma_wait3A_250 = tpu.memref_squeeze %dma_wait3A_249 : memref<1x80x64xf32, #tpu.memory_space<vmem>> -> memref<80x64xf32, #tpu.memory_space<vmem>>
      %dma_wait3A_251 = arith.constant 0 : i32
      %dma_wait3A_252 = tpu.memref_slice %arg5[%dma_wait3A_245, %dma_wait3A_251] : memref<500x80xi32, #tpu.memory_space<vmem>> -> memref<1x80xi32, #tpu.memory_space<vmem>>
      %dma_wait3A_253 = tpu.memref_squeeze %dma_wait3A_252 : memref<1x80xi32, #tpu.memory_space<vmem>> -> memref<80xi32, #tpu.memory_space<vmem>>
      %dma_wait3A_254 = arith.constant 0 : i32
      %dma_wait3A_255 = arith.constant 0 : i32
      %dma_wait3A_256 = tpu.memref_slice %arg2[%arg0, %dma_wait3A_254, %dma_wait3A_255] : memref<2x10000x64xf32, #tpu.memory_space<hbm>> -> memref<1x10000x64xf32, #tpu.memory_space<hbm>>
      %dma_wait3A_257 = tpu.memref_squeeze %dma_wait3A_256 : memref<1x10000x64xf32, #tpu.memory_space<hbm>> -> memref<10000x64xf32, #tpu.memory_space<hbm>>
      %dma_wait3A_258 = arith.constant 0 : i32
      %dma_wait3A_259 = arith.constant 0 : i32
      %dma_wait3A_260 = tpu.memref_slice %dma_wait3A_257[%dma_wait3A_258, %dma_wait3A_259] : memref<10000x64xf32, #tpu.memory_space<hbm>> -> memref<10000x64xf32, #tpu.memory_space<hbm>>
      tpu.wait_indirect_dma semaphore(%arg10 : memref<!tpu.dma_semaphore, #tpu.memory_space<semaphore_mem>>) src(%dma_wait3A_260 : memref<10000x64xf32, #tpu.memory_space<hbm>>) dst(%dma_wait3A_250 : memref<80x64xf32, #tpu.memory_space<vmem>>)
      %ge3A_261 = arith.constant 2 : i32
      %ge3A_262 = arith.cmpi sge, %add3A_201, %ge3A_261 : i32
      %convert_element_type3A_263 = arith.extui %ge3A_262 : i1 to i32
      %cond3A_264 = arith.constant 0 : i32
      %cond3A_265 = arith.cmpi ne, %convert_element_type3A_263, %cond3A_264 : i32
      scf.if %cond3A_265 {
        %dma_wait3A_288 = arith.constant 1 : i32
        %dma_wait3A_289 = arith.constant 1 : i32
        %dma_wait3A_290 = arith.constant 0 : i32
        %dma_wait3A_291 = arith.constant 0 : i32
        %dma_wait3A_292 = tpu.memref_slice %arg6[%dma_wait3A_288, %dma_wait3A_290, %dma_wait3A_291] : memref<2x80x64xf32, #tpu.memory_space<vmem>> -> memref<1x80x64xf32, #tpu.memory_space<vmem>>
        %dma_wait3A_293 = tpu.memref_squeeze %dma_wait3A_292 : memref<1x80x64xf32, #tpu.memory_space<vmem>> -> memref<80x64xf32, #tpu.memory_space<vmem>>
        %dma_wait3A_294 = arith.constant 0 : i32
        %dma_wait3A_295 = tpu.memref_slice %arg5[%dma_wait3A_289, %dma_wait3A_294] : memref<500x80xi32, #tpu.memory_space<vmem>> -> memref<1x80xi32, #tpu.memory_space<vmem>>
        %dma_wait3A_296 = tpu.memref_squeeze %dma_wait3A_295 : memref<1x80xi32, #tpu.memory_space<vmem>> -> memref<80xi32, #tpu.memory_space<vmem>>
        %dma_wait3A_297 = arith.constant 0 : i32
        %dma_wait3A_298 = arith.constant 0 : i32
        %dma_wait3A_299 = tpu.memref_slice %arg7[%dma_wait3A_297, %dma_wait3A_298] : memref<10240x64xf32, #tpu.memory_space<vmem_shared>> -> memref<10240x64xf32, #tpu.memory_space<vmem_shared>>
        tpu.wait_indirect_dma semaphore(%arg12 : memref<!tpu.dma_semaphore, #tpu.memory_space<semaphore_mem>>) src(%dma_wait3A_293 : memref<80x64xf32, #tpu.memory_space<vmem>>) dst(%dma_wait3A_299 : memref<10240x64xf32, #tpu.memory_space<vmem_shared>>)
      } else {
      }
      %mul3A_266 = arith.constant 2 : i32
      %mul3A_267 = arith.muli %mul3A_266, %add3A_244 : i32
      %add3A_268 = arith.constant 1 : i32
      %add3A_269 = arith.addi %mul3A_267, %add3A_268 : i32
      %dma_start3A_270 = arith.constant 1 : i32
      %dma_start3A_271 = arith.constant 0 : i32
      %dma_start3A_272 = arith.constant 0 : i32
      %dma_start3A_273 = tpu.memref_slice %arg6[%dma_start3A_270, %dma_start3A_271, %dma_start3A_272] : memref<2x80x64xf32, #tpu.memory_space<vmem>> -> memref<1x80x64xf32, #tpu.memory_space<vmem>>
      %dma_start3A_274 = tpu.memref_squeeze %dma_start3A_273 : memref<1x80x64xf32, #tpu.memory_space<vmem>> -> memref<80x64xf32, #tpu.memory_space<vmem>>
      %dma_start3A_275 = arith.constant 0 : i32
      %dma_start3A_276 = tpu.memref_slice %arg5[%add3A_269, %dma_start3A_275] : memref<500x80xi32, #tpu.memory_space<vmem>> -> memref<1x80xi32, #tpu.memory_space<vmem>>
      %dma_start3A_277 = tpu.memref_squeeze %dma_start3A_276 : memref<1x80xi32, #tpu.memory_space<vmem>> -> memref<80xi32, #tpu.memory_space<vmem>>
      %dma_start3A_278 = arith.constant 0 : i32
      %dma_start3A_279 = arith.constant 0 : i32
      %dma_start3A_280 = tpu.memref_slice %arg7[%dma_start3A_278, %dma_start3A_279] : memref<10240x64xf32, #tpu.memory_space<vmem_shared>> -> memref<10240x64xf32, #tpu.memory_space<vmem_shared>>
      tpu.enqueue_indirect_dma source(%dma_start3A_274 : memref<80x64xf32, #tpu.memory_space<vmem>>) target(%dma_start3A_280 : memref<10240x64xf32, #tpu.memory_space<vmem_shared>>) offsets(%dma_start3A_277 : memref<80xi32, #tpu.memory_space<vmem>>) semaphore(%arg12 : memref<!tpu.dma_semaphore, #tpu.memory_space<semaphore_mem>>) {add = true}
      %add3A_281 = arith.constant 2 : i32
      %add3A_282 = arith.addi %add3A_244, %add3A_281 : i32
      %lt3A_283 = arith.constant 250 : i32
      %lt3A_284 = arith.cmpi slt, %add3A_282, %lt3A_283 : i32
      %convert_element_type3A_285 = arith.extui %lt3A_284 : i1 to i32
      %cond3A_286 = arith.constant 0 : i32
      %cond3A_287 = arith.cmpi ne, %convert_element_type3A_285, %cond3A_286 : i32
      scf.if %cond3A_287 {
        %add3A_288 = arith.constant 2 : i32
        %add3A_289 = arith.addi %add3A_244, %add3A_288 : i32
        %mul3A_290 = arith.constant 2 : i32
        %mul3A_291 = arith.muli %mul3A_290, %add3A_289 : i32
        %dma_start3A_292 = arith.constant 1 : i32
        %dma_start3A_293 = arith.constant 0 : i32
        %dma_start3A_294 = arith.constant 0 : i32
        %dma_start3A_295 = tpu.memref_slice %arg6[%dma_start3A_292, %dma_start3A_293, %dma_start3A_294] : memref<2x80x64xf32, #tpu.memory_space<vmem>> -> memref<1x80x64xf32, #tpu.memory_space<vmem>>
        %dma_start3A_296 = tpu.memref_squeeze %dma_start3A_295 : memref<1x80x64xf32, #tpu.memory_space<vmem>> -> memref<80x64xf32, #tpu.memory_space<vmem>>
        %dma_start3A_297 = arith.constant 0 : i32
        %dma_start3A_298 = tpu.memref_slice %arg5[%mul3A_291, %dma_start3A_297] : memref<500x80xi32, #tpu.memory_space<vmem>> -> memref<1x80xi32, #tpu.memory_space<vmem>>
        %dma_start3A_299 = tpu.memref_squeeze %dma_start3A_298 : memref<1x80xi32, #tpu.memory_space<vmem>> -> memref<80xi32, #tpu.memory_space<vmem>>
        %dma_start3A_300 = arith.constant 0 : i32
        %dma_start3A_301 = arith.constant 0 : i32
        %dma_start3A_302 = tpu.memref_slice %arg2[%arg0, %dma_start3A_300, %dma_start3A_301] : memref<2x10000x64xf32, #tpu.memory_space<hbm>> -> memref<1x10000x64xf32, #tpu.memory_space<hbm>>
        %dma_start3A_303 = tpu.memref_squeeze %dma_start3A_302 : memref<1x10000x64xf32, #tpu.memory_space<hbm>> -> memref<10000x64xf32, #tpu.memory_space<hbm>>
        %dma_start3A_304 = arith.constant 0 : i32
        %dma_start3A_305 = arith.constant 0 : i32
        %dma_start3A_306 = tpu.memref_slice %dma_start3A_303[%dma_start3A_304, %dma_start3A_305] : memref<10000x64xf32, #tpu.memory_space<hbm>> -> memref<10000x64xf32, #tpu.memory_space<hbm>>
        tpu.enqueue_indirect_dma source(%dma_start3A_306 : memref<10000x64xf32, #tpu.memory_space<hbm>>) target(%dma_start3A_296 : memref<80x64xf32, #tpu.memory_space<vmem>>) offsets(%dma_start3A_299 : memref<80xi32, #tpu.memory_space<vmem>>) semaphore(%arg10 : memref<!tpu.dma_semaphore, #tpu.memory_space<semaphore_mem>>)
      } else {
      }
    }
    %scan3A_91 = arith.constant 125 : i32
    %dma_wait3A_92 = arith.constant 0 : i32
    %dma_wait3A_93 = arith.constant 1 : i32
    %dma_wait3A_94 = arith.constant 0 : i32
    %dma_wait3A_95 = arith.constant 0 : i32
    %dma_wait3A_96 = tpu.memref_slice %arg6[%dma_wait3A_92, %dma_wait3A_94, %dma_wait3A_95] : memref<2x80x64xf32, #tpu.memory_space<vmem>> -> memref<1x80x64xf32, #tpu.memory_space<vmem>>
    %dma_wait3A_97 = tpu.memref_squeeze %dma_wait3A_96 : memref<1x80x64xf32, #tpu.memory_space<vmem>> -> memref<80x64xf32, #tpu.memory_space<vmem>>
    %dma_wait3A_98 = arith.constant 0 : i32
    %dma_wait3A_99 = tpu.memref_slice %arg5[%dma_wait3A_93, %dma_wait3A_98] : memref<500x80xi32, #tpu.memory_space<vmem>> -> memref<1x80xi32, #tpu.memory_space<vmem>>
    %dma_wait3A_100 = tpu.memref_squeeze %dma_wait3A_99 : memref<1x80xi32, #tpu.memory_space<vmem>> -> memref<80xi32, #tpu.memory_space<vmem>>
    %dma_wait3A_101 = arith.constant 0 : i32
    %dma_wait3A_102 = arith.constant 0 : i32
    %dma_wait3A_103 = tpu.memref_slice %arg7[%dma_wait3A_101, %dma_wait3A_102] : memref<10240x64xf32, #tpu.memory_space<vmem_shared>> -> memref<10240x64xf32, #tpu.memory_space<vmem_shared>>
    tpu.wait_indirect_dma semaphore(%arg11 : memref<!tpu.dma_semaphore, #tpu.memory_space<semaphore_mem>>) src(%dma_wait3A_97 : memref<80x64xf32, #tpu.memory_space<vmem>>) dst(%dma_wait3A_103 : memref<10240x64xf32, #tpu.memory_space<vmem_shared>>)
    %dma_wait3A_104 = arith.constant 1 : i32
    %dma_wait3A_105 = arith.constant 1 : i32
    %dma_wait3A_106 = arith.constant 0 : i32
    %dma_wait3A_107 = arith.constant 0 : i32
    %dma_wait3A_108 = tpu.memref_slice %arg6[%dma_wait3A_104, %dma_wait3A_106, %dma_wait3A_107] : memref<2x80x64xf32, #tpu.memory_space<vmem>> -> memref<1x80x64xf32, #tpu.memory_space<vmem>>
    %dma_wait3A_109 = tpu.memref_squeeze %dma_wait3A_108 : memref<1x80x64xf32, #tpu.memory_space<vmem>> -> memref<80x64xf32, #tpu.memory_space<vmem>>
    %dma_wait3A_110 = arith.constant 0 : i32
    %dma_wait3A_111 = tpu.memref_slice %arg5[%dma_wait3A_105, %dma_wait3A_110] : memref<500x80xi32, #tpu.memory_space<vmem>> -> memref<1x80xi32, #tpu.memory_space<vmem>>
    %dma_wait3A_112 = tpu.memref_squeeze %dma_wait3A_111 : memref<1x80xi32, #tpu.memory_space<vmem>> -> memref<80xi32, #tpu.memory_space<vmem>>
    %dma_wait3A_113 = arith.constant 0 : i32
    %dma_wait3A_114 = arith.constant 0 : i32
    %dma_wait3A_115 = tpu.memref_slice %arg7[%dma_wait3A_113, %dma_wait3A_114] : memref<10240x64xf32, #tpu.memory_space<vmem_shared>> -> memref<10240x64xf32, #tpu.memory_space<vmem_shared>>
    tpu.wait_indirect_dma semaphore(%arg12 : memref<!tpu.dma_semaphore, #tpu.memory_space<semaphore_mem>>) src(%dma_wait3A_109 : memref<80x64xf32, #tpu.memory_space<vmem>>) dst(%dma_wait3A_115 : memref<10240x64xf32, #tpu.memory_space<vmem_shared>>)
    %barrier3A_116 = arith.constant 0 : index
    tpu.barrier barrier_id(%barrier3A_116)
    %mul3A_117 = arith.constant 640 : i32
    %mul3A_118 = arith.muli %arg1, %mul3A_117 : i32
    %add3A_119 = arith.constant 0 : i32
    %add3A_120 = arith.addi %mul3A_118, %add3A_119 : i32
    %run_scoped3A_121 = arith.constant 0 : i32
    "tpu.region"() ({
      %run_scoped3A_197 = tpu.sem_alloc : memref<!tpu.dma_semaphore, #tpu.memory_space<semaphore_mem>>
      %dma_start3A_198 = arith.constant 0 : i32
      %dma_start3A_199 = arith.constant 0 : i32
      %dma_start3A_200 = tpu.memref_slice %arg6[%run_scoped3A_121, %dma_start3A_198, %dma_start3A_199] : memref<2x80x64xf32, #tpu.memory_space<vmem>> -> memref<1x80x64xf32, #tpu.memory_space<vmem>>
      %dma_start3A_201 = tpu.memref_squeeze %dma_start3A_200 : memref<1x80x64xf32, #tpu.memory_space<vmem>> -> memref<80x64xf32, #tpu.memory_space<vmem>>
      %dma_start3A_202 = arith.constant 0 : i32
      %dma_start3A_203 = tpu.memref_slice %arg7[%add3A_120, %dma_start3A_202] : memref<10240x64xf32, #tpu.memory_space<vmem_shared>> -> memref<80x64xf32, #tpu.memory_space<vmem_shared>>
      %dma_start3A_204 = arith.constant 0 : i32
      %dma_start3A_205 = arith.constant 0 : i32
      %dma_start3A_206 = tpu.memref_slice %arg6[%run_scoped3A_121, %dma_start3A_204, %dma_start3A_205] : memref<2x80x64xf32, #tpu.memory_space<vmem>> -> memref<1x80x64xf32, #tpu.memory_space<vmem>>
      %dma_start3A_207 = tpu.memref_squeeze %dma_start3A_206 : memref<1x80x64xf32, #tpu.memory_space<vmem>> -> memref<80x64xf32, #tpu.memory_space<vmem>>
      %dma_start3A_208 = arith.constant 0 : i32
      %dma_start3A_209 = tpu.memref_slice %arg7[%add3A_120, %dma_start3A_208] : memref<10240x64xf32, #tpu.memory_space<vmem_shared>> -> memref<80x64xf32, #tpu.memory_space<vmem_shared>>
      tpu.enqueue_dma source(%dma_start3A_209 : memref<80x64xf32, #tpu.memory_space<vmem_shared>>) target(%dma_start3A_207 : memref<80x64xf32, #tpu.memory_space<vmem>>) target_semaphore(%run_scoped3A_197 : memref<!tpu.dma_semaphore, #tpu.memory_space<semaphore_mem>>)
      %dma_wait3A_210 = arith.constant 0 : i32
      %dma_wait3A_211 = arith.constant 0 : i32
      %dma_wait3A_212 = tpu.memref_slice %arg6[%run_scoped3A_121, %dma_wait3A_210, %dma_wait3A_211] : memref<2x80x64xf32, #tpu.memory_space<vmem>> -> memref<1x80x64xf32, #tpu.memory_space<vmem>>
      %dma_wait3A_213 = tpu.memref_squeeze %dma_wait3A_212 : memref<1x80x64xf32, #tpu.memory_space<vmem>> -> memref<80x64xf32, #tpu.memory_space<vmem>>
      %dma_wait3A_214 = arith.constant 0 : i32
      %dma_wait3A_215 = tpu.memref_slice %arg7[%add3A_120, %dma_wait3A_214] : memref<10240x64xf32, #tpu.memory_space<vmem_shared>> -> memref<80x64xf32, #tpu.memory_space<vmem_shared>>
      %dma_wait3A_216 = arith.constant 0 : i32
      %dma_wait3A_217 = arith.constant 0 : i32
      %dma_wait3A_218 = tpu.memref_slice %arg6[%run_scoped3A_121, %dma_wait3A_216, %dma_wait3A_217] : memref<2x80x64xf32, #tpu.memory_space<vmem>> -> memref<1x80x64xf32, #tpu.memory_space<vmem>>
      %dma_wait3A_219 = tpu.memref_squeeze %dma_wait3A_218 : memref<1x80x64xf32, #tpu.memory_space<vmem>> -> memref<80x64xf32, #tpu.memory_space<vmem>>
      %dma_wait3A_220 = arith.constant 0 : i32
      %dma_wait3A_221 = tpu.memref_slice %arg7[%add3A_120, %dma_wait3A_220] : memref<10240x64xf32, #tpu.memory_space<vmem_shared>> -> memref<80x64xf32, #tpu.memory_space<vmem_shared>>
      tpu.wait_dma2 semaphore(%run_scoped3A_197 : memref<!tpu.dma_semaphore, #tpu.memory_space<semaphore_mem>>) src(%dma_wait3A_221 : memref<80x64xf32, #tpu.memory_space<vmem_shared>>) dst(%dma_wait3A_219 : memref<80x64xf32, #tpu.memory_space<vmem>>)
      tpu.yield
    }) : () -> ()
    %mul3A_122 = arith.constant 640 : i32
    %mul3A_123 = arith.muli %arg1, %mul3A_122 : i32
    %add3A_124 = arith.constant 0 : i32
    %add3A_125 = arith.addi %mul3A_123, %add3A_124 : i32
    %run_scoped3A_126 = arith.constant 0 : i32
    "tpu.region"() ({
      %run_scoped3A_197 = tpu.sem_alloc : memref<!tpu.dma_semaphore, #tpu.memory_space<semaphore_mem>>
      %dma_start3A_198 = arith.constant 0 : i32
      %dma_start3A_199 = arith.constant 0 : i32
      %dma_start3A_200 = tpu.memref_slice %arg6[%run_scoped3A_126, %dma_start3A_198, %dma_start3A_199] : memref<2x80x64xf32, #tpu.memory_space<vmem>> -> memref<1x80x64xf32, #tpu.memory_space<vmem>>
      %dma_start3A_201 = tpu.memref_squeeze %dma_start3A_200 : memref<1x80x64xf32, #tpu.memory_space<vmem>> -> memref<80x64xf32, #tpu.memory_space<vmem>>
      %dma_start3A_202 = arith.constant 0 : i32
      %dma_start3A_203 = tpu.memref_slice %arg4[%arg0, %add3A_125, %dma_start3A_202] : memref<2x10240x64xf32, #tpu.memory_space<hbm>> -> memref<1x80x64xf32, #tpu.memory_space<hbm>>
      %dma_start3A_204 = tpu.memref_squeeze %dma_start3A_203 : memref<1x80x64xf32, #tpu.memory_space<hbm>> -> memref<80x64xf32, #tpu.memory_space<hbm>>
      %dma_start3A_205 = arith.constant 0 : i32
      %dma_start3A_206 = tpu.memref_slice %arg4[%arg0, %add3A_125, %dma_start3A_205] : memref<2x10240x64xf32, #tpu.memory_space<hbm>> -> memref<1x80x64xf32, #tpu.memory_space<hbm>>
      %dma_start3A_207 = tpu.memref_squeeze %dma_start3A_206 : memref<1x80x64xf32, #tpu.memory_space<hbm>> -> memref<80x64xf32, #tpu.memory_space<hbm>>
      %dma_start3A_208 = arith.constant 0 : i32
      %dma_start3A_209 = arith.constant 0 : i32
      %dma_start3A_210 = tpu.memref_slice %arg6[%run_scoped3A_126, %dma_start3A_208, %dma_start3A_209] : memref<2x80x64xf32, #tpu.memory_space<vmem>> -> memref<1x80x64xf32, #tpu.memory_space<vmem>>
      %dma_start3A_211 = tpu.memref_squeeze %dma_start3A_210 : memref<1x80x64xf32, #tpu.memory_space<vmem>> -> memref<80x64xf32, #tpu.memory_space<vmem>>
      tpu.enqueue_dma source(%dma_start3A_211 : memref<80x64xf32, #tpu.memory_space<vmem>>) target(%dma_start3A_207 : memref<80x64xf32, #tpu.memory_space<hbm>>) target_semaphore(%run_scoped3A_197 : memref<!tpu.dma_semaphore, #tpu.memory_space<semaphore_mem>>)
      %dma_wait3A_212 = arith.constant 0 : i32
      %dma_wait3A_213 = arith.constant 0 : i32
      %dma_wait3A_214 = tpu.memref_slice %arg6[%run_scoped3A_126, %dma_wait3A_212, %dma_wait3A_213] : memref<2x80x64xf32, #tpu.memory_space<vmem>> -> memref<1x80x64xf32, #tpu.memory_space<vmem>>
      %dma_wait3A_215 = tpu.memref_squeeze %dma_wait3A_214 : memref<1x80x64xf32, #tpu.memory_space<vmem>> -> memref<80x64xf32, #tpu.memory_space<vmem>>
      %dma_wait3A_216 = arith.constant 0 : i32
      %dma_wait3A_217 = tpu.memref_slice %arg4[%arg0, %add3A_125, %dma_wait3A_216] : memref<2x10240x64xf32, #tpu.memory_space<hbm>> -> memref<1x80x64xf32, #tpu.memory_space<hbm>>
      %dma_wait3A_218 = tpu.memref_squeeze %dma_wait3A_217 : memref<1x80x64xf32, #tpu.memory_space<hbm>> -> memref<80x64xf32, #tpu.memory_space<hbm>>
      %dma_wait3A_219 = arith.constant 0 : i32
      %dma_wait3A_220 = tpu.memref_slice %arg4[%arg0, %add3A_125, %dma_wait3A_219] : memref<2x10240x64xf32, #tpu.memory_space<hbm>> -> memref<1x80x64xf32, #tpu.memory_space<hbm>>
      %dma_wait3A_221 = tpu.memref_squeeze %dma_wait3A_220 : memref<1x80x64xf32, #tpu.memory_space<hbm>> -> memref<80x64xf32, #tpu.memory_space<hbm>>
      %dma_wait3A_222 = arith.constant 0 : i32
      %dma_wait3A_223 = arith.constant 0 : i32
      %dma_wait3A_224 = tpu.memref_slice %arg6[%run_scoped3A_126, %dma_wait3A_222, %dma_wait3A_223] : memref<2x80x64xf32, #tpu.memory_space<vmem>> -> memref<1x80x64xf32, #tpu.memory_space<vmem>>
      %dma_wait3A_225 = tpu.memref_squeeze %dma_wait3A_224 : memref<1x80x64xf32, #tpu.memory_space<vmem>> -> memref<80x64xf32, #tpu.memory_space<vmem>>
      tpu.wait_dma2 semaphore(%run_scoped3A_197 : memref<!tpu.dma_semaphore, #tpu.memory_space<semaphore_mem>>) src(%dma_wait3A_225 : memref<80x64xf32, #tpu.memory_space<vmem>>) dst(%dma_wait3A_221 : memref<80x64xf32, #tpu.memory_space<hbm>>)
      tpu.yield
    }) : () -> ()
    %mul3A_127 = arith.constant 640 : i32
    %mul3A_128 = arith.muli %arg1, %mul3A_127 : i32
    %add3A_129 = arith.constant 80 : i32
    %add3A_130 = arith.addi %mul3A_128, %add3A_129 : i32
    %run_scoped3A_131 = arith.constant 0 : i32
    "tpu.region"() ({
      %run_scoped3A_197 = tpu.sem_alloc : memref<!tpu.dma_semaphore, #tpu.memory_space<semaphore_mem>>
      %dma_start3A_198 = arith.constant 0 : i32
      %dma_start3A_199 = arith.constant 0 : i32
      %dma_start3A_200 = tpu.memref_slice %arg6[%run_scoped3A_131, %dma_start3A_198, %dma_start3A_199] : memref<2x80x64xf32, #tpu.memory_space<vmem>> -> memref<1x80x64xf32, #tpu.memory_space<vmem>>
      %dma_start3A_201 = tpu.memref_squeeze %dma_start3A_200 : memref<1x80x64xf32, #tpu.memory_space<vmem>> -> memref<80x64xf32, #tpu.memory_space<vmem>>
      %dma_start3A_202 = arith.constant 0 : i32
      %dma_start3A_203 = tpu.memref_slice %arg7[%add3A_130, %dma_start3A_202] : memref<10240x64xf32, #tpu.memory_space<vmem_shared>> -> memref<80x64xf32, #tpu.memory_space<vmem_shared>>
      %dma_start3A_204 = arith.constant 0 : i32
      %dma_start3A_205 = arith.constant 0 : i32
      %dma_start3A_206 = tpu.memref_slice %arg6[%run_scoped3A_131, %dma_start3A_204, %dma_start3A_205] : memref<2x80x64xf32, #tpu.memory_space<vmem>> -> memref<1x80x64xf32, #tpu.memory_space<vmem>>
      %dma_start3A_207 = tpu.memref_squeeze %dma_start3A_206 : memref<1x80x64xf32, #tpu.memory_space<vmem>> -> memref<80x64xf32, #tpu.memory_space<vmem>>
      %dma_start3A_208 = arith.constant 0 : i32
      %dma_start3A_209 = tpu.memref_slice %arg7[%add3A_130, %dma_start3A_208] : memref<10240x64xf32, #tpu.memory_space<vmem_shared>> -> memref<80x64xf32, #tpu.memory_space<vmem_shared>>
      tpu.enqueue_dma source(%dma_start3A_209 : memref<80x64xf32, #tpu.memory_space<vmem_shared>>) target(%dma_start3A_207 : memref<80x64xf32, #tpu.memory_space<vmem>>) target_semaphore(%run_scoped3A_197 : memref<!tpu.dma_semaphore, #tpu.memory_space<semaphore_mem>>)
      %dma_wait3A_210 = arith.constant 0 : i32
      %dma_wait3A_211 = arith.constant 0 : i32
      %dma_wait3A_212 = tpu.memref_slice %arg6[%run_scoped3A_131, %dma_wait3A_210, %dma_wait3A_211] : memref<2x80x64xf32, #tpu.memory_space<vmem>> -> memref<1x80x64xf32, #tpu.memory_space<vmem>>
      %dma_wait3A_213 = tpu.memref_squeeze %dma_wait3A_212 : memref<1x80x64xf32, #tpu.memory_space<vmem>> -> memref<80x64xf32, #tpu.memory_space<vmem>>
      %dma_wait3A_214 = arith.constant 0 : i32
      %dma_wait3A_215 = tpu.memref_slice %arg7[%add3A_130, %dma_wait3A_214] : memref<10240x64xf32, #tpu.memory_space<vmem_shared>> -> memref<80x64xf32, #tpu.memory_space<vmem_shared>>
      %dma_wait3A_216 = arith.constant 0 : i32
      %dma_wait3A_217 = arith.constant 0 : i32
      %dma_wait3A_218 = tpu.memref_slice %arg6[%run_scoped3A_131, %dma_wait3A_216, %dma_wait3A_217] : memref<2x80x64xf32, #tpu.memory_space<vmem>> -> memref<1x80x64xf32, #tpu.memory_space<vmem>>
      %dma_wait3A_219 = tpu.memref_squeeze %dma_wait3A_218 : memref<1x80x64xf32, #tpu.memory_space<vmem>> -> memref<80x64xf32, #tpu.memory_space<vmem>>
      %dma_wait3A_220 = arith.constant 0 : i32
      %dma_wait3A_221 = tpu.memref_slice %arg7[%add3A_130, %dma_wait3A_220] : memref<10240x64xf32, #tpu.memory_space<vmem_shared>> -> memref<80x64xf32, #tpu.memory_space<vmem_shared>>
      tpu.wait_dma2 semaphore(%run_scoped3A_197 : memref<!tpu.dma_semaphore, #tpu.memory_space<semaphore_mem>>) src(%dma_wait3A_221 : memref<80x64xf32, #tpu.memory_space<vmem_shared>>) dst(%dma_wait3A_219 : memref<80x64xf32, #tpu.memory_space<vmem>>)
      tpu.yield
    }) : () -> ()
    %mul3A_132 = arith.constant 640 : i32
    %mul3A_133 = arith.muli %arg1, %mul3A_132 : i32
    %add3A_134 = arith.constant 80 : i32
    %add3A_135 = arith.addi %mul3A_133, %add3A_134 : i32
    %run_scoped3A_136 = arith.constant 0 : i32
    "tpu.region"() ({
      %run_scoped3A_197 = tpu.sem_alloc : memref<!tpu.dma_semaphore, #tpu.memory_space<semaphore_mem>>
      %dma_start3A_198 = arith.constant 0 : i32
      %dma_start3A_199 = arith.constant 0 : i32
      %dma_start3A_200 = tpu.memref_slice %arg6[%run_scoped3A_136, %dma_start3A_198, %dma_start3A_199] : memref<2x80x64xf32, #tpu.memory_space<vmem>> -> memref<1x80x64xf32, #tpu.memory_space<vmem>>
      %dma_start3A_201 = tpu.memref_squeeze %dma_start3A_200 : memref<1x80x64xf32, #tpu.memory_space<vmem>> -> memref<80x64xf32, #tpu.memory_space<vmem>>
      %dma_start3A_202 = arith.constant 0 : i32
      %dma_start3A_203 = tpu.memref_slice %arg4[%arg0, %add3A_135, %dma_start3A_202] : memref<2x10240x64xf32, #tpu.memory_space<hbm>> -> memref<1x80x64xf32, #tpu.memory_space<hbm>>
      %dma_start3A_204 = tpu.memref_squeeze %dma_start3A_203 : memref<1x80x64xf32, #tpu.memory_space<hbm>> -> memref<80x64xf32, #tpu.memory_space<hbm>>
      %dma_start3A_205 = arith.constant 0 : i32
      %dma_start3A_206 = tpu.memref_slice %arg4[%arg0, %add3A_135, %dma_start3A_205] : memref<2x10240x64xf32, #tpu.memory_space<hbm>> -> memref<1x80x64xf32, #tpu.memory_space<hbm>>
      %dma_start3A_207 = tpu.memref_squeeze %dma_start3A_206 : memref<1x80x64xf32, #tpu.memory_space<hbm>> -> memref<80x64xf32, #tpu.memory_space<hbm>>
      %dma_start3A_208 = arith.constant 0 : i32
      %dma_start3A_209 = arith.constant 0 : i32
      %dma_start3A_210 = tpu.memref_slice %arg6[%run_scoped3A_136, %dma_start3A_208, %dma_start3A_209] : memref<2x80x64xf32, #tpu.memory_space<vmem>> -> memref<1x80x64xf32, #tpu.memory_space<vmem>>
      %dma_start3A_211 = tpu.memref_squeeze %dma_start3A_210 : memref<1x80x64xf32, #tpu.memory_space<vmem>> -> memref<80x64xf32, #tpu.memory_space<vmem>>
      tpu.enqueue_dma source(%dma_start3A_211 : memref<80x64xf32, #tpu.memory_space<vmem>>) target(%dma_start3A_207 : memref<80x64xf32, #tpu.memory_space<hbm>>) target_semaphore(%run_scoped3A_197 : memref<!tpu.dma_semaphore, #tpu.memory_space<semaphore_mem>>)
      %dma_wait3A_212 = arith.constant 0 : i32
      %dma_wait3A_213 = arith.constant 0 : i32
      %dma_wait3A_214 = tpu.memref_slice %arg6[%run_scoped3A_136, %dma_wait3A_212, %dma_wait3A_213] : memref<2x80x64xf32, #tpu.memory_space<vmem>> -> memref<1x80x64xf32, #tpu.memory_space<vmem>>
      %dma_wait3A_215 = tpu.memref_squeeze %dma_wait3A_214 : memref<1x80x64xf32, #tpu.memory_space<vmem>> -> memref<80x64xf32, #tpu.memory_space<vmem>>
      %dma_wait3A_216 = arith.constant 0 : i32
      %dma_wait3A_217 = tpu.memref_slice %arg4[%arg0, %add3A_135, %dma_wait3A_216] : memref<2x10240x64xf32, #tpu.memory_space<hbm>> -> memref<1x80x64xf32, #tpu.memory_space<hbm>>
      %dma_wait3A_218 = tpu.memref_squeeze %dma_wait3A_217 : memref<1x80x64xf32, #tpu.memory_space<hbm>> -> memref<80x64xf32, #tpu.memory_space<hbm>>
      %dma_wait3A_219 = arith.constant 0 : i32
      %dma_wait3A_220 = tpu.memref_slice %arg4[%arg0, %add3A_135, %dma_wait3A_219] : memref<2x10240x64xf32, #tpu.memory_space<hbm>> -> memref<1x80x64xf32, #tpu.memory_space<hbm>>
      %dma_wait3A_221 = tpu.memref_squeeze %dma_wait3A_220 : memref<1x80x64xf32, #tpu.memory_space<hbm>> -> memref<80x64xf32, #tpu.memory_space<hbm>>
      %dma_wait3A_222 = arith.constant 0 : i32
      %dma_wait3A_223 = arith.constant 0 : i32
      %dma_wait3A_224 = tpu.memref_slice %arg6[%run_scoped3A_136, %dma_wait3A_222, %dma_wait3A_223] : memref<2x80x64xf32, #tpu.memory_space<vmem>> -> memref<1x80x64xf32, #tpu.memory_space<vmem>>
      %dma_wait3A_225 = tpu.memref_squeeze %dma_wait3A_224 : memref<1x80x64xf32, #tpu.memory_space<vmem>> -> memref<80x64xf32, #tpu.memory_space<vmem>>
      tpu.wait_dma2 semaphore(%run_scoped3A_197 : memref<!tpu.dma_semaphore, #tpu.memory_space<semaphore_mem>>) src(%dma_wait3A_225 : memref<80x64xf32, #tpu.memory_space<vmem>>) dst(%dma_wait3A_221 : memref<80x64xf32, #tpu.memory_space<hbm>>)
      tpu.yield
    }) : () -> ()
    %mul3A_137 = arith.constant 640 : i32
    %mul3A_138 = arith.muli %arg1, %mul3A_137 : i32
    %add3A_139 = arith.constant 160 : i32
    %add3A_140 = arith.addi %mul3A_138, %add3A_139 : i32
    %run_scoped3A_141 = arith.constant 0 : i32
    "tpu.region"() ({
      %run_scoped3A_197 = tpu.sem_alloc : memref<!tpu.dma_semaphore, #tpu.memory_space<semaphore_mem>>
      %dma_start3A_198 = arith.constant 0 : i32
      %dma_start3A_199 = arith.constant 0 : i32
      %dma_start3A_200 = tpu.memref_slice %arg6[%run_scoped3A_141, %dma_start3A_198, %dma_start3A_199] : memref<2x80x64xf32, #tpu.memory_space<vmem>> -> memref<1x80x64xf32, #tpu.memory_space<vmem>>
      %dma_start3A_201 = tpu.memref_squeeze %dma_start3A_200 : memref<1x80x64xf32, #tpu.memory_space<vmem>> -> memref<80x64xf32, #tpu.memory_space<vmem>>
      %dma_start3A_202 = arith.constant 0 : i32
      %dma_start3A_203 = tpu.memref_slice %arg7[%add3A_140, %dma_start3A_202] : memref<10240x64xf32, #tpu.memory_space<vmem_shared>> -> memref<80x64xf32, #tpu.memory_space<vmem_shared>>
      %dma_start3A_204 = arith.constant 0 : i32
      %dma_start3A_205 = arith.constant 0 : i32
      %dma_start3A_206 = tpu.memref_slice %arg6[%run_scoped3A_141, %dma_start3A_204, %dma_start3A_205] : memref<2x80x64xf32, #tpu.memory_space<vmem>> -> memref<1x80x64xf32, #tpu.memory_space<vmem>>
      %dma_start3A_207 = tpu.memref_squeeze %dma_start3A_206 : memref<1x80x64xf32, #tpu.memory_space<vmem>> -> memref<80x64xf32, #tpu.memory_space<vmem>>
      %dma_start3A_208 = arith.constant 0 : i32
      %dma_start3A_209 = tpu.memref_slice %arg7[%add3A_140, %dma_start3A_208] : memref<10240x64xf32, #tpu.memory_space<vmem_shared>> -> memref<80x64xf32, #tpu.memory_space<vmem_shared>>
      tpu.enqueue_dma source(%dma_start3A_209 : memref<80x64xf32, #tpu.memory_space<vmem_shared>>) target(%dma_start3A_207 : memref<80x64xf32, #tpu.memory_space<vmem>>) target_semaphore(%run_scoped3A_197 : memref<!tpu.dma_semaphore, #tpu.memory_space<semaphore_mem>>)
      %dma_wait3A_210 = arith.constant 0 : i32
      %dma_wait3A_211 = arith.constant 0 : i32
      %dma_wait3A_212 = tpu.memref_slice %arg6[%run_scoped3A_141, %dma_wait3A_210, %dma_wait3A_211] : memref<2x80x64xf32, #tpu.memory_space<vmem>> -> memref<1x80x64xf32, #tpu.memory_space<vmem>>
      %dma_wait3A_213 = tpu.memref_squeeze %dma_wait3A_212 : memref<1x80x64xf32, #tpu.memory_space<vmem>> -> memref<80x64xf32, #tpu.memory_space<vmem>>
      %dma_wait3A_214 = arith.constant 0 : i32
      %dma_wait3A_215 = tpu.memref_slice %arg7[%add3A_140, %dma_wait3A_214] : memref<10240x64xf32, #tpu.memory_space<vmem_shared>> -> memref<80x64xf32, #tpu.memory_space<vmem_shared>>
      %dma_wait3A_216 = arith.constant 0 : i32
      %dma_wait3A_217 = arith.constant 0 : i32
      %dma_wait3A_218 = tpu.memref_slice %arg6[%run_scoped3A_141, %dma_wait3A_216, %dma_wait3A_217] : memref<2x80x64xf32, #tpu.memory_space<vmem>> -> memref<1x80x64xf32, #tpu.memory_space<vmem>>
      %dma_wait3A_219 = tpu.memref_squeeze %dma_wait3A_218 : memref<1x80x64xf32, #tpu.memory_space<vmem>> -> memref<80x64xf32, #tpu.memory_space<vmem>>
      %dma_wait3A_220 = arith.constant 0 : i32
      %dma_wait3A_221 = tpu.memref_slice %arg7[%add3A_140, %dma_wait3A_220] : memref<10240x64xf32, #tpu.memory_space<vmem_shared>> -> memref<80x64xf32, #tpu.memory_space<vmem_shared>>
      tpu.wait_dma2 semaphore(%run_scoped3A_197 : memref<!tpu.dma_semaphore, #tpu.memory_space<semaphore_mem>>) src(%dma_wait3A_221 : memref<80x64xf32, #tpu.memory_space<vmem_shared>>) dst(%dma_wait3A_219 : memref<80x64xf32, #tpu.memory_space<vmem>>)
      tpu.yield
    }) : () -> ()
    %mul3A_142 = arith.constant 640 : i32
    %mul3A_143 = arith.muli %arg1, %mul3A_142 : i32
    %add3A_144 = arith.constant 160 : i32
    %add3A_145 = arith.addi %mul3A_143, %add3A_144 : i32
    %run_scoped3A_146 = arith.constant 0 : i32
    "tpu.region"() ({
      %run_scoped3A_197 = tpu.sem_alloc : memref<!tpu.dma_semaphore, #tpu.memory_space<semaphore_mem>>
      %dma_start3A_198 = arith.constant 0 : i32
      %dma_start3A_199 = arith.constant 0 : i32
      %dma_start3A_200 = tpu.memref_slice %arg6[%run_scoped3A_146, %dma_start3A_198, %dma_start3A_199] : memref<2x80x64xf32, #tpu.memory_space<vmem>> -> memref<1x80x64xf32, #tpu.memory_space<vmem>>
      %dma_start3A_201 = tpu.memref_squeeze %dma_start3A_200 : memref<1x80x64xf32, #tpu.memory_space<vmem>> -> memref<80x64xf32, #tpu.memory_space<vmem>>
      %dma_start3A_202 = arith.constant 0 : i32
      %dma_start3A_203 = tpu.memref_slice %arg4[%arg0, %add3A_145, %dma_start3A_202] : memref<2x10240x64xf32, #tpu.memory_space<hbm>> -> memref<1x80x64xf32, #tpu.memory_space<hbm>>
      %dma_start3A_204 = tpu.memref_squeeze %dma_start3A_203 : memref<1x80x64xf32, #tpu.memory_space<hbm>> -> memref<80x64xf32, #tpu.memory_space<hbm>>
      %dma_start3A_205 = arith.constant 0 : i32
      %dma_start3A_206 = tpu.memref_slice %arg4[%arg0, %add3A_145, %dma_start3A_205] : memref<2x10240x64xf32, #tpu.memory_space<hbm>> -> memref<1x80x64xf32, #tpu.memory_space<hbm>>
      %dma_start3A_207 = tpu.memref_squeeze %dma_start3A_206 : memref<1x80x64xf32, #tpu.memory_space<hbm>> -> memref<80x64xf32, #tpu.memory_space<hbm>>
      %dma_start3A_208 = arith.constant 0 : i32
      %dma_start3A_209 = arith.constant 0 : i32
      %dma_start3A_210 = tpu.memref_slice %arg6[%run_scoped3A_146, %dma_start3A_208, %dma_start3A_209] : memref<2x80x64xf32, #tpu.memory_space<vmem>> -> memref<1x80x64xf32, #tpu.memory_space<vmem>>
      %dma_start3A_211 = tpu.memref_squeeze %dma_start3A_210 : memref<1x80x64xf32, #tpu.memory_space<vmem>> -> memref<80x64xf32, #tpu.memory_space<vmem>>
      tpu.enqueue_dma source(%dma_start3A_211 : memref<80x64xf32, #tpu.memory_space<vmem>>) target(%dma_start3A_207 : memref<80x64xf32, #tpu.memory_space<hbm>>) target_semaphore(%run_scoped3A_197 : memref<!tpu.dma_semaphore, #tpu.memory_space<semaphore_mem>>)
      %dma_wait3A_212 = arith.constant 0 : i32
      %dma_wait3A_213 = arith.constant 0 : i32
      %dma_wait3A_214 = tpu.memref_slice %arg6[%run_scoped3A_146, %dma_wait3A_212, %dma_wait3A_213] : memref<2x80x64xf32, #tpu.memory_space<vmem>> -> memref<1x80x64xf32, #tpu.memory_space<vmem>>
      %dma_wait3A_215 = tpu.memref_squeeze %dma_wait3A_214 : memref<1x80x64xf32, #tpu.memory_space<vmem>> -> memref<80x64xf32, #tpu.memory_space<vmem>>
      %dma_wait3A_216 = arith.constant 0 : i32
      %dma_wait3A_217 = tpu.memref_slice %arg4[%arg0, %add3A_145, %dma_wait3A_216] : memref<2x10240x64xf32, #tpu.memory_space<hbm>> -> memref<1x80x64xf32, #tpu.memory_space<hbm>>
      %dma_wait3A_218 = tpu.memref_squeeze %dma_wait3A_217 : memref<1x80x64xf32, #tpu.memory_space<hbm>> -> memref<80x64xf32, #tpu.memory_space<hbm>>
      %dma_wait3A_219 = arith.constant 0 : i32
      %dma_wait3A_220 = tpu.memref_slice %arg4[%arg0, %add3A_145, %dma_wait3A_219] : memref<2x10240x64xf32, #tpu.memory_space<hbm>> -> memref<1x80x64xf32, #tpu.memory_space<hbm>>
      %dma_wait3A_221 = tpu.memref_squeeze %dma_wait3A_220 : memref<1x80x64xf32, #tpu.memory_space<hbm>> -> memref<80x64xf32, #tpu.memory_space<hbm>>
      %dma_wait3A_222 = arith.constant 0 : i32
      %dma_wait3A_223 = arith.constant 0 : i32
      %dma_wait3A_224 = tpu.memref_slice %arg6[%run_scoped3A_146, %dma_wait3A_222, %dma_wait3A_223] : memref<2x80x64xf32, #tpu.memory_space<vmem>> -> memref<1x80x64xf32, #tpu.memory_space<vmem>>
      %dma_wait3A_225 = tpu.memref_squeeze %dma_wait3A_224 : memref<1x80x64xf32, #tpu.memory_space<vmem>> -> memref<80x64xf32, #tpu.memory_space<vmem>>
      tpu.wait_dma2 semaphore(%run_scoped3A_197 : memref<!tpu.dma_semaphore, #tpu.memory_space<semaphore_mem>>) src(%dma_wait3A_225 : memref<80x64xf32, #tpu.memory_space<vmem>>) dst(%dma_wait3A_221 : memref<80x64xf32, #tpu.memory_space<hbm>>)
      tpu.yield
    }) : () -> ()
    %mul3A_147 = arith.constant 640 : i32
    %mul3A_148 = arith.muli %arg1, %mul3A_147 : i32
    %add3A_149 = arith.constant 240 : i32
    %add3A_150 = arith.addi %mul3A_148, %add3A_149 : i32
    %run_scoped3A_151 = arith.constant 0 : i32
    "tpu.region"() ({
      %run_scoped3A_197 = tpu.sem_alloc : memref<!tpu.dma_semaphore, #tpu.memory_space<semaphore_mem>>
      %dma_start3A_198 = arith.constant 0 : i32
      %dma_start3A_199 = arith.constant 0 : i32
      %dma_start3A_200 = tpu.memref_slice %arg6[%run_scoped3A_151, %dma_start3A_198, %dma_start3A_199] : memref<2x80x64xf32, #tpu.memory_space<vmem>> -> memref<1x80x64xf32, #tpu.memory_space<vmem>>
      %dma_start3A_201 = tpu.memref_squeeze %dma_start3A_200 : memref<1x80x64xf32, #tpu.memory_space<vmem>> -> memref<80x64xf32, #tpu.memory_space<vmem>>
      %dma_start3A_202 = arith.constant 0 : i32
      %dma_start3A_203 = tpu.memref_slice %arg7[%add3A_150, %dma_start3A_202] : memref<10240x64xf32, #tpu.memory_space<vmem_shared>> -> memref<80x64xf32, #tpu.memory_space<vmem_shared>>
      %dma_start3A_204 = arith.constant 0 : i32
      %dma_start3A_205 = arith.constant 0 : i32
      %dma_start3A_206 = tpu.memref_slice %arg6[%run_scoped3A_151, %dma_start3A_204, %dma_start3A_205] : memref<2x80x64xf32, #tpu.memory_space<vmem>> -> memref<1x80x64xf32, #tpu.memory_space<vmem>>
      %dma_start3A_207 = tpu.memref_squeeze %dma_start3A_206 : memref<1x80x64xf32, #tpu.memory_space<vmem>> -> memref<80x64xf32, #tpu.memory_space<vmem>>
      %dma_start3A_208 = arith.constant 0 : i32
      %dma_start3A_209 = tpu.memref_slice %arg7[%add3A_150, %dma_start3A_208] : memref<10240x64xf32, #tpu.memory_space<vmem_shared>> -> memref<80x64xf32, #tpu.memory_space<vmem_shared>>
      tpu.enqueue_dma source(%dma_start3A_209 : memref<80x64xf32, #tpu.memory_space<vmem_shared>>) target(%dma_start3A_207 : memref<80x64xf32, #tpu.memory_space<vmem>>) target_semaphore(%run_scoped3A_197 : memref<!tpu.dma_semaphore, #tpu.memory_space<semaphore_mem>>)
      %dma_wait3A_210 = arith.constant 0 : i32
      %dma_wait3A_211 = arith.constant 0 : i32
      %dma_wait3A_212 = tpu.memref_slice %arg6[%run_scoped3A_151, %dma_wait3A_210, %dma_wait3A_211] : memref<2x80x64xf32, #tpu.memory_space<vmem>> -> memref<1x80x64xf32, #tpu.memory_space<vmem>>
      %dma_wait3A_213 = tpu.memref_squeeze %dma_wait3A_212 : memref<1x80x64xf32, #tpu.memory_space<vmem>> -> memref<80x64xf32, #tpu.memory_space<vmem>>
      %dma_wait3A_214 = arith.constant 0 : i32
      %dma_wait3A_215 = tpu.memref_slice %arg7[%add3A_150, %dma_wait3A_214] : memref<10240x64xf32, #tpu.memory_space<vmem_shared>> -> memref<80x64xf32, #tpu.memory_space<vmem_shared>>
      %dma_wait3A_216 = arith.constant 0 : i32
      %dma_wait3A_217 = arith.constant 0 : i32
      %dma_wait3A_218 = tpu.memref_slice %arg6[%run_scoped3A_151, %dma_wait3A_216, %dma_wait3A_217] : memref<2x80x64xf32, #tpu.memory_space<vmem>> -> memref<1x80x64xf32, #tpu.memory_space<vmem>>
      %dma_wait3A_219 = tpu.memref_squeeze %dma_wait3A_218 : memref<1x80x64xf32, #tpu.memory_space<vmem>> -> memref<80x64xf32, #tpu.memory_space<vmem>>
      %dma_wait3A_220 = arith.constant 0 : i32
      %dma_wait3A_221 = tpu.memref_slice %arg7[%add3A_150, %dma_wait3A_220] : memref<10240x64xf32, #tpu.memory_space<vmem_shared>> -> memref<80x64xf32, #tpu.memory_space<vmem_shared>>
      tpu.wait_dma2 semaphore(%run_scoped3A_197 : memref<!tpu.dma_semaphore, #tpu.memory_space<semaphore_mem>>) src(%dma_wait3A_221 : memref<80x64xf32, #tpu.memory_space<vmem_shared>>) dst(%dma_wait3A_219 : memref<80x64xf32, #tpu.memory_space<vmem>>)
      tpu.yield
    }) : () -> ()
    %mul3A_152 = arith.constant 640 : i32
    %mul3A_153 = arith.muli %arg1, %mul3A_152 : i32
    %add3A_154 = arith.constant 240 : i32
    %add3A_155 = arith.addi %mul3A_153, %add3A_154 : i32
    %run_scoped3A_156 = arith.constant 0 : i32
    "tpu.region"() ({
      %run_scoped3A_197 = tpu.sem_alloc : memref<!tpu.dma_semaphore, #tpu.memory_space<semaphore_mem>>
      %dma_start3A_198 = arith.constant 0 : i32
      %dma_start3A_199 = arith.constant 0 : i32
      %dma_start3A_200 = tpu.memref_slice %arg6[%run_scoped3A_156, %dma_start3A_198, %dma_start3A_199] : memref<2x80x64xf32, #tpu.memory_space<vmem>> -> memref<1x80x64xf32, #tpu.memory_space<vmem>>
      %dma_start3A_201 = tpu.memref_squeeze %dma_start3A_200 : memref<1x80x64xf32, #tpu.memory_space<vmem>> -> memref<80x64xf32, #tpu.memory_space<vmem>>
      %dma_start3A_202 = arith.constant 0 : i32
      %dma_start3A_203 = tpu.memref_slice %arg4[%arg0, %add3A_155, %dma_start3A_202] : memref<2x10240x64xf32, #tpu.memory_space<hbm>> -> memref<1x80x64xf32, #tpu.memory_space<hbm>>
      %dma_start3A_204 = tpu.memref_squeeze %dma_start3A_203 : memref<1x80x64xf32, #tpu.memory_space<hbm>> -> memref<80x64xf32, #tpu.memory_space<hbm>>
      %dma_start3A_205 = arith.constant 0 : i32
      %dma_start3A_206 = tpu.memref_slice %arg4[%arg0, %add3A_155, %dma_start3A_205] : memref<2x10240x64xf32, #tpu.memory_space<hbm>> -> memref<1x80x64xf32, #tpu.memory_space<hbm>>
      %dma_start3A_207 = tpu.memref_squeeze %dma_start3A_206 : memref<1x80x64xf32, #tpu.memory_space<hbm>> -> memref<80x64xf32, #tpu.memory_space<hbm>>
      %dma_start3A_208 = arith.constant 0 : i32
      %dma_start3A_209 = arith.constant 0 : i32
      %dma_start3A_210 = tpu.memref_slice %arg6[%run_scoped3A_156, %dma_start3A_208, %dma_start3A_209] : memref<2x80x64xf32, #tpu.memory_space<vmem>> -> memref<1x80x64xf32, #tpu.memory_space<vmem>>
      %dma_start3A_211 = tpu.memref_squeeze %dma_start3A_210 : memref<1x80x64xf32, #tpu.memory_space<vmem>> -> memref<80x64xf32, #tpu.memory_space<vmem>>
      tpu.enqueue_dma source(%dma_start3A_211 : memref<80x64xf32, #tpu.memory_space<vmem>>) target(%dma_start3A_207 : memref<80x64xf32, #tpu.memory_space<hbm>>) target_semaphore(%run_scoped3A_197 : memref<!tpu.dma_semaphore, #tpu.memory_space<semaphore_mem>>)
      %dma_wait3A_212 = arith.constant 0 : i32
      %dma_wait3A_213 = arith.constant 0 : i32
      %dma_wait3A_214 = tpu.memref_slice %arg6[%run_scoped3A_156, %dma_wait3A_212, %dma_wait3A_213] : memref<2x80x64xf32, #tpu.memory_space<vmem>> -> memref<1x80x64xf32, #tpu.memory_space<vmem>>
      %dma_wait3A_215 = tpu.memref_squeeze %dma_wait3A_214 : memref<1x80x64xf32, #tpu.memory_space<vmem>> -> memref<80x64xf32, #tpu.memory_space<vmem>>
      %dma_wait3A_216 = arith.constant 0 : i32
      %dma_wait3A_217 = tpu.memref_slice %arg4[%arg0, %add3A_155, %dma_wait3A_216] : memref<2x10240x64xf32, #tpu.memory_space<hbm>> -> memref<1x80x64xf32, #tpu.memory_space<hbm>>
      %dma_wait3A_218 = tpu.memref_squeeze %dma_wait3A_217 : memref<1x80x64xf32, #tpu.memory_space<hbm>> -> memref<80x64xf32, #tpu.memory_space<hbm>>
      %dma_wait3A_219 = arith.constant 0 : i32
      %dma_wait3A_220 = tpu.memref_slice %arg4[%arg0, %add3A_155, %dma_wait3A_219] : memref<2x10240x64xf32, #tpu.memory_space<hbm>> -> memref<1x80x64xf32, #tpu.memory_space<hbm>>
      %dma_wait3A_221 = tpu.memref_squeeze %dma_wait3A_220 : memref<1x80x64xf32, #tpu.memory_space<hbm>> -> memref<80x64xf32, #tpu.memory_space<hbm>>
      %dma_wait3A_222 = arith.constant 0 : i32
      %dma_wait3A_223 = arith.constant 0 : i32
      %dma_wait3A_224 = tpu.memref_slice %arg6[%run_scoped3A_156, %dma_wait3A_222, %dma_wait3A_223] : memref<2x80x64xf32, #tpu.memory_space<vmem>> -> memref<1x80x64xf32, #tpu.memory_space<vmem>>
      %dma_wait3A_225 = tpu.memref_squeeze %dma_wait3A_224 : memref<1x80x64xf32, #tpu.memory_space<vmem>> -> memref<80x64xf32, #tpu.memory_space<vmem>>
      tpu.wait_dma2 semaphore(%run_scoped3A_197 : memref<!tpu.dma_semaphore, #tpu.memory_space<semaphore_mem>>) src(%dma_wait3A_225 : memref<80x64xf32, #tpu.memory_space<vmem>>) dst(%dma_wait3A_221 : memref<80x64xf32, #tpu.memory_space<hbm>>)
      tpu.yield
    }) : () -> ()
    %mul3A_157 = arith.constant 640 : i32
    %mul3A_158 = arith.muli %arg1, %mul3A_157 : i32
    %add3A_159 = arith.constant 320 : i32
    %add3A_160 = arith.addi %mul3A_158, %add3A_159 : i32
    %run_scoped3A_161 = arith.constant 0 : i32
    "tpu.region"() ({
      %run_scoped3A_197 = tpu.sem_alloc : memref<!tpu.dma_semaphore, #tpu.memory_space<semaphore_mem>>
      %dma_start3A_198 = arith.constant 0 : i32
      %dma_start3A_199 = arith.constant 0 : i32
      %dma_start3A_200 = tpu.memref_slice %arg6[%run_scoped3A_161, %dma_start3A_198, %dma_start3A_199] : memref<2x80x64xf32, #tpu.memory_space<vmem>> -> memref<1x80x64xf32, #tpu.memory_space<vmem>>
      %dma_start3A_201 = tpu.memref_squeeze %dma_start3A_200 : memref<1x80x64xf32, #tpu.memory_space<vmem>> -> memref<80x64xf32, #tpu.memory_space<vmem>>
      %dma_start3A_202 = arith.constant 0 : i32
      %dma_start3A_203 = tpu.memref_slice %arg7[%add3A_160, %dma_start3A_202] : memref<10240x64xf32, #tpu.memory_space<vmem_shared>> -> memref<80x64xf32, #tpu.memory_space<vmem_shared>>
      %dma_start3A_204 = arith.constant 0 : i32
      %dma_start3A_205 = arith.constant 0 : i32
      %dma_start3A_206 = tpu.memref_slice %arg6[%run_scoped3A_161, %dma_start3A_204, %dma_start3A_205] : memref<2x80x64xf32, #tpu.memory_space<vmem>> -> memref<1x80x64xf32, #tpu.memory_space<vmem>>
      %dma_start3A_207 = tpu.memref_squeeze %dma_start3A_206 : memref<1x80x64xf32, #tpu.memory_space<vmem>> -> memref<80x64xf32, #tpu.memory_space<vmem>>
      %dma_start3A_208 = arith.constant 0 : i32
      %dma_start3A_209 = tpu.memref_slice %arg7[%add3A_160, %dma_start3A_208] : memref<10240x64xf32, #tpu.memory_space<vmem_shared>> -> memref<80x64xf32, #tpu.memory_space<vmem_shared>>
      tpu.enqueue_dma source(%dma_start3A_209 : memref<80x64xf32, #tpu.memory_space<vmem_shared>>) target(%dma_start3A_207 : memref<80x64xf32, #tpu.memory_space<vmem>>) target_semaphore(%run_scoped3A_197 : memref<!tpu.dma_semaphore, #tpu.memory_space<semaphore_mem>>)
      %dma_wait3A_210 = arith.constant 0 : i32
      %dma_wait3A_211 = arith.constant 0 : i32
      %dma_wait3A_212 = tpu.memref_slice %arg6[%run_scoped3A_161, %dma_wait3A_210, %dma_wait3A_211] : memref<2x80x64xf32, #tpu.memory_space<vmem>> -> memref<1x80x64xf32, #tpu.memory_space<vmem>>
      %dma_wait3A_213 = tpu.memref_squeeze %dma_wait3A_212 : memref<1x80x64xf32, #tpu.memory_space<vmem>> -> memref<80x64xf32, #tpu.memory_space<vmem>>
      %dma_wait3A_214 = arith.constant 0 : i32
      %dma_wait3A_215 = tpu.memref_slice %arg7[%add3A_160, %dma_wait3A_214] : memref<10240x64xf32, #tpu.memory_space<vmem_shared>> -> memref<80x64xf32, #tpu.memory_space<vmem_shared>>
      %dma_wait3A_216 = arith.constant 0 : i32
      %dma_wait3A_217 = arith.constant 0 : i32
      %dma_wait3A_218 = tpu.memref_slice %arg6[%run_scoped3A_161, %dma_wait3A_216, %dma_wait3A_217] : memref<2x80x64xf32, #tpu.memory_space<vmem>> -> memref<1x80x64xf32, #tpu.memory_space<vmem>>
      %dma_wait3A_219 = tpu.memref_squeeze %dma_wait3A_218 : memref<1x80x64xf32, #tpu.memory_space<vmem>> -> memref<80x64xf32, #tpu.memory_space<vmem>>
      %dma_wait3A_220 = arith.constant 0 : i32
      %dma_wait3A_221 = tpu.memref_slice %arg7[%add3A_160, %dma_wait3A_220] : memref<10240x64xf32, #tpu.memory_space<vmem_shared>> -> memref<80x64xf32, #tpu.memory_space<vmem_shared>>
      tpu.wait_dma2 semaphore(%run_scoped3A_197 : memref<!tpu.dma_semaphore, #tpu.memory_space<semaphore_mem>>) src(%dma_wait3A_221 : memref<80x64xf32, #tpu.memory_space<vmem_shared>>) dst(%dma_wait3A_219 : memref<80x64xf32, #tpu.memory_space<vmem>>)
      tpu.yield
    }) : () -> ()
    %mul3A_162 = arith.constant 640 : i32
    %mul3A_163 = arith.muli %arg1, %mul3A_162 : i32
    %add3A_164 = arith.constant 320 : i32
    %add3A_165 = arith.addi %mul3A_163, %add3A_164 : i32
    %run_scoped3A_166 = arith.constant 0 : i32
    "tpu.region"() ({
      %run_scoped3A_197 = tpu.sem_alloc : memref<!tpu.dma_semaphore, #tpu.memory_space<semaphore_mem>>
      %dma_start3A_198 = arith.constant 0 : i32
      %dma_start3A_199 = arith.constant 0 : i32
      %dma_start3A_200 = tpu.memref_slice %arg6[%run_scoped3A_166, %dma_start3A_198, %dma_start3A_199] : memref<2x80x64xf32, #tpu.memory_space<vmem>> -> memref<1x80x64xf32, #tpu.memory_space<vmem>>
      %dma_start3A_201 = tpu.memref_squeeze %dma_start3A_200 : memref<1x80x64xf32, #tpu.memory_space<vmem>> -> memref<80x64xf32, #tpu.memory_space<vmem>>
      %dma_start3A_202 = arith.constant 0 : i32
      %dma_start3A_203 = tpu.memref_slice %arg4[%arg0, %add3A_165, %dma_start3A_202] : memref<2x10240x64xf32, #tpu.memory_space<hbm>> -> memref<1x80x64xf32, #tpu.memory_space<hbm>>
      %dma_start3A_204 = tpu.memref_squeeze %dma_start3A_203 : memref<1x80x64xf32, #tpu.memory_space<hbm>> -> memref<80x64xf32, #tpu.memory_space<hbm>>
      %dma_start3A_205 = arith.constant 0 : i32
      %dma_start3A_206 = tpu.memref_slice %arg4[%arg0, %add3A_165, %dma_start3A_205] : memref<2x10240x64xf32, #tpu.memory_space<hbm>> -> memref<1x80x64xf32, #tpu.memory_space<hbm>>
      %dma_start3A_207 = tpu.memref_squeeze %dma_start3A_206 : memref<1x80x64xf32, #tpu.memory_space<hbm>> -> memref<80x64xf32, #tpu.memory_space<hbm>>
      %dma_start3A_208 = arith.constant 0 : i32
      %dma_start3A_209 = arith.constant 0 : i32
      %dma_start3A_210 = tpu.memref_slice %arg6[%run_scoped3A_166, %dma_start3A_208, %dma_start3A_209] : memref<2x80x64xf32, #tpu.memory_space<vmem>> -> memref<1x80x64xf32, #tpu.memory_space<vmem>>
      %dma_start3A_211 = tpu.memref_squeeze %dma_start3A_210 : memref<1x80x64xf32, #tpu.memory_space<vmem>> -> memref<80x64xf32, #tpu.memory_space<vmem>>
      tpu.enqueue_dma source(%dma_start3A_211 : memref<80x64xf32, #tpu.memory_space<vmem>>) target(%dma_start3A_207 : memref<80x64xf32, #tpu.memory_space<hbm>>) target_semaphore(%run_scoped3A_197 : memref<!tpu.dma_semaphore, #tpu.memory_space<semaphore_mem>>)
      %dma_wait3A_212 = arith.constant 0 : i32
      %dma_wait3A_213 = arith.constant 0 : i32
      %dma_wait3A_214 = tpu.memref_slice %arg6[%run_scoped3A_166, %dma_wait3A_212, %dma_wait3A_213] : memref<2x80x64xf32, #tpu.memory_space<vmem>> -> memref<1x80x64xf32, #tpu.memory_space<vmem>>
      %dma_wait3A_215 = tpu.memref_squeeze %dma_wait3A_214 : memref<1x80x64xf32, #tpu.memory_space<vmem>> -> memref<80x64xf32, #tpu.memory_space<vmem>>
      %dma_wait3A_216 = arith.constant 0 : i32
      %dma_wait3A_217 = tpu.memref_slice %arg4[%arg0, %add3A_165, %dma_wait3A_216] : memref<2x10240x64xf32, #tpu.memory_space<hbm>> -> memref<1x80x64xf32, #tpu.memory_space<hbm>>
      %dma_wait3A_218 = tpu.memref_squeeze %dma_wait3A_217 : memref<1x80x64xf32, #tpu.memory_space<hbm>> -> memref<80x64xf32, #tpu.memory_space<hbm>>
      %dma_wait3A_219 = arith.constant 0 : i32
      %dma_wait3A_220 = tpu.memref_slice %arg4[%arg0, %add3A_165, %dma_wait3A_219] : memref<2x10240x64xf32, #tpu.memory_space<hbm>> -> memref<1x80x64xf32, #tpu.memory_space<hbm>>
      %dma_wait3A_221 = tpu.memref_squeeze %dma_wait3A_220 : memref<1x80x64xf32, #tpu.memory_space<hbm>> -> memref<80x64xf32, #tpu.memory_space<hbm>>
      %dma_wait3A_222 = arith.constant 0 : i32
      %dma_wait3A_223 = arith.constant 0 : i32
      %dma_wait3A_224 = tpu.memref_slice %arg6[%run_scoped3A_166, %dma_wait3A_222, %dma_wait3A_223] : memref<2x80x64xf32, #tpu.memory_space<vmem>> -> memref<1x80x64xf32, #tpu.memory_space<vmem>>
      %dma_wait3A_225 = tpu.memref_squeeze %dma_wait3A_224 : memref<1x80x64xf32, #tpu.memory_space<vmem>> -> memref<80x64xf32, #tpu.memory_space<vmem>>
      tpu.wait_dma2 semaphore(%run_scoped3A_197 : memref<!tpu.dma_semaphore, #tpu.memory_space<semaphore_mem>>) src(%dma_wait3A_225 : memref<80x64xf32, #tpu.memory_space<vmem>>) dst(%dma_wait3A_221 : memref<80x64xf32, #tpu.memory_space<hbm>>)
      tpu.yield
    }) : () -> ()
    %mul3A_167 = arith.constant 640 : i32
    %mul3A_168 = arith.muli %arg1, %mul3A_167 : i32
    %add3A_169 = arith.constant 400 : i32
    %add3A_170 = arith.addi %mul3A_168, %add3A_169 : i32
    %run_scoped3A_171 = arith.constant 0 : i32
    "tpu.region"() ({
      %run_scoped3A_197 = tpu.sem_alloc : memref<!tpu.dma_semaphore, #tpu.memory_space<semaphore_mem>>
      %dma_start3A_198 = arith.constant 0 : i32
      %dma_start3A_199 = arith.constant 0 : i32
      %dma_start3A_200 = tpu.memref_slice %arg6[%run_scoped3A_171, %dma_start3A_198, %dma_start3A_199] : memref<2x80x64xf32, #tpu.memory_space<vmem>> -> memref<1x80x64xf32, #tpu.memory_space<vmem>>
      %dma_start3A_201 = tpu.memref_squeeze %dma_start3A_200 : memref<1x80x64xf32, #tpu.memory_space<vmem>> -> memref<80x64xf32, #tpu.memory_space<vmem>>
      %dma_start3A_202 = arith.constant 0 : i32
      %dma_start3A_203 = tpu.memref_slice %arg7[%add3A_170, %dma_start3A_202] : memref<10240x64xf32, #tpu.memory_space<vmem_shared>> -> memref<80x64xf32, #tpu.memory_space<vmem_shared>>
      %dma_start3A_204 = arith.constant 0 : i32
      %dma_start3A_205 = arith.constant 0 : i32
      %dma_start3A_206 = tpu.memref_slice %arg6[%run_scoped3A_171, %dma_start3A_204, %dma_start3A_205] : memref<2x80x64xf32, #tpu.memory_space<vmem>> -> memref<1x80x64xf32, #tpu.memory_space<vmem>>
      %dma_start3A_207 = tpu.memref_squeeze %dma_start3A_206 : memref<1x80x64xf32, #tpu.memory_space<vmem>> -> memref<80x64xf32, #tpu.memory_space<vmem>>
      %dma_start3A_208 = arith.constant 0 : i32
      %dma_start3A_209 = tpu.memref_slice %arg7[%add3A_170, %dma_start3A_208] : memref<10240x64xf32, #tpu.memory_space<vmem_shared>> -> memref<80x64xf32, #tpu.memory_space<vmem_shared>>
      tpu.enqueue_dma source(%dma_start3A_209 : memref<80x64xf32, #tpu.memory_space<vmem_shared>>) target(%dma_start3A_207 : memref<80x64xf32, #tpu.memory_space<vmem>>) target_semaphore(%run_scoped3A_197 : memref<!tpu.dma_semaphore, #tpu.memory_space<semaphore_mem>>)
      %dma_wait3A_210 = arith.constant 0 : i32
      %dma_wait3A_211 = arith.constant 0 : i32
      %dma_wait3A_212 = tpu.memref_slice %arg6[%run_scoped3A_171, %dma_wait3A_210, %dma_wait3A_211] : memref<2x80x64xf32, #tpu.memory_space<vmem>> -> memref<1x80x64xf32, #tpu.memory_space<vmem>>
      %dma_wait3A_213 = tpu.memref_squeeze %dma_wait3A_212 : memref<1x80x64xf32, #tpu.memory_space<vmem>> -> memref<80x64xf32, #tpu.memory_space<vmem>>
      %dma_wait3A_214 = arith.constant 0 : i32
      %dma_wait3A_215 = tpu.memref_slice %arg7[%add3A_170, %dma_wait3A_214] : memref<10240x64xf32, #tpu.memory_space<vmem_shared>> -> memref<80x64xf32, #tpu.memory_space<vmem_shared>>
      %dma_wait3A_216 = arith.constant 0 : i32
      %dma_wait3A_217 = arith.constant 0 : i32
      %dma_wait3A_218 = tpu.memref_slice %arg6[%run_scoped3A_171, %dma_wait3A_216, %dma_wait3A_217] : memref<2x80x64xf32, #tpu.memory_space<vmem>> -> memref<1x80x64xf32, #tpu.memory_space<vmem>>
      %dma_wait3A_219 = tpu.memref_squeeze %dma_wait3A_218 : memref<1x80x64xf32, #tpu.memory_space<vmem>> -> memref<80x64xf32, #tpu.memory_space<vmem>>
      %dma_wait3A_220 = arith.constant 0 : i32
      %dma_wait3A_221 = tpu.memref_slice %arg7[%add3A_170, %dma_wait3A_220] : memref<10240x64xf32, #tpu.memory_space<vmem_shared>> -> memref<80x64xf32, #tpu.memory_space<vmem_shared>>
      tpu.wait_dma2 semaphore(%run_scoped3A_197 : memref<!tpu.dma_semaphore, #tpu.memory_space<semaphore_mem>>) src(%dma_wait3A_221 : memref<80x64xf32, #tpu.memory_space<vmem_shared>>) dst(%dma_wait3A_219 : memref<80x64xf32, #tpu.memory_space<vmem>>)
      tpu.yield
    }) : () -> ()
    %mul3A_172 = arith.constant 640 : i32
    %mul3A_173 = arith.muli %arg1, %mul3A_172 : i32
    %add3A_174 = arith.constant 400 : i32
    %add3A_175 = arith.addi %mul3A_173, %add3A_174 : i32
    %run_scoped3A_176 = arith.constant 0 : i32
    "tpu.region"() ({
      %run_scoped3A_197 = tpu.sem_alloc : memref<!tpu.dma_semaphore, #tpu.memory_space<semaphore_mem>>
      %dma_start3A_198 = arith.constant 0 : i32
      %dma_start3A_199 = arith.constant 0 : i32
      %dma_start3A_200 = tpu.memref_slice %arg6[%run_scoped3A_176, %dma_start3A_198, %dma_start3A_199] : memref<2x80x64xf32, #tpu.memory_space<vmem>> -> memref<1x80x64xf32, #tpu.memory_space<vmem>>
      %dma_start3A_201 = tpu.memref_squeeze %dma_start3A_200 : memref<1x80x64xf32, #tpu.memory_space<vmem>> -> memref<80x64xf32, #tpu.memory_space<vmem>>
      %dma_start3A_202 = arith.constant 0 : i32
      %dma_start3A_203 = tpu.memref_slice %arg4[%arg0, %add3A_175, %dma_start3A_202] : memref<2x10240x64xf32, #tpu.memory_space<hbm>> -> memref<1x80x64xf32, #tpu.memory_space<hbm>>
      %dma_start3A_204 = tpu.memref_squeeze %dma_start3A_203 : memref<1x80x64xf32, #tpu.memory_space<hbm>> -> memref<80x64xf32, #tpu.memory_space<hbm>>
      %dma_start3A_205 = arith.constant 0 : i32
      %dma_start3A_206 = tpu.memref_slice %arg4[%arg0, %add3A_175, %dma_start3A_205] : memref<2x10240x64xf32, #tpu.memory_space<hbm>> -> memref<1x80x64xf32, #tpu.memory_space<hbm>>
      %dma_start3A_207 = tpu.memref_squeeze %dma_start3A_206 : memref<1x80x64xf32, #tpu.memory_space<hbm>> -> memref<80x64xf32, #tpu.memory_space<hbm>>
      %dma_start3A_208 = arith.constant 0 : i32
      %dma_start3A_209 = arith.constant 0 : i32
      %dma_start3A_210 = tpu.memref_slice %arg6[%run_scoped3A_176, %dma_start3A_208, %dma_start3A_209] : memref<2x80x64xf32, #tpu.memory_space<vmem>> -> memref<1x80x64xf32, #tpu.memory_space<vmem>>
      %dma_start3A_211 = tpu.memref_squeeze %dma_start3A_210 : memref<1x80x64xf32, #tpu.memory_space<vmem>> -> memref<80x64xf32, #tpu.memory_space<vmem>>
      tpu.enqueue_dma source(%dma_start3A_211 : memref<80x64xf32, #tpu.memory_space<vmem>>) target(%dma_start3A_207 : memref<80x64xf32, #tpu.memory_space<hbm>>) target_semaphore(%run_scoped3A_197 : memref<!tpu.dma_semaphore, #tpu.memory_space<semaphore_mem>>)
      %dma_wait3A_212 = arith.constant 0 : i32
      %dma_wait3A_213 = arith.constant 0 : i32
      %dma_wait3A_214 = tpu.memref_slice %arg6[%run_scoped3A_176, %dma_wait3A_212, %dma_wait3A_213] : memref<2x80x64xf32, #tpu.memory_space<vmem>> -> memref<1x80x64xf32, #tpu.memory_space<vmem>>
      %dma_wait3A_215 = tpu.memref_squeeze %dma_wait3A_214 : memref<1x80x64xf32, #tpu.memory_space<vmem>> -> memref<80x64xf32, #tpu.memory_space<vmem>>
      %dma_wait3A_216 = arith.constant 0 : i32
      %dma_wait3A_217 = tpu.memref_slice %arg4[%arg0, %add3A_175, %dma_wait3A_216] : memref<2x10240x64xf32, #tpu.memory_space<hbm>> -> memref<1x80x64xf32, #tpu.memory_space<hbm>>
      %dma_wait3A_218 = tpu.memref_squeeze %dma_wait3A_217 : memref<1x80x64xf32, #tpu.memory_space<hbm>> -> memref<80x64xf32, #tpu.memory_space<hbm>>
      %dma_wait3A_219 = arith.constant 0 : i32
      %dma_wait3A_220 = tpu.memref_slice %arg4[%arg0, %add3A_175, %dma_wait3A_219] : memref<2x10240x64xf32, #tpu.memory_space<hbm>> -> memref<1x80x64xf32, #tpu.memory_space<hbm>>
      %dma_wait3A_221 = tpu.memref_squeeze %dma_wait3A_220 : memref<1x80x64xf32, #tpu.memory_space<hbm>> -> memref<80x64xf32, #tpu.memory_space<hbm>>
      %dma_wait3A_222 = arith.constant 0 : i32
      %dma_wait3A_223 = arith.constant 0 : i32
      %dma_wait3A_224 = tpu.memref_slice %arg6[%run_scoped3A_176, %dma_wait3A_222, %dma_wait3A_223] : memref<2x80x64xf32, #tpu.memory_space<vmem>> -> memref<1x80x64xf32, #tpu.memory_space<vmem>>
      %dma_wait3A_225 = tpu.memref_squeeze %dma_wait3A_224 : memref<1x80x64xf32, #tpu.memory_space<vmem>> -> memref<80x64xf32, #tpu.memory_space<vmem>>
      tpu.wait_dma2 semaphore(%run_scoped3A_197 : memref<!tpu.dma_semaphore, #tpu.memory_space<semaphore_mem>>) src(%dma_wait3A_225 : memref<80x64xf32, #tpu.memory_space<vmem>>) dst(%dma_wait3A_221 : memref<80x64xf32, #tpu.memory_space<hbm>>)
      tpu.yield
    }) : () -> ()
    %mul3A_177 = arith.constant 640 : i32
    %mul3A_178 = arith.muli %arg1, %mul3A_177 : i32
    %add3A_179 = arith.constant 480 : i32
    %add3A_180 = arith.addi %mul3A_178, %add3A_179 : i32
    %run_scoped3A_181 = arith.constant 0 : i32
    "tpu.region"() ({
      %run_scoped3A_197 = tpu.sem_alloc : memref<!tpu.dma_semaphore, #tpu.memory_space<semaphore_mem>>
      %dma_start3A_198 = arith.constant 0 : i32
      %dma_start3A_199 = arith.constant 0 : i32
      %dma_start3A_200 = tpu.memref_slice %arg6[%run_scoped3A_181, %dma_start3A_198, %dma_start3A_199] : memref<2x80x64xf32, #tpu.memory_space<vmem>> -> memref<1x80x64xf32, #tpu.memory_space<vmem>>
      %dma_start3A_201 = tpu.memref_squeeze %dma_start3A_200 : memref<1x80x64xf32, #tpu.memory_space<vmem>> -> memref<80x64xf32, #tpu.memory_space<vmem>>
      %dma_start3A_202 = arith.constant 0 : i32
      %dma_start3A_203 = tpu.memref_slice %arg7[%add3A_180, %dma_start3A_202] : memref<10240x64xf32, #tpu.memory_space<vmem_shared>> -> memref<80x64xf32, #tpu.memory_space<vmem_shared>>
      %dma_start3A_204 = arith.constant 0 : i32
      %dma_start3A_205 = arith.constant 0 : i32
      %dma_start3A_206 = tpu.memref_slice %arg6[%run_scoped3A_181, %dma_start3A_204, %dma_start3A_205] : memref<2x80x64xf32, #tpu.memory_space<vmem>> -> memref<1x80x64xf32, #tpu.memory_space<vmem>>
      %dma_start3A_207 = tpu.memref_squeeze %dma_start3A_206 : memref<1x80x64xf32, #tpu.memory_space<vmem>> -> memref<80x64xf32, #tpu.memory_space<vmem>>
      %dma_start3A_208 = arith.constant 0 : i32
      %dma_start3A_209 = tpu.memref_slice %arg7[%add3A_180, %dma_start3A_208] : memref<10240x64xf32, #tpu.memory_space<vmem_shared>> -> memref<80x64xf32, #tpu.memory_space<vmem_shared>>
      tpu.enqueue_dma source(%dma_start3A_209 : memref<80x64xf32, #tpu.memory_space<vmem_shared>>) target(%dma_start3A_207 : memref<80x64xf32, #tpu.memory_space<vmem>>) target_semaphore(%run_scoped3A_197 : memref<!tpu.dma_semaphore, #tpu.memory_space<semaphore_mem>>)
      %dma_wait3A_210 = arith.constant 0 : i32
      %dma_wait3A_211 = arith.constant 0 : i32
      %dma_wait3A_212 = tpu.memref_slice %arg6[%run_scoped3A_181, %dma_wait3A_210, %dma_wait3A_211] : memref<2x80x64xf32, #tpu.memory_space<vmem>> -> memref<1x80x64xf32, #tpu.memory_space<vmem>>
      %dma_wait3A_213 = tpu.memref_squeeze %dma_wait3A_212 : memref<1x80x64xf32, #tpu.memory_space<vmem>> -> memref<80x64xf32, #tpu.memory_space<vmem>>
      %dma_wait3A_214 = arith.constant 0 : i32
      %dma_wait3A_215 = tpu.memref_slice %arg7[%add3A_180, %dma_wait3A_214] : memref<10240x64xf32, #tpu.memory_space<vmem_shared>> -> memref<80x64xf32, #tpu.memory_space<vmem_shared>>
      %dma_wait3A_216 = arith.constant 0 : i32
      %dma_wait3A_217 = arith.constant 0 : i32
      %dma_wait3A_218 = tpu.memref_slice %arg6[%run_scoped3A_181, %dma_wait3A_216, %dma_wait3A_217] : memref<2x80x64xf32, #tpu.memory_space<vmem>> -> memref<1x80x64xf32, #tpu.memory_space<vmem>>
      %dma_wait3A_219 = tpu.memref_squeeze %dma_wait3A_218 : memref<1x80x64xf32, #tpu.memory_space<vmem>> -> memref<80x64xf32, #tpu.memory_space<vmem>>
      %dma_wait3A_220 = arith.constant 0 : i32
      %dma_wait3A_221 = tpu.memref_slice %arg7[%add3A_180, %dma_wait3A_220] : memref<10240x64xf32, #tpu.memory_space<vmem_shared>> -> memref<80x64xf32, #tpu.memory_space<vmem_shared>>
      tpu.wait_dma2 semaphore(%run_scoped3A_197 : memref<!tpu.dma_semaphore, #tpu.memory_space<semaphore_mem>>) src(%dma_wait3A_221 : memref<80x64xf32, #tpu.memory_space<vmem_shared>>) dst(%dma_wait3A_219 : memref<80x64xf32, #tpu.memory_space<vmem>>)
      tpu.yield
    }) : () -> ()
    %mul3A_182 = arith.constant 640 : i32
    %mul3A_183 = arith.muli %arg1, %mul3A_182 : i32
    %add3A_184 = arith.constant 480 : i32
    %add3A_185 = arith.addi %mul3A_183, %add3A_184 : i32
    %run_scoped3A_186 = arith.constant 0 : i32
    "tpu.region"() ({
      %run_scoped3A_197 = tpu.sem_alloc : memref<!tpu.dma_semaphore, #tpu.memory_space<semaphore_mem>>
      %dma_start3A_198 = arith.constant 0 : i32
      %dma_start3A_199 = arith.constant 0 : i32
      %dma_start3A_200 = tpu.memref_slice %arg6[%run_scoped3A_186, %dma_start3A_198, %dma_start3A_199] : memref<2x80x64xf32, #tpu.memory_space<vmem>> -> memref<1x80x64xf32, #tpu.memory_space<vmem>>
      %dma_start3A_201 = tpu.memref_squeeze %dma_start3A_200 : memref<1x80x64xf32, #tpu.memory_space<vmem>> -> memref<80x64xf32, #tpu.memory_space<vmem>>
      %dma_start3A_202 = arith.constant 0 : i32
      %dma_start3A_203 = tpu.memref_slice %arg4[%arg0, %add3A_185, %dma_start3A_202] : memref<2x10240x64xf32, #tpu.memory_space<hbm>> -> memref<1x80x64xf32, #tpu.memory_space<hbm>>
      %dma_start3A_204 = tpu.memref_squeeze %dma_start3A_203 : memref<1x80x64xf32, #tpu.memory_space<hbm>> -> memref<80x64xf32, #tpu.memory_space<hbm>>
      %dma_start3A_205 = arith.constant 0 : i32
      %dma_start3A_206 = tpu.memref_slice %arg4[%arg0, %add3A_185, %dma_start3A_205] : memref<2x10240x64xf32, #tpu.memory_space<hbm>> -> memref<1x80x64xf32, #tpu.memory_space<hbm>>
      %dma_start3A_207 = tpu.memref_squeeze %dma_start3A_206 : memref<1x80x64xf32, #tpu.memory_space<hbm>> -> memref<80x64xf32, #tpu.memory_space<hbm>>
      %dma_start3A_208 = arith.constant 0 : i32
      %dma_start3A_209 = arith.constant 0 : i32
      %dma_start3A_210 = tpu.memref_slice %arg6[%run_scoped3A_186, %dma_start3A_208, %dma_start3A_209] : memref<2x80x64xf32, #tpu.memory_space<vmem>> -> memref<1x80x64xf32, #tpu.memory_space<vmem>>
      %dma_start3A_211 = tpu.memref_squeeze %dma_start3A_210 : memref<1x80x64xf32, #tpu.memory_space<vmem>> -> memref<80x64xf32, #tpu.memory_space<vmem>>
      tpu.enqueue_dma source(%dma_start3A_211 : memref<80x64xf32, #tpu.memory_space<vmem>>) target(%dma_start3A_207 : memref<80x64xf32, #tpu.memory_space<hbm>>) target_semaphore(%run_scoped3A_197 : memref<!tpu.dma_semaphore, #tpu.memory_space<semaphore_mem>>)
      %dma_wait3A_212 = arith.constant 0 : i32
      %dma_wait3A_213 = arith.constant 0 : i32
      %dma_wait3A_214 = tpu.memref_slice %arg6[%run_scoped3A_186, %dma_wait3A_212, %dma_wait3A_213] : memref<2x80x64xf32, #tpu.memory_space<vmem>> -> memref<1x80x64xf32, #tpu.memory_space<vmem>>
      %dma_wait3A_215 = tpu.memref_squeeze %dma_wait3A_214 : memref<1x80x64xf32, #tpu.memory_space<vmem>> -> memref<80x64xf32, #tpu.memory_space<vmem>>
      %dma_wait3A_216 = arith.constant 0 : i32
      %dma_wait3A_217 = tpu.memref_slice %arg4[%arg0, %add3A_185, %dma_wait3A_216] : memref<2x10240x64xf32, #tpu.memory_space<hbm>> -> memref<1x80x64xf32, #tpu.memory_space<hbm>>
      %dma_wait3A_218 = tpu.memref_squeeze %dma_wait3A_217 : memref<1x80x64xf32, #tpu.memory_space<hbm>> -> memref<80x64xf32, #tpu.memory_space<hbm>>
      %dma_wait3A_219 = arith.constant 0 : i32
      %dma_wait3A_220 = tpu.memref_slice %arg4[%arg0, %add3A_185, %dma_wait3A_219] : memref<2x10240x64xf32, #tpu.memory_space<hbm>> -> memref<1x80x64xf32, #tpu.memory_space<hbm>>
      %dma_wait3A_221 = tpu.memref_squeeze %dma_wait3A_220 : memref<1x80x64xf32, #tpu.memory_space<hbm>> -> memref<80x64xf32, #tpu.memory_space<hbm>>
      %dma_wait3A_222 = arith.constant 0 : i32
      %dma_wait3A_223 = arith.constant 0 : i32
      %dma_wait3A_224 = tpu.memref_slice %arg6[%run_scoped3A_186, %dma_wait3A_222, %dma_wait3A_223] : memref<2x80x64xf32, #tpu.memory_space<vmem>> -> memref<1x80x64xf32, #tpu.memory_space<vmem>>
      %dma_wait3A_225 = tpu.memref_squeeze %dma_wait3A_224 : memref<1x80x64xf32, #tpu.memory_space<vmem>> -> memref<80x64xf32, #tpu.memory_space<vmem>>
      tpu.wait_dma2 semaphore(%run_scoped3A_197 : memref<!tpu.dma_semaphore, #tpu.memory_space<semaphore_mem>>) src(%dma_wait3A_225 : memref<80x64xf32, #tpu.memory_space<vmem>>) dst(%dma_wait3A_221 : memref<80x64xf32, #tpu.memory_space<hbm>>)
      tpu.yield
    }) : () -> ()
    %mul3A_187 = arith.constant 640 : i32
    %mul3A_188 = arith.muli %arg1, %mul3A_187 : i32
    %add3A_189 = arith.constant 560 : i32
    %add3A_190 = arith.addi %mul3A_188, %add3A_189 : i32
    %run_scoped3A_191 = arith.constant 0 : i32
    "tpu.region"() ({
      %run_scoped3A_197 = tpu.sem_alloc : memref<!tpu.dma_semaphore, #tpu.memory_space<semaphore_mem>>
      %dma_start3A_198 = arith.constant 0 : i32
      %dma_start3A_199 = arith.constant 0 : i32
      %dma_start3A_200 = tpu.memref_slice %arg6[%run_scoped3A_191, %dma_start3A_198, %dma_start3A_199] : memref<2x80x64xf32, #tpu.memory_space<vmem>> -> memref<1x80x64xf32, #tpu.memory_space<vmem>>
      %dma_start3A_201 = tpu.memref_squeeze %dma_start3A_200 : memref<1x80x64xf32, #tpu.memory_space<vmem>> -> memref<80x64xf32, #tpu.memory_space<vmem>>
      %dma_start3A_202 = arith.constant 0 : i32
      %dma_start3A_203 = tpu.memref_slice %arg7[%add3A_190, %dma_start3A_202] : memref<10240x64xf32, #tpu.memory_space<vmem_shared>> -> memref<80x64xf32, #tpu.memory_space<vmem_shared>>
      %dma_start3A_204 = arith.constant 0 : i32
      %dma_start3A_205 = arith.constant 0 : i32
      %dma_start3A_206 = tpu.memref_slice %arg6[%run_scoped3A_191, %dma_start3A_204, %dma_start3A_205] : memref<2x80x64xf32, #tpu.memory_space<vmem>> -> memref<1x80x64xf32, #tpu.memory_space<vmem>>
      %dma_start3A_207 = tpu.memref_squeeze %dma_start3A_206 : memref<1x80x64xf32, #tpu.memory_space<vmem>> -> memref<80x64xf32, #tpu.memory_space<vmem>>
      %dma_start3A_208 = arith.constant 0 : i32
      %dma_start3A_209 = tpu.memref_slice %arg7[%add3A_190, %dma_start3A_208] : memref<10240x64xf32, #tpu.memory_space<vmem_shared>> -> memref<80x64xf32, #tpu.memory_space<vmem_shared>>
      tpu.enqueue_dma source(%dma_start3A_209 : memref<80x64xf32, #tpu.memory_space<vmem_shared>>) target(%dma_start3A_207 : memref<80x64xf32, #tpu.memory_space<vmem>>) target_semaphore(%run_scoped3A_197 : memref<!tpu.dma_semaphore, #tpu.memory_space<semaphore_mem>>)
      %dma_wait3A_210 = arith.constant 0 : i32
      %dma_wait3A_211 = arith.constant 0 : i32
      %dma_wait3A_212 = tpu.memref_slice %arg6[%run_scoped3A_191, %dma_wait3A_210, %dma_wait3A_211] : memref<2x80x64xf32, #tpu.memory_space<vmem>> -> memref<1x80x64xf32, #tpu.memory_space<vmem>>
      %dma_wait3A_213 = tpu.memref_squeeze %dma_wait3A_212 : memref<1x80x64xf32, #tpu.memory_space<vmem>> -> memref<80x64xf32, #tpu.memory_space<vmem>>
      %dma_wait3A_214 = arith.constant 0 : i32
      %dma_wait3A_215 = tpu.memref_slice %arg7[%add3A_190, %dma_wait3A_214] : memref<10240x64xf32, #tpu.memory_space<vmem_shared>> -> memref<80x64xf32, #tpu.memory_space<vmem_shared>>
      %dma_wait3A_216 = arith.constant 0 : i32
      %dma_wait3A_217 = arith.constant 0 : i32
      %dma_wait3A_218 = tpu.memref_slice %arg6[%run_scoped3A_191, %dma_wait3A_216, %dma_wait3A_217] : memref<2x80x64xf32, #tpu.memory_space<vmem>> -> memref<1x80x64xf32, #tpu.memory_space<vmem>>
      %dma_wait3A_219 = tpu.memref_squeeze %dma_wait3A_218 : memref<1x80x64xf32, #tpu.memory_space<vmem>> -> memref<80x64xf32, #tpu.memory_space<vmem>>
      %dma_wait3A_220 = arith.constant 0 : i32
      %dma_wait3A_221 = tpu.memref_slice %arg7[%add3A_190, %dma_wait3A_220] : memref<10240x64xf32, #tpu.memory_space<vmem_shared>> -> memref<80x64xf32, #tpu.memory_space<vmem_shared>>
      tpu.wait_dma2 semaphore(%run_scoped3A_197 : memref<!tpu.dma_semaphore, #tpu.memory_space<semaphore_mem>>) src(%dma_wait3A_221 : memref<80x64xf32, #tpu.memory_space<vmem_shared>>) dst(%dma_wait3A_219 : memref<80x64xf32, #tpu.memory_space<vmem>>)
      tpu.yield
    }) : () -> ()
    %mul3A_192 = arith.constant 640 : i32
    %mul3A_193 = arith.muli %arg1, %mul3A_192 : i32
    %add3A_194 = arith.constant 560 : i32
    %add3A_195 = arith.addi %mul3A_193, %add3A_194 : i32
    %run_scoped3A_196 = arith.constant 0 : i32
    "tpu.region"() ({
      %run_scoped3A_197 = tpu.sem_alloc : memref<!tpu.dma_semaphore, #tpu.memory_space<semaphore_mem>>
      %dma_start3A_198 = arith.constant 0 : i32
      %dma_start3A_199 = arith.constant 0 : i32
      %dma_start3A_200 = tpu.memref_slice %arg6[%run_scoped3A_196, %dma_start3A_198, %dma_start3A_199] : memref<2x80x64xf32, #tpu.memory_space<vmem>> -> memref<1x80x64xf32, #tpu.memory_space<vmem>>
      %dma_start3A_201 = tpu.memref_squeeze %dma_start3A_200 : memref<1x80x64xf32, #tpu.memory_space<vmem>> -> memref<80x64xf32, #tpu.memory_space<vmem>>
      %dma_start3A_202 = arith.constant 0 : i32
      %dma_start3A_203 = tpu.memref_slice %arg4[%arg0, %add3A_195, %dma_start3A_202] : memref<2x10240x64xf32, #tpu.memory_space<hbm>> -> memref<1x80x64xf32, #tpu.memory_space<hbm>>
      %dma_start3A_204 = tpu.memref_squeeze %dma_start3A_203 : memref<1x80x64xf32, #tpu.memory_space<hbm>> -> memref<80x64xf32, #tpu.memory_space<hbm>>
      %dma_start3A_205 = arith.constant 0 : i32
      %dma_start3A_206 = tpu.memref_slice %arg4[%arg0, %add3A_195, %dma_start3A_205] : memref<2x10240x64xf32, #tpu.memory_space<hbm>> -> memref<1x80x64xf32, #tpu.memory_space<hbm>>
      %dma_start3A_207 = tpu.memref_squeeze %dma_start3A_206 : memref<1x80x64xf32, #tpu.memory_space<hbm>> -> memref<80x64xf32, #tpu.memory_space<hbm>>
      %dma_start3A_208 = arith.constant 0 : i32
      %dma_start3A_209 = arith.constant 0 : i32
      %dma_start3A_210 = tpu.memref_slice %arg6[%run_scoped3A_196, %dma_start3A_208, %dma_start3A_209] : memref<2x80x64xf32, #tpu.memory_space<vmem>> -> memref<1x80x64xf32, #tpu.memory_space<vmem>>
      %dma_start3A_211 = tpu.memref_squeeze %dma_start3A_210 : memref<1x80x64xf32, #tpu.memory_space<vmem>> -> memref<80x64xf32, #tpu.memory_space<vmem>>
      tpu.enqueue_dma source(%dma_start3A_211 : memref<80x64xf32, #tpu.memory_space<vmem>>) target(%dma_start3A_207 : memref<80x64xf32, #tpu.memory_space<hbm>>) target_semaphore(%run_scoped3A_197 : memref<!tpu.dma_semaphore, #tpu.memory_space<semaphore_mem>>)
      %dma_wait3A_212 = arith.constant 0 : i32
      %dma_wait3A_213 = arith.constant 0 : i32
      %dma_wait3A_214 = tpu.memref_slice %arg6[%run_scoped3A_196, %dma_wait3A_212, %dma_wait3A_213] : memref<2x80x64xf32, #tpu.memory_space<vmem>> -> memref<1x80x64xf32, #tpu.memory_space<vmem>>
      %dma_wait3A_215 = tpu.memref_squeeze %dma_wait3A_214 : memref<1x80x64xf32, #tpu.memory_space<vmem>> -> memref<80x64xf32, #tpu.memory_space<vmem>>
      %dma_wait3A_216 = arith.constant 0 : i32
      %dma_wait3A_217 = tpu.memref_slice %arg4[%arg0, %add3A_195, %dma_wait3A_216] : memref<2x10240x64xf32, #tpu.memory_space<hbm>> -> memref<1x80x64xf32, #tpu.memory_space<hbm>>
      %dma_wait3A_218 = tpu.memref_squeeze %dma_wait3A_217 : memref<1x80x64xf32, #tpu.memory_space<hbm>> -> memref<80x64xf32, #tpu.memory_space<hbm>>
      %dma_wait3A_219 = arith.constant 0 : i32
      %dma_wait3A_220 = tpu.memref_slice %arg4[%arg0, %add3A_195, %dma_wait3A_219] : memref<2x10240x64xf32, #tpu.memory_space<hbm>> -> memref<1x80x64xf32, #tpu.memory_space<hbm>>
      %dma_wait3A_221 = tpu.memref_squeeze %dma_wait3A_220 : memref<1x80x64xf32, #tpu.memory_space<hbm>> -> memref<80x64xf32, #tpu.memory_space<hbm>>
      %dma_wait3A_222 = arith.constant 0 : i32
      %dma_wait3A_223 = arith.constant 0 : i32
      %dma_wait3A_224 = tpu.memref_slice %arg6[%run_scoped3A_196, %dma_wait3A_222, %dma_wait3A_223] : memref<2x80x64xf32, #tpu.memory_space<vmem>> -> memref<1x80x64xf32, #tpu.memory_space<vmem>>
      %dma_wait3A_225 = tpu.memref_squeeze %dma_wait3A_224 : memref<1x80x64xf32, #tpu.memory_space<vmem>> -> memref<80x64xf32, #tpu.memory_space<vmem>>
      tpu.wait_dma2 semaphore(%run_scoped3A_197 : memref<!tpu.dma_semaphore, #tpu.memory_space<semaphore_mem>>) src(%dma_wait3A_225 : memref<80x64xf32, #tpu.memory_space<vmem>>) dst(%dma_wait3A_221 : memref<80x64xf32, #tpu.memory_space<hbm>>)
      tpu.yield
    }) : () -> ()
    return
  }
}

#map = affine_map<(d0, d1) -> (0, 0)>
module attributes {stable_mosaic.version = 14 : i64} {
  func.func @k(%arg0: i32, %arg1: i32, %arg2: memref<10240x64xi32, #tpu.memory_space<hbm>>, %arg3: memref<5120x120xi32, #tpu.memory_space<hbm>>, %arg4: memref<307200x64xi32, #tpu.memory_space<hbm>>, %arg5: memref<160x120xi32, #tpu.memory_space<vmem>>, %arg6: memref<4x120x64xi32, #tpu.memory_space<vmem>>, %arg7: memref<4x120x64xi32, #tpu.memory_space<vmem>>, %arg8: memref<4x120x64xi32, #tpu.memory_space<vmem>>, %arg9: memref<!tpu.dma_semaphore, #tpu.memory_space<semaphore_mem>>, %arg10: memref<!tpu.dma_semaphore, #tpu.memory_space<semaphore_mem>>, %arg11: memref<!tpu.dma_semaphore, #tpu.memory_space<semaphore_mem>>, %arg12: memref<!tpu.dma_semaphore, #tpu.memory_space<semaphore_mem>>, %arg13: memref<!tpu.dma_semaphore, #tpu.memory_space<semaphore_mem>>, %arg14: memref<!tpu.dma_semaphore, #tpu.memory_space<semaphore_mem>>, %arg15: memref<!tpu.dma_semaphore, #tpu.memory_space<semaphore_mem>>, %arg16: memref<!tpu.dma_semaphore, #tpu.memory_space<semaphore_mem>>, %arg17: memref<!tpu.dma_semaphore, #tpu.memory_space<semaphore_mem>>, %arg18: memref<!tpu.dma_semaphore, #tpu.memory_space<semaphore_mem>>, %arg19: memref<!tpu.dma_semaphore, #tpu.memory_space<semaphore_mem>>, %arg20: memref<!tpu.dma_semaphore, #tpu.memory_space<semaphore_mem>>, %arg21: memref<!tpu.dma_semaphore, #tpu.memory_space<semaphore_mem>>) attributes {dimension_semantics = [#tpu.dimension_semantics<core_parallel>, #tpu.dimension_semantics<subcore_parallel>], iteration_bounds = array<i64: 2, 16>, scalar_prefetch = 0 : i64, scratch_operands = 17 : i64, tpu.core_type = #tpu.core_type<sc_vector_subcore>, window_params = [{transform_indices = #map}, {transform_indices = #map}, {transform_indices = #map}]} {
    %mul3A = arith.constant 16 : i32
    %mul3A_0 = arith.muli %arg0, %mul3A : i32
    %add3A = arith.addi %mul3A_0, %arg1 : i32
    %mul3A_1 = arith.constant 2 : i32
    %mul3A_2 = arith.muli %add3A, %mul3A_1 : i32
    %mul3A_3 = arith.constant 80 : i32
    %mul3A_4 = arith.muli %mul3A_2, %mul3A_3 : i32
    %dma_start3A = arith.constant 0 : i32
    %dma_start3A_5 = tpu.memref_slice %arg3[%mul3A_4, %dma_start3A] : memref<5120x120xi32, #tpu.memory_space<hbm>> -> memref<160x120xi32, #tpu.memory_space<hbm>>
    %dma_start3A_6 = arith.constant 0 : i32
    %dma_start3A_7 = tpu.memref_slice %arg3[%mul3A_4, %dma_start3A_6] : memref<5120x120xi32, #tpu.memory_space<hbm>> -> memref<160x120xi32, #tpu.memory_space<hbm>>
    tpu.enqueue_dma source(%dma_start3A_7 : memref<160x120xi32, #tpu.memory_space<hbm>>) target(%arg5 : memref<160x120xi32, #tpu.memory_space<vmem>>) target_semaphore(%arg9 : memref<!tpu.dma_semaphore, #tpu.memory_space<semaphore_mem>>)
    %mul3A_8 = arith.constant 2 : i32
    %mul3A_9 = arith.muli %add3A, %mul3A_8 : i32
    %mul3A_10 = arith.constant 80 : i32
    %mul3A_11 = arith.muli %mul3A_9, %mul3A_10 : i32
    %dma_wait3A = arith.constant 0 : i32
    %dma_wait3A_12 = tpu.memref_slice %arg3[%mul3A_11, %dma_wait3A] : memref<5120x120xi32, #tpu.memory_space<hbm>> -> memref<160x120xi32, #tpu.memory_space<hbm>>
    %dma_wait3A_13 = arith.constant 0 : i32
    %dma_wait3A_14 = tpu.memref_slice %arg3[%mul3A_11, %dma_wait3A_13] : memref<5120x120xi32, #tpu.memory_space<hbm>> -> memref<160x120xi32, #tpu.memory_space<hbm>>
    tpu.wait_dma2 semaphore(%arg9 : memref<!tpu.dma_semaphore, #tpu.memory_space<semaphore_mem>>) src(%dma_wait3A_14 : memref<160x120xi32, #tpu.memory_space<hbm>>) dst(%arg5 : memref<160x120xi32, #tpu.memory_space<vmem>>)
    %dma_start3A_15 = arith.constant 0 : i32
    %dma_start3A_16 = arith.constant 0 : i32
    %dma_start3A_17 = arith.constant 0 : i32
    %dma_start3A_18 = arith.constant 0 : i32
    %dma_start3A_19 = tpu.memref_slice %arg6[%dma_start3A_16, %dma_start3A_17, %dma_start3A_18] : memref<4x120x64xi32, #tpu.memory_space<vmem>> -> memref<1x120x64xi32, #tpu.memory_space<vmem>>
    %dma_start3A_20 = tpu.memref_squeeze %dma_start3A_19 : memref<1x120x64xi32, #tpu.memory_space<vmem>> -> memref<120x64xi32, #tpu.memory_space<vmem>>
    %dma_start3A_21 = arith.constant 0 : i32
    %dma_start3A_22 = tpu.memref_slice %arg5[%dma_start3A_15, %dma_start3A_21] : memref<160x120xi32, #tpu.memory_space<vmem>> -> memref<1x120xi32, #tpu.memory_space<vmem>>
    %dma_start3A_23 = tpu.memref_squeeze %dma_start3A_22 : memref<1x120xi32, #tpu.memory_space<vmem>> -> memref<120xi32, #tpu.memory_space<vmem>>
    %dma_start3A_24 = arith.constant 0 : i32
    %dma_start3A_25 = arith.constant 0 : i32
    %dma_start3A_26 = tpu.memref_slice %arg2[%dma_start3A_24, %dma_start3A_25] : memref<10240x64xi32, #tpu.memory_space<hbm>> -> memref<10240x64xi32, #tpu.memory_space<hbm>>
    tpu.enqueue_indirect_dma source(%dma_start3A_26 : memref<10240x64xi32, #tpu.memory_space<hbm>>) target(%dma_start3A_20 : memref<120x64xi32, #tpu.memory_space<vmem>>) offsets(%dma_start3A_23 : memref<120xi32, #tpu.memory_space<vmem>>) semaphore(%arg10 : memref<!tpu.dma_semaphore, #tpu.memory_space<semaphore_mem>>)
    %dma_start3A_27 = arith.constant 1 : i32
    %dma_start3A_28 = arith.constant 0 : i32
    %dma_start3A_29 = arith.constant 0 : i32
    %dma_start3A_30 = arith.constant 0 : i32
    %dma_start3A_31 = tpu.memref_slice %arg7[%dma_start3A_28, %dma_start3A_29, %dma_start3A_30] : memref<4x120x64xi32, #tpu.memory_space<vmem>> -> memref<1x120x64xi32, #tpu.memory_space<vmem>>
    %dma_start3A_32 = tpu.memref_squeeze %dma_start3A_31 : memref<1x120x64xi32, #tpu.memory_space<vmem>> -> memref<120x64xi32, #tpu.memory_space<vmem>>
    %dma_start3A_33 = arith.constant 0 : i32
    %dma_start3A_34 = tpu.memref_slice %arg5[%dma_start3A_27, %dma_start3A_33] : memref<160x120xi32, #tpu.memory_space<vmem>> -> memref<1x120xi32, #tpu.memory_space<vmem>>
    %dma_start3A_35 = tpu.memref_squeeze %dma_start3A_34 : memref<1x120xi32, #tpu.memory_space<vmem>> -> memref<120xi32, #tpu.memory_space<vmem>>
    %dma_start3A_36 = arith.constant 0 : i32
    %dma_start3A_37 = arith.constant 0 : i32
    %dma_start3A_38 = tpu.memref_slice %arg2[%dma_start3A_36, %dma_start3A_37] : memref<10240x64xi32, #tpu.memory_space<hbm>> -> memref<10240x64xi32, #tpu.memory_space<hbm>>
    tpu.enqueue_indirect_dma source(%dma_start3A_38 : memref<10240x64xi32, #tpu.memory_space<hbm>>) target(%dma_start3A_32 : memref<120x64xi32, #tpu.memory_space<vmem>>) offsets(%dma_start3A_35 : memref<120xi32, #tpu.memory_space<vmem>>) semaphore(%arg14 : memref<!tpu.dma_semaphore, #tpu.memory_space<semaphore_mem>>)
    %dma_start3A_39 = arith.constant 2 : i32
    %dma_start3A_40 = arith.constant 1 : i32
    %dma_start3A_41 = arith.constant 0 : i32
    %dma_start3A_42 = arith.constant 0 : i32
    %dma_start3A_43 = tpu.memref_slice %arg6[%dma_start3A_40, %dma_start3A_41, %dma_start3A_42] : memref<4x120x64xi32, #tpu.memory_space<vmem>> -> memref<1x120x64xi32, #tpu.memory_space<vmem>>
    %dma_start3A_44 = tpu.memref_squeeze %dma_start3A_43 : memref<1x120x64xi32, #tpu.memory_space<vmem>> -> memref<120x64xi32, #tpu.memory_space<vmem>>
    %dma_start3A_45 = arith.constant 0 : i32
    %dma_start3A_46 = tpu.memref_slice %arg5[%dma_start3A_39, %dma_start3A_45] : memref<160x120xi32, #tpu.memory_space<vmem>> -> memref<1x120xi32, #tpu.memory_space<vmem>>
    %dma_start3A_47 = tpu.memref_squeeze %dma_start3A_46 : memref<1x120xi32, #tpu.memory_space<vmem>> -> memref<120xi32, #tpu.memory_space<vmem>>
    %dma_start3A_48 = arith.constant 0 : i32
    %dma_start3A_49 = arith.constant 0 : i32
    %dma_start3A_50 = tpu.memref_slice %arg2[%dma_start3A_48, %dma_start3A_49] : memref<10240x64xi32, #tpu.memory_space<hbm>> -> memref<10240x64xi32, #tpu.memory_space<hbm>>
    tpu.enqueue_indirect_dma source(%dma_start3A_50 : memref<10240x64xi32, #tpu.memory_space<hbm>>) target(%dma_start3A_44 : memref<120x64xi32, #tpu.memory_space<vmem>>) offsets(%dma_start3A_47 : memref<120xi32, #tpu.memory_space<vmem>>) semaphore(%arg11 : memref<!tpu.dma_semaphore, #tpu.memory_space<semaphore_mem>>)
    %dma_start3A_51 = arith.constant 3 : i32
    %dma_start3A_52 = arith.constant 1 : i32
    %dma_start3A_53 = arith.constant 0 : i32
    %dma_start3A_54 = arith.constant 0 : i32
    %dma_start3A_55 = tpu.memref_slice %arg7[%dma_start3A_52, %dma_start3A_53, %dma_start3A_54] : memref<4x120x64xi32, #tpu.memory_space<vmem>> -> memref<1x120x64xi32, #tpu.memory_space<vmem>>
    %dma_start3A_56 = tpu.memref_squeeze %dma_start3A_55 : memref<1x120x64xi32, #tpu.memory_space<vmem>> -> memref<120x64xi32, #tpu.memory_space<vmem>>
    %dma_start3A_57 = arith.constant 0 : i32
    %dma_start3A_58 = tpu.memref_slice %arg5[%dma_start3A_51, %dma_start3A_57] : memref<160x120xi32, #tpu.memory_space<vmem>> -> memref<1x120xi32, #tpu.memory_space<vmem>>
    %dma_start3A_59 = tpu.memref_squeeze %dma_start3A_58 : memref<1x120xi32, #tpu.memory_space<vmem>> -> memref<120xi32, #tpu.memory_space<vmem>>
    %dma_start3A_60 = arith.constant 0 : i32
    %dma_start3A_61 = arith.constant 0 : i32
    %dma_start3A_62 = tpu.memref_slice %arg2[%dma_start3A_60, %dma_start3A_61] : memref<10240x64xi32, #tpu.memory_space<hbm>> -> memref<10240x64xi32, #tpu.memory_space<hbm>>
    tpu.enqueue_indirect_dma source(%dma_start3A_62 : memref<10240x64xi32, #tpu.memory_space<hbm>>) target(%dma_start3A_56 : memref<120x64xi32, #tpu.memory_space<vmem>>) offsets(%dma_start3A_59 : memref<120xi32, #tpu.memory_space<vmem>>) semaphore(%arg15 : memref<!tpu.dma_semaphore, #tpu.memory_space<semaphore_mem>>)
    %dma_start3A_63 = arith.constant 4 : i32
    %dma_start3A_64 = arith.constant 2 : i32
    %dma_start3A_65 = arith.constant 0 : i32
    %dma_start3A_66 = arith.constant 0 : i32
    %dma_start3A_67 = tpu.memref_slice %arg6[%dma_start3A_64, %dma_start3A_65, %dma_start3A_66] : memref<4x120x64xi32, #tpu.memory_space<vmem>> -> memref<1x120x64xi32, #tpu.memory_space<vmem>>
    %dma_start3A_68 = tpu.memref_squeeze %dma_start3A_67 : memref<1x120x64xi32, #tpu.memory_space<vmem>> -> memref<120x64xi32, #tpu.memory_space<vmem>>
    %dma_start3A_69 = arith.constant 0 : i32
    %dma_start3A_70 = tpu.memref_slice %arg5[%dma_start3A_63, %dma_start3A_69] : memref<160x120xi32, #tpu.memory_space<vmem>> -> memref<1x120xi32, #tpu.memory_space<vmem>>
    %dma_start3A_71 = tpu.memref_squeeze %dma_start3A_70 : memref<1x120xi32, #tpu.memory_space<vmem>> -> memref<120xi32, #tpu.memory_space<vmem>>
    %dma_start3A_72 = arith.constant 0 : i32
    %dma_start3A_73 = arith.constant 0 : i32
    %dma_start3A_74 = tpu.memref_slice %arg2[%dma_start3A_72, %dma_start3A_73] : memref<10240x64xi32, #tpu.memory_space<hbm>> -> memref<10240x64xi32, #tpu.memory_space<hbm>>
    tpu.enqueue_indirect_dma source(%dma_start3A_74 : memref<10240x64xi32, #tpu.memory_space<hbm>>) target(%dma_start3A_68 : memref<120x64xi32, #tpu.memory_space<vmem>>) offsets(%dma_start3A_71 : memref<120xi32, #tpu.memory_space<vmem>>) semaphore(%arg12 : memref<!tpu.dma_semaphore, #tpu.memory_space<semaphore_mem>>)
    %dma_start3A_75 = arith.constant 5 : i32
    %dma_start3A_76 = arith.constant 2 : i32
    %dma_start3A_77 = arith.constant 0 : i32
    %dma_start3A_78 = arith.constant 0 : i32
    %dma_start3A_79 = tpu.memref_slice %arg7[%dma_start3A_76, %dma_start3A_77, %dma_start3A_78] : memref<4x120x64xi32, #tpu.memory_space<vmem>> -> memref<1x120x64xi32, #tpu.memory_space<vmem>>
    %dma_start3A_80 = tpu.memref_squeeze %dma_start3A_79 : memref<1x120x64xi32, #tpu.memory_space<vmem>> -> memref<120x64xi32, #tpu.memory_space<vmem>>
    %dma_start3A_81 = arith.constant 0 : i32
    %dma_start3A_82 = tpu.memref_slice %arg5[%dma_start3A_75, %dma_start3A_81] : memref<160x120xi32, #tpu.memory_space<vmem>> -> memref<1x120xi32, #tpu.memory_space<vmem>>
    %dma_start3A_83 = tpu.memref_squeeze %dma_start3A_82 : memref<1x120xi32, #tpu.memory_space<vmem>> -> memref<120xi32, #tpu.memory_space<vmem>>
    %dma_start3A_84 = arith.constant 0 : i32
    %dma_start3A_85 = arith.constant 0 : i32
    %dma_start3A_86 = tpu.memref_slice %arg2[%dma_start3A_84, %dma_start3A_85] : memref<10240x64xi32, #tpu.memory_space<hbm>> -> memref<10240x64xi32, #tpu.memory_space<hbm>>
    tpu.enqueue_indirect_dma source(%dma_start3A_86 : memref<10240x64xi32, #tpu.memory_space<hbm>>) target(%dma_start3A_80 : memref<120x64xi32, #tpu.memory_space<vmem>>) offsets(%dma_start3A_83 : memref<120xi32, #tpu.memory_space<vmem>>) semaphore(%arg16 : memref<!tpu.dma_semaphore, #tpu.memory_space<semaphore_mem>>)
    %dma_start3A_87 = arith.constant 6 : i32
    %dma_start3A_88 = arith.constant 3 : i32
    %dma_start3A_89 = arith.constant 0 : i32
    %dma_start3A_90 = arith.constant 0 : i32
    %dma_start3A_91 = tpu.memref_slice %arg6[%dma_start3A_88, %dma_start3A_89, %dma_start3A_90] : memref<4x120x64xi32, #tpu.memory_space<vmem>> -> memref<1x120x64xi32, #tpu.memory_space<vmem>>
    %dma_start3A_92 = tpu.memref_squeeze %dma_start3A_91 : memref<1x120x64xi32, #tpu.memory_space<vmem>> -> memref<120x64xi32, #tpu.memory_space<vmem>>
    %dma_start3A_93 = arith.constant 0 : i32
    %dma_start3A_94 = tpu.memref_slice %arg5[%dma_start3A_87, %dma_start3A_93] : memref<160x120xi32, #tpu.memory_space<vmem>> -> memref<1x120xi32, #tpu.memory_space<vmem>>
    %dma_start3A_95 = tpu.memref_squeeze %dma_start3A_94 : memref<1x120xi32, #tpu.memory_space<vmem>> -> memref<120xi32, #tpu.memory_space<vmem>>
    %dma_start3A_96 = arith.constant 0 : i32
    %dma_start3A_97 = arith.constant 0 : i32
    %dma_start3A_98 = tpu.memref_slice %arg2[%dma_start3A_96, %dma_start3A_97] : memref<10240x64xi32, #tpu.memory_space<hbm>> -> memref<10240x64xi32, #tpu.memory_space<hbm>>
    tpu.enqueue_indirect_dma source(%dma_start3A_98 : memref<10240x64xi32, #tpu.memory_space<hbm>>) target(%dma_start3A_92 : memref<120x64xi32, #tpu.memory_space<vmem>>) offsets(%dma_start3A_95 : memref<120xi32, #tpu.memory_space<vmem>>) semaphore(%arg13 : memref<!tpu.dma_semaphore, #tpu.memory_space<semaphore_mem>>)
    %dma_start3A_99 = arith.constant 7 : i32
    %dma_start3A_100 = arith.constant 3 : i32
    %dma_start3A_101 = arith.constant 0 : i32
    %dma_start3A_102 = arith.constant 0 : i32
    %dma_start3A_103 = tpu.memref_slice %arg7[%dma_start3A_100, %dma_start3A_101, %dma_start3A_102] : memref<4x120x64xi32, #tpu.memory_space<vmem>> -> memref<1x120x64xi32, #tpu.memory_space<vmem>>
    %dma_start3A_104 = tpu.memref_squeeze %dma_start3A_103 : memref<1x120x64xi32, #tpu.memory_space<vmem>> -> memref<120x64xi32, #tpu.memory_space<vmem>>
    %dma_start3A_105 = arith.constant 0 : i32
    %dma_start3A_106 = tpu.memref_slice %arg5[%dma_start3A_99, %dma_start3A_105] : memref<160x120xi32, #tpu.memory_space<vmem>> -> memref<1x120xi32, #tpu.memory_space<vmem>>
    %dma_start3A_107 = tpu.memref_squeeze %dma_start3A_106 : memref<1x120xi32, #tpu.memory_space<vmem>> -> memref<120xi32, #tpu.memory_space<vmem>>
    %dma_start3A_108 = arith.constant 0 : i32
    %dma_start3A_109 = arith.constant 0 : i32
    %dma_start3A_110 = tpu.memref_slice %arg2[%dma_start3A_108, %dma_start3A_109] : memref<10240x64xi32, #tpu.memory_space<hbm>> -> memref<10240x64xi32, #tpu.memory_space<hbm>>
    tpu.enqueue_indirect_dma source(%dma_start3A_110 : memref<10240x64xi32, #tpu.memory_space<hbm>>) target(%dma_start3A_104 : memref<120x64xi32, #tpu.memory_space<vmem>>) offsets(%dma_start3A_107 : memref<120xi32, #tpu.memory_space<vmem>>) semaphore(%arg17 : memref<!tpu.dma_semaphore, #tpu.memory_space<semaphore_mem>>)
    %scan3A = arith.constant 0 : i32
    %scan3A_111 = arith.constant 20 : i32
    %scan3A_112 = arith.addi %scan3A, %scan3A_111 : i32
    %scan3A_113 = arith.constant 1 : i32
    scf.for %scan3A_175 = %scan3A to %scan3A_112 step %scan3A_113  : i32 {
      %mul3A_176 = arith.constant 4 : i32
      %mul3A_177 = arith.muli %scan3A_175, %mul3A_176 : i32
      %add3A_178 = arith.constant 0 : i32
      %add3A_179 = arith.addi %add3A_178, %mul3A_177 : i32
      %add3A_180 = arith.constant 0 : i32
      %add3A_181 = arith.addi %add3A_179, %add3A_180 : i32
      %dma_wait3A_182 = arith.constant 0 : i32
      %dma_wait3A_183 = arith.constant 0 : i32
      %dma_wait3A_184 = arith.constant 0 : i32
      %dma_wait3A_185 = arith.constant 0 : i32
      %dma_wait3A_186 = tpu.memref_slice %arg6[%dma_wait3A_183, %dma_wait3A_184, %dma_wait3A_185] : memref<4x120x64xi32, #tpu.memory_space<vmem>> -> memref<1x120x64xi32, #tpu.memory_space<vmem>>
      %dma_wait3A_187 = tpu.memref_squeeze %dma_wait3A_186 : memref<1x120x64xi32, #tpu.memory_space<vmem>> -> memref<120x64xi32, #tpu.memory_space<vmem>>
      %dma_wait3A_188 = arith.constant 0 : i32
      %dma_wait3A_189 = tpu.memref_slice %arg5[%dma_wait3A_182, %dma_wait3A_188] : memref<160x120xi32, #tpu.memory_space<vmem>> -> memref<1x120xi32, #tpu.memory_space<vmem>>
      %dma_wait3A_190 = tpu.memref_squeeze %dma_wait3A_189 : memref<1x120xi32, #tpu.memory_space<vmem>> -> memref<120xi32, #tpu.memory_space<vmem>>
      %dma_wait3A_191 = arith.constant 0 : i32
      %dma_wait3A_192 = arith.constant 0 : i32
      %dma_wait3A_193 = tpu.memref_slice %arg2[%dma_wait3A_191, %dma_wait3A_192] : memref<10240x64xi32, #tpu.memory_space<hbm>> -> memref<10240x64xi32, #tpu.memory_space<hbm>>
      tpu.wait_indirect_dma semaphore(%arg10 : memref<!tpu.dma_semaphore, #tpu.memory_space<semaphore_mem>>) src(%dma_wait3A_193 : memref<10240x64xi32, #tpu.memory_space<hbm>>) dst(%dma_wait3A_187 : memref<120x64xi32, #tpu.memory_space<vmem>>)
      %dma_wait3A_194 = arith.constant 0 : i32
      %dma_wait3A_195 = arith.constant 0 : i32
      %dma_wait3A_196 = arith.constant 0 : i32
      %dma_wait3A_197 = arith.constant 0 : i32
      %dma_wait3A_198 = tpu.memref_slice %arg7[%dma_wait3A_195, %dma_wait3A_196, %dma_wait3A_197] : memref<4x120x64xi32, #tpu.memory_space<vmem>> -> memref<1x120x64xi32, #tpu.memory_space<vmem>>
      %dma_wait3A_199 = tpu.memref_squeeze %dma_wait3A_198 : memref<1x120x64xi32, #tpu.memory_space<vmem>> -> memref<120x64xi32, #tpu.memory_space<vmem>>
      %dma_wait3A_200 = arith.constant 0 : i32
      %dma_wait3A_201 = tpu.memref_slice %arg5[%dma_wait3A_194, %dma_wait3A_200] : memref<160x120xi32, #tpu.memory_space<vmem>> -> memref<1x120xi32, #tpu.memory_space<vmem>>
      %dma_wait3A_202 = tpu.memref_squeeze %dma_wait3A_201 : memref<1x120xi32, #tpu.memory_space<vmem>> -> memref<120xi32, #tpu.memory_space<vmem>>
      %dma_wait3A_203 = arith.constant 0 : i32
      %dma_wait3A_204 = arith.constant 0 : i32
      %dma_wait3A_205 = tpu.memref_slice %arg2[%dma_wait3A_203, %dma_wait3A_204] : memref<10240x64xi32, #tpu.memory_space<hbm>> -> memref<10240x64xi32, #tpu.memory_space<hbm>>
      tpu.wait_indirect_dma semaphore(%arg14 : memref<!tpu.dma_semaphore, #tpu.memory_space<semaphore_mem>>) src(%dma_wait3A_205 : memref<10240x64xi32, #tpu.memory_space<hbm>>) dst(%dma_wait3A_199 : memref<120x64xi32, #tpu.memory_space<vmem>>)
      %ge3A = arith.constant 4 : i32
      %ge3A_206 = arith.cmpi sge, %add3A_179, %ge3A : i32
      %convert_element_type3A = arith.extui %ge3A_206 : i1 to i32
      %cond3A = arith.constant 0 : i32
      %cond3A_207 = arith.cmpi ne, %convert_element_type3A, %cond3A : i32
      scf.if %cond3A_207 {
        %dma_wait3A_420 = arith.constant 0 : i32
        %dma_wait3A_421 = arith.constant 0 : i32
        %dma_wait3A_422 = arith.constant 0 : i32
        %dma_wait3A_423 = tpu.memref_slice %arg8[%dma_wait3A_420, %dma_wait3A_421, %dma_wait3A_422] : memref<4x120x64xi32, #tpu.memory_space<vmem>> -> memref<1x120x64xi32, #tpu.memory_space<vmem>>
        %dma_wait3A_424 = tpu.memref_squeeze %dma_wait3A_423 : memref<1x120x64xi32, #tpu.memory_space<vmem>> -> memref<120x64xi32, #tpu.memory_space<vmem>>
        %dma_wait3A_425 = arith.constant 0 : i32
        %dma_wait3A_426 = arith.constant 0 : i32
        %dma_wait3A_427 = tpu.memref_slice %arg4[%dma_wait3A_425, %dma_wait3A_426] : memref<307200x64xi32, #tpu.memory_space<hbm>> -> memref<120x64xi32, #tpu.memory_space<hbm>>
        %dma_wait3A_428 = arith.constant 0 : i32
        %dma_wait3A_429 = arith.constant 0 : i32
        %dma_wait3A_430 = tpu.memref_slice %arg4[%dma_wait3A_428, %dma_wait3A_429] : memref<307200x64xi32, #tpu.memory_space<hbm>> -> memref<120x64xi32, #tpu.memory_space<hbm>>
        %dma_wait3A_431 = arith.constant 0 : i32
        %dma_wait3A_432 = arith.constant 0 : i32
        %dma_wait3A_433 = tpu.memref_slice %arg8[%dma_wait3A_420, %dma_wait3A_431, %dma_wait3A_432] : memref<4x120x64xi32, #tpu.memory_space<vmem>> -> memref<1x120x64xi32, #tpu.memory_space<vmem>>
        %dma_wait3A_434 = tpu.memref_squeeze %dma_wait3A_433 : memref<1x120x64xi32, #tpu.memory_space<vmem>> -> memref<120x64xi32, #tpu.memory_space<vmem>>
        tpu.wait_dma2 semaphore(%arg18 : memref<!tpu.dma_semaphore, #tpu.memory_space<semaphore_mem>>) src(%dma_wait3A_434 : memref<120x64xi32, #tpu.memory_space<vmem>>) dst(%dma_wait3A_430 : memref<120x64xi32, #tpu.memory_space<hbm>>)
      } else {
      }
      %scan3A_208 = arith.constant 0 : i32
      %scan3A_209 = arith.constant 30 : i32
      %scan3A_210 = arith.addi %scan3A_208, %scan3A_209 : i32
      %scan3A_211 = arith.constant 1 : i32
      scf.for %scan3A_420 = %scan3A_208 to %scan3A_210 step %scan3A_211  : i32 {
        %mul3A_421 = arith.constant 4 : i32
        %mul3A_422 = arith.muli %scan3A_420, %mul3A_421 : i32
        %add3A_423 = arith.constant 0 : i32
        %add3A_424 = arith.addi %add3A_423, %mul3A_422 : i32
        %add3A_425 = arith.constant 0 : i32
        %add3A_426 = arith.addi %add3A_424, %add3A_425 : i32
        %get3A = arith.constant 0 : i32
        %get3A_427 = arith.index_cast %get3A : i32 to index
        %get3A_428 = arith.index_cast %add3A_426 : i32 to index
        %get3A_429 = arith.constant 0 : index
        %get3A_430 = tpu.vector_load %arg6[%get3A_427, %get3A_428, %get3A_429] {strides = array<i32>} : memref<4x120x64xi32, #tpu.memory_space<vmem>>, vector<16xi32>,
        %bitcast3A = vector.bitcast %get3A_430 : vector<16xi32> to vector<32xbf16>
        %add3A_431 = arith.constant 0 : i32
        %add3A_432 = arith.addi %add3A_424, %add3A_431 : i32
        %get3A_433 = arith.constant 0 : i32
        %get3A_434 = arith.index_cast %get3A_433 : i32 to index
        %get3A_435 = arith.index_cast %add3A_432 : i32 to index
        %get3A_436 = arith.constant 0 : index
        %get3A_437 = tpu.vector_load %arg7[%get3A_434, %get3A_435, %get3A_436] {strides = array<i32>} : memref<4x120x64xi32, #tpu.memory_space<vmem>>, vector<16xi32>,
        %bitcast3A_438 = vector.bitcast %get3A_437 : vector<16xi32> to vector<32xbf16>
        %sub3A = arith.subf %bitcast3A, %bitcast3A_438 : vector<32xbf16>
        %abs3A = math.absf %sub3A : vector<32xbf16>
        %bitcast3A_439 = vector.bitcast %abs3A : vector<32xbf16> to vector<16xi32>
        %add3A_440 = arith.constant 0 : i32
        %add3A_441 = arith.addi %add3A_424, %add3A_440 : i32
        %swap3A = arith.constant 0 : i32
        %swap3A_442 = arith.index_cast %swap3A : i32 to index
        %swap3A_443 = arith.index_cast %add3A_441 : i32 to index
        %swap3A_444 = arith.constant 0 : index
        %swap3A_445 = tpu.vector_load %arg8[%swap3A_442, %swap3A_443, %swap3A_444] {strides = array<i32>} : memref<4x120x64xi32, #tpu.memory_space<vmem>>, vector<16xi32>,
        tpu.vector_store %arg8[%swap3A_442, %swap3A_443, %swap3A_444], %bitcast3A_439 {strides = array<i32>} : memref<4x120x64xi32, #tpu.memory_space<vmem>>, vector<16xi32>,
        %add3A_446 = arith.constant 0 : i32
        %add3A_447 = arith.addi %add3A_424, %add3A_446 : i32
        %get3A_448 = arith.constant 0 : i32
        %get3A_449 = arith.index_cast %get3A_448 : i32 to index
        %get3A_450 = arith.index_cast %add3A_447 : i32 to index
        %get3A_451 = arith.constant 16 : index
        %get3A_452 = tpu.vector_load %arg6[%get3A_449, %get3A_450, %get3A_451] {strides = array<i32>} : memref<4x120x64xi32, #tpu.memory_space<vmem>>, vector<16xi32>,
        %bitcast3A_453 = vector.bitcast %get3A_452 : vector<16xi32> to vector<32xbf16>
        %add3A_454 = arith.constant 0 : i32
        %add3A_455 = arith.addi %add3A_424, %add3A_454 : i32
        %get3A_456 = arith.constant 0 : i32
        %get3A_457 = arith.index_cast %get3A_456 : i32 to index
        %get3A_458 = arith.index_cast %add3A_455 : i32 to index
        %get3A_459 = arith.constant 16 : index
        %get3A_460 = tpu.vector_load %arg7[%get3A_457, %get3A_458, %get3A_459] {strides = array<i32>} : memref<4x120x64xi32, #tpu.memory_space<vmem>>, vector<16xi32>,
        %bitcast3A_461 = vector.bitcast %get3A_460 : vector<16xi32> to vector<32xbf16>
        %sub3A_462 = arith.subf %bitcast3A_453, %bitcast3A_461 : vector<32xbf16>
        %abs3A_463 = math.absf %sub3A_462 : vector<32xbf16>
        %bitcast3A_464 = vector.bitcast %abs3A_463 : vector<32xbf16> to vector<16xi32>
        %add3A_465 = arith.constant 0 : i32
        %add3A_466 = arith.addi %add3A_424, %add3A_465 : i32
        %swap3A_467 = arith.constant 0 : i32
        %swap3A_468 = arith.index_cast %swap3A_467 : i32 to index
        %swap3A_469 = arith.index_cast %add3A_466 : i32 to index
        %swap3A_470 = arith.constant 16 : index
        %swap3A_471 = tpu.vector_load %arg8[%swap3A_468, %swap3A_469, %swap3A_470] {strides = array<i32>} : memref<4x120x64xi32, #tpu.memory_space<vmem>>, vector<16xi32>,
        tpu.vector_store %arg8[%swap3A_468, %swap3A_469, %swap3A_470], %bitcast3A_464 {strides = array<i32>} : memref<4x120x64xi32, #tpu.memory_space<vmem>>, vector<16xi32>,
        %add3A_472 = arith.constant 0 : i32
        %add3A_473 = arith.addi %add3A_424, %add3A_472 : i32
        %get3A_474 = arith.constant 0 : i32
        %get3A_475 = arith.index_cast %get3A_474 : i32 to index
        %get3A_476 = arith.index_cast %add3A_473 : i32 to index
        %get3A_477 = arith.constant 32 : index
        %get3A_478 = tpu.vector_load %arg6[%get3A_475, %get3A_476, %get3A_477] {strides = array<i32>} : memref<4x120x64xi32, #tpu.memory_space<vmem>>, vector<16xi32>,
        %bitcast3A_479 = vector.bitcast %get3A_478 : vector<16xi32> to vector<32xbf16>
        %add3A_480 = arith.constant 0 : i32
        %add3A_481 = arith.addi %add3A_424, %add3A_480 : i32
        %get3A_482 = arith.constant 0 : i32
        %get3A_483 = arith.index_cast %get3A_482 : i32 to index
        %get3A_484 = arith.index_cast %add3A_481 : i32 to index
        %get3A_485 = arith.constant 32 : index
        %get3A_486 = tpu.vector_load %arg7[%get3A_483, %get3A_484, %get3A_485] {strides = array<i32>} : memref<4x120x64xi32, #tpu.memory_space<vmem>>, vector<16xi32>,
        %bitcast3A_487 = vector.bitcast %get3A_486 : vector<16xi32> to vector<32xbf16>
        %sub3A_488 = arith.subf %bitcast3A_479, %bitcast3A_487 : vector<32xbf16>
        %abs3A_489 = math.absf %sub3A_488 : vector<32xbf16>
        %bitcast3A_490 = vector.bitcast %abs3A_489 : vector<32xbf16> to vector<16xi32>
        %add3A_491 = arith.constant 0 : i32
        %add3A_492 = arith.addi %add3A_424, %add3A_491 : i32
        %swap3A_493 = arith.constant 0 : i32
        %swap3A_494 = arith.index_cast %swap3A_493 : i32 to index
        %swap3A_495 = arith.index_cast %add3A_492 : i32 to index
        %swap3A_496 = arith.constant 32 : index
        %swap3A_497 = tpu.vector_load %arg8[%swap3A_494, %swap3A_495, %swap3A_496] {strides = array<i32>} : memref<4x120x64xi32, #tpu.memory_space<vmem>>, vector<16xi32>,
        tpu.vector_store %arg8[%swap3A_494, %swap3A_495, %swap3A_496], %bitcast3A_490 {strides = array<i32>} : memref<4x120x64xi32, #tpu.memory_space<vmem>>, vector<16xi32>,
        %add3A_498 = arith.constant 0 : i32
        %add3A_499 = arith.addi %add3A_424, %add3A_498 : i32
        %get3A_500 = arith.constant 0 : i32
        %get3A_501 = arith.index_cast %get3A_500 : i32 to index
        %get3A_502 = arith.index_cast %add3A_499 : i32 to index
        %get3A_503 = arith.constant 48 : index
        %get3A_504 = tpu.vector_load %arg6[%get3A_501, %get3A_502, %get3A_503] {strides = array<i32>} : memref<4x120x64xi32, #tpu.memory_space<vmem>>, vector<16xi32>,
        %bitcast3A_505 = vector.bitcast %get3A_504 : vector<16xi32> to vector<32xbf16>
        %add3A_506 = arith.constant 0 : i32
        %add3A_507 = arith.addi %add3A_424, %add3A_506 : i32
        %get3A_508 = arith.constant 0 : i32
        %get3A_509 = arith.index_cast %get3A_508 : i32 to index
        %get3A_510 = arith.index_cast %add3A_507 : i32 to index
        %get3A_511 = arith.constant 48 : index
        %get3A_512 = tpu.vector_load %arg7[%get3A_509, %get3A_510, %get3A_511] {strides = array<i32>} : memref<4x120x64xi32, #tpu.memory_space<vmem>>, vector<16xi32>,
        %bitcast3A_513 = vector.bitcast %get3A_512 : vector<16xi32> to vector<32xbf16>
        %sub3A_514 = arith.subf %bitcast3A_505, %bitcast3A_513 : vector<32xbf16>
        %abs3A_515 = math.absf %sub3A_514 : vector<32xbf16>
        %bitcast3A_516 = vector.bitcast %abs3A_515 : vector<32xbf16> to vector<16xi32>
        %add3A_517 = arith.constant 0 : i32
        %add3A_518 = arith.addi %add3A_424, %add3A_517 : i32
        %swap3A_519 = arith.constant 0 : i32
        %swap3A_520 = arith.index_cast %swap3A_519 : i32 to index
        %swap3A_521 = arith.index_cast %add3A_518 : i32 to index
        %swap3A_522 = arith.constant 48 : index
        %swap3A_523 = tpu.vector_load %arg8[%swap3A_520, %swap3A_521, %swap3A_522] {strides = array<i32>} : memref<4x120x64xi32, #tpu.memory_space<vmem>>, vector<16xi32>,
        tpu.vector_store %arg8[%swap3A_520, %swap3A_521, %swap3A_522], %bitcast3A_516 {strides = array<i32>} : memref<4x120x64xi32, #tpu.memory_space<vmem>>, vector<16xi32>,
        %add3A_524 = arith.constant 1 : i32
        %add3A_525 = arith.addi %add3A_424, %add3A_524 : i32
        %get3A_526 = arith.constant 0 : i32
        %get3A_527 = arith.index_cast %get3A_526 : i32 to index
        %get3A_528 = arith.index_cast %add3A_525 : i32 to index
        %get3A_529 = arith.constant 0 : index
        %get3A_530 = tpu.vector_load %arg6[%get3A_527, %get3A_528, %get3A_529] {strides = array<i32>} : memref<4x120x64xi32, #tpu.memory_space<vmem>>, vector<16xi32>,
        %bitcast3A_531 = vector.bitcast %get3A_530 : vector<16xi32> to vector<32xbf16>
        %add3A_532 = arith.constant 1 : i32
        %add3A_533 = arith.addi %add3A_424, %add3A_532 : i32
        %get3A_534 = arith.constant 0 : i32
        %get3A_535 = arith.index_cast %get3A_534 : i32 to index
        %get3A_536 = arith.index_cast %add3A_533 : i32 to index
        %get3A_537 = arith.constant 0 : index
        %get3A_538 = tpu.vector_load %arg7[%get3A_535, %get3A_536, %get3A_537] {strides = array<i32>} : memref<4x120x64xi32, #tpu.memory_space<vmem>>, vector<16xi32>,
        %bitcast3A_539 = vector.bitcast %get3A_538 : vector<16xi32> to vector<32xbf16>
        %sub3A_540 = arith.subf %bitcast3A_531, %bitcast3A_539 : vector<32xbf16>
        %abs3A_541 = math.absf %sub3A_540 : vector<32xbf16>
        %bitcast3A_542 = vector.bitcast %abs3A_541 : vector<32xbf16> to vector<16xi32>
        %add3A_543 = arith.constant 1 : i32
        %add3A_544 = arith.addi %add3A_424, %add3A_543 : i32
        %swap3A_545 = arith.constant 0 : i32
        %swap3A_546 = arith.index_cast %swap3A_545 : i32 to index
        %swap3A_547 = arith.index_cast %add3A_544 : i32 to index
        %swap3A_548 = arith.constant 0 : index
        %swap3A_549 = tpu.vector_load %arg8[%swap3A_546, %swap3A_547, %swap3A_548] {strides = array<i32>} : memref<4x120x64xi32, #tpu.memory_space<vmem>>, vector<16xi32>,
        tpu.vector_store %arg8[%swap3A_546, %swap3A_547, %swap3A_548], %bitcast3A_542 {strides = array<i32>} : memref<4x120x64xi32, #tpu.memory_space<vmem>>, vector<16xi32>,
        %add3A_550 = arith.constant 1 : i32
        %add3A_551 = arith.addi %add3A_424, %add3A_550 : i32
        %get3A_552 = arith.constant 0 : i32
        %get3A_553 = arith.index_cast %get3A_552 : i32 to index
        %get3A_554 = arith.index_cast %add3A_551 : i32 to index
        %get3A_555 = arith.constant 16 : index
        %get3A_556 = tpu.vector_load %arg6[%get3A_553, %get3A_554, %get3A_555] {strides = array<i32>} : memref<4x120x64xi32, #tpu.memory_space<vmem>>, vector<16xi32>,
        %bitcast3A_557 = vector.bitcast %get3A_556 : vector<16xi32> to vector<32xbf16>
        %add3A_558 = arith.constant 1 : i32
        %add3A_559 = arith.addi %add3A_424, %add3A_558 : i32
        %get3A_560 = arith.constant 0 : i32
        %get3A_561 = arith.index_cast %get3A_560 : i32 to index
        %get3A_562 = arith.index_cast %add3A_559 : i32 to index
        %get3A_563 = arith.constant 16 : index
        %get3A_564 = tpu.vector_load %arg7[%get3A_561, %get3A_562, %get3A_563] {strides = array<i32>} : memref<4x120x64xi32, #tpu.memory_space<vmem>>, vector<16xi32>,
        %bitcast3A_565 = vector.bitcast %get3A_564 : vector<16xi32> to vector<32xbf16>
        %sub3A_566 = arith.subf %bitcast3A_557, %bitcast3A_565 : vector<32xbf16>
        %abs3A_567 = math.absf %sub3A_566 : vector<32xbf16>
        %bitcast3A_568 = vector.bitcast %abs3A_567 : vector<32xbf16> to vector<16xi32>
        %add3A_569 = arith.constant 1 : i32
        %add3A_570 = arith.addi %add3A_424, %add3A_569 : i32
        %swap3A_571 = arith.constant 0 : i32
        %swap3A_572 = arith.index_cast %swap3A_571 : i32 to index
        %swap3A_573 = arith.index_cast %add3A_570 : i32 to index
        %swap3A_574 = arith.constant 16 : index
        %swap3A_575 = tpu.vector_load %arg8[%swap3A_572, %swap3A_573, %swap3A_574] {strides = array<i32>} : memref<4x120x64xi32, #tpu.memory_space<vmem>>, vector<16xi32>,
        tpu.vector_store %arg8[%swap3A_572, %swap3A_573, %swap3A_574], %bitcast3A_568 {strides = array<i32>} : memref<4x120x64xi32, #tpu.memory_space<vmem>>, vector<16xi32>,
        %add3A_576 = arith.constant 1 : i32
        %add3A_577 = arith.addi %add3A_424, %add3A_576 : i32
        %get3A_578 = arith.constant 0 : i32
        %get3A_579 = arith.index_cast %get3A_578 : i32 to index
        %get3A_580 = arith.index_cast %add3A_577 : i32 to index
        %get3A_581 = arith.constant 32 : index
        %get3A_582 = tpu.vector_load %arg6[%get3A_579, %get3A_580, %get3A_581] {strides = array<i32>} : memref<4x120x64xi32, #tpu.memory_space<vmem>>, vector<16xi32>,
        %bitcast3A_583 = vector.bitcast %get3A_582 : vector<16xi32> to vector<32xbf16>
        %add3A_584 = arith.constant 1 : i32
        %add3A_585 = arith.addi %add3A_424, %add3A_584 : i32
        %get3A_586 = arith.constant 0 : i32
        %get3A_587 = arith.index_cast %get3A_586 : i32 to index
        %get3A_588 = arith.index_cast %add3A_585 : i32 to index
        %get3A_589 = arith.constant 32 : index
        %get3A_590 = tpu.vector_load %arg7[%get3A_587, %get3A_588, %get3A_589] {strides = array<i32>} : memref<4x120x64xi32, #tpu.memory_space<vmem>>, vector<16xi32>,
        %bitcast3A_591 = vector.bitcast %get3A_590 : vector<16xi32> to vector<32xbf16>
        %sub3A_592 = arith.subf %bitcast3A_583, %bitcast3A_591 : vector<32xbf16>
        %abs3A_593 = math.absf %sub3A_592 : vector<32xbf16>
        %bitcast3A_594 = vector.bitcast %abs3A_593 : vector<32xbf16> to vector<16xi32>
        %add3A_595 = arith.constant 1 : i32
        %add3A_596 = arith.addi %add3A_424, %add3A_595 : i32
        %swap3A_597 = arith.constant 0 : i32
        %swap3A_598 = arith.index_cast %swap3A_597 : i32 to index
        %swap3A_599 = arith.index_cast %add3A_596 : i32 to index
        %swap3A_600 = arith.constant 32 : index
        %swap3A_601 = tpu.vector_load %arg8[%swap3A_598, %swap3A_599, %swap3A_600] {strides = array<i32>} : memref<4x120x64xi32, #tpu.memory_space<vmem>>, vector<16xi32>,
        tpu.vector_store %arg8[%swap3A_598, %swap3A_599, %swap3A_600], %bitcast3A_594 {strides = array<i32>} : memref<4x120x64xi32, #tpu.memory_space<vmem>>, vector<16xi32>,
        %add3A_602 = arith.constant 1 : i32
        %add3A_603 = arith.addi %add3A_424, %add3A_602 : i32
        %get3A_604 = arith.constant 0 : i32
        %get3A_605 = arith.index_cast %get3A_604 : i32 to index
        %get3A_606 = arith.index_cast %add3A_603 : i32 to index
        %get3A_607 = arith.constant 48 : index
        %get3A_608 = tpu.vector_load %arg6[%get3A_605, %get3A_606, %get3A_607] {strides = array<i32>} : memref<4x120x64xi32, #tpu.memory_space<vmem>>, vector<16xi32>,
        %bitcast3A_609 = vector.bitcast %get3A_608 : vector<16xi32> to vector<32xbf16>
        %add3A_610 = arith.constant 1 : i32
        %add3A_611 = arith.addi %add3A_424, %add3A_610 : i32
        %get3A_612 = arith.constant 0 : i32
        %get3A_613 = arith.index_cast %get3A_612 : i32 to index
        %get3A_614 = arith.index_cast %add3A_611 : i32 to index
        %get3A_615 = arith.constant 48 : index
        %get3A_616 = tpu.vector_load %arg7[%get3A_613, %get3A_614, %get3A_615] {strides = array<i32>} : memref<4x120x64xi32, #tpu.memory_space<vmem>>, vector<16xi32>,
        %bitcast3A_617 = vector.bitcast %get3A_616 : vector<16xi32> to vector<32xbf16>
        %sub3A_618 = arith.subf %bitcast3A_609, %bitcast3A_617 : vector<32xbf16>
        %abs3A_619 = math.absf %sub3A_618 : vector<32xbf16>
        %bitcast3A_620 = vector.bitcast %abs3A_619 : vector<32xbf16> to vector<16xi32>
        %add3A_621 = arith.constant 1 : i32
        %add3A_622 = arith.addi %add3A_424, %add3A_621 : i32
        %swap3A_623 = arith.constant 0 : i32
        %swap3A_624 = arith.index_cast %swap3A_623 : i32 to index
        %swap3A_625 = arith.index_cast %add3A_622 : i32 to index
        %swap3A_626 = arith.constant 48 : index
        %swap3A_627 = tpu.vector_load %arg8[%swap3A_624, %swap3A_625, %swap3A_626] {strides = array<i32>} : memref<4x120x64xi32, #tpu.memory_space<vmem>>, vector<16xi32>,
        tpu.vector_store %arg8[%swap3A_624, %swap3A_625, %swap3A_626], %bitcast3A_620 {strides = array<i32>} : memref<4x120x64xi32, #tpu.memory_space<vmem>>, vector<16xi32>,
        %add3A_628 = arith.constant 2 : i32
        %add3A_629 = arith.addi %add3A_424, %add3A_628 : i32
        %get3A_630 = arith.constant 0 : i32
        %get3A_631 = arith.index_cast %get3A_630 : i32 to index
        %get3A_632 = arith.index_cast %add3A_629 : i32 to index
        %get3A_633 = arith.constant 0 : index
        %get3A_634 = tpu.vector_load %arg6[%get3A_631, %get3A_632, %get3A_633] {strides = array<i32>} : memref<4x120x64xi32, #tpu.memory_space<vmem>>, vector<16xi32>,
        %bitcast3A_635 = vector.bitcast %get3A_634 : vector<16xi32> to vector<32xbf16>
        %add3A_636 = arith.constant 2 : i32
        %add3A_637 = arith.addi %add3A_424, %add3A_636 : i32
        %get3A_638 = arith.constant 0 : i32
        %get3A_639 = arith.index_cast %get3A_638 : i32 to index
        %get3A_640 = arith.index_cast %add3A_637 : i32 to index
        %get3A_641 = arith.constant 0 : index
        %get3A_642 = tpu.vector_load %arg7[%get3A_639, %get3A_640, %get3A_641] {strides = array<i32>} : memref<4x120x64xi32, #tpu.memory_space<vmem>>, vector<16xi32>,
        %bitcast3A_643 = vector.bitcast %get3A_642 : vector<16xi32> to vector<32xbf16>
        %sub3A_644 = arith.subf %bitcast3A_635, %bitcast3A_643 : vector<32xbf16>
        %abs3A_645 = math.absf %sub3A_644 : vector<32xbf16>
        %bitcast3A_646 = vector.bitcast %abs3A_645 : vector<32xbf16> to vector<16xi32>
        %add3A_647 = arith.constant 2 : i32
        %add3A_648 = arith.addi %add3A_424, %add3A_647 : i32
        %swap3A_649 = arith.constant 0 : i32
        %swap3A_650 = arith.index_cast %swap3A_649 : i32 to index
        %swap3A_651 = arith.index_cast %add3A_648 : i32 to index
        %swap3A_652 = arith.constant 0 : index
        %swap3A_653 = tpu.vector_load %arg8[%swap3A_650, %swap3A_651, %swap3A_652] {strides = array<i32>} : memref<4x120x64xi32, #tpu.memory_space<vmem>>, vector<16xi32>,
        tpu.vector_store %arg8[%swap3A_650, %swap3A_651, %swap3A_652], %bitcast3A_646 {strides = array<i32>} : memref<4x120x64xi32, #tpu.memory_space<vmem>>, vector<16xi32>,
        %add3A_654 = arith.constant 2 : i32
        %add3A_655 = arith.addi %add3A_424, %add3A_654 : i32
        %get3A_656 = arith.constant 0 : i32
        %get3A_657 = arith.index_cast %get3A_656 : i32 to index
        %get3A_658 = arith.index_cast %add3A_655 : i32 to index
        %get3A_659 = arith.constant 16 : index
        %get3A_660 = tpu.vector_load %arg6[%get3A_657, %get3A_658, %get3A_659] {strides = array<i32>} : memref<4x120x64xi32, #tpu.memory_space<vmem>>, vector<16xi32>,
        %bitcast3A_661 = vector.bitcast %get3A_660 : vector<16xi32> to vector<32xbf16>
        %add3A_662 = arith.constant 2 : i32
        %add3A_663 = arith.addi %add3A_424, %add3A_662 : i32
        %get3A_664 = arith.constant 0 : i32
        %get3A_665 = arith.index_cast %get3A_664 : i32 to index
        %get3A_666 = arith.index_cast %add3A_663 : i32 to index
        %get3A_667 = arith.constant 16 : index
        %get3A_668 = tpu.vector_load %arg7[%get3A_665, %get3A_666, %get3A_667] {strides = array<i32>} : memref<4x120x64xi32, #tpu.memory_space<vmem>>, vector<16xi32>,
        %bitcast3A_669 = vector.bitcast %get3A_668 : vector<16xi32> to vector<32xbf16>
        %sub3A_670 = arith.subf %bitcast3A_661, %bitcast3A_669 : vector<32xbf16>
        %abs3A_671 = math.absf %sub3A_670 : vector<32xbf16>
        %bitcast3A_672 = vector.bitcast %abs3A_671 : vector<32xbf16> to vector<16xi32>
        %add3A_673 = arith.constant 2 : i32
        %add3A_674 = arith.addi %add3A_424, %add3A_673 : i32
        %swap3A_675 = arith.constant 0 : i32
        %swap3A_676 = arith.index_cast %swap3A_675 : i32 to index
        %swap3A_677 = arith.index_cast %add3A_674 : i32 to index
        %swap3A_678 = arith.constant 16 : index
        %swap3A_679 = tpu.vector_load %arg8[%swap3A_676, %swap3A_677, %swap3A_678] {strides = array<i32>} : memref<4x120x64xi32, #tpu.memory_space<vmem>>, vector<16xi32>,
        tpu.vector_store %arg8[%swap3A_676, %swap3A_677, %swap3A_678], %bitcast3A_672 {strides = array<i32>} : memref<4x120x64xi32, #tpu.memory_space<vmem>>, vector<16xi32>,
        %add3A_680 = arith.constant 2 : i32
        %add3A_681 = arith.addi %add3A_424, %add3A_680 : i32
        %get3A_682 = arith.constant 0 : i32
        %get3A_683 = arith.index_cast %get3A_682 : i32 to index
        %get3A_684 = arith.index_cast %add3A_681 : i32 to index
        %get3A_685 = arith.constant 32 : index
        %get3A_686 = tpu.vector_load %arg6[%get3A_683, %get3A_684, %get3A_685] {strides = array<i32>} : memref<4x120x64xi32, #tpu.memory_space<vmem>>, vector<16xi32>,
        %bitcast3A_687 = vector.bitcast %get3A_686 : vector<16xi32> to vector<32xbf16>
        %add3A_688 = arith.constant 2 : i32
        %add3A_689 = arith.addi %add3A_424, %add3A_688 : i32
        %get3A_690 = arith.constant 0 : i32
        %get3A_691 = arith.index_cast %get3A_690 : i32 to index
        %get3A_692 = arith.index_cast %add3A_689 : i32 to index
        %get3A_693 = arith.constant 32 : index
        %get3A_694 = tpu.vector_load %arg7[%get3A_691, %get3A_692, %get3A_693] {strides = array<i32>} : memref<4x120x64xi32, #tpu.memory_space<vmem>>, vector<16xi32>,
        %bitcast3A_695 = vector.bitcast %get3A_694 : vector<16xi32> to vector<32xbf16>
        %sub3A_696 = arith.subf %bitcast3A_687, %bitcast3A_695 : vector<32xbf16>
        %abs3A_697 = math.absf %sub3A_696 : vector<32xbf16>
        %bitcast3A_698 = vector.bitcast %abs3A_697 : vector<32xbf16> to vector<16xi32>
        %add3A_699 = arith.constant 2 : i32
        %add3A_700 = arith.addi %add3A_424, %add3A_699 : i32
        %swap3A_701 = arith.constant 0 : i32
        %swap3A_702 = arith.index_cast %swap3A_701 : i32 to index
        %swap3A_703 = arith.index_cast %add3A_700 : i32 to index
        %swap3A_704 = arith.constant 32 : index
        %swap3A_705 = tpu.vector_load %arg8[%swap3A_702, %swap3A_703, %swap3A_704] {strides = array<i32>} : memref<4x120x64xi32, #tpu.memory_space<vmem>>, vector<16xi32>,
        tpu.vector_store %arg8[%swap3A_702, %swap3A_703, %swap3A_704], %bitcast3A_698 {strides = array<i32>} : memref<4x120x64xi32, #tpu.memory_space<vmem>>, vector<16xi32>,
        %add3A_706 = arith.constant 2 : i32
        %add3A_707 = arith.addi %add3A_424, %add3A_706 : i32
        %get3A_708 = arith.constant 0 : i32
        %get3A_709 = arith.index_cast %get3A_708 : i32 to index
        %get3A_710 = arith.index_cast %add3A_707 : i32 to index
        %get3A_711 = arith.constant 48 : index
        %get3A_712 = tpu.vector_load %arg6[%get3A_709, %get3A_710, %get3A_711] {strides = array<i32>} : memref<4x120x64xi32, #tpu.memory_space<vmem>>, vector<16xi32>,
        %bitcast3A_713 = vector.bitcast %get3A_712 : vector<16xi32> to vector<32xbf16>
        %add3A_714 = arith.constant 2 : i32
        %add3A_715 = arith.addi %add3A_424, %add3A_714 : i32
        %get3A_716 = arith.constant 0 : i32
        %get3A_717 = arith.index_cast %get3A_716 : i32 to index
        %get3A_718 = arith.index_cast %add3A_715 : i32 to index
        %get3A_719 = arith.constant 48 : index
        %get3A_720 = tpu.vector_load %arg7[%get3A_717, %get3A_718, %get3A_719] {strides = array<i32>} : memref<4x120x64xi32, #tpu.memory_space<vmem>>, vector<16xi32>,
        %bitcast3A_721 = vector.bitcast %get3A_720 : vector<16xi32> to vector<32xbf16>
        %sub3A_722 = arith.subf %bitcast3A_713, %bitcast3A_721 : vector<32xbf16>
        %abs3A_723 = math.absf %sub3A_722 : vector<32xbf16>
        %bitcast3A_724 = vector.bitcast %abs3A_723 : vector<32xbf16> to vector<16xi32>
        %add3A_725 = arith.constant 2 : i32
        %add3A_726 = arith.addi %add3A_424, %add3A_725 : i32
        %swap3A_727 = arith.constant 0 : i32
        %swap3A_728 = arith.index_cast %swap3A_727 : i32 to index
        %swap3A_729 = arith.index_cast %add3A_726 : i32 to index
        %swap3A_730 = arith.constant 48 : index
        %swap3A_731 = tpu.vector_load %arg8[%swap3A_728, %swap3A_729, %swap3A_730] {strides = array<i32>} : memref<4x120x64xi32, #tpu.memory_space<vmem>>, vector<16xi32>,
        tpu.vector_store %arg8[%swap3A_728, %swap3A_729, %swap3A_730], %bitcast3A_724 {strides = array<i32>} : memref<4x120x64xi32, #tpu.memory_space<vmem>>, vector<16xi32>,
        %add3A_732 = arith.constant 3 : i32
        %add3A_733 = arith.addi %add3A_424, %add3A_732 : i32
        %get3A_734 = arith.constant 0 : i32
        %get3A_735 = arith.index_cast %get3A_734 : i32 to index
        %get3A_736 = arith.index_cast %add3A_733 : i32 to index
        %get3A_737 = arith.constant 0 : index
        %get3A_738 = tpu.vector_load %arg6[%get3A_735, %get3A_736, %get3A_737] {strides = array<i32>} : memref<4x120x64xi32, #tpu.memory_space<vmem>>, vector<16xi32>,
        %bitcast3A_739 = vector.bitcast %get3A_738 : vector<16xi32> to vector<32xbf16>
        %add3A_740 = arith.constant 3 : i32
        %add3A_741 = arith.addi %add3A_424, %add3A_740 : i32
        %get3A_742 = arith.constant 0 : i32
        %get3A_743 = arith.index_cast %get3A_742 : i32 to index
        %get3A_744 = arith.index_cast %add3A_741 : i32 to index
        %get3A_745 = arith.constant 0 : index
        %get3A_746 = tpu.vector_load %arg7[%get3A_743, %get3A_744, %get3A_745] {strides = array<i32>} : memref<4x120x64xi32, #tpu.memory_space<vmem>>, vector<16xi32>,
        %bitcast3A_747 = vector.bitcast %get3A_746 : vector<16xi32> to vector<32xbf16>
        %sub3A_748 = arith.subf %bitcast3A_739, %bitcast3A_747 : vector<32xbf16>
        %abs3A_749 = math.absf %sub3A_748 : vector<32xbf16>
        %bitcast3A_750 = vector.bitcast %abs3A_749 : vector<32xbf16> to vector<16xi32>
        %add3A_751 = arith.constant 3 : i32
        %add3A_752 = arith.addi %add3A_424, %add3A_751 : i32
        %swap3A_753 = arith.constant 0 : i32
        %swap3A_754 = arith.index_cast %swap3A_753 : i32 to index
        %swap3A_755 = arith.index_cast %add3A_752 : i32 to index
        %swap3A_756 = arith.constant 0 : index
        %swap3A_757 = tpu.vector_load %arg8[%swap3A_754, %swap3A_755, %swap3A_756] {strides = array<i32>} : memref<4x120x64xi32, #tpu.memory_space<vmem>>, vector<16xi32>,
        tpu.vector_store %arg8[%swap3A_754, %swap3A_755, %swap3A_756], %bitcast3A_750 {strides = array<i32>} : memref<4x120x64xi32, #tpu.memory_space<vmem>>, vector<16xi32>,
        %add3A_758 = arith.constant 3 : i32
        %add3A_759 = arith.addi %add3A_424, %add3A_758 : i32
        %get3A_760 = arith.constant 0 : i32
        %get3A_761 = arith.index_cast %get3A_760 : i32 to index
        %get3A_762 = arith.index_cast %add3A_759 : i32 to index
        %get3A_763 = arith.constant 16 : index
        %get3A_764 = tpu.vector_load %arg6[%get3A_761, %get3A_762, %get3A_763] {strides = array<i32>} : memref<4x120x64xi32, #tpu.memory_space<vmem>>, vector<16xi32>,
        %bitcast3A_765 = vector.bitcast %get3A_764 : vector<16xi32> to vector<32xbf16>
        %add3A_766 = arith.constant 3 : i32
        %add3A_767 = arith.addi %add3A_424, %add3A_766 : i32
        %get3A_768 = arith.constant 0 : i32
        %get3A_769 = arith.index_cast %get3A_768 : i32 to index
        %get3A_770 = arith.index_cast %add3A_767 : i32 to index
        %get3A_771 = arith.constant 16 : index
        %get3A_772 = tpu.vector_load %arg7[%get3A_769, %get3A_770, %get3A_771] {strides = array<i32>} : memref<4x120x64xi32, #tpu.memory_space<vmem>>, vector<16xi32>,
        %bitcast3A_773 = vector.bitcast %get3A_772 : vector<16xi32> to vector<32xbf16>
        %sub3A_774 = arith.subf %bitcast3A_765, %bitcast3A_773 : vector<32xbf16>
        %abs3A_775 = math.absf %sub3A_774 : vector<32xbf16>
        %bitcast3A_776 = vector.bitcast %abs3A_775 : vector<32xbf16> to vector<16xi32>
        %add3A_777 = arith.constant 3 : i32
        %add3A_778 = arith.addi %add3A_424, %add3A_777 : i32
        %swap3A_779 = arith.constant 0 : i32
        %swap3A_780 = arith.index_cast %swap3A_779 : i32 to index
        %swap3A_781 = arith.index_cast %add3A_778 : i32 to index
        %swap3A_782 = arith.constant 16 : index
        %swap3A_783 = tpu.vector_load %arg8[%swap3A_780, %swap3A_781, %swap3A_782] {strides = array<i32>} : memref<4x120x64xi32, #tpu.memory_space<vmem>>, vector<16xi32>,
        tpu.vector_store %arg8[%swap3A_780, %swap3A_781, %swap3A_782], %bitcast3A_776 {strides = array<i32>} : memref<4x120x64xi32, #tpu.memory_space<vmem>>, vector<16xi32>,
        %add3A_784 = arith.constant 3 : i32
        %add3A_785 = arith.addi %add3A_424, %add3A_784 : i32
        %get3A_786 = arith.constant 0 : i32
        %get3A_787 = arith.index_cast %get3A_786 : i32 to index
        %get3A_788 = arith.index_cast %add3A_785 : i32 to index
        %get3A_789 = arith.constant 32 : index
        %get3A_790 = tpu.vector_load %arg6[%get3A_787, %get3A_788, %get3A_789] {strides = array<i32>} : memref<4x120x64xi32, #tpu.memory_space<vmem>>, vector<16xi32>,
        %bitcast3A_791 = vector.bitcast %get3A_790 : vector<16xi32> to vector<32xbf16>
        %add3A_792 = arith.constant 3 : i32
        %add3A_793 = arith.addi %add3A_424, %add3A_792 : i32
        %get3A_794 = arith.constant 0 : i32
        %get3A_795 = arith.index_cast %get3A_794 : i32 to index
        %get3A_796 = arith.index_cast %add3A_793 : i32 to index
        %get3A_797 = arith.constant 32 : index
        %get3A_798 = tpu.vector_load %arg7[%get3A_795, %get3A_796, %get3A_797] {strides = array<i32>} : memref<4x120x64xi32, #tpu.memory_space<vmem>>, vector<16xi32>,
        %bitcast3A_799 = vector.bitcast %get3A_798 : vector<16xi32> to vector<32xbf16>
        %sub3A_800 = arith.subf %bitcast3A_791, %bitcast3A_799 : vector<32xbf16>
        %abs3A_801 = math.absf %sub3A_800 : vector<32xbf16>
        %bitcast3A_802 = vector.bitcast %abs3A_801 : vector<32xbf16> to vector<16xi32>
        %add3A_803 = arith.constant 3 : i32
        %add3A_804 = arith.addi %add3A_424, %add3A_803 : i32
        %swap3A_805 = arith.constant 0 : i32
        %swap3A_806 = arith.index_cast %swap3A_805 : i32 to index
        %swap3A_807 = arith.index_cast %add3A_804 : i32 to index
        %swap3A_808 = arith.constant 32 : index
        %swap3A_809 = tpu.vector_load %arg8[%swap3A_806, %swap3A_807, %swap3A_808] {strides = array<i32>} : memref<4x120x64xi32, #tpu.memory_space<vmem>>, vector<16xi32>,
        tpu.vector_store %arg8[%swap3A_806, %swap3A_807, %swap3A_808], %bitcast3A_802 {strides = array<i32>} : memref<4x120x64xi32, #tpu.memory_space<vmem>>, vector<16xi32>,
        %add3A_810 = arith.constant 3 : i32
        %add3A_811 = arith.addi %add3A_424, %add3A_810 : i32
        %get3A_812 = arith.constant 0 : i32
        %get3A_813 = arith.index_cast %get3A_812 : i32 to index
        %get3A_814 = arith.index_cast %add3A_811 : i32 to index
        %get3A_815 = arith.constant 48 : index
        %get3A_816 = tpu.vector_load %arg6[%get3A_813, %get3A_814, %get3A_815] {strides = array<i32>} : memref<4x120x64xi32, #tpu.memory_space<vmem>>, vector<16xi32>,
        %bitcast3A_817 = vector.bitcast %get3A_816 : vector<16xi32> to vector<32xbf16>
        %add3A_818 = arith.constant 3 : i32
        %add3A_819 = arith.addi %add3A_424, %add3A_818 : i32
        %get3A_820 = arith.constant 0 : i32
        %get3A_821 = arith.index_cast %get3A_820 : i32 to index
        %get3A_822 = arith.index_cast %add3A_819 : i32 to index
        %get3A_823 = arith.constant 48 : index
        %get3A_824 = tpu.vector_load %arg7[%get3A_821, %get3A_822, %get3A_823] {strides = array<i32>} : memref<4x120x64xi32, #tpu.memory_space<vmem>>, vector<16xi32>,
        %bitcast3A_825 = vector.bitcast %get3A_824 : vector<16xi32> to vector<32xbf16>
        %sub3A_826 = arith.subf %bitcast3A_817, %bitcast3A_825 : vector<32xbf16>
        %abs3A_827 = math.absf %sub3A_826 : vector<32xbf16>
        %bitcast3A_828 = vector.bitcast %abs3A_827 : vector<32xbf16> to vector<16xi32>
        %add3A_829 = arith.constant 3 : i32
        %add3A_830 = arith.addi %add3A_424, %add3A_829 : i32
        %swap3A_831 = arith.constant 0 : i32
        %swap3A_832 = arith.index_cast %swap3A_831 : i32 to index
        %swap3A_833 = arith.index_cast %add3A_830 : i32 to index
        %swap3A_834 = arith.constant 48 : index
        %swap3A_835 = tpu.vector_load %arg8[%swap3A_832, %swap3A_833, %swap3A_834] {strides = array<i32>} : memref<4x120x64xi32, #tpu.memory_space<vmem>>, vector<16xi32>,
        tpu.vector_store %arg8[%swap3A_832, %swap3A_833, %swap3A_834], %bitcast3A_828 {strides = array<i32>} : memref<4x120x64xi32, #tpu.memory_space<vmem>>, vector<16xi32>,
      }
      %scan3A_212 = arith.constant 30 : i32
      %add3A_213 = arith.constant 4 : i32
      %add3A_214 = arith.addi %add3A_181, %add3A_213 : i32
      %lt3A = arith.constant 80 : i32
      %lt3A_215 = arith.cmpi slt, %add3A_214, %lt3A : i32
      %convert_element_type3A_216 = arith.extui %lt3A_215 : i1 to i32
      %cond3A_217 = arith.constant 0 : i32
      %cond3A_218 = arith.cmpi ne, %convert_element_type3A_216, %cond3A_217 : i32
      scf.if %cond3A_218 {
        %add3A_420 = arith.constant 4 : i32
        %add3A_421 = arith.addi %add3A_181, %add3A_420 : i32
        %mul3A_422 = arith.constant 2 : i32
        %mul3A_423 = arith.muli %mul3A_422, %add3A_421 : i32
        %dma_start3A_424 = arith.constant 0 : i32
        %dma_start3A_425 = arith.constant 0 : i32
        %dma_start3A_426 = arith.constant 0 : i32
        %dma_start3A_427 = tpu.memref_slice %arg6[%dma_start3A_424, %dma_start3A_425, %dma_start3A_426] : memref<4x120x64xi32, #tpu.memory_space<vmem>> -> memref<1x120x64xi32, #tpu.memory_space<vmem>>
        %dma_start3A_428 = tpu.memref_squeeze %dma_start3A_427 : memref<1x120x64xi32, #tpu.memory_space<vmem>> -> memref<120x64xi32, #tpu.memory_space<vmem>>
        %dma_start3A_429 = arith.constant 0 : i32
        %dma_start3A_430 = tpu.memref_slice %arg5[%mul3A_423, %dma_start3A_429] : memref<160x120xi32, #tpu.memory_space<vmem>> -> memref<1x120xi32, #tpu.memory_space<vmem>>
        %dma_start3A_431 = tpu.memref_squeeze %dma_start3A_430 : memref<1x120xi32, #tpu.memory_space<vmem>> -> memref<120xi32, #tpu.memory_space<vmem>>
        %dma_start3A_432 = arith.constant 0 : i32
        %dma_start3A_433 = arith.constant 0 : i32
        %dma_start3A_434 = tpu.memref_slice %arg2[%dma_start3A_432, %dma_start3A_433] : memref<10240x64xi32, #tpu.memory_space<hbm>> -> memref<10240x64xi32, #tpu.memory_space<hbm>>
        tpu.enqueue_indirect_dma source(%dma_start3A_434 : memref<10240x64xi32, #tpu.memory_space<hbm>>) target(%dma_start3A_428 : memref<120x64xi32, #tpu.memory_space<vmem>>) offsets(%dma_start3A_431 : memref<120xi32, #tpu.memory_space<vmem>>) semaphore(%arg10 : memref<!tpu.dma_semaphore, #tpu.memory_space<semaphore_mem>>)
        %mul3A_435 = arith.constant 2 : i32
        %mul3A_436 = arith.muli %mul3A_435, %add3A_421 : i32
        %add3A_437 = arith.constant 1 : i32
        %add3A_438 = arith.addi %mul3A_436, %add3A_437 : i32
        %dma_start3A_439 = arith.constant 0 : i32
        %dma_start3A_440 = arith.constant 0 : i32
        %dma_start3A_441 = arith.constant 0 : i32
        %dma_start3A_442 = tpu.memref_slice %arg7[%dma_start3A_439, %dma_start3A_440, %dma_start3A_441] : memref<4x120x64xi32, #tpu.memory_space<vmem>> -> memref<1x120x64xi32, #tpu.memory_space<vmem>>
        %dma_start3A_443 = tpu.memref_squeeze %dma_start3A_442 : memref<1x120x64xi32, #tpu.memory_space<vmem>> -> memref<120x64xi32, #tpu.memory_space<vmem>>
        %dma_start3A_444 = arith.constant 0 : i32
        %dma_start3A_445 = tpu.memref_slice %arg5[%add3A_438, %dma_start3A_444] : memref<160x120xi32, #tpu.memory_space<vmem>> -> memref<1x120xi32, #tpu.memory_space<vmem>>
        %dma_start3A_446 = tpu.memref_squeeze %dma_start3A_445 : memref<1x120xi32, #tpu.memory_space<vmem>> -> memref<120xi32, #tpu.memory_space<vmem>>
        %dma_start3A_447 = arith.constant 0 : i32
        %dma_start3A_448 = arith.constant 0 : i32
        %dma_start3A_449 = tpu.memref_slice %arg2[%dma_start3A_447, %dma_start3A_448] : memref<10240x64xi32, #tpu.memory_space<hbm>> -> memref<10240x64xi32, #tpu.memory_space<hbm>>
        tpu.enqueue_indirect_dma source(%dma_start3A_449 : memref<10240x64xi32, #tpu.memory_space<hbm>>) target(%dma_start3A_443 : memref<120x64xi32, #tpu.memory_space<vmem>>) offsets(%dma_start3A_446 : memref<120xi32, #tpu.memory_space<vmem>>) semaphore(%arg14 : memref<!tpu.dma_semaphore, #tpu.memory_space<semaphore_mem>>)
      } else {
      }
      %mul3A_219 = arith.constant 9600 : i32
      %mul3A_220 = arith.muli %add3A, %mul3A_219 : i32
      %mul3A_221 = arith.constant 120 : i32
      %mul3A_222 = arith.muli %add3A_181, %mul3A_221 : i32
      %add3A_223 = arith.addi %mul3A_220, %mul3A_222 : i32
      %dma_start3A_224 = arith.constant 0 : i32
      %dma_start3A_225 = arith.constant 0 : i32
      %dma_start3A_226 = arith.constant 0 : i32
      %dma_start3A_227 = tpu.memref_slice %arg8[%dma_start3A_224, %dma_start3A_225, %dma_start3A_226] : memref<4x120x64xi32, #tpu.memory_space<vmem>> -> memref<1x120x64xi32, #tpu.memory_space<vmem>>
      %dma_start3A_228 = tpu.memref_squeeze %dma_start3A_227 : memref<1x120x64xi32, #tpu.memory_space<vmem>> -> memref<120x64xi32, #tpu.memory_space<vmem>>
      %dma_start3A_229 = arith.constant 0 : i32
      %dma_start3A_230 = tpu.memref_slice %arg4[%add3A_223, %dma_start3A_229] : memref<307200x64xi32, #tpu.memory_space<hbm>> -> memref<120x64xi32, #tpu.memory_space<hbm>>
      %dma_start3A_231 = arith.constant 0 : i32
      %dma_start3A_232 = tpu.memref_slice %arg4[%add3A_223, %dma_start3A_231] : memref<307200x64xi32, #tpu.memory_space<hbm>> -> memref<120x64xi32, #tpu.memory_space<hbm>>
      %dma_start3A_233 = arith.constant 0 : i32
      %dma_start3A_234 = arith.constant 0 : i32
      %dma_start3A_235 = tpu.memref_slice %arg8[%dma_start3A_224, %dma_start3A_233, %dma_start3A_234] : memref<4x120x64xi32, #tpu.memory_space<vmem>> -> memref<1x120x64xi32, #tpu.memory_space<vmem>>
      %dma_start3A_236 = tpu.memref_squeeze %dma_start3A_235 : memref<1x120x64xi32, #tpu.memory_space<vmem>> -> memref<120x64xi32, #tpu.memory_space<vmem>>
      tpu.enqueue_dma source(%dma_start3A_236 : memref<120x64xi32, #tpu.memory_space<vmem>>) target(%dma_start3A_232 : memref<120x64xi32, #tpu.memory_space<hbm>>) target_semaphore(%arg18 : memref<!tpu.dma_semaphore, #tpu.memory_space<semaphore_mem>>)
      %add3A_237 = arith.constant 1 : i32
      %add3A_238 = arith.addi %add3A_179, %add3A_237 : i32
      %dma_wait3A_239 = arith.constant 0 : i32
      %dma_wait3A_240 = arith.constant 1 : i32
      %dma_wait3A_241 = arith.constant 0 : i32
      %dma_wait3A_242 = arith.constant 0 : i32
      %dma_wait3A_243 = tpu.memref_slice %arg6[%dma_wait3A_240, %dma_wait3A_241, %dma_wait3A_242] : memref<4x120x64xi32, #tpu.memory_space<vmem>> -> memref<1x120x64xi32, #tpu.memory_space<vmem>>
      %dma_wait3A_244 = tpu.memref_squeeze %dma_wait3A_243 : memref<1x120x64xi32, #tpu.memory_space<vmem>> -> memref<120x64xi32, #tpu.memory_space<vmem>>
      %dma_wait3A_245 = arith.constant 0 : i32
      %dma_wait3A_246 = tpu.memref_slice %arg5[%dma_wait3A_239, %dma_wait3A_245] : memref<160x120xi32, #tpu.memory_space<vmem>> -> memref<1x120xi32, #tpu.memory_space<vmem>>
      %dma_wait3A_247 = tpu.memref_squeeze %dma_wait3A_246 : memref<1x120xi32, #tpu.memory_space<vmem>> -> memref<120xi32, #tpu.memory_space<vmem>>
      %dma_wait3A_248 = arith.constant 0 : i32
      %dma_wait3A_249 = arith.constant 0 : i32
      %dma_wait3A_250 = tpu.memref_slice %arg2[%dma_wait3A_248, %dma_wait3A_249] : memref<10240x64xi32, #tpu.memory_space<hbm>> -> memref<10240x64xi32, #tpu.memory_space<hbm>>
      tpu.wait_indirect_dma semaphore(%arg11 : memref<!tpu.dma_semaphore, #tpu.memory_space<semaphore_mem>>) src(%dma_wait3A_250 : memref<10240x64xi32, #tpu.memory_space<hbm>>) dst(%dma_wait3A_244 : memref<120x64xi32, #tpu.memory_space<vmem>>)
      %dma_wait3A_251 = arith.constant 0 : i32
      %dma_wait3A_252 = arith.constant 1 : i32
      %dma_wait3A_253 = arith.constant 0 : i32
      %dma_wait3A_254 = arith.constant 0 : i32
      %dma_wait3A_255 = tpu.memref_slice %arg7[%dma_wait3A_252, %dma_wait3A_253, %dma_wait3A_254] : memref<4x120x64xi32, #tpu.memory_space<vmem>> -> memref<1x120x64xi32, #tpu.memory_space<vmem>>
      %dma_wait3A_256 = tpu.memref_squeeze %dma_wait3A_255 : memref<1x120x64xi32, #tpu.memory_space<vmem>> -> memref<120x64xi32, #tpu.memory_space<vmem>>
      %dma_wait3A_257 = arith.constant 0 : i32
      %dma_wait3A_258 = tpu.memref_slice %arg5[%dma_wait3A_251, %dma_wait3A_257] : memref<160x120xi32, #tpu.memory_space<vmem>> -> memref<1x120xi32, #tpu.memory_space<vmem>>
      %dma_wait3A_259 = tpu.memref_squeeze %dma_wait3A_258 : memref<1x120xi32, #tpu.memory_space<vmem>> -> memref<120xi32, #tpu.memory_space<vmem>>
      %dma_wait3A_260 = arith.constant 0 : i32
      %dma_wait3A_261 = arith.constant 0 : i32
      %dma_wait3A_262 = tpu.memref_slice %arg2[%dma_wait3A_260, %dma_wait3A_261] : memref<10240x64xi32, #tpu.memory_space<hbm>> -> memref<10240x64xi32, #tpu.memory_space<hbm>>
      tpu.wait_indirect_dma semaphore(%arg15 : memref<!tpu.dma_semaphore, #tpu.memory_space<semaphore_mem>>) src(%dma_wait3A_262 : memref<10240x64xi32, #tpu.memory_space<hbm>>) dst(%dma_wait3A_256 : memref<120x64xi32, #tpu.memory_space<vmem>>)
      %ge3A_263 = arith.constant 4 : i32
      %ge3A_264 = arith.cmpi sge, %add3A_179, %ge3A_263 : i32
      %convert_element_type3A_265 = arith.extui %ge3A_264 : i1 to i32
      %cond3A_266 = arith.constant 0 : i32
      %cond3A_267 = arith.cmpi ne, %convert_element_type3A_265, %cond3A_266 : i32
      scf.if %cond3A_267 {
        %dma_wait3A_420 = arith.constant 1 : i32
        %dma_wait3A_421 = arith.constant 0 : i32
        %dma_wait3A_422 = arith.constant 0 : i32
        %dma_wait3A_423 = tpu.memref_slice %arg8[%dma_wait3A_420, %dma_wait3A_421, %dma_wait3A_422] : memref<4x120x64xi32, #tpu.memory_space<vmem>> -> memref<1x120x64xi32, #tpu.memory_space<vmem>>
        %dma_wait3A_424 = tpu.memref_squeeze %dma_wait3A_423 : memref<1x120x64xi32, #tpu.memory_space<vmem>> -> memref<120x64xi32, #tpu.memory_space<vmem>>
        %dma_wait3A_425 = arith.constant 0 : i32
        %dma_wait3A_426 = arith.constant 0 : i32
        %dma_wait3A_427 = tpu.memref_slice %arg4[%dma_wait3A_425, %dma_wait3A_426] : memref<307200x64xi32, #tpu.memory_space<hbm>> -> memref<120x64xi32, #tpu.memory_space<hbm>>
        %dma_wait3A_428 = arith.constant 0 : i32
        %dma_wait3A_429 = arith.constant 0 : i32
        %dma_wait3A_430 = tpu.memref_slice %arg4[%dma_wait3A_428, %dma_wait3A_429] : memref<307200x64xi32, #tpu.memory_space<hbm>> -> memref<120x64xi32, #tpu.memory_space<hbm>>
        %dma_wait3A_431 = arith.constant 0 : i32
        %dma_wait3A_432 = arith.constant 0 : i32
        %dma_wait3A_433 = tpu.memref_slice %arg8[%dma_wait3A_420, %dma_wait3A_431, %dma_wait3A_432] : memref<4x120x64xi32, #tpu.memory_space<vmem>> -> memref<1x120x64xi32, #tpu.memory_space<vmem>>
        %dma_wait3A_434 = tpu.memref_squeeze %dma_wait3A_433 : memref<1x120x64xi32, #tpu.memory_space<vmem>> -> memref<120x64xi32, #tpu.memory_space<vmem>>
        tpu.wait_dma2 semaphore(%arg19 : memref<!tpu.dma_semaphore, #tpu.memory_space<semaphore_mem>>) src(%dma_wait3A_434 : memref<120x64xi32, #tpu.memory_space<vmem>>) dst(%dma_wait3A_430 : memref<120x64xi32, #tpu.memory_space<hbm>>)
      } else {
      }
      %scan3A_268 = arith.constant 0 : i32
      %scan3A_269 = arith.constant 30 : i32
      %scan3A_270 = arith.addi %scan3A_268, %scan3A_269 : i32
      %scan3A_271 = arith.constant 1 : i32
      scf.for %scan3A_420 = %scan3A_268 to %scan3A_270 step %scan3A_271  : i32 {
        %mul3A_421 = arith.constant 4 : i32
        %mul3A_422 = arith.muli %scan3A_420, %mul3A_421 : i32
        %add3A_423 = arith.constant 0 : i32
        %add3A_424 = arith.addi %add3A_423, %mul3A_422 : i32
        %add3A_425 = arith.constant 0 : i32
        %add3A_426 = arith.addi %add3A_424, %add3A_425 : i32
        %get3A = arith.constant 1 : i32
        %get3A_427 = arith.index_cast %get3A : i32 to index
        %get3A_428 = arith.index_cast %add3A_426 : i32 to index
        %get3A_429 = arith.constant 0 : index
        %get3A_430 = tpu.vector_load %arg6[%get3A_427, %get3A_428, %get3A_429] {strides = array<i32>} : memref<4x120x64xi32, #tpu.memory_space<vmem>>, vector<16xi32>,
        %bitcast3A = vector.bitcast %get3A_430 : vector<16xi32> to vector<32xbf16>
        %add3A_431 = arith.constant 0 : i32
        %add3A_432 = arith.addi %add3A_424, %add3A_431 : i32
        %get3A_433 = arith.constant 1 : i32
        %get3A_434 = arith.index_cast %get3A_433 : i32 to index
        %get3A_435 = arith.index_cast %add3A_432 : i32 to index
        %get3A_436 = arith.constant 0 : index
        %get3A_437 = tpu.vector_load %arg7[%get3A_434, %get3A_435, %get3A_436] {strides = array<i32>} : memref<4x120x64xi32, #tpu.memory_space<vmem>>, vector<16xi32>,
        %bitcast3A_438 = vector.bitcast %get3A_437 : vector<16xi32> to vector<32xbf16>
        %sub3A = arith.subf %bitcast3A, %bitcast3A_438 : vector<32xbf16>
        %abs3A = math.absf %sub3A : vector<32xbf16>
        %bitcast3A_439 = vector.bitcast %abs3A : vector<32xbf16> to vector<16xi32>
        %add3A_440 = arith.constant 0 : i32
        %add3A_441 = arith.addi %add3A_424, %add3A_440 : i32
        %swap3A = arith.constant 1 : i32
        %swap3A_442 = arith.index_cast %swap3A : i32 to index
        %swap3A_443 = arith.index_cast %add3A_441 : i32 to index
        %swap3A_444 = arith.constant 0 : index
        %swap3A_445 = tpu.vector_load %arg8[%swap3A_442, %swap3A_443, %swap3A_444] {strides = array<i32>} : memref<4x120x64xi32, #tpu.memory_space<vmem>>, vector<16xi32>,
        tpu.vector_store %arg8[%swap3A_442, %swap3A_443, %swap3A_444], %bitcast3A_439 {strides = array<i32>} : memref<4x120x64xi32, #tpu.memory_space<vmem>>, vector<16xi32>,
        %add3A_446 = arith.constant 0 : i32
        %add3A_447 = arith.addi %add3A_424, %add3A_446 : i32
        %get3A_448 = arith.constant 1 : i32
        %get3A_449 = arith.index_cast %get3A_448 : i32 to index
        %get3A_450 = arith.index_cast %add3A_447 : i32 to index
        %get3A_451 = arith.constant 16 : index
        %get3A_452 = tpu.vector_load %arg6[%get3A_449, %get3A_450, %get3A_451] {strides = array<i32>} : memref<4x120x64xi32, #tpu.memory_space<vmem>>, vector<16xi32>,
        %bitcast3A_453 = vector.bitcast %get3A_452 : vector<16xi32> to vector<32xbf16>
        %add3A_454 = arith.constant 0 : i32
        %add3A_455 = arith.addi %add3A_424, %add3A_454 : i32
        %get3A_456 = arith.constant 1 : i32
        %get3A_457 = arith.index_cast %get3A_456 : i32 to index
        %get3A_458 = arith.index_cast %add3A_455 : i32 to index
        %get3A_459 = arith.constant 16 : index
        %get3A_460 = tpu.vector_load %arg7[%get3A_457, %get3A_458, %get3A_459] {strides = array<i32>} : memref<4x120x64xi32, #tpu.memory_space<vmem>>, vector<16xi32>,
        %bitcast3A_461 = vector.bitcast %get3A_460 : vector<16xi32> to vector<32xbf16>
        %sub3A_462 = arith.subf %bitcast3A_453, %bitcast3A_461 : vector<32xbf16>
        %abs3A_463 = math.absf %sub3A_462 : vector<32xbf16>
        %bitcast3A_464 = vector.bitcast %abs3A_463 : vector<32xbf16> to vector<16xi32>
        %add3A_465 = arith.constant 0 : i32
        %add3A_466 = arith.addi %add3A_424, %add3A_465 : i32
        %swap3A_467 = arith.constant 1 : i32
        %swap3A_468 = arith.index_cast %swap3A_467 : i32 to index
        %swap3A_469 = arith.index_cast %add3A_466 : i32 to index
        %swap3A_470 = arith.constant 16 : index
        %swap3A_471 = tpu.vector_load %arg8[%swap3A_468, %swap3A_469, %swap3A_470] {strides = array<i32>} : memref<4x120x64xi32, #tpu.memory_space<vmem>>, vector<16xi32>,
        tpu.vector_store %arg8[%swap3A_468, %swap3A_469, %swap3A_470], %bitcast3A_464 {strides = array<i32>} : memref<4x120x64xi32, #tpu.memory_space<vmem>>, vector<16xi32>,
        %add3A_472 = arith.constant 0 : i32
        %add3A_473 = arith.addi %add3A_424, %add3A_472 : i32
        %get3A_474 = arith.constant 1 : i32
        %get3A_475 = arith.index_cast %get3A_474 : i32 to index
        %get3A_476 = arith.index_cast %add3A_473 : i32 to index
        %get3A_477 = arith.constant 32 : index
        %get3A_478 = tpu.vector_load %arg6[%get3A_475, %get3A_476, %get3A_477] {strides = array<i32>} : memref<4x120x64xi32, #tpu.memory_space<vmem>>, vector<16xi32>,
        %bitcast3A_479 = vector.bitcast %get3A_478 : vector<16xi32> to vector<32xbf16>
        %add3A_480 = arith.constant 0 : i32
        %add3A_481 = arith.addi %add3A_424, %add3A_480 : i32
        %get3A_482 = arith.constant 1 : i32
        %get3A_483 = arith.index_cast %get3A_482 : i32 to index
        %get3A_484 = arith.index_cast %add3A_481 : i32 to index
        %get3A_485 = arith.constant 32 : index
        %get3A_486 = tpu.vector_load %arg7[%get3A_483, %get3A_484, %get3A_485] {strides = array<i32>} : memref<4x120x64xi32, #tpu.memory_space<vmem>>, vector<16xi32>,
        %bitcast3A_487 = vector.bitcast %get3A_486 : vector<16xi32> to vector<32xbf16>
        %sub3A_488 = arith.subf %bitcast3A_479, %bitcast3A_487 : vector<32xbf16>
        %abs3A_489 = math.absf %sub3A_488 : vector<32xbf16>
        %bitcast3A_490 = vector.bitcast %abs3A_489 : vector<32xbf16> to vector<16xi32>
        %add3A_491 = arith.constant 0 : i32
        %add3A_492 = arith.addi %add3A_424, %add3A_491 : i32
        %swap3A_493 = arith.constant 1 : i32
        %swap3A_494 = arith.index_cast %swap3A_493 : i32 to index
        %swap3A_495 = arith.index_cast %add3A_492 : i32 to index
        %swap3A_496 = arith.constant 32 : index
        %swap3A_497 = tpu.vector_load %arg8[%swap3A_494, %swap3A_495, %swap3A_496] {strides = array<i32>} : memref<4x120x64xi32, #tpu.memory_space<vmem>>, vector<16xi32>,
        tpu.vector_store %arg8[%swap3A_494, %swap3A_495, %swap3A_496], %bitcast3A_490 {strides = array<i32>} : memref<4x120x64xi32, #tpu.memory_space<vmem>>, vector<16xi32>,
        %add3A_498 = arith.constant 0 : i32
        %add3A_499 = arith.addi %add3A_424, %add3A_498 : i32
        %get3A_500 = arith.constant 1 : i32
        %get3A_501 = arith.index_cast %get3A_500 : i32 to index
        %get3A_502 = arith.index_cast %add3A_499 : i32 to index
        %get3A_503 = arith.constant 48 : index
        %get3A_504 = tpu.vector_load %arg6[%get3A_501, %get3A_502, %get3A_503] {strides = array<i32>} : memref<4x120x64xi32, #tpu.memory_space<vmem>>, vector<16xi32>,
        %bitcast3A_505 = vector.bitcast %get3A_504 : vector<16xi32> to vector<32xbf16>
        %add3A_506 = arith.constant 0 : i32
        %add3A_507 = arith.addi %add3A_424, %add3A_506 : i32
        %get3A_508 = arith.constant 1 : i32
        %get3A_509 = arith.index_cast %get3A_508 : i32 to index
        %get3A_510 = arith.index_cast %add3A_507 : i32 to index
        %get3A_511 = arith.constant 48 : index
        %get3A_512 = tpu.vector_load %arg7[%get3A_509, %get3A_510, %get3A_511] {strides = array<i32>} : memref<4x120x64xi32, #tpu.memory_space<vmem>>, vector<16xi32>,
        %bitcast3A_513 = vector.bitcast %get3A_512 : vector<16xi32> to vector<32xbf16>
        %sub3A_514 = arith.subf %bitcast3A_505, %bitcast3A_513 : vector<32xbf16>
        %abs3A_515 = math.absf %sub3A_514 : vector<32xbf16>
        %bitcast3A_516 = vector.bitcast %abs3A_515 : vector<32xbf16> to vector<16xi32>
        %add3A_517 = arith.constant 0 : i32
        %add3A_518 = arith.addi %add3A_424, %add3A_517 : i32
        %swap3A_519 = arith.constant 1 : i32
        %swap3A_520 = arith.index_cast %swap3A_519 : i32 to index
        %swap3A_521 = arith.index_cast %add3A_518 : i32 to index
        %swap3A_522 = arith.constant 48 : index
        %swap3A_523 = tpu.vector_load %arg8[%swap3A_520, %swap3A_521, %swap3A_522] {strides = array<i32>} : memref<4x120x64xi32, #tpu.memory_space<vmem>>, vector<16xi32>,
        tpu.vector_store %arg8[%swap3A_520, %swap3A_521, %swap3A_522], %bitcast3A_516 {strides = array<i32>} : memref<4x120x64xi32, #tpu.memory_space<vmem>>, vector<16xi32>,
        %add3A_524 = arith.constant 1 : i32
        %add3A_525 = arith.addi %add3A_424, %add3A_524 : i32
        %get3A_526 = arith.constant 1 : i32
        %get3A_527 = arith.index_cast %get3A_526 : i32 to index
        %get3A_528 = arith.index_cast %add3A_525 : i32 to index
        %get3A_529 = arith.constant 0 : index
        %get3A_530 = tpu.vector_load %arg6[%get3A_527, %get3A_528, %get3A_529] {strides = array<i32>} : memref<4x120x64xi32, #tpu.memory_space<vmem>>, vector<16xi32>,
        %bitcast3A_531 = vector.bitcast %get3A_530 : vector<16xi32> to vector<32xbf16>
        %add3A_532 = arith.constant 1 : i32
        %add3A_533 = arith.addi %add3A_424, %add3A_532 : i32
        %get3A_534 = arith.constant 1 : i32
        %get3A_535 = arith.index_cast %get3A_534 : i32 to index
        %get3A_536 = arith.index_cast %add3A_533 : i32 to index
        %get3A_537 = arith.constant 0 : index
        %get3A_538 = tpu.vector_load %arg7[%get3A_535, %get3A_536, %get3A_537] {strides = array<i32>} : memref<4x120x64xi32, #tpu.memory_space<vmem>>, vector<16xi32>,
        %bitcast3A_539 = vector.bitcast %get3A_538 : vector<16xi32> to vector<32xbf16>
        %sub3A_540 = arith.subf %bitcast3A_531, %bitcast3A_539 : vector<32xbf16>
        %abs3A_541 = math.absf %sub3A_540 : vector<32xbf16>
        %bitcast3A_542 = vector.bitcast %abs3A_541 : vector<32xbf16> to vector<16xi32>
        %add3A_543 = arith.constant 1 : i32
        %add3A_544 = arith.addi %add3A_424, %add3A_543 : i32
        %swap3A_545 = arith.constant 1 : i32
        %swap3A_546 = arith.index_cast %swap3A_545 : i32 to index
        %swap3A_547 = arith.index_cast %add3A_544 : i32 to index
        %swap3A_548 = arith.constant 0 : index
        %swap3A_549 = tpu.vector_load %arg8[%swap3A_546, %swap3A_547, %swap3A_548] {strides = array<i32>} : memref<4x120x64xi32, #tpu.memory_space<vmem>>, vector<16xi32>,
        tpu.vector_store %arg8[%swap3A_546, %swap3A_547, %swap3A_548], %bitcast3A_542 {strides = array<i32>} : memref<4x120x64xi32, #tpu.memory_space<vmem>>, vector<16xi32>,
        %add3A_550 = arith.constant 1 : i32
        %add3A_551 = arith.addi %add3A_424, %add3A_550 : i32
        %get3A_552 = arith.constant 1 : i32
        %get3A_553 = arith.index_cast %get3A_552 : i32 to index
        %get3A_554 = arith.index_cast %add3A_551 : i32 to index
        %get3A_555 = arith.constant 16 : index
        %get3A_556 = tpu.vector_load %arg6[%get3A_553, %get3A_554, %get3A_555] {strides = array<i32>} : memref<4x120x64xi32, #tpu.memory_space<vmem>>, vector<16xi32>,
        %bitcast3A_557 = vector.bitcast %get3A_556 : vector<16xi32> to vector<32xbf16>
        %add3A_558 = arith.constant 1 : i32
        %add3A_559 = arith.addi %add3A_424, %add3A_558 : i32
        %get3A_560 = arith.constant 1 : i32
        %get3A_561 = arith.index_cast %get3A_560 : i32 to index
        %get3A_562 = arith.index_cast %add3A_559 : i32 to index
        %get3A_563 = arith.constant 16 : index
        %get3A_564 = tpu.vector_load %arg7[%get3A_561, %get3A_562, %get3A_563] {strides = array<i32>} : memref<4x120x64xi32, #tpu.memory_space<vmem>>, vector<16xi32>,
        %bitcast3A_565 = vector.bitcast %get3A_564 : vector<16xi32> to vector<32xbf16>
        %sub3A_566 = arith.subf %bitcast3A_557, %bitcast3A_565 : vector<32xbf16>
        %abs3A_567 = math.absf %sub3A_566 : vector<32xbf16>
        %bitcast3A_568 = vector.bitcast %abs3A_567 : vector<32xbf16> to vector<16xi32>
        %add3A_569 = arith.constant 1 : i32
        %add3A_570 = arith.addi %add3A_424, %add3A_569 : i32
        %swap3A_571 = arith.constant 1 : i32
        %swap3A_572 = arith.index_cast %swap3A_571 : i32 to index
        %swap3A_573 = arith.index_cast %add3A_570 : i32 to index
        %swap3A_574 = arith.constant 16 : index
        %swap3A_575 = tpu.vector_load %arg8[%swap3A_572, %swap3A_573, %swap3A_574] {strides = array<i32>} : memref<4x120x64xi32, #tpu.memory_space<vmem>>, vector<16xi32>,
        tpu.vector_store %arg8[%swap3A_572, %swap3A_573, %swap3A_574], %bitcast3A_568 {strides = array<i32>} : memref<4x120x64xi32, #tpu.memory_space<vmem>>, vector<16xi32>,
        %add3A_576 = arith.constant 1 : i32
        %add3A_577 = arith.addi %add3A_424, %add3A_576 : i32
        %get3A_578 = arith.constant 1 : i32
        %get3A_579 = arith.index_cast %get3A_578 : i32 to index
        %get3A_580 = arith.index_cast %add3A_577 : i32 to index
        %get3A_581 = arith.constant 32 : index
        %get3A_582 = tpu.vector_load %arg6[%get3A_579, %get3A_580, %get3A_581] {strides = array<i32>} : memref<4x120x64xi32, #tpu.memory_space<vmem>>, vector<16xi32>,
        %bitcast3A_583 = vector.bitcast %get3A_582 : vector<16xi32> to vector<32xbf16>
        %add3A_584 = arith.constant 1 : i32
        %add3A_585 = arith.addi %add3A_424, %add3A_584 : i32
        %get3A_586 = arith.constant 1 : i32
        %get3A_587 = arith.index_cast %get3A_586 : i32 to index
        %get3A_588 = arith.index_cast %add3A_585 : i32 to index
        %get3A_589 = arith.constant 32 : index
        %get3A_590 = tpu.vector_load %arg7[%get3A_587, %get3A_588, %get3A_589] {strides = array<i32>} : memref<4x120x64xi32, #tpu.memory_space<vmem>>, vector<16xi32>,
        %bitcast3A_591 = vector.bitcast %get3A_590 : vector<16xi32> to vector<32xbf16>
        %sub3A_592 = arith.subf %bitcast3A_583, %bitcast3A_591 : vector<32xbf16>
        %abs3A_593 = math.absf %sub3A_592 : vector<32xbf16>
        %bitcast3A_594 = vector.bitcast %abs3A_593 : vector<32xbf16> to vector<16xi32>
        %add3A_595 = arith.constant 1 : i32
        %add3A_596 = arith.addi %add3A_424, %add3A_595 : i32
        %swap3A_597 = arith.constant 1 : i32
        %swap3A_598 = arith.index_cast %swap3A_597 : i32 to index
        %swap3A_599 = arith.index_cast %add3A_596 : i32 to index
        %swap3A_600 = arith.constant 32 : index
        %swap3A_601 = tpu.vector_load %arg8[%swap3A_598, %swap3A_599, %swap3A_600] {strides = array<i32>} : memref<4x120x64xi32, #tpu.memory_space<vmem>>, vector<16xi32>,
        tpu.vector_store %arg8[%swap3A_598, %swap3A_599, %swap3A_600], %bitcast3A_594 {strides = array<i32>} : memref<4x120x64xi32, #tpu.memory_space<vmem>>, vector<16xi32>,
        %add3A_602 = arith.constant 1 : i32
        %add3A_603 = arith.addi %add3A_424, %add3A_602 : i32
        %get3A_604 = arith.constant 1 : i32
        %get3A_605 = arith.index_cast %get3A_604 : i32 to index
        %get3A_606 = arith.index_cast %add3A_603 : i32 to index
        %get3A_607 = arith.constant 48 : index
        %get3A_608 = tpu.vector_load %arg6[%get3A_605, %get3A_606, %get3A_607] {strides = array<i32>} : memref<4x120x64xi32, #tpu.memory_space<vmem>>, vector<16xi32>,
        %bitcast3A_609 = vector.bitcast %get3A_608 : vector<16xi32> to vector<32xbf16>
        %add3A_610 = arith.constant 1 : i32
        %add3A_611 = arith.addi %add3A_424, %add3A_610 : i32
        %get3A_612 = arith.constant 1 : i32
        %get3A_613 = arith.index_cast %get3A_612 : i32 to index
        %get3A_614 = arith.index_cast %add3A_611 : i32 to index
        %get3A_615 = arith.constant 48 : index
        %get3A_616 = tpu.vector_load %arg7[%get3A_613, %get3A_614, %get3A_615] {strides = array<i32>} : memref<4x120x64xi32, #tpu.memory_space<vmem>>, vector<16xi32>,
        %bitcast3A_617 = vector.bitcast %get3A_616 : vector<16xi32> to vector<32xbf16>
        %sub3A_618 = arith.subf %bitcast3A_609, %bitcast3A_617 : vector<32xbf16>
        %abs3A_619 = math.absf %sub3A_618 : vector<32xbf16>
        %bitcast3A_620 = vector.bitcast %abs3A_619 : vector<32xbf16> to vector<16xi32>
        %add3A_621 = arith.constant 1 : i32
        %add3A_622 = arith.addi %add3A_424, %add3A_621 : i32
        %swap3A_623 = arith.constant 1 : i32
        %swap3A_624 = arith.index_cast %swap3A_623 : i32 to index
        %swap3A_625 = arith.index_cast %add3A_622 : i32 to index
        %swap3A_626 = arith.constant 48 : index
        %swap3A_627 = tpu.vector_load %arg8[%swap3A_624, %swap3A_625, %swap3A_626] {strides = array<i32>} : memref<4x120x64xi32, #tpu.memory_space<vmem>>, vector<16xi32>,
        tpu.vector_store %arg8[%swap3A_624, %swap3A_625, %swap3A_626], %bitcast3A_620 {strides = array<i32>} : memref<4x120x64xi32, #tpu.memory_space<vmem>>, vector<16xi32>,
        %add3A_628 = arith.constant 2 : i32
        %add3A_629 = arith.addi %add3A_424, %add3A_628 : i32
        %get3A_630 = arith.constant 1 : i32
        %get3A_631 = arith.index_cast %get3A_630 : i32 to index
        %get3A_632 = arith.index_cast %add3A_629 : i32 to index
        %get3A_633 = arith.constant 0 : index
        %get3A_634 = tpu.vector_load %arg6[%get3A_631, %get3A_632, %get3A_633] {strides = array<i32>} : memref<4x120x64xi32, #tpu.memory_space<vmem>>, vector<16xi32>,
        %bitcast3A_635 = vector.bitcast %get3A_634 : vector<16xi32> to vector<32xbf16>
        %add3A_636 = arith.constant 2 : i32
        %add3A_637 = arith.addi %add3A_424, %add3A_636 : i32
        %get3A_638 = arith.constant 1 : i32
        %get3A_639 = arith.index_cast %get3A_638 : i32 to index
        %get3A_640 = arith.index_cast %add3A_637 : i32 to index
        %get3A_641 = arith.constant 0 : index
        %get3A_642 = tpu.vector_load %arg7[%get3A_639, %get3A_640, %get3A_641] {strides = array<i32>} : memref<4x120x64xi32, #tpu.memory_space<vmem>>, vector<16xi32>,
        %bitcast3A_643 = vector.bitcast %get3A_642 : vector<16xi32> to vector<32xbf16>
        %sub3A_644 = arith.subf %bitcast3A_635, %bitcast3A_643 : vector<32xbf16>
        %abs3A_645 = math.absf %sub3A_644 : vector<32xbf16>
        %bitcast3A_646 = vector.bitcast %abs3A_645 : vector<32xbf16> to vector<16xi32>
        %add3A_647 = arith.constant 2 : i32
        %add3A_648 = arith.addi %add3A_424, %add3A_647 : i32
        %swap3A_649 = arith.constant 1 : i32
        %swap3A_650 = arith.index_cast %swap3A_649 : i32 to index
        %swap3A_651 = arith.index_cast %add3A_648 : i32 to index
        %swap3A_652 = arith.constant 0 : index
        %swap3A_653 = tpu.vector_load %arg8[%swap3A_650, %swap3A_651, %swap3A_652] {strides = array<i32>} : memref<4x120x64xi32, #tpu.memory_space<vmem>>, vector<16xi32>,
        tpu.vector_store %arg8[%swap3A_650, %swap3A_651, %swap3A_652], %bitcast3A_646 {strides = array<i32>} : memref<4x120x64xi32, #tpu.memory_space<vmem>>, vector<16xi32>,
        %add3A_654 = arith.constant 2 : i32
        %add3A_655 = arith.addi %add3A_424, %add3A_654 : i32
        %get3A_656 = arith.constant 1 : i32
        %get3A_657 = arith.index_cast %get3A_656 : i32 to index
        %get3A_658 = arith.index_cast %add3A_655 : i32 to index
        %get3A_659 = arith.constant 16 : index
        %get3A_660 = tpu.vector_load %arg6[%get3A_657, %get3A_658, %get3A_659] {strides = array<i32>} : memref<4x120x64xi32, #tpu.memory_space<vmem>>, vector<16xi32>,
        %bitcast3A_661 = vector.bitcast %get3A_660 : vector<16xi32> to vector<32xbf16>
        %add3A_662 = arith.constant 2 : i32
        %add3A_663 = arith.addi %add3A_424, %add3A_662 : i32
        %get3A_664 = arith.constant 1 : i32
        %get3A_665 = arith.index_cast %get3A_664 : i32 to index
        %get3A_666 = arith.index_cast %add3A_663 : i32 to index
        %get3A_667 = arith.constant 16 : index
        %get3A_668 = tpu.vector_load %arg7[%get3A_665, %get3A_666, %get3A_667] {strides = array<i32>} : memref<4x120x64xi32, #tpu.memory_space<vmem>>, vector<16xi32>,
        %bitcast3A_669 = vector.bitcast %get3A_668 : vector<16xi32> to vector<32xbf16>
        %sub3A_670 = arith.subf %bitcast3A_661, %bitcast3A_669 : vector<32xbf16>
        %abs3A_671 = math.absf %sub3A_670 : vector<32xbf16>
        %bitcast3A_672 = vector.bitcast %abs3A_671 : vector<32xbf16> to vector<16xi32>
        %add3A_673 = arith.constant 2 : i32
        %add3A_674 = arith.addi %add3A_424, %add3A_673 : i32
        %swap3A_675 = arith.constant 1 : i32
        %swap3A_676 = arith.index_cast %swap3A_675 : i32 to index
        %swap3A_677 = arith.index_cast %add3A_674 : i32 to index
        %swap3A_678 = arith.constant 16 : index
        %swap3A_679 = tpu.vector_load %arg8[%swap3A_676, %swap3A_677, %swap3A_678] {strides = array<i32>} : memref<4x120x64xi32, #tpu.memory_space<vmem>>, vector<16xi32>,
        tpu.vector_store %arg8[%swap3A_676, %swap3A_677, %swap3A_678], %bitcast3A_672 {strides = array<i32>} : memref<4x120x64xi32, #tpu.memory_space<vmem>>, vector<16xi32>,
        %add3A_680 = arith.constant 2 : i32
        %add3A_681 = arith.addi %add3A_424, %add3A_680 : i32
        %get3A_682 = arith.constant 1 : i32
        %get3A_683 = arith.index_cast %get3A_682 : i32 to index
        %get3A_684 = arith.index_cast %add3A_681 : i32 to index
        %get3A_685 = arith.constant 32 : index
        %get3A_686 = tpu.vector_load %arg6[%get3A_683, %get3A_684, %get3A_685] {strides = array<i32>} : memref<4x120x64xi32, #tpu.memory_space<vmem>>, vector<16xi32>,
        %bitcast3A_687 = vector.bitcast %get3A_686 : vector<16xi32> to vector<32xbf16>
        %add3A_688 = arith.constant 2 : i32
        %add3A_689 = arith.addi %add3A_424, %add3A_688 : i32
        %get3A_690 = arith.constant 1 : i32
        %get3A_691 = arith.index_cast %get3A_690 : i32 to index
        %get3A_692 = arith.index_cast %add3A_689 : i32 to index
        %get3A_693 = arith.constant 32 : index
        %get3A_694 = tpu.vector_load %arg7[%get3A_691, %get3A_692, %get3A_693] {strides = array<i32>} : memref<4x120x64xi32, #tpu.memory_space<vmem>>, vector<16xi32>,
        %bitcast3A_695 = vector.bitcast %get3A_694 : vector<16xi32> to vector<32xbf16>
        %sub3A_696 = arith.subf %bitcast3A_687, %bitcast3A_695 : vector<32xbf16>
        %abs3A_697 = math.absf %sub3A_696 : vector<32xbf16>
        %bitcast3A_698 = vector.bitcast %abs3A_697 : vector<32xbf16> to vector<16xi32>
        %add3A_699 = arith.constant 2 : i32
        %add3A_700 = arith.addi %add3A_424, %add3A_699 : i32
        %swap3A_701 = arith.constant 1 : i32
        %swap3A_702 = arith.index_cast %swap3A_701 : i32 to index
        %swap3A_703 = arith.index_cast %add3A_700 : i32 to index
        %swap3A_704 = arith.constant 32 : index
        %swap3A_705 = tpu.vector_load %arg8[%swap3A_702, %swap3A_703, %swap3A_704] {strides = array<i32>} : memref<4x120x64xi32, #tpu.memory_space<vmem>>, vector<16xi32>,
        tpu.vector_store %arg8[%swap3A_702, %swap3A_703, %swap3A_704], %bitcast3A_698 {strides = array<i32>} : memref<4x120x64xi32, #tpu.memory_space<vmem>>, vector<16xi32>,
        %add3A_706 = arith.constant 2 : i32
        %add3A_707 = arith.addi %add3A_424, %add3A_706 : i32
        %get3A_708 = arith.constant 1 : i32
        %get3A_709 = arith.index_cast %get3A_708 : i32 to index
        %get3A_710 = arith.index_cast %add3A_707 : i32 to index
        %get3A_711 = arith.constant 48 : index
        %get3A_712 = tpu.vector_load %arg6[%get3A_709, %get3A_710, %get3A_711] {strides = array<i32>} : memref<4x120x64xi32, #tpu.memory_space<vmem>>, vector<16xi32>,
        %bitcast3A_713 = vector.bitcast %get3A_712 : vector<16xi32> to vector<32xbf16>
        %add3A_714 = arith.constant 2 : i32
        %add3A_715 = arith.addi %add3A_424, %add3A_714 : i32
        %get3A_716 = arith.constant 1 : i32
        %get3A_717 = arith.index_cast %get3A_716 : i32 to index
        %get3A_718 = arith.index_cast %add3A_715 : i32 to index
        %get3A_719 = arith.constant 48 : index
        %get3A_720 = tpu.vector_load %arg7[%get3A_717, %get3A_718, %get3A_719] {strides = array<i32>} : memref<4x120x64xi32, #tpu.memory_space<vmem>>, vector<16xi32>,
        %bitcast3A_721 = vector.bitcast %get3A_720 : vector<16xi32> to vector<32xbf16>
        %sub3A_722 = arith.subf %bitcast3A_713, %bitcast3A_721 : vector<32xbf16>
        %abs3A_723 = math.absf %sub3A_722 : vector<32xbf16>
        %bitcast3A_724 = vector.bitcast %abs3A_723 : vector<32xbf16> to vector<16xi32>
        %add3A_725 = arith.constant 2 : i32
        %add3A_726 = arith.addi %add3A_424, %add3A_725 : i32
        %swap3A_727 = arith.constant 1 : i32
        %swap3A_728 = arith.index_cast %swap3A_727 : i32 to index
        %swap3A_729 = arith.index_cast %add3A_726 : i32 to index
        %swap3A_730 = arith.constant 48 : index
        %swap3A_731 = tpu.vector_load %arg8[%swap3A_728, %swap3A_729, %swap3A_730] {strides = array<i32>} : memref<4x120x64xi32, #tpu.memory_space<vmem>>, vector<16xi32>,
        tpu.vector_store %arg8[%swap3A_728, %swap3A_729, %swap3A_730], %bitcast3A_724 {strides = array<i32>} : memref<4x120x64xi32, #tpu.memory_space<vmem>>, vector<16xi32>,
        %add3A_732 = arith.constant 3 : i32
        %add3A_733 = arith.addi %add3A_424, %add3A_732 : i32
        %get3A_734 = arith.constant 1 : i32
        %get3A_735 = arith.index_cast %get3A_734 : i32 to index
        %get3A_736 = arith.index_cast %add3A_733 : i32 to index
        %get3A_737 = arith.constant 0 : index
        %get3A_738 = tpu.vector_load %arg6[%get3A_735, %get3A_736, %get3A_737] {strides = array<i32>} : memref<4x120x64xi32, #tpu.memory_space<vmem>>, vector<16xi32>,
        %bitcast3A_739 = vector.bitcast %get3A_738 : vector<16xi32> to vector<32xbf16>
        %add3A_740 = arith.constant 3 : i32
        %add3A_741 = arith.addi %add3A_424, %add3A_740 : i32
        %get3A_742 = arith.constant 1 : i32
        %get3A_743 = arith.index_cast %get3A_742 : i32 to index
        %get3A_744 = arith.index_cast %add3A_741 : i32 to index
        %get3A_745 = arith.constant 0 : index
        %get3A_746 = tpu.vector_load %arg7[%get3A_743, %get3A_744, %get3A_745] {strides = array<i32>} : memref<4x120x64xi32, #tpu.memory_space<vmem>>, vector<16xi32>,
        %bitcast3A_747 = vector.bitcast %get3A_746 : vector<16xi32> to vector<32xbf16>
        %sub3A_748 = arith.subf %bitcast3A_739, %bitcast3A_747 : vector<32xbf16>
        %abs3A_749 = math.absf %sub3A_748 : vector<32xbf16>
        %bitcast3A_750 = vector.bitcast %abs3A_749 : vector<32xbf16> to vector<16xi32>
        %add3A_751 = arith.constant 3 : i32
        %add3A_752 = arith.addi %add3A_424, %add3A_751 : i32
        %swap3A_753 = arith.constant 1 : i32
        %swap3A_754 = arith.index_cast %swap3A_753 : i32 to index
        %swap3A_755 = arith.index_cast %add3A_752 : i32 to index
        %swap3A_756 = arith.constant 0 : index
        %swap3A_757 = tpu.vector_load %arg8[%swap3A_754, %swap3A_755, %swap3A_756] {strides = array<i32>} : memref<4x120x64xi32, #tpu.memory_space<vmem>>, vector<16xi32>,
        tpu.vector_store %arg8[%swap3A_754, %swap3A_755, %swap3A_756], %bitcast3A_750 {strides = array<i32>} : memref<4x120x64xi32, #tpu.memory_space<vmem>>, vector<16xi32>,
        %add3A_758 = arith.constant 3 : i32
        %add3A_759 = arith.addi %add3A_424, %add3A_758 : i32
        %get3A_760 = arith.constant 1 : i32
        %get3A_761 = arith.index_cast %get3A_760 : i32 to index
        %get3A_762 = arith.index_cast %add3A_759 : i32 to index
        %get3A_763 = arith.constant 16 : index
        %get3A_764 = tpu.vector_load %arg6[%get3A_761, %get3A_762, %get3A_763] {strides = array<i32>} : memref<4x120x64xi32, #tpu.memory_space<vmem>>, vector<16xi32>,
        %bitcast3A_765 = vector.bitcast %get3A_764 : vector<16xi32> to vector<32xbf16>
        %add3A_766 = arith.constant 3 : i32
        %add3A_767 = arith.addi %add3A_424, %add3A_766 : i32
        %get3A_768 = arith.constant 1 : i32
        %get3A_769 = arith.index_cast %get3A_768 : i32 to index
        %get3A_770 = arith.index_cast %add3A_767 : i32 to index
        %get3A_771 = arith.constant 16 : index
        %get3A_772 = tpu.vector_load %arg7[%get3A_769, %get3A_770, %get3A_771] {strides = array<i32>} : memref<4x120x64xi32, #tpu.memory_space<vmem>>, vector<16xi32>,
        %bitcast3A_773 = vector.bitcast %get3A_772 : vector<16xi32> to vector<32xbf16>
        %sub3A_774 = arith.subf %bitcast3A_765, %bitcast3A_773 : vector<32xbf16>
        %abs3A_775 = math.absf %sub3A_774 : vector<32xbf16>
        %bitcast3A_776 = vector.bitcast %abs3A_775 : vector<32xbf16> to vector<16xi32>
        %add3A_777 = arith.constant 3 : i32
        %add3A_778 = arith.addi %add3A_424, %add3A_777 : i32
        %swap3A_779 = arith.constant 1 : i32
        %swap3A_780 = arith.index_cast %swap3A_779 : i32 to index
        %swap3A_781 = arith.index_cast %add3A_778 : i32 to index
        %swap3A_782 = arith.constant 16 : index
        %swap3A_783 = tpu.vector_load %arg8[%swap3A_780, %swap3A_781, %swap3A_782] {strides = array<i32>} : memref<4x120x64xi32, #tpu.memory_space<vmem>>, vector<16xi32>,
        tpu.vector_store %arg8[%swap3A_780, %swap3A_781, %swap3A_782], %bitcast3A_776 {strides = array<i32>} : memref<4x120x64xi32, #tpu.memory_space<vmem>>, vector<16xi32>,
        %add3A_784 = arith.constant 3 : i32
        %add3A_785 = arith.addi %add3A_424, %add3A_784 : i32
        %get3A_786 = arith.constant 1 : i32
        %get3A_787 = arith.index_cast %get3A_786 : i32 to index
        %get3A_788 = arith.index_cast %add3A_785 : i32 to index
        %get3A_789 = arith.constant 32 : index
        %get3A_790 = tpu.vector_load %arg6[%get3A_787, %get3A_788, %get3A_789] {strides = array<i32>} : memref<4x120x64xi32, #tpu.memory_space<vmem>>, vector<16xi32>,
        %bitcast3A_791 = vector.bitcast %get3A_790 : vector<16xi32> to vector<32xbf16>
        %add3A_792 = arith.constant 3 : i32
        %add3A_793 = arith.addi %add3A_424, %add3A_792 : i32
        %get3A_794 = arith.constant 1 : i32
        %get3A_795 = arith.index_cast %get3A_794 : i32 to index
        %get3A_796 = arith.index_cast %add3A_793 : i32 to index
        %get3A_797 = arith.constant 32 : index
        %get3A_798 = tpu.vector_load %arg7[%get3A_795, %get3A_796, %get3A_797] {strides = array<i32>} : memref<4x120x64xi32, #tpu.memory_space<vmem>>, vector<16xi32>,
        %bitcast3A_799 = vector.bitcast %get3A_798 : vector<16xi32> to vector<32xbf16>
        %sub3A_800 = arith.subf %bitcast3A_791, %bitcast3A_799 : vector<32xbf16>
        %abs3A_801 = math.absf %sub3A_800 : vector<32xbf16>
        %bitcast3A_802 = vector.bitcast %abs3A_801 : vector<32xbf16> to vector<16xi32>
        %add3A_803 = arith.constant 3 : i32
        %add3A_804 = arith.addi %add3A_424, %add3A_803 : i32
        %swap3A_805 = arith.constant 1 : i32
        %swap3A_806 = arith.index_cast %swap3A_805 : i32 to index
        %swap3A_807 = arith.index_cast %add3A_804 : i32 to index
        %swap3A_808 = arith.constant 32 : index
        %swap3A_809 = tpu.vector_load %arg8[%swap3A_806, %swap3A_807, %swap3A_808] {strides = array<i32>} : memref<4x120x64xi32, #tpu.memory_space<vmem>>, vector<16xi32>,
        tpu.vector_store %arg8[%swap3A_806, %swap3A_807, %swap3A_808], %bitcast3A_802 {strides = array<i32>} : memref<4x120x64xi32, #tpu.memory_space<vmem>>, vector<16xi32>,
        %add3A_810 = arith.constant 3 : i32
        %add3A_811 = arith.addi %add3A_424, %add3A_810 : i32
        %get3A_812 = arith.constant 1 : i32
        %get3A_813 = arith.index_cast %get3A_812 : i32 to index
        %get3A_814 = arith.index_cast %add3A_811 : i32 to index
        %get3A_815 = arith.constant 48 : index
        %get3A_816 = tpu.vector_load %arg6[%get3A_813, %get3A_814, %get3A_815] {strides = array<i32>} : memref<4x120x64xi32, #tpu.memory_space<vmem>>, vector<16xi32>,
        %bitcast3A_817 = vector.bitcast %get3A_816 : vector<16xi32> to vector<32xbf16>
        %add3A_818 = arith.constant 3 : i32
        %add3A_819 = arith.addi %add3A_424, %add3A_818 : i32
        %get3A_820 = arith.constant 1 : i32
        %get3A_821 = arith.index_cast %get3A_820 : i32 to index
        %get3A_822 = arith.index_cast %add3A_819 : i32 to index
        %get3A_823 = arith.constant 48 : index
        %get3A_824 = tpu.vector_load %arg7[%get3A_821, %get3A_822, %get3A_823] {strides = array<i32>} : memref<4x120x64xi32, #tpu.memory_space<vmem>>, vector<16xi32>,
        %bitcast3A_825 = vector.bitcast %get3A_824 : vector<16xi32> to vector<32xbf16>
        %sub3A_826 = arith.subf %bitcast3A_817, %bitcast3A_825 : vector<32xbf16>
        %abs3A_827 = math.absf %sub3A_826 : vector<32xbf16>
        %bitcast3A_828 = vector.bitcast %abs3A_827 : vector<32xbf16> to vector<16xi32>
        %add3A_829 = arith.constant 3 : i32
        %add3A_830 = arith.addi %add3A_424, %add3A_829 : i32
        %swap3A_831 = arith.constant 1 : i32
        %swap3A_832 = arith.index_cast %swap3A_831 : i32 to index
        %swap3A_833 = arith.index_cast %add3A_830 : i32 to index
        %swap3A_834 = arith.constant 48 : index
        %swap3A_835 = tpu.vector_load %arg8[%swap3A_832, %swap3A_833, %swap3A_834] {strides = array<i32>} : memref<4x120x64xi32, #tpu.memory_space<vmem>>, vector<16xi32>,
        tpu.vector_store %arg8[%swap3A_832, %swap3A_833, %swap3A_834], %bitcast3A_828 {strides = array<i32>} : memref<4x120x64xi32, #tpu.memory_space<vmem>>, vector<16xi32>,
      }
      %scan3A_272 = arith.constant 30 : i32
      %add3A_273 = arith.constant 4 : i32
      %add3A_274 = arith.addi %add3A_238, %add3A_273 : i32
      %lt3A_275 = arith.constant 80 : i32
      %lt3A_276 = arith.cmpi slt, %add3A_274, %lt3A_275 : i32
      %convert_element_type3A_277 = arith.extui %lt3A_276 : i1 to i32
      %cond3A_278 = arith.constant 0 : i32
      %cond3A_279 = arith.cmpi ne, %convert_element_type3A_277, %cond3A_278 : i32
      scf.if %cond3A_279 {
        %add3A_420 = arith.constant 4 : i32
        %add3A_421 = arith.addi %add3A_238, %add3A_420 : i32
        %mul3A_422 = arith.constant 2 : i32
        %mul3A_423 = arith.muli %mul3A_422, %add3A_421 : i32
        %dma_start3A_424 = arith.constant 1 : i32
        %dma_start3A_425 = arith.constant 0 : i32
        %dma_start3A_426 = arith.constant 0 : i32
        %dma_start3A_427 = tpu.memref_slice %arg6[%dma_start3A_424, %dma_start3A_425, %dma_start3A_426] : memref<4x120x64xi32, #tpu.memory_space<vmem>> -> memref<1x120x64xi32, #tpu.memory_space<vmem>>
        %dma_start3A_428 = tpu.memref_squeeze %dma_start3A_427 : memref<1x120x64xi32, #tpu.memory_space<vmem>> -> memref<120x64xi32, #tpu.memory_space<vmem>>
        %dma_start3A_429 = arith.constant 0 : i32
        %dma_start3A_430 = tpu.memref_slice %arg5[%mul3A_423, %dma_start3A_429] : memref<160x120xi32, #tpu.memory_space<vmem>> -> memref<1x120xi32, #tpu.memory_space<vmem>>
        %dma_start3A_431 = tpu.memref_squeeze %dma_start3A_430 : memref<1x120xi32, #tpu.memory_space<vmem>> -> memref<120xi32, #tpu.memory_space<vmem>>
        %dma_start3A_432 = arith.constant 0 : i32
        %dma_start3A_433 = arith.constant 0 : i32
        %dma_start3A_434 = tpu.memref_slice %arg2[%dma_start3A_432, %dma_start3A_433] : memref<10240x64xi32, #tpu.memory_space<hbm>> -> memref<10240x64xi32, #tpu.memory_space<hbm>>
        tpu.enqueue_indirect_dma source(%dma_start3A_434 : memref<10240x64xi32, #tpu.memory_space<hbm>>) target(%dma_start3A_428 : memref<120x64xi32, #tpu.memory_space<vmem>>) offsets(%dma_start3A_431 : memref<120xi32, #tpu.memory_space<vmem>>) semaphore(%arg11 : memref<!tpu.dma_semaphore, #tpu.memory_space<semaphore_mem>>)
        %mul3A_435 = arith.constant 2 : i32
        %mul3A_436 = arith.muli %mul3A_435, %add3A_421 : i32
        %add3A_437 = arith.constant 1 : i32
        %add3A_438 = arith.addi %mul3A_436, %add3A_437 : i32
        %dma_start3A_439 = arith.constant 1 : i32
        %dma_start3A_440 = arith.constant 0 : i32
        %dma_start3A_441 = arith.constant 0 : i32
        %dma_start3A_442 = tpu.memref_slice %arg7[%dma_start3A_439, %dma_start3A_440, %dma_start3A_441] : memref<4x120x64xi32, #tpu.memory_space<vmem>> -> memref<1x120x64xi32, #tpu.memory_space<vmem>>
        %dma_start3A_443 = tpu.memref_squeeze %dma_start3A_442 : memref<1x120x64xi32, #tpu.memory_space<vmem>> -> memref<120x64xi32, #tpu.memory_space<vmem>>
        %dma_start3A_444 = arith.constant 0 : i32
        %dma_start3A_445 = tpu.memref_slice %arg5[%add3A_438, %dma_start3A_444] : memref<160x120xi32, #tpu.memory_space<vmem>> -> memref<1x120xi32, #tpu.memory_space<vmem>>
        %dma_start3A_446 = tpu.memref_squeeze %dma_start3A_445 : memref<1x120xi32, #tpu.memory_space<vmem>> -> memref<120xi32, #tpu.memory_space<vmem>>
        %dma_start3A_447 = arith.constant 0 : i32
        %dma_start3A_448 = arith.constant 0 : i32
        %dma_start3A_449 = tpu.memref_slice %arg2[%dma_start3A_447, %dma_start3A_448] : memref<10240x64xi32, #tpu.memory_space<hbm>> -> memref<10240x64xi32, #tpu.memory_space<hbm>>
        tpu.enqueue_indirect_dma source(%dma_start3A_449 : memref<10240x64xi32, #tpu.memory_space<hbm>>) target(%dma_start3A_443 : memref<120x64xi32, #tpu.memory_space<vmem>>) offsets(%dma_start3A_446 : memref<120xi32, #tpu.memory_space<vmem>>) semaphore(%arg15 : memref<!tpu.dma_semaphore, #tpu.memory_space<semaphore_mem>>)
      } else {
      }
      %mul3A_280 = arith.constant 9600 : i32
      %mul3A_281 = arith.muli %add3A, %mul3A_280 : i32
      %mul3A_282 = arith.constant 120 : i32
      %mul3A_283 = arith.muli %add3A_238, %mul3A_282 : i32
      %add3A_284 = arith.addi %mul3A_281, %mul3A_283 : i32
      %dma_start3A_285 = arith.constant 1 : i32
      %dma_start3A_286 = arith.constant 0 : i32
      %dma_start3A_287 = arith.constant 0 : i32
      %dma_start3A_288 = tpu.memref_slice %arg8[%dma_start3A_285, %dma_start3A_286, %dma_start3A_287] : memref<4x120x64xi32, #tpu.memory_space<vmem>> -> memref<1x120x64xi32, #tpu.memory_space<vmem>>
      %dma_start3A_289 = tpu.memref_squeeze %dma_start3A_288 : memref<1x120x64xi32, #tpu.memory_space<vmem>> -> memref<120x64xi32, #tpu.memory_space<vmem>>
      %dma_start3A_290 = arith.constant 0 : i32
      %dma_start3A_291 = tpu.memref_slice %arg4[%add3A_284, %dma_start3A_290] : memref<307200x64xi32, #tpu.memory_space<hbm>> -> memref<120x64xi32, #tpu.memory_space<hbm>>
      %dma_start3A_292 = arith.constant 0 : i32
      %dma_start3A_293 = tpu.memref_slice %arg4[%add3A_284, %dma_start3A_292] : memref<307200x64xi32, #tpu.memory_space<hbm>> -> memref<120x64xi32, #tpu.memory_space<hbm>>
      %dma_start3A_294 = arith.constant 0 : i32
      %dma_start3A_295 = arith.constant 0 : i32
      %dma_start3A_296 = tpu.memref_slice %arg8[%dma_start3A_285, %dma_start3A_294, %dma_start3A_295] : memref<4x120x64xi32, #tpu.memory_space<vmem>> -> memref<1x120x64xi32, #tpu.memory_space<vmem>>
      %dma_start3A_297 = tpu.memref_squeeze %dma_start3A_296 : memref<1x120x64xi32, #tpu.memory_space<vmem>> -> memref<120x64xi32, #tpu.memory_space<vmem>>
      tpu.enqueue_dma source(%dma_start3A_297 : memref<120x64xi32, #tpu.memory_space<vmem>>) target(%dma_start3A_293 : memref<120x64xi32, #tpu.memory_space<hbm>>) target_semaphore(%arg19 : memref<!tpu.dma_semaphore, #tpu.memory_space<semaphore_mem>>)
      %add3A_298 = arith.constant 2 : i32
      %add3A_299 = arith.addi %add3A_179, %add3A_298 : i32
      %dma_wait3A_300 = arith.constant 0 : i32
      %dma_wait3A_301 = arith.constant 2 : i32
      %dma_wait3A_302 = arith.constant 0 : i32
      %dma_wait3A_303 = arith.constant 0 : i32
      %dma_wait3A_304 = tpu.memref_slice %arg6[%dma_wait3A_301, %dma_wait3A_302, %dma_wait3A_303] : memref<4x120x64xi32, #tpu.memory_space<vmem>> -> memref<1x120x64xi32, #tpu.memory_space<vmem>>
      %dma_wait3A_305 = tpu.memref_squeeze %dma_wait3A_304 : memref<1x120x64xi32, #tpu.memory_space<vmem>> -> memref<120x64xi32, #tpu.memory_space<vmem>>
      %dma_wait3A_306 = arith.constant 0 : i32
      %dma_wait3A_307 = tpu.memref_slice %arg5[%dma_wait3A_300, %dma_wait3A_306] : memref<160x120xi32, #tpu.memory_space<vmem>> -> memref<1x120xi32, #tpu.memory_space<vmem>>
      %dma_wait3A_308 = tpu.memref_squeeze %dma_wait3A_307 : memref<1x120xi32, #tpu.memory_space<vmem>> -> memref<120xi32, #tpu.memory_space<vmem>>
      %dma_wait3A_309 = arith.constant 0 : i32
      %dma_wait3A_310 = arith.constant 0 : i32
      %dma_wait3A_311 = tpu.memref_slice %arg2[%dma_wait3A_309, %dma_wait3A_310] : memref<10240x64xi32, #tpu.memory_space<hbm>> -> memref<10240x64xi32, #tpu.memory_space<hbm>>
      tpu.wait_indirect_dma semaphore(%arg12 : memref<!tpu.dma_semaphore, #tpu.memory_space<semaphore_mem>>) src(%dma_wait3A_311 : memref<10240x64xi32, #tpu.memory_space<hbm>>) dst(%dma_wait3A_305 : memref<120x64xi32, #tpu.memory_space<vmem>>)
      %dma_wait3A_312 = arith.constant 0 : i32
      %dma_wait3A_313 = arith.constant 2 : i32
      %dma_wait3A_314 = arith.constant 0 : i32
      %dma_wait3A_315 = arith.constant 0 : i32
      %dma_wait3A_316 = tpu.memref_slice %arg7[%dma_wait3A_313, %dma_wait3A_314, %dma_wait3A_315] : memref<4x120x64xi32, #tpu.memory_space<vmem>> -> memref<1x120x64xi32, #tpu.memory_space<vmem>>
      %dma_wait3A_317 = tpu.memref_squeeze %dma_wait3A_316 : memref<1x120x64xi32, #tpu.memory_space<vmem>> -> memref<120x64xi32, #tpu.memory_space<vmem>>
      %dma_wait3A_318 = arith.constant 0 : i32
      %dma_wait3A_319 = tpu.memref_slice %arg5[%dma_wait3A_312, %dma_wait3A_318] : memref<160x120xi32, #tpu.memory_space<vmem>> -> memref<1x120xi32, #tpu.memory_space<vmem>>
      %dma_wait3A_320 = tpu.memref_squeeze %dma_wait3A_319 : memref<1x120xi32, #tpu.memory_space<vmem>> -> memref<120xi32, #tpu.memory_space<vmem>>
      %dma_wait3A_321 = arith.constant 0 : i32
      %dma_wait3A_322 = arith.constant 0 : i32
      %dma_wait3A_323 = tpu.memref_slice %arg2[%dma_wait3A_321, %dma_wait3A_322] : memref<10240x64xi32, #tpu.memory_space<hbm>> -> memref<10240x64xi32, #tpu.memory_space<hbm>>
      tpu.wait_indirect_dma semaphore(%arg16 : memref<!tpu.dma_semaphore, #tpu.memory_space<semaphore_mem>>) src(%dma_wait3A_323 : memref<10240x64xi32, #tpu.memory_space<hbm>>) dst(%dma_wait3A_317 : memref<120x64xi32, #tpu.memory_space<vmem>>)
      %ge3A_324 = arith.constant 4 : i32
      %ge3A_325 = arith.cmpi sge, %add3A_179, %ge3A_324 : i32
      %convert_element_type3A_326 = arith.extui %ge3A_325 : i1 to i32
      %cond3A_327 = arith.constant 0 : i32
      %cond3A_328 = arith.cmpi ne, %convert_element_type3A_326, %cond3A_327 : i32
      scf.if %cond3A_328 {
        %dma_wait3A_420 = arith.constant 2 : i32
        %dma_wait3A_421 = arith.constant 0 : i32
        %dma_wait3A_422 = arith.constant 0 : i32
        %dma_wait3A_423 = tpu.memref_slice %arg8[%dma_wait3A_420, %dma_wait3A_421, %dma_wait3A_422] : memref<4x120x64xi32, #tpu.memory_space<vmem>> -> memref<1x120x64xi32, #tpu.memory_space<vmem>>
        %dma_wait3A_424 = tpu.memref_squeeze %dma_wait3A_423 : memref<1x120x64xi32, #tpu.memory_space<vmem>> -> memref<120x64xi32, #tpu.memory_space<vmem>>
        %dma_wait3A_425 = arith.constant 0 : i32
        %dma_wait3A_426 = arith.constant 0 : i32
        %dma_wait3A_427 = tpu.memref_slice %arg4[%dma_wait3A_425, %dma_wait3A_426] : memref<307200x64xi32, #tpu.memory_space<hbm>> -> memref<120x64xi32, #tpu.memory_space<hbm>>
        %dma_wait3A_428 = arith.constant 0 : i32
        %dma_wait3A_429 = arith.constant 0 : i32
        %dma_wait3A_430 = tpu.memref_slice %arg4[%dma_wait3A_428, %dma_wait3A_429] : memref<307200x64xi32, #tpu.memory_space<hbm>> -> memref<120x64xi32, #tpu.memory_space<hbm>>
        %dma_wait3A_431 = arith.constant 0 : i32
        %dma_wait3A_432 = arith.constant 0 : i32
        %dma_wait3A_433 = tpu.memref_slice %arg8[%dma_wait3A_420, %dma_wait3A_431, %dma_wait3A_432] : memref<4x120x64xi32, #tpu.memory_space<vmem>> -> memref<1x120x64xi32, #tpu.memory_space<vmem>>
        %dma_wait3A_434 = tpu.memref_squeeze %dma_wait3A_433 : memref<1x120x64xi32, #tpu.memory_space<vmem>> -> memref<120x64xi32, #tpu.memory_space<vmem>>
        tpu.wait_dma2 semaphore(%arg20 : memref<!tpu.dma_semaphore, #tpu.memory_space<semaphore_mem>>) src(%dma_wait3A_434 : memref<120x64xi32, #tpu.memory_space<vmem>>) dst(%dma_wait3A_430 : memref<120x64xi32, #tpu.memory_space<hbm>>)
      } else {
      }
      %scan3A_329 = arith.constant 0 : i32
      %scan3A_330 = arith.constant 30 : i32
      %scan3A_331 = arith.addi %scan3A_329, %scan3A_330 : i32
      %scan3A_332 = arith.constant 1 : i32
      scf.for %scan3A_420 = %scan3A_329 to %scan3A_331 step %scan3A_332  : i32 {
        %mul3A_421 = arith.constant 4 : i32
        %mul3A_422 = arith.muli %scan3A_420, %mul3A_421 : i32
        %add3A_423 = arith.constant 0 : i32
        %add3A_424 = arith.addi %add3A_423, %mul3A_422 : i32
        %add3A_425 = arith.constant 0 : i32
        %add3A_426 = arith.addi %add3A_424, %add3A_425 : i32
        %get3A = arith.constant 2 : i32
        %get3A_427 = arith.index_cast %get3A : i32 to index
        %get3A_428 = arith.index_cast %add3A_426 : i32 to index
        %get3A_429 = arith.constant 0 : index
        %get3A_430 = tpu.vector_load %arg6[%get3A_427, %get3A_428, %get3A_429] {strides = array<i32>} : memref<4x120x64xi32, #tpu.memory_space<vmem>>, vector<16xi32>,
        %bitcast3A = vector.bitcast %get3A_430 : vector<16xi32> to vector<32xbf16>
        %add3A_431 = arith.constant 0 : i32
        %add3A_432 = arith.addi %add3A_424, %add3A_431 : i32
        %get3A_433 = arith.constant 2 : i32
        %get3A_434 = arith.index_cast %get3A_433 : i32 to index
        %get3A_435 = arith.index_cast %add3A_432 : i32 to index
        %get3A_436 = arith.constant 0 : index
        %get3A_437 = tpu.vector_load %arg7[%get3A_434, %get3A_435, %get3A_436] {strides = array<i32>} : memref<4x120x64xi32, #tpu.memory_space<vmem>>, vector<16xi32>,
        %bitcast3A_438 = vector.bitcast %get3A_437 : vector<16xi32> to vector<32xbf16>
        %sub3A = arith.subf %bitcast3A, %bitcast3A_438 : vector<32xbf16>
        %abs3A = math.absf %sub3A : vector<32xbf16>
        %bitcast3A_439 = vector.bitcast %abs3A : vector<32xbf16> to vector<16xi32>
        %add3A_440 = arith.constant 0 : i32
        %add3A_441 = arith.addi %add3A_424, %add3A_440 : i32
        %swap3A = arith.constant 2 : i32
        %swap3A_442 = arith.index_cast %swap3A : i32 to index
        %swap3A_443 = arith.index_cast %add3A_441 : i32 to index
        %swap3A_444 = arith.constant 0 : index
        %swap3A_445 = tpu.vector_load %arg8[%swap3A_442, %swap3A_443, %swap3A_444] {strides = array<i32>} : memref<4x120x64xi32, #tpu.memory_space<vmem>>, vector<16xi32>,
        tpu.vector_store %arg8[%swap3A_442, %swap3A_443, %swap3A_444], %bitcast3A_439 {strides = array<i32>} : memref<4x120x64xi32, #tpu.memory_space<vmem>>, vector<16xi32>,
        %add3A_446 = arith.constant 0 : i32
        %add3A_447 = arith.addi %add3A_424, %add3A_446 : i32
        %get3A_448 = arith.constant 2 : i32
        %get3A_449 = arith.index_cast %get3A_448 : i32 to index
        %get3A_450 = arith.index_cast %add3A_447 : i32 to index
        %get3A_451 = arith.constant 16 : index
        %get3A_452 = tpu.vector_load %arg6[%get3A_449, %get3A_450, %get3A_451] {strides = array<i32>} : memref<4x120x64xi32, #tpu.memory_space<vmem>>, vector<16xi32>,
        %bitcast3A_453 = vector.bitcast %get3A_452 : vector<16xi32> to vector<32xbf16>
        %add3A_454 = arith.constant 0 : i32
        %add3A_455 = arith.addi %add3A_424, %add3A_454 : i32
        %get3A_456 = arith.constant 2 : i32
        %get3A_457 = arith.index_cast %get3A_456 : i32 to index
        %get3A_458 = arith.index_cast %add3A_455 : i32 to index
        %get3A_459 = arith.constant 16 : index
        %get3A_460 = tpu.vector_load %arg7[%get3A_457, %get3A_458, %get3A_459] {strides = array<i32>} : memref<4x120x64xi32, #tpu.memory_space<vmem>>, vector<16xi32>,
        %bitcast3A_461 = vector.bitcast %get3A_460 : vector<16xi32> to vector<32xbf16>
        %sub3A_462 = arith.subf %bitcast3A_453, %bitcast3A_461 : vector<32xbf16>
        %abs3A_463 = math.absf %sub3A_462 : vector<32xbf16>
        %bitcast3A_464 = vector.bitcast %abs3A_463 : vector<32xbf16> to vector<16xi32>
        %add3A_465 = arith.constant 0 : i32
        %add3A_466 = arith.addi %add3A_424, %add3A_465 : i32
        %swap3A_467 = arith.constant 2 : i32
        %swap3A_468 = arith.index_cast %swap3A_467 : i32 to index
        %swap3A_469 = arith.index_cast %add3A_466 : i32 to index
        %swap3A_470 = arith.constant 16 : index
        %swap3A_471 = tpu.vector_load %arg8[%swap3A_468, %swap3A_469, %swap3A_470] {strides = array<i32>} : memref<4x120x64xi32, #tpu.memory_space<vmem>>, vector<16xi32>,
        tpu.vector_store %arg8[%swap3A_468, %swap3A_469, %swap3A_470], %bitcast3A_464 {strides = array<i32>} : memref<4x120x64xi32, #tpu.memory_space<vmem>>, vector<16xi32>,
        %add3A_472 = arith.constant 0 : i32
        %add3A_473 = arith.addi %add3A_424, %add3A_472 : i32
        %get3A_474 = arith.constant 2 : i32
        %get3A_475 = arith.index_cast %get3A_474 : i32 to index
        %get3A_476 = arith.index_cast %add3A_473 : i32 to index
        %get3A_477 = arith.constant 32 : index
        %get3A_478 = tpu.vector_load %arg6[%get3A_475, %get3A_476, %get3A_477] {strides = array<i32>} : memref<4x120x64xi32, #tpu.memory_space<vmem>>, vector<16xi32>,
        %bitcast3A_479 = vector.bitcast %get3A_478 : vector<16xi32> to vector<32xbf16>
        %add3A_480 = arith.constant 0 : i32
        %add3A_481 = arith.addi %add3A_424, %add3A_480 : i32
        %get3A_482 = arith.constant 2 : i32
        %get3A_483 = arith.index_cast %get3A_482 : i32 to index
        %get3A_484 = arith.index_cast %add3A_481 : i32 to index
        %get3A_485 = arith.constant 32 : index
        %get3A_486 = tpu.vector_load %arg7[%get3A_483, %get3A_484, %get3A_485] {strides = array<i32>} : memref<4x120x64xi32, #tpu.memory_space<vmem>>, vector<16xi32>,
        %bitcast3A_487 = vector.bitcast %get3A_486 : vector<16xi32> to vector<32xbf16>
        %sub3A_488 = arith.subf %bitcast3A_479, %bitcast3A_487 : vector<32xbf16>
        %abs3A_489 = math.absf %sub3A_488 : vector<32xbf16>
        %bitcast3A_490 = vector.bitcast %abs3A_489 : vector<32xbf16> to vector<16xi32>
        %add3A_491 = arith.constant 0 : i32
        %add3A_492 = arith.addi %add3A_424, %add3A_491 : i32
        %swap3A_493 = arith.constant 2 : i32
        %swap3A_494 = arith.index_cast %swap3A_493 : i32 to index
        %swap3A_495 = arith.index_cast %add3A_492 : i32 to index
        %swap3A_496 = arith.constant 32 : index
        %swap3A_497 = tpu.vector_load %arg8[%swap3A_494, %swap3A_495, %swap3A_496] {strides = array<i32>} : memref<4x120x64xi32, #tpu.memory_space<vmem>>, vector<16xi32>,
        tpu.vector_store %arg8[%swap3A_494, %swap3A_495, %swap3A_496], %bitcast3A_490 {strides = array<i32>} : memref<4x120x64xi32, #tpu.memory_space<vmem>>, vector<16xi32>,
        %add3A_498 = arith.constant 0 : i32
        %add3A_499 = arith.addi %add3A_424, %add3A_498 : i32
        %get3A_500 = arith.constant 2 : i32
        %get3A_501 = arith.index_cast %get3A_500 : i32 to index
        %get3A_502 = arith.index_cast %add3A_499 : i32 to index
        %get3A_503 = arith.constant 48 : index
        %get3A_504 = tpu.vector_load %arg6[%get3A_501, %get3A_502, %get3A_503] {strides = array<i32>} : memref<4x120x64xi32, #tpu.memory_space<vmem>>, vector<16xi32>,
        %bitcast3A_505 = vector.bitcast %get3A_504 : vector<16xi32> to vector<32xbf16>
        %add3A_506 = arith.constant 0 : i32
        %add3A_507 = arith.addi %add3A_424, %add3A_506 : i32
        %get3A_508 = arith.constant 2 : i32
        %get3A_509 = arith.index_cast %get3A_508 : i32 to index
        %get3A_510 = arith.index_cast %add3A_507 : i32 to index
        %get3A_511 = arith.constant 48 : index
        %get3A_512 = tpu.vector_load %arg7[%get3A_509, %get3A_510, %get3A_511] {strides = array<i32>} : memref<4x120x64xi32, #tpu.memory_space<vmem>>, vector<16xi32>,
        %bitcast3A_513 = vector.bitcast %get3A_512 : vector<16xi32> to vector<32xbf16>
        %sub3A_514 = arith.subf %bitcast3A_505, %bitcast3A_513 : vector<32xbf16>
        %abs3A_515 = math.absf %sub3A_514 : vector<32xbf16>
        %bitcast3A_516 = vector.bitcast %abs3A_515 : vector<32xbf16> to vector<16xi32>
        %add3A_517 = arith.constant 0 : i32
        %add3A_518 = arith.addi %add3A_424, %add3A_517 : i32
        %swap3A_519 = arith.constant 2 : i32
        %swap3A_520 = arith.index_cast %swap3A_519 : i32 to index
        %swap3A_521 = arith.index_cast %add3A_518 : i32 to index
        %swap3A_522 = arith.constant 48 : index
        %swap3A_523 = tpu.vector_load %arg8[%swap3A_520, %swap3A_521, %swap3A_522] {strides = array<i32>} : memref<4x120x64xi32, #tpu.memory_space<vmem>>, vector<16xi32>,
        tpu.vector_store %arg8[%swap3A_520, %swap3A_521, %swap3A_522], %bitcast3A_516 {strides = array<i32>} : memref<4x120x64xi32, #tpu.memory_space<vmem>>, vector<16xi32>,
        %add3A_524 = arith.constant 1 : i32
        %add3A_525 = arith.addi %add3A_424, %add3A_524 : i32
        %get3A_526 = arith.constant 2 : i32
        %get3A_527 = arith.index_cast %get3A_526 : i32 to index
        %get3A_528 = arith.index_cast %add3A_525 : i32 to index
        %get3A_529 = arith.constant 0 : index
        %get3A_530 = tpu.vector_load %arg6[%get3A_527, %get3A_528, %get3A_529] {strides = array<i32>} : memref<4x120x64xi32, #tpu.memory_space<vmem>>, vector<16xi32>,
        %bitcast3A_531 = vector.bitcast %get3A_530 : vector<16xi32> to vector<32xbf16>
        %add3A_532 = arith.constant 1 : i32
        %add3A_533 = arith.addi %add3A_424, %add3A_532 : i32
        %get3A_534 = arith.constant 2 : i32
        %get3A_535 = arith.index_cast %get3A_534 : i32 to index
        %get3A_536 = arith.index_cast %add3A_533 : i32 to index
        %get3A_537 = arith.constant 0 : index
        %get3A_538 = tpu.vector_load %arg7[%get3A_535, %get3A_536, %get3A_537] {strides = array<i32>} : memref<4x120x64xi32, #tpu.memory_space<vmem>>, vector<16xi32>,
        %bitcast3A_539 = vector.bitcast %get3A_538 : vector<16xi32> to vector<32xbf16>
        %sub3A_540 = arith.subf %bitcast3A_531, %bitcast3A_539 : vector<32xbf16>
        %abs3A_541 = math.absf %sub3A_540 : vector<32xbf16>
        %bitcast3A_542 = vector.bitcast %abs3A_541 : vector<32xbf16> to vector<16xi32>
        %add3A_543 = arith.constant 1 : i32
        %add3A_544 = arith.addi %add3A_424, %add3A_543 : i32
        %swap3A_545 = arith.constant 2 : i32
        %swap3A_546 = arith.index_cast %swap3A_545 : i32 to index
        %swap3A_547 = arith.index_cast %add3A_544 : i32 to index
        %swap3A_548 = arith.constant 0 : index
        %swap3A_549 = tpu.vector_load %arg8[%swap3A_546, %swap3A_547, %swap3A_548] {strides = array<i32>} : memref<4x120x64xi32, #tpu.memory_space<vmem>>, vector<16xi32>,
        tpu.vector_store %arg8[%swap3A_546, %swap3A_547, %swap3A_548], %bitcast3A_542 {strides = array<i32>} : memref<4x120x64xi32, #tpu.memory_space<vmem>>, vector<16xi32>,
        %add3A_550 = arith.constant 1 : i32
        %add3A_551 = arith.addi %add3A_424, %add3A_550 : i32
        %get3A_552 = arith.constant 2 : i32
        %get3A_553 = arith.index_cast %get3A_552 : i32 to index
        %get3A_554 = arith.index_cast %add3A_551 : i32 to index
        %get3A_555 = arith.constant 16 : index
        %get3A_556 = tpu.vector_load %arg6[%get3A_553, %get3A_554, %get3A_555] {strides = array<i32>} : memref<4x120x64xi32, #tpu.memory_space<vmem>>, vector<16xi32>,
        %bitcast3A_557 = vector.bitcast %get3A_556 : vector<16xi32> to vector<32xbf16>
        %add3A_558 = arith.constant 1 : i32
        %add3A_559 = arith.addi %add3A_424, %add3A_558 : i32
        %get3A_560 = arith.constant 2 : i32
        %get3A_561 = arith.index_cast %get3A_560 : i32 to index
        %get3A_562 = arith.index_cast %add3A_559 : i32 to index
        %get3A_563 = arith.constant 16 : index
        %get3A_564 = tpu.vector_load %arg7[%get3A_561, %get3A_562, %get3A_563] {strides = array<i32>} : memref<4x120x64xi32, #tpu.memory_space<vmem>>, vector<16xi32>,
        %bitcast3A_565 = vector.bitcast %get3A_564 : vector<16xi32> to vector<32xbf16>
        %sub3A_566 = arith.subf %bitcast3A_557, %bitcast3A_565 : vector<32xbf16>
        %abs3A_567 = math.absf %sub3A_566 : vector<32xbf16>
        %bitcast3A_568 = vector.bitcast %abs3A_567 : vector<32xbf16> to vector<16xi32>
        %add3A_569 = arith.constant 1 : i32
        %add3A_570 = arith.addi %add3A_424, %add3A_569 : i32
        %swap3A_571 = arith.constant 2 : i32
        %swap3A_572 = arith.index_cast %swap3A_571 : i32 to index
        %swap3A_573 = arith.index_cast %add3A_570 : i32 to index
        %swap3A_574 = arith.constant 16 : index
        %swap3A_575 = tpu.vector_load %arg8[%swap3A_572, %swap3A_573, %swap3A_574] {strides = array<i32>} : memref<4x120x64xi32, #tpu.memory_space<vmem>>, vector<16xi32>,
        tpu.vector_store %arg8[%swap3A_572, %swap3A_573, %swap3A_574], %bitcast3A_568 {strides = array<i32>} : memref<4x120x64xi32, #tpu.memory_space<vmem>>, vector<16xi32>,
        %add3A_576 = arith.constant 1 : i32
        %add3A_577 = arith.addi %add3A_424, %add3A_576 : i32
        %get3A_578 = arith.constant 2 : i32
        %get3A_579 = arith.index_cast %get3A_578 : i32 to index
        %get3A_580 = arith.index_cast %add3A_577 : i32 to index
        %get3A_581 = arith.constant 32 : index
        %get3A_582 = tpu.vector_load %arg6[%get3A_579, %get3A_580, %get3A_581] {strides = array<i32>} : memref<4x120x64xi32, #tpu.memory_space<vmem>>, vector<16xi32>,
        %bitcast3A_583 = vector.bitcast %get3A_582 : vector<16xi32> to vector<32xbf16>
        %add3A_584 = arith.constant 1 : i32
        %add3A_585 = arith.addi %add3A_424, %add3A_584 : i32
        %get3A_586 = arith.constant 2 : i32
        %get3A_587 = arith.index_cast %get3A_586 : i32 to index
        %get3A_588 = arith.index_cast %add3A_585 : i32 to index
        %get3A_589 = arith.constant 32 : index
        %get3A_590 = tpu.vector_load %arg7[%get3A_587, %get3A_588, %get3A_589] {strides = array<i32>} : memref<4x120x64xi32, #tpu.memory_space<vmem>>, vector<16xi32>,
        %bitcast3A_591 = vector.bitcast %get3A_590 : vector<16xi32> to vector<32xbf16>
        %sub3A_592 = arith.subf %bitcast3A_583, %bitcast3A_591 : vector<32xbf16>
        %abs3A_593 = math.absf %sub3A_592 : vector<32xbf16>
        %bitcast3A_594 = vector.bitcast %abs3A_593 : vector<32xbf16> to vector<16xi32>
        %add3A_595 = arith.constant 1 : i32
        %add3A_596 = arith.addi %add3A_424, %add3A_595 : i32
        %swap3A_597 = arith.constant 2 : i32
        %swap3A_598 = arith.index_cast %swap3A_597 : i32 to index
        %swap3A_599 = arith.index_cast %add3A_596 : i32 to index
        %swap3A_600 = arith.constant 32 : index
        %swap3A_601 = tpu.vector_load %arg8[%swap3A_598, %swap3A_599, %swap3A_600] {strides = array<i32>} : memref<4x120x64xi32, #tpu.memory_space<vmem>>, vector<16xi32>,
        tpu.vector_store %arg8[%swap3A_598, %swap3A_599, %swap3A_600], %bitcast3A_594 {strides = array<i32>} : memref<4x120x64xi32, #tpu.memory_space<vmem>>, vector<16xi32>,
        %add3A_602 = arith.constant 1 : i32
        %add3A_603 = arith.addi %add3A_424, %add3A_602 : i32
        %get3A_604 = arith.constant 2 : i32
        %get3A_605 = arith.index_cast %get3A_604 : i32 to index
        %get3A_606 = arith.index_cast %add3A_603 : i32 to index
        %get3A_607 = arith.constant 48 : index
        %get3A_608 = tpu.vector_load %arg6[%get3A_605, %get3A_606, %get3A_607] {strides = array<i32>} : memref<4x120x64xi32, #tpu.memory_space<vmem>>, vector<16xi32>,
        %bitcast3A_609 = vector.bitcast %get3A_608 : vector<16xi32> to vector<32xbf16>
        %add3A_610 = arith.constant 1 : i32
        %add3A_611 = arith.addi %add3A_424, %add3A_610 : i32
        %get3A_612 = arith.constant 2 : i32
        %get3A_613 = arith.index_cast %get3A_612 : i32 to index
        %get3A_614 = arith.index_cast %add3A_611 : i32 to index
        %get3A_615 = arith.constant 48 : index
        %get3A_616 = tpu.vector_load %arg7[%get3A_613, %get3A_614, %get3A_615] {strides = array<i32>} : memref<4x120x64xi32, #tpu.memory_space<vmem>>, vector<16xi32>,
        %bitcast3A_617 = vector.bitcast %get3A_616 : vector<16xi32> to vector<32xbf16>
        %sub3A_618 = arith.subf %bitcast3A_609, %bitcast3A_617 : vector<32xbf16>
        %abs3A_619 = math.absf %sub3A_618 : vector<32xbf16>
        %bitcast3A_620 = vector.bitcast %abs3A_619 : vector<32xbf16> to vector<16xi32>
        %add3A_621 = arith.constant 1 : i32
        %add3A_622 = arith.addi %add3A_424, %add3A_621 : i32
        %swap3A_623 = arith.constant 2 : i32
        %swap3A_624 = arith.index_cast %swap3A_623 : i32 to index
        %swap3A_625 = arith.index_cast %add3A_622 : i32 to index
        %swap3A_626 = arith.constant 48 : index
        %swap3A_627 = tpu.vector_load %arg8[%swap3A_624, %swap3A_625, %swap3A_626] {strides = array<i32>} : memref<4x120x64xi32, #tpu.memory_space<vmem>>, vector<16xi32>,
        tpu.vector_store %arg8[%swap3A_624, %swap3A_625, %swap3A_626], %bitcast3A_620 {strides = array<i32>} : memref<4x120x64xi32, #tpu.memory_space<vmem>>, vector<16xi32>,
        %add3A_628 = arith.constant 2 : i32
        %add3A_629 = arith.addi %add3A_424, %add3A_628 : i32
        %get3A_630 = arith.constant 2 : i32
        %get3A_631 = arith.index_cast %get3A_630 : i32 to index
        %get3A_632 = arith.index_cast %add3A_629 : i32 to index
        %get3A_633 = arith.constant 0 : index
        %get3A_634 = tpu.vector_load %arg6[%get3A_631, %get3A_632, %get3A_633] {strides = array<i32>} : memref<4x120x64xi32, #tpu.memory_space<vmem>>, vector<16xi32>,
        %bitcast3A_635 = vector.bitcast %get3A_634 : vector<16xi32> to vector<32xbf16>
        %add3A_636 = arith.constant 2 : i32
        %add3A_637 = arith.addi %add3A_424, %add3A_636 : i32
        %get3A_638 = arith.constant 2 : i32
        %get3A_639 = arith.index_cast %get3A_638 : i32 to index
        %get3A_640 = arith.index_cast %add3A_637 : i32 to index
        %get3A_641 = arith.constant 0 : index
        %get3A_642 = tpu.vector_load %arg7[%get3A_639, %get3A_640, %get3A_641] {strides = array<i32>} : memref<4x120x64xi32, #tpu.memory_space<vmem>>, vector<16xi32>,
        %bitcast3A_643 = vector.bitcast %get3A_642 : vector<16xi32> to vector<32xbf16>
        %sub3A_644 = arith.subf %bitcast3A_635, %bitcast3A_643 : vector<32xbf16>
        %abs3A_645 = math.absf %sub3A_644 : vector<32xbf16>
        %bitcast3A_646 = vector.bitcast %abs3A_645 : vector<32xbf16> to vector<16xi32>
        %add3A_647 = arith.constant 2 : i32
        %add3A_648 = arith.addi %add3A_424, %add3A_647 : i32
        %swap3A_649 = arith.constant 2 : i32
        %swap3A_650 = arith.index_cast %swap3A_649 : i32 to index
        %swap3A_651 = arith.index_cast %add3A_648 : i32 to index
        %swap3A_652 = arith.constant 0 : index
        %swap3A_653 = tpu.vector_load %arg8[%swap3A_650, %swap3A_651, %swap3A_652] {strides = array<i32>} : memref<4x120x64xi32, #tpu.memory_space<vmem>>, vector<16xi32>,
        tpu.vector_store %arg8[%swap3A_650, %swap3A_651, %swap3A_652], %bitcast3A_646 {strides = array<i32>} : memref<4x120x64xi32, #tpu.memory_space<vmem>>, vector<16xi32>,
        %add3A_654 = arith.constant 2 : i32
        %add3A_655 = arith.addi %add3A_424, %add3A_654 : i32
        %get3A_656 = arith.constant 2 : i32
        %get3A_657 = arith.index_cast %get3A_656 : i32 to index
        %get3A_658 = arith.index_cast %add3A_655 : i32 to index
        %get3A_659 = arith.constant 16 : index
        %get3A_660 = tpu.vector_load %arg6[%get3A_657, %get3A_658, %get3A_659] {strides = array<i32>} : memref<4x120x64xi32, #tpu.memory_space<vmem>>, vector<16xi32>,
        %bitcast3A_661 = vector.bitcast %get3A_660 : vector<16xi32> to vector<32xbf16>
        %add3A_662 = arith.constant 2 : i32
        %add3A_663 = arith.addi %add3A_424, %add3A_662 : i32
        %get3A_664 = arith.constant 2 : i32
        %get3A_665 = arith.index_cast %get3A_664 : i32 to index
        %get3A_666 = arith.index_cast %add3A_663 : i32 to index
        %get3A_667 = arith.constant 16 : index
        %get3A_668 = tpu.vector_load %arg7[%get3A_665, %get3A_666, %get3A_667] {strides = array<i32>} : memref<4x120x64xi32, #tpu.memory_space<vmem>>, vector<16xi32>,
        %bitcast3A_669 = vector.bitcast %get3A_668 : vector<16xi32> to vector<32xbf16>
        %sub3A_670 = arith.subf %bitcast3A_661, %bitcast3A_669 : vector<32xbf16>
        %abs3A_671 = math.absf %sub3A_670 : vector<32xbf16>
        %bitcast3A_672 = vector.bitcast %abs3A_671 : vector<32xbf16> to vector<16xi32>
        %add3A_673 = arith.constant 2 : i32
        %add3A_674 = arith.addi %add3A_424, %add3A_673 : i32
        %swap3A_675 = arith.constant 2 : i32
        %swap3A_676 = arith.index_cast %swap3A_675 : i32 to index
        %swap3A_677 = arith.index_cast %add3A_674 : i32 to index
        %swap3A_678 = arith.constant 16 : index
        %swap3A_679 = tpu.vector_load %arg8[%swap3A_676, %swap3A_677, %swap3A_678] {strides = array<i32>} : memref<4x120x64xi32, #tpu.memory_space<vmem>>, vector<16xi32>,
        tpu.vector_store %arg8[%swap3A_676, %swap3A_677, %swap3A_678], %bitcast3A_672 {strides = array<i32>} : memref<4x120x64xi32, #tpu.memory_space<vmem>>, vector<16xi32>,
        %add3A_680 = arith.constant 2 : i32
        %add3A_681 = arith.addi %add3A_424, %add3A_680 : i32
        %get3A_682 = arith.constant 2 : i32
        %get3A_683 = arith.index_cast %get3A_682 : i32 to index
        %get3A_684 = arith.index_cast %add3A_681 : i32 to index
        %get3A_685 = arith.constant 32 : index
        %get3A_686 = tpu.vector_load %arg6[%get3A_683, %get3A_684, %get3A_685] {strides = array<i32>} : memref<4x120x64xi32, #tpu.memory_space<vmem>>, vector<16xi32>,
        %bitcast3A_687 = vector.bitcast %get3A_686 : vector<16xi32> to vector<32xbf16>
        %add3A_688 = arith.constant 2 : i32
        %add3A_689 = arith.addi %add3A_424, %add3A_688 : i32
        %get3A_690 = arith.constant 2 : i32
        %get3A_691 = arith.index_cast %get3A_690 : i32 to index
        %get3A_692 = arith.index_cast %add3A_689 : i32 to index
        %get3A_693 = arith.constant 32 : index
        %get3A_694 = tpu.vector_load %arg7[%get3A_691, %get3A_692, %get3A_693] {strides = array<i32>} : memref<4x120x64xi32, #tpu.memory_space<vmem>>, vector<16xi32>,
        %bitcast3A_695 = vector.bitcast %get3A_694 : vector<16xi32> to vector<32xbf16>
        %sub3A_696 = arith.subf %bitcast3A_687, %bitcast3A_695 : vector<32xbf16>
        %abs3A_697 = math.absf %sub3A_696 : vector<32xbf16>
        %bitcast3A_698 = vector.bitcast %abs3A_697 : vector<32xbf16> to vector<16xi32>
        %add3A_699 = arith.constant 2 : i32
        %add3A_700 = arith.addi %add3A_424, %add3A_699 : i32
        %swap3A_701 = arith.constant 2 : i32
        %swap3A_702 = arith.index_cast %swap3A_701 : i32 to index
        %swap3A_703 = arith.index_cast %add3A_700 : i32 to index
        %swap3A_704 = arith.constant 32 : index
        %swap3A_705 = tpu.vector_load %arg8[%swap3A_702, %swap3A_703, %swap3A_704] {strides = array<i32>} : memref<4x120x64xi32, #tpu.memory_space<vmem>>, vector<16xi32>,
        tpu.vector_store %arg8[%swap3A_702, %swap3A_703, %swap3A_704], %bitcast3A_698 {strides = array<i32>} : memref<4x120x64xi32, #tpu.memory_space<vmem>>, vector<16xi32>,
        %add3A_706 = arith.constant 2 : i32
        %add3A_707 = arith.addi %add3A_424, %add3A_706 : i32
        %get3A_708 = arith.constant 2 : i32
        %get3A_709 = arith.index_cast %get3A_708 : i32 to index
        %get3A_710 = arith.index_cast %add3A_707 : i32 to index
        %get3A_711 = arith.constant 48 : index
        %get3A_712 = tpu.vector_load %arg6[%get3A_709, %get3A_710, %get3A_711] {strides = array<i32>} : memref<4x120x64xi32, #tpu.memory_space<vmem>>, vector<16xi32>,
        %bitcast3A_713 = vector.bitcast %get3A_712 : vector<16xi32> to vector<32xbf16>
        %add3A_714 = arith.constant 2 : i32
        %add3A_715 = arith.addi %add3A_424, %add3A_714 : i32
        %get3A_716 = arith.constant 2 : i32
        %get3A_717 = arith.index_cast %get3A_716 : i32 to index
        %get3A_718 = arith.index_cast %add3A_715 : i32 to index
        %get3A_719 = arith.constant 48 : index
        %get3A_720 = tpu.vector_load %arg7[%get3A_717, %get3A_718, %get3A_719] {strides = array<i32>} : memref<4x120x64xi32, #tpu.memory_space<vmem>>, vector<16xi32>,
        %bitcast3A_721 = vector.bitcast %get3A_720 : vector<16xi32> to vector<32xbf16>
        %sub3A_722 = arith.subf %bitcast3A_713, %bitcast3A_721 : vector<32xbf16>
        %abs3A_723 = math.absf %sub3A_722 : vector<32xbf16>
        %bitcast3A_724 = vector.bitcast %abs3A_723 : vector<32xbf16> to vector<16xi32>
        %add3A_725 = arith.constant 2 : i32
        %add3A_726 = arith.addi %add3A_424, %add3A_725 : i32
        %swap3A_727 = arith.constant 2 : i32
        %swap3A_728 = arith.index_cast %swap3A_727 : i32 to index
        %swap3A_729 = arith.index_cast %add3A_726 : i32 to index
        %swap3A_730 = arith.constant 48 : index
        %swap3A_731 = tpu.vector_load %arg8[%swap3A_728, %swap3A_729, %swap3A_730] {strides = array<i32>} : memref<4x120x64xi32, #tpu.memory_space<vmem>>, vector<16xi32>,
        tpu.vector_store %arg8[%swap3A_728, %swap3A_729, %swap3A_730], %bitcast3A_724 {strides = array<i32>} : memref<4x120x64xi32, #tpu.memory_space<vmem>>, vector<16xi32>,
        %add3A_732 = arith.constant 3 : i32
        %add3A_733 = arith.addi %add3A_424, %add3A_732 : i32
        %get3A_734 = arith.constant 2 : i32
        %get3A_735 = arith.index_cast %get3A_734 : i32 to index
        %get3A_736 = arith.index_cast %add3A_733 : i32 to index
        %get3A_737 = arith.constant 0 : index
        %get3A_738 = tpu.vector_load %arg6[%get3A_735, %get3A_736, %get3A_737] {strides = array<i32>} : memref<4x120x64xi32, #tpu.memory_space<vmem>>, vector<16xi32>,
        %bitcast3A_739 = vector.bitcast %get3A_738 : vector<16xi32> to vector<32xbf16>
        %add3A_740 = arith.constant 3 : i32
        %add3A_741 = arith.addi %add3A_424, %add3A_740 : i32
        %get3A_742 = arith.constant 2 : i32
        %get3A_743 = arith.index_cast %get3A_742 : i32 to index
        %get3A_744 = arith.index_cast %add3A_741 : i32 to index
        %get3A_745 = arith.constant 0 : index
        %get3A_746 = tpu.vector_load %arg7[%get3A_743, %get3A_744, %get3A_745] {strides = array<i32>} : memref<4x120x64xi32, #tpu.memory_space<vmem>>, vector<16xi32>,
        %bitcast3A_747 = vector.bitcast %get3A_746 : vector<16xi32> to vector<32xbf16>
        %sub3A_748 = arith.subf %bitcast3A_739, %bitcast3A_747 : vector<32xbf16>
        %abs3A_749 = math.absf %sub3A_748 : vector<32xbf16>
        %bitcast3A_750 = vector.bitcast %abs3A_749 : vector<32xbf16> to vector<16xi32>
        %add3A_751 = arith.constant 3 : i32
        %add3A_752 = arith.addi %add3A_424, %add3A_751 : i32
        %swap3A_753 = arith.constant 2 : i32
        %swap3A_754 = arith.index_cast %swap3A_753 : i32 to index
        %swap3A_755 = arith.index_cast %add3A_752 : i32 to index
        %swap3A_756 = arith.constant 0 : index
        %swap3A_757 = tpu.vector_load %arg8[%swap3A_754, %swap3A_755, %swap3A_756] {strides = array<i32>} : memref<4x120x64xi32, #tpu.memory_space<vmem>>, vector<16xi32>,
        tpu.vector_store %arg8[%swap3A_754, %swap3A_755, %swap3A_756], %bitcast3A_750 {strides = array<i32>} : memref<4x120x64xi32, #tpu.memory_space<vmem>>, vector<16xi32>,
        %add3A_758 = arith.constant 3 : i32
        %add3A_759 = arith.addi %add3A_424, %add3A_758 : i32
        %get3A_760 = arith.constant 2 : i32
        %get3A_761 = arith.index_cast %get3A_760 : i32 to index
        %get3A_762 = arith.index_cast %add3A_759 : i32 to index
        %get3A_763 = arith.constant 16 : index
        %get3A_764 = tpu.vector_load %arg6[%get3A_761, %get3A_762, %get3A_763] {strides = array<i32>} : memref<4x120x64xi32, #tpu.memory_space<vmem>>, vector<16xi32>,
        %bitcast3A_765 = vector.bitcast %get3A_764 : vector<16xi32> to vector<32xbf16>
        %add3A_766 = arith.constant 3 : i32
        %add3A_767 = arith.addi %add3A_424, %add3A_766 : i32
        %get3A_768 = arith.constant 2 : i32
        %get3A_769 = arith.index_cast %get3A_768 : i32 to index
        %get3A_770 = arith.index_cast %add3A_767 : i32 to index
        %get3A_771 = arith.constant 16 : index
        %get3A_772 = tpu.vector_load %arg7[%get3A_769, %get3A_770, %get3A_771] {strides = array<i32>} : memref<4x120x64xi32, #tpu.memory_space<vmem>>, vector<16xi32>,
        %bitcast3A_773 = vector.bitcast %get3A_772 : vector<16xi32> to vector<32xbf16>
        %sub3A_774 = arith.subf %bitcast3A_765, %bitcast3A_773 : vector<32xbf16>
        %abs3A_775 = math.absf %sub3A_774 : vector<32xbf16>
        %bitcast3A_776 = vector.bitcast %abs3A_775 : vector<32xbf16> to vector<16xi32>
        %add3A_777 = arith.constant 3 : i32
        %add3A_778 = arith.addi %add3A_424, %add3A_777 : i32
        %swap3A_779 = arith.constant 2 : i32
        %swap3A_780 = arith.index_cast %swap3A_779 : i32 to index
        %swap3A_781 = arith.index_cast %add3A_778 : i32 to index
        %swap3A_782 = arith.constant 16 : index
        %swap3A_783 = tpu.vector_load %arg8[%swap3A_780, %swap3A_781, %swap3A_782] {strides = array<i32>} : memref<4x120x64xi32, #tpu.memory_space<vmem>>, vector<16xi32>,
        tpu.vector_store %arg8[%swap3A_780, %swap3A_781, %swap3A_782], %bitcast3A_776 {strides = array<i32>} : memref<4x120x64xi32, #tpu.memory_space<vmem>>, vector<16xi32>,
        %add3A_784 = arith.constant 3 : i32
        %add3A_785 = arith.addi %add3A_424, %add3A_784 : i32
        %get3A_786 = arith.constant 2 : i32
        %get3A_787 = arith.index_cast %get3A_786 : i32 to index
        %get3A_788 = arith.index_cast %add3A_785 : i32 to index
        %get3A_789 = arith.constant 32 : index
        %get3A_790 = tpu.vector_load %arg6[%get3A_787, %get3A_788, %get3A_789] {strides = array<i32>} : memref<4x120x64xi32, #tpu.memory_space<vmem>>, vector<16xi32>,
        %bitcast3A_791 = vector.bitcast %get3A_790 : vector<16xi32> to vector<32xbf16>
        %add3A_792 = arith.constant 3 : i32
        %add3A_793 = arith.addi %add3A_424, %add3A_792 : i32
        %get3A_794 = arith.constant 2 : i32
        %get3A_795 = arith.index_cast %get3A_794 : i32 to index
        %get3A_796 = arith.index_cast %add3A_793 : i32 to index
        %get3A_797 = arith.constant 32 : index
        %get3A_798 = tpu.vector_load %arg7[%get3A_795, %get3A_796, %get3A_797] {strides = array<i32>} : memref<4x120x64xi32, #tpu.memory_space<vmem>>, vector<16xi32>,
        %bitcast3A_799 = vector.bitcast %get3A_798 : vector<16xi32> to vector<32xbf16>
        %sub3A_800 = arith.subf %bitcast3A_791, %bitcast3A_799 : vector<32xbf16>
        %abs3A_801 = math.absf %sub3A_800 : vector<32xbf16>
        %bitcast3A_802 = vector.bitcast %abs3A_801 : vector<32xbf16> to vector<16xi32>
        %add3A_803 = arith.constant 3 : i32
        %add3A_804 = arith.addi %add3A_424, %add3A_803 : i32
        %swap3A_805 = arith.constant 2 : i32
        %swap3A_806 = arith.index_cast %swap3A_805 : i32 to index
        %swap3A_807 = arith.index_cast %add3A_804 : i32 to index
        %swap3A_808 = arith.constant 32 : index
        %swap3A_809 = tpu.vector_load %arg8[%swap3A_806, %swap3A_807, %swap3A_808] {strides = array<i32>} : memref<4x120x64xi32, #tpu.memory_space<vmem>>, vector<16xi32>,
        tpu.vector_store %arg8[%swap3A_806, %swap3A_807, %swap3A_808], %bitcast3A_802 {strides = array<i32>} : memref<4x120x64xi32, #tpu.memory_space<vmem>>, vector<16xi32>,
        %add3A_810 = arith.constant 3 : i32
        %add3A_811 = arith.addi %add3A_424, %add3A_810 : i32
        %get3A_812 = arith.constant 2 : i32
        %get3A_813 = arith.index_cast %get3A_812 : i32 to index
        %get3A_814 = arith.index_cast %add3A_811 : i32 to index
        %get3A_815 = arith.constant 48 : index
        %get3A_816 = tpu.vector_load %arg6[%get3A_813, %get3A_814, %get3A_815] {strides = array<i32>} : memref<4x120x64xi32, #tpu.memory_space<vmem>>, vector<16xi32>,
        %bitcast3A_817 = vector.bitcast %get3A_816 : vector<16xi32> to vector<32xbf16>
        %add3A_818 = arith.constant 3 : i32
        %add3A_819 = arith.addi %add3A_424, %add3A_818 : i32
        %get3A_820 = arith.constant 2 : i32
        %get3A_821 = arith.index_cast %get3A_820 : i32 to index
        %get3A_822 = arith.index_cast %add3A_819 : i32 to index
        %get3A_823 = arith.constant 48 : index
        %get3A_824 = tpu.vector_load %arg7[%get3A_821, %get3A_822, %get3A_823] {strides = array<i32>} : memref<4x120x64xi32, #tpu.memory_space<vmem>>, vector<16xi32>,
        %bitcast3A_825 = vector.bitcast %get3A_824 : vector<16xi32> to vector<32xbf16>
        %sub3A_826 = arith.subf %bitcast3A_817, %bitcast3A_825 : vector<32xbf16>
        %abs3A_827 = math.absf %sub3A_826 : vector<32xbf16>
        %bitcast3A_828 = vector.bitcast %abs3A_827 : vector<32xbf16> to vector<16xi32>
        %add3A_829 = arith.constant 3 : i32
        %add3A_830 = arith.addi %add3A_424, %add3A_829 : i32
        %swap3A_831 = arith.constant 2 : i32
        %swap3A_832 = arith.index_cast %swap3A_831 : i32 to index
        %swap3A_833 = arith.index_cast %add3A_830 : i32 to index
        %swap3A_834 = arith.constant 48 : index
        %swap3A_835 = tpu.vector_load %arg8[%swap3A_832, %swap3A_833, %swap3A_834] {strides = array<i32>} : memref<4x120x64xi32, #tpu.memory_space<vmem>>, vector<16xi32>,
        tpu.vector_store %arg8[%swap3A_832, %swap3A_833, %swap3A_834], %bitcast3A_828 {strides = array<i32>} : memref<4x120x64xi32, #tpu.memory_space<vmem>>, vector<16xi32>,
      }
      %scan3A_333 = arith.constant 30 : i32
      %add3A_334 = arith.constant 4 : i32
      %add3A_335 = arith.addi %add3A_299, %add3A_334 : i32
      %lt3A_336 = arith.constant 80 : i32
      %lt3A_337 = arith.cmpi slt, %add3A_335, %lt3A_336 : i32
      %convert_element_type3A_338 = arith.extui %lt3A_337 : i1 to i32
      %cond3A_339 = arith.constant 0 : i32
      %cond3A_340 = arith.cmpi ne, %convert_element_type3A_338, %cond3A_339 : i32
      scf.if %cond3A_340 {
        %add3A_420 = arith.constant 4 : i32
        %add3A_421 = arith.addi %add3A_299, %add3A_420 : i32
        %mul3A_422 = arith.constant 2 : i32
        %mul3A_423 = arith.muli %mul3A_422, %add3A_421 : i32
        %dma_start3A_424 = arith.constant 2 : i32
        %dma_start3A_425 = arith.constant 0 : i32
        %dma_start3A_426 = arith.constant 0 : i32
        %dma_start3A_427 = tpu.memref_slice %arg6[%dma_start3A_424, %dma_start3A_425, %dma_start3A_426] : memref<4x120x64xi32, #tpu.memory_space<vmem>> -> memref<1x120x64xi32, #tpu.memory_space<vmem>>
        %dma_start3A_428 = tpu.memref_squeeze %dma_start3A_427 : memref<1x120x64xi32, #tpu.memory_space<vmem>> -> memref<120x64xi32, #tpu.memory_space<vmem>>
        %dma_start3A_429 = arith.constant 0 : i32
        %dma_start3A_430 = tpu.memref_slice %arg5[%mul3A_423, %dma_start3A_429] : memref<160x120xi32, #tpu.memory_space<vmem>> -> memref<1x120xi32, #tpu.memory_space<vmem>>
        %dma_start3A_431 = tpu.memref_squeeze %dma_start3A_430 : memref<1x120xi32, #tpu.memory_space<vmem>> -> memref<120xi32, #tpu.memory_space<vmem>>
        %dma_start3A_432 = arith.constant 0 : i32
        %dma_start3A_433 = arith.constant 0 : i32
        %dma_start3A_434 = tpu.memref_slice %arg2[%dma_start3A_432, %dma_start3A_433] : memref<10240x64xi32, #tpu.memory_space<hbm>> -> memref<10240x64xi32, #tpu.memory_space<hbm>>
        tpu.enqueue_indirect_dma source(%dma_start3A_434 : memref<10240x64xi32, #tpu.memory_space<hbm>>) target(%dma_start3A_428 : memref<120x64xi32, #tpu.memory_space<vmem>>) offsets(%dma_start3A_431 : memref<120xi32, #tpu.memory_space<vmem>>) semaphore(%arg12 : memref<!tpu.dma_semaphore, #tpu.memory_space<semaphore_mem>>)
        %mul3A_435 = arith.constant 2 : i32
        %mul3A_436 = arith.muli %mul3A_435, %add3A_421 : i32
        %add3A_437 = arith.constant 1 : i32
        %add3A_438 = arith.addi %mul3A_436, %add3A_437 : i32
        %dma_start3A_439 = arith.constant 2 : i32
        %dma_start3A_440 = arith.constant 0 : i32
        %dma_start3A_441 = arith.constant 0 : i32
        %dma_start3A_442 = tpu.memref_slice %arg7[%dma_start3A_439, %dma_start3A_440, %dma_start3A_441] : memref<4x120x64xi32, #tpu.memory_space<vmem>> -> memref<1x120x64xi32, #tpu.memory_space<vmem>>
        %dma_start3A_443 = tpu.memref_squeeze %dma_start3A_442 : memref<1x120x64xi32, #tpu.memory_space<vmem>> -> memref<120x64xi32, #tpu.memory_space<vmem>>
        %dma_start3A_444 = arith.constant 0 : i32
        %dma_start3A_445 = tpu.memref_slice %arg5[%add3A_438, %dma_start3A_444] : memref<160x120xi32, #tpu.memory_space<vmem>> -> memref<1x120xi32, #tpu.memory_space<vmem>>
        %dma_start3A_446 = tpu.memref_squeeze %dma_start3A_445 : memref<1x120xi32, #tpu.memory_space<vmem>> -> memref<120xi32, #tpu.memory_space<vmem>>
        %dma_start3A_447 = arith.constant 0 : i32
        %dma_start3A_448 = arith.constant 0 : i32
        %dma_start3A_449 = tpu.memref_slice %arg2[%dma_start3A_447, %dma_start3A_448] : memref<10240x64xi32, #tpu.memory_space<hbm>> -> memref<10240x64xi32, #tpu.memory_space<hbm>>
        tpu.enqueue_indirect_dma source(%dma_start3A_449 : memref<10240x64xi32, #tpu.memory_space<hbm>>) target(%dma_start3A_443 : memref<120x64xi32, #tpu.memory_space<vmem>>) offsets(%dma_start3A_446 : memref<120xi32, #tpu.memory_space<vmem>>) semaphore(%arg16 : memref<!tpu.dma_semaphore, #tpu.memory_space<semaphore_mem>>)
      } else {
      }
      %mul3A_341 = arith.constant 9600 : i32
      %mul3A_342 = arith.muli %add3A, %mul3A_341 : i32
      %mul3A_343 = arith.constant 120 : i32
      %mul3A_344 = arith.muli %add3A_299, %mul3A_343 : i32
      %add3A_345 = arith.addi %mul3A_342, %mul3A_344 : i32
      %dma_start3A_346 = arith.constant 2 : i32
      %dma_start3A_347 = arith.constant 0 : i32
      %dma_start3A_348 = arith.constant 0 : i32
      %dma_start3A_349 = tpu.memref_slice %arg8[%dma_start3A_346, %dma_start3A_347, %dma_start3A_348] : memref<4x120x64xi32, #tpu.memory_space<vmem>> -> memref<1x120x64xi32, #tpu.memory_space<vmem>>
      %dma_start3A_350 = tpu.memref_squeeze %dma_start3A_349 : memref<1x120x64xi32, #tpu.memory_space<vmem>> -> memref<120x64xi32, #tpu.memory_space<vmem>>
      %dma_start3A_351 = arith.constant 0 : i32
      %dma_start3A_352 = tpu.memref_slice %arg4[%add3A_345, %dma_start3A_351] : memref<307200x64xi32, #tpu.memory_space<hbm>> -> memref<120x64xi32, #tpu.memory_space<hbm>>
      %dma_start3A_353 = arith.constant 0 : i32
      %dma_start3A_354 = tpu.memref_slice %arg4[%add3A_345, %dma_start3A_353] : memref<307200x64xi32, #tpu.memory_space<hbm>> -> memref<120x64xi32, #tpu.memory_space<hbm>>
      %dma_start3A_355 = arith.constant 0 : i32
      %dma_start3A_356 = arith.constant 0 : i32
      %dma_start3A_357 = tpu.memref_slice %arg8[%dma_start3A_346, %dma_start3A_355, %dma_start3A_356] : memref<4x120x64xi32, #tpu.memory_space<vmem>> -> memref<1x120x64xi32, #tpu.memory_space<vmem>>
      %dma_start3A_358 = tpu.memref_squeeze %dma_start3A_357 : memref<1x120x64xi32, #tpu.memory_space<vmem>> -> memref<120x64xi32, #tpu.memory_space<vmem>>
      tpu.enqueue_dma source(%dma_start3A_358 : memref<120x64xi32, #tpu.memory_space<vmem>>) target(%dma_start3A_354 : memref<120x64xi32, #tpu.memory_space<hbm>>) target_semaphore(%arg20 : memref<!tpu.dma_semaphore, #tpu.memory_space<semaphore_mem>>)
      %add3A_359 = arith.constant 3 : i32
      %add3A_360 = arith.addi %add3A_179, %add3A_359 : i32
      %dma_wait3A_361 = arith.constant 0 : i32
      %dma_wait3A_362 = arith.constant 3 : i32
      %dma_wait3A_363 = arith.constant 0 : i32
      %dma_wait3A_364 = arith.constant 0 : i32
      %dma_wait3A_365 = tpu.memref_slice %arg6[%dma_wait3A_362, %dma_wait3A_363, %dma_wait3A_364] : memref<4x120x64xi32, #tpu.memory_space<vmem>> -> memref<1x120x64xi32, #tpu.memory_space<vmem>>
      %dma_wait3A_366 = tpu.memref_squeeze %dma_wait3A_365 : memref<1x120x64xi32, #tpu.memory_space<vmem>> -> memref<120x64xi32, #tpu.memory_space<vmem>>
      %dma_wait3A_367 = arith.constant 0 : i32
      %dma_wait3A_368 = tpu.memref_slice %arg5[%dma_wait3A_361, %dma_wait3A_367] : memref<160x120xi32, #tpu.memory_space<vmem>> -> memref<1x120xi32, #tpu.memory_space<vmem>>
      %dma_wait3A_369 = tpu.memref_squeeze %dma_wait3A_368 : memref<1x120xi32, #tpu.memory_space<vmem>> -> memref<120xi32, #tpu.memory_space<vmem>>
      %dma_wait3A_370 = arith.constant 0 : i32
      %dma_wait3A_371 = arith.constant 0 : i32
      %dma_wait3A_372 = tpu.memref_slice %arg2[%dma_wait3A_370, %dma_wait3A_371] : memref<10240x64xi32, #tpu.memory_space<hbm>> -> memref<10240x64xi32, #tpu.memory_space<hbm>>
      tpu.wait_indirect_dma semaphore(%arg13 : memref<!tpu.dma_semaphore, #tpu.memory_space<semaphore_mem>>) src(%dma_wait3A_372 : memref<10240x64xi32, #tpu.memory_space<hbm>>) dst(%dma_wait3A_366 : memref<120x64xi32, #tpu.memory_space<vmem>>)
      %dma_wait3A_373 = arith.constant 0 : i32
      %dma_wait3A_374 = arith.constant 3 : i32
      %dma_wait3A_375 = arith.constant 0 : i32
      %dma_wait3A_376 = arith.constant 0 : i32
      %dma_wait3A_377 = tpu.memref_slice %arg7[%dma_wait3A_374, %dma_wait3A_375, %dma_wait3A_376] : memref<4x120x64xi32, #tpu.memory_space<vmem>> -> memref<1x120x64xi32, #tpu.memory_space<vmem>>
      %dma_wait3A_378 = tpu.memref_squeeze %dma_wait3A_377 : memref<1x120x64xi32, #tpu.memory_space<vmem>> -> memref<120x64xi32, #tpu.memory_space<vmem>>
      %dma_wait3A_379 = arith.constant 0 : i32
      %dma_wait3A_380 = tpu.memref_slice %arg5[%dma_wait3A_373, %dma_wait3A_379] : memref<160x120xi32, #tpu.memory_space<vmem>> -> memref<1x120xi32, #tpu.memory_space<vmem>>
      %dma_wait3A_381 = tpu.memref_squeeze %dma_wait3A_380 : memref<1x120xi32, #tpu.memory_space<vmem>> -> memref<120xi32, #tpu.memory_space<vmem>>
      %dma_wait3A_382 = arith.constant 0 : i32
      %dma_wait3A_383 = arith.constant 0 : i32
      %dma_wait3A_384 = tpu.memref_slice %arg2[%dma_wait3A_382, %dma_wait3A_383] : memref<10240x64xi32, #tpu.memory_space<hbm>> -> memref<10240x64xi32, #tpu.memory_space<hbm>>
      tpu.wait_indirect_dma semaphore(%arg17 : memref<!tpu.dma_semaphore, #tpu.memory_space<semaphore_mem>>) src(%dma_wait3A_384 : memref<10240x64xi32, #tpu.memory_space<hbm>>) dst(%dma_wait3A_378 : memref<120x64xi32, #tpu.memory_space<vmem>>)
      %ge3A_385 = arith.constant 4 : i32
      %ge3A_386 = arith.cmpi sge, %add3A_179, %ge3A_385 : i32
      %convert_element_type3A_387 = arith.extui %ge3A_386 : i1 to i32
      %cond3A_388 = arith.constant 0 : i32
      %cond3A_389 = arith.cmpi ne, %convert_element_type3A_387, %cond3A_388 : i32
      scf.if %cond3A_389 {
        %dma_wait3A_420 = arith.constant 3 : i32
        %dma_wait3A_421 = arith.constant 0 : i32
        %dma_wait3A_422 = arith.constant 0 : i32
        %dma_wait3A_423 = tpu.memref_slice %arg8[%dma_wait3A_420, %dma_wait3A_421, %dma_wait3A_422] : memref<4x120x64xi32, #tpu.memory_space<vmem>> -> memref<1x120x64xi32, #tpu.memory_space<vmem>>
        %dma_wait3A_424 = tpu.memref_squeeze %dma_wait3A_423 : memref<1x120x64xi32, #tpu.memory_space<vmem>> -> memref<120x64xi32, #tpu.memory_space<vmem>>
        %dma_wait3A_425 = arith.constant 0 : i32
        %dma_wait3A_426 = arith.constant 0 : i32
        %dma_wait3A_427 = tpu.memref_slice %arg4[%dma_wait3A_425, %dma_wait3A_426] : memref<307200x64xi32, #tpu.memory_space<hbm>> -> memref<120x64xi32, #tpu.memory_space<hbm>>
        %dma_wait3A_428 = arith.constant 0 : i32
        %dma_wait3A_429 = arith.constant 0 : i32
        %dma_wait3A_430 = tpu.memref_slice %arg4[%dma_wait3A_428, %dma_wait3A_429] : memref<307200x64xi32, #tpu.memory_space<hbm>> -> memref<120x64xi32, #tpu.memory_space<hbm>>
        %dma_wait3A_431 = arith.constant 0 : i32
        %dma_wait3A_432 = arith.constant 0 : i32
        %dma_wait3A_433 = tpu.memref_slice %arg8[%dma_wait3A_420, %dma_wait3A_431, %dma_wait3A_432] : memref<4x120x64xi32, #tpu.memory_space<vmem>> -> memref<1x120x64xi32, #tpu.memory_space<vmem>>
        %dma_wait3A_434 = tpu.memref_squeeze %dma_wait3A_433 : memref<1x120x64xi32, #tpu.memory_space<vmem>> -> memref<120x64xi32, #tpu.memory_space<vmem>>
        tpu.wait_dma2 semaphore(%arg21 : memref<!tpu.dma_semaphore, #tpu.memory_space<semaphore_mem>>) src(%dma_wait3A_434 : memref<120x64xi32, #tpu.memory_space<vmem>>) dst(%dma_wait3A_430 : memref<120x64xi32, #tpu.memory_space<hbm>>)
      } else {
      }
      %scan3A_390 = arith.constant 0 : i32
      %scan3A_391 = arith.constant 30 : i32
      %scan3A_392 = arith.addi %scan3A_390, %scan3A_391 : i32
      %scan3A_393 = arith.constant 1 : i32
      scf.for %scan3A_420 = %scan3A_390 to %scan3A_392 step %scan3A_393  : i32 {
        %mul3A_421 = arith.constant 4 : i32
        %mul3A_422 = arith.muli %scan3A_420, %mul3A_421 : i32
        %add3A_423 = arith.constant 0 : i32
        %add3A_424 = arith.addi %add3A_423, %mul3A_422 : i32
        %add3A_425 = arith.constant 0 : i32
        %add3A_426 = arith.addi %add3A_424, %add3A_425 : i32
        %get3A = arith.constant 3 : i32
        %get3A_427 = arith.index_cast %get3A : i32 to index
        %get3A_428 = arith.index_cast %add3A_426 : i32 to index
        %get3A_429 = arith.constant 0 : index
        %get3A_430 = tpu.vector_load %arg6[%get3A_427, %get3A_428, %get3A_429] {strides = array<i32>} : memref<4x120x64xi32, #tpu.memory_space<vmem>>, vector<16xi32>,
        %bitcast3A = vector.bitcast %get3A_430 : vector<16xi32> to vector<32xbf16>
        %add3A_431 = arith.constant 0 : i32
        %add3A_432 = arith.addi %add3A_424, %add3A_431 : i32
        %get3A_433 = arith.constant 3 : i32
        %get3A_434 = arith.index_cast %get3A_433 : i32 to index
        %get3A_435 = arith.index_cast %add3A_432 : i32 to index
        %get3A_436 = arith.constant 0 : index
        %get3A_437 = tpu.vector_load %arg7[%get3A_434, %get3A_435, %get3A_436] {strides = array<i32>} : memref<4x120x64xi32, #tpu.memory_space<vmem>>, vector<16xi32>,
        %bitcast3A_438 = vector.bitcast %get3A_437 : vector<16xi32> to vector<32xbf16>
        %sub3A = arith.subf %bitcast3A, %bitcast3A_438 : vector<32xbf16>
        %abs3A = math.absf %sub3A : vector<32xbf16>
        %bitcast3A_439 = vector.bitcast %abs3A : vector<32xbf16> to vector<16xi32>
        %add3A_440 = arith.constant 0 : i32
        %add3A_441 = arith.addi %add3A_424, %add3A_440 : i32
        %swap3A = arith.constant 3 : i32
        %swap3A_442 = arith.index_cast %swap3A : i32 to index
        %swap3A_443 = arith.index_cast %add3A_441 : i32 to index
        %swap3A_444 = arith.constant 0 : index
        %swap3A_445 = tpu.vector_load %arg8[%swap3A_442, %swap3A_443, %swap3A_444] {strides = array<i32>} : memref<4x120x64xi32, #tpu.memory_space<vmem>>, vector<16xi32>,
        tpu.vector_store %arg8[%swap3A_442, %swap3A_443, %swap3A_444], %bitcast3A_439 {strides = array<i32>} : memref<4x120x64xi32, #tpu.memory_space<vmem>>, vector<16xi32>,
        %add3A_446 = arith.constant 0 : i32
        %add3A_447 = arith.addi %add3A_424, %add3A_446 : i32
        %get3A_448 = arith.constant 3 : i32
        %get3A_449 = arith.index_cast %get3A_448 : i32 to index
        %get3A_450 = arith.index_cast %add3A_447 : i32 to index
        %get3A_451 = arith.constant 16 : index
        %get3A_452 = tpu.vector_load %arg6[%get3A_449, %get3A_450, %get3A_451] {strides = array<i32>} : memref<4x120x64xi32, #tpu.memory_space<vmem>>, vector<16xi32>,
        %bitcast3A_453 = vector.bitcast %get3A_452 : vector<16xi32> to vector<32xbf16>
        %add3A_454 = arith.constant 0 : i32
        %add3A_455 = arith.addi %add3A_424, %add3A_454 : i32
        %get3A_456 = arith.constant 3 : i32
        %get3A_457 = arith.index_cast %get3A_456 : i32 to index
        %get3A_458 = arith.index_cast %add3A_455 : i32 to index
        %get3A_459 = arith.constant 16 : index
        %get3A_460 = tpu.vector_load %arg7[%get3A_457, %get3A_458, %get3A_459] {strides = array<i32>} : memref<4x120x64xi32, #tpu.memory_space<vmem>>, vector<16xi32>,
        %bitcast3A_461 = vector.bitcast %get3A_460 : vector<16xi32> to vector<32xbf16>
        %sub3A_462 = arith.subf %bitcast3A_453, %bitcast3A_461 : vector<32xbf16>
        %abs3A_463 = math.absf %sub3A_462 : vector<32xbf16>
        %bitcast3A_464 = vector.bitcast %abs3A_463 : vector<32xbf16> to vector<16xi32>
        %add3A_465 = arith.constant 0 : i32
        %add3A_466 = arith.addi %add3A_424, %add3A_465 : i32
        %swap3A_467 = arith.constant 3 : i32
        %swap3A_468 = arith.index_cast %swap3A_467 : i32 to index
        %swap3A_469 = arith.index_cast %add3A_466 : i32 to index
        %swap3A_470 = arith.constant 16 : index
        %swap3A_471 = tpu.vector_load %arg8[%swap3A_468, %swap3A_469, %swap3A_470] {strides = array<i32>} : memref<4x120x64xi32, #tpu.memory_space<vmem>>, vector<16xi32>,
        tpu.vector_store %arg8[%swap3A_468, %swap3A_469, %swap3A_470], %bitcast3A_464 {strides = array<i32>} : memref<4x120x64xi32, #tpu.memory_space<vmem>>, vector<16xi32>,
        %add3A_472 = arith.constant 0 : i32
        %add3A_473 = arith.addi %add3A_424, %add3A_472 : i32
        %get3A_474 = arith.constant 3 : i32
        %get3A_475 = arith.index_cast %get3A_474 : i32 to index
        %get3A_476 = arith.index_cast %add3A_473 : i32 to index
        %get3A_477 = arith.constant 32 : index
        %get3A_478 = tpu.vector_load %arg6[%get3A_475, %get3A_476, %get3A_477] {strides = array<i32>} : memref<4x120x64xi32, #tpu.memory_space<vmem>>, vector<16xi32>,
        %bitcast3A_479 = vector.bitcast %get3A_478 : vector<16xi32> to vector<32xbf16>
        %add3A_480 = arith.constant 0 : i32
        %add3A_481 = arith.addi %add3A_424, %add3A_480 : i32
        %get3A_482 = arith.constant 3 : i32
        %get3A_483 = arith.index_cast %get3A_482 : i32 to index
        %get3A_484 = arith.index_cast %add3A_481 : i32 to index
        %get3A_485 = arith.constant 32 : index
        %get3A_486 = tpu.vector_load %arg7[%get3A_483, %get3A_484, %get3A_485] {strides = array<i32>} : memref<4x120x64xi32, #tpu.memory_space<vmem>>, vector<16xi32>,
        %bitcast3A_487 = vector.bitcast %get3A_486 : vector<16xi32> to vector<32xbf16>
        %sub3A_488 = arith.subf %bitcast3A_479, %bitcast3A_487 : vector<32xbf16>
        %abs3A_489 = math.absf %sub3A_488 : vector<32xbf16>
        %bitcast3A_490 = vector.bitcast %abs3A_489 : vector<32xbf16> to vector<16xi32>
        %add3A_491 = arith.constant 0 : i32
        %add3A_492 = arith.addi %add3A_424, %add3A_491 : i32
        %swap3A_493 = arith.constant 3 : i32
        %swap3A_494 = arith.index_cast %swap3A_493 : i32 to index
        %swap3A_495 = arith.index_cast %add3A_492 : i32 to index
        %swap3A_496 = arith.constant 32 : index
        %swap3A_497 = tpu.vector_load %arg8[%swap3A_494, %swap3A_495, %swap3A_496] {strides = array<i32>} : memref<4x120x64xi32, #tpu.memory_space<vmem>>, vector<16xi32>,
        tpu.vector_store %arg8[%swap3A_494, %swap3A_495, %swap3A_496], %bitcast3A_490 {strides = array<i32>} : memref<4x120x64xi32, #tpu.memory_space<vmem>>, vector<16xi32>,
        %add3A_498 = arith.constant 0 : i32
        %add3A_499 = arith.addi %add3A_424, %add3A_498 : i32
        %get3A_500 = arith.constant 3 : i32
        %get3A_501 = arith.index_cast %get3A_500 : i32 to index
        %get3A_502 = arith.index_cast %add3A_499 : i32 to index
        %get3A_503 = arith.constant 48 : index
        %get3A_504 = tpu.vector_load %arg6[%get3A_501, %get3A_502, %get3A_503] {strides = array<i32>} : memref<4x120x64xi32, #tpu.memory_space<vmem>>, vector<16xi32>,
        %bitcast3A_505 = vector.bitcast %get3A_504 : vector<16xi32> to vector<32xbf16>
        %add3A_506 = arith.constant 0 : i32
        %add3A_507 = arith.addi %add3A_424, %add3A_506 : i32
        %get3A_508 = arith.constant 3 : i32
        %get3A_509 = arith.index_cast %get3A_508 : i32 to index
        %get3A_510 = arith.index_cast %add3A_507 : i32 to index
        %get3A_511 = arith.constant 48 : index
        %get3A_512 = tpu.vector_load %arg7[%get3A_509, %get3A_510, %get3A_511] {strides = array<i32>} : memref<4x120x64xi32, #tpu.memory_space<vmem>>, vector<16xi32>,
        %bitcast3A_513 = vector.bitcast %get3A_512 : vector<16xi32> to vector<32xbf16>
        %sub3A_514 = arith.subf %bitcast3A_505, %bitcast3A_513 : vector<32xbf16>
        %abs3A_515 = math.absf %sub3A_514 : vector<32xbf16>
        %bitcast3A_516 = vector.bitcast %abs3A_515 : vector<32xbf16> to vector<16xi32>
        %add3A_517 = arith.constant 0 : i32
        %add3A_518 = arith.addi %add3A_424, %add3A_517 : i32
        %swap3A_519 = arith.constant 3 : i32
        %swap3A_520 = arith.index_cast %swap3A_519 : i32 to index
        %swap3A_521 = arith.index_cast %add3A_518 : i32 to index
        %swap3A_522 = arith.constant 48 : index
        %swap3A_523 = tpu.vector_load %arg8[%swap3A_520, %swap3A_521, %swap3A_522] {strides = array<i32>} : memref<4x120x64xi32, #tpu.memory_space<vmem>>, vector<16xi32>,
        tpu.vector_store %arg8[%swap3A_520, %swap3A_521, %swap3A_522], %bitcast3A_516 {strides = array<i32>} : memref<4x120x64xi32, #tpu.memory_space<vmem>>, vector<16xi32>,
        %add3A_524 = arith.constant 1 : i32
        %add3A_525 = arith.addi %add3A_424, %add3A_524 : i32
        %get3A_526 = arith.constant 3 : i32
        %get3A_527 = arith.index_cast %get3A_526 : i32 to index
        %get3A_528 = arith.index_cast %add3A_525 : i32 to index
        %get3A_529 = arith.constant 0 : index
        %get3A_530 = tpu.vector_load %arg6[%get3A_527, %get3A_528, %get3A_529] {strides = array<i32>} : memref<4x120x64xi32, #tpu.memory_space<vmem>>, vector<16xi32>,
        %bitcast3A_531 = vector.bitcast %get3A_530 : vector<16xi32> to vector<32xbf16>
        %add3A_532 = arith.constant 1 : i32
        %add3A_533 = arith.addi %add3A_424, %add3A_532 : i32
        %get3A_534 = arith.constant 3 : i32
        %get3A_535 = arith.index_cast %get3A_534 : i32 to index
        %get3A_536 = arith.index_cast %add3A_533 : i32 to index
        %get3A_537 = arith.constant 0 : index
        %get3A_538 = tpu.vector_load %arg7[%get3A_535, %get3A_536, %get3A_537] {strides = array<i32>} : memref<4x120x64xi32, #tpu.memory_space<vmem>>, vector<16xi32>,
        %bitcast3A_539 = vector.bitcast %get3A_538 : vector<16xi32> to vector<32xbf16>
        %sub3A_540 = arith.subf %bitcast3A_531, %bitcast3A_539 : vector<32xbf16>
        %abs3A_541 = math.absf %sub3A_540 : vector<32xbf16>
        %bitcast3A_542 = vector.bitcast %abs3A_541 : vector<32xbf16> to vector<16xi32>
        %add3A_543 = arith.constant 1 : i32
        %add3A_544 = arith.addi %add3A_424, %add3A_543 : i32
        %swap3A_545 = arith.constant 3 : i32
        %swap3A_546 = arith.index_cast %swap3A_545 : i32 to index
        %swap3A_547 = arith.index_cast %add3A_544 : i32 to index
        %swap3A_548 = arith.constant 0 : index
        %swap3A_549 = tpu.vector_load %arg8[%swap3A_546, %swap3A_547, %swap3A_548] {strides = array<i32>} : memref<4x120x64xi32, #tpu.memory_space<vmem>>, vector<16xi32>,
        tpu.vector_store %arg8[%swap3A_546, %swap3A_547, %swap3A_548], %bitcast3A_542 {strides = array<i32>} : memref<4x120x64xi32, #tpu.memory_space<vmem>>, vector<16xi32>,
        %add3A_550 = arith.constant 1 : i32
        %add3A_551 = arith.addi %add3A_424, %add3A_550 : i32
        %get3A_552 = arith.constant 3 : i32
        %get3A_553 = arith.index_cast %get3A_552 : i32 to index
        %get3A_554 = arith.index_cast %add3A_551 : i32 to index
        %get3A_555 = arith.constant 16 : index
        %get3A_556 = tpu.vector_load %arg6[%get3A_553, %get3A_554, %get3A_555] {strides = array<i32>} : memref<4x120x64xi32, #tpu.memory_space<vmem>>, vector<16xi32>,
        %bitcast3A_557 = vector.bitcast %get3A_556 : vector<16xi32> to vector<32xbf16>
        %add3A_558 = arith.constant 1 : i32
        %add3A_559 = arith.addi %add3A_424, %add3A_558 : i32
        %get3A_560 = arith.constant 3 : i32
        %get3A_561 = arith.index_cast %get3A_560 : i32 to index
        %get3A_562 = arith.index_cast %add3A_559 : i32 to index
        %get3A_563 = arith.constant 16 : index
        %get3A_564 = tpu.vector_load %arg7[%get3A_561, %get3A_562, %get3A_563] {strides = array<i32>} : memref<4x120x64xi32, #tpu.memory_space<vmem>>, vector<16xi32>,
        %bitcast3A_565 = vector.bitcast %get3A_564 : vector<16xi32> to vector<32xbf16>
        %sub3A_566 = arith.subf %bitcast3A_557, %bitcast3A_565 : vector<32xbf16>
        %abs3A_567 = math.absf %sub3A_566 : vector<32xbf16>
        %bitcast3A_568 = vector.bitcast %abs3A_567 : vector<32xbf16> to vector<16xi32>
        %add3A_569 = arith.constant 1 : i32
        %add3A_570 = arith.addi %add3A_424, %add3A_569 : i32
        %swap3A_571 = arith.constant 3 : i32
        %swap3A_572 = arith.index_cast %swap3A_571 : i32 to index
        %swap3A_573 = arith.index_cast %add3A_570 : i32 to index
        %swap3A_574 = arith.constant 16 : index
        %swap3A_575 = tpu.vector_load %arg8[%swap3A_572, %swap3A_573, %swap3A_574] {strides = array<i32>} : memref<4x120x64xi32, #tpu.memory_space<vmem>>, vector<16xi32>,
        tpu.vector_store %arg8[%swap3A_572, %swap3A_573, %swap3A_574], %bitcast3A_568 {strides = array<i32>} : memref<4x120x64xi32, #tpu.memory_space<vmem>>, vector<16xi32>,
        %add3A_576 = arith.constant 1 : i32
        %add3A_577 = arith.addi %add3A_424, %add3A_576 : i32
        %get3A_578 = arith.constant 3 : i32
        %get3A_579 = arith.index_cast %get3A_578 : i32 to index
        %get3A_580 = arith.index_cast %add3A_577 : i32 to index
        %get3A_581 = arith.constant 32 : index
        %get3A_582 = tpu.vector_load %arg6[%get3A_579, %get3A_580, %get3A_581] {strides = array<i32>} : memref<4x120x64xi32, #tpu.memory_space<vmem>>, vector<16xi32>,
        %bitcast3A_583 = vector.bitcast %get3A_582 : vector<16xi32> to vector<32xbf16>
        %add3A_584 = arith.constant 1 : i32
        %add3A_585 = arith.addi %add3A_424, %add3A_584 : i32
        %get3A_586 = arith.constant 3 : i32
        %get3A_587 = arith.index_cast %get3A_586 : i32 to index
        %get3A_588 = arith.index_cast %add3A_585 : i32 to index
        %get3A_589 = arith.constant 32 : index
        %get3A_590 = tpu.vector_load %arg7[%get3A_587, %get3A_588, %get3A_589] {strides = array<i32>} : memref<4x120x64xi32, #tpu.memory_space<vmem>>, vector<16xi32>,
        %bitcast3A_591 = vector.bitcast %get3A_590 : vector<16xi32> to vector<32xbf16>
        %sub3A_592 = arith.subf %bitcast3A_583, %bitcast3A_591 : vector<32xbf16>
        %abs3A_593 = math.absf %sub3A_592 : vector<32xbf16>
        %bitcast3A_594 = vector.bitcast %abs3A_593 : vector<32xbf16> to vector<16xi32>
        %add3A_595 = arith.constant 1 : i32
        %add3A_596 = arith.addi %add3A_424, %add3A_595 : i32
        %swap3A_597 = arith.constant 3 : i32
        %swap3A_598 = arith.index_cast %swap3A_597 : i32 to index
        %swap3A_599 = arith.index_cast %add3A_596 : i32 to index
        %swap3A_600 = arith.constant 32 : index
        %swap3A_601 = tpu.vector_load %arg8[%swap3A_598, %swap3A_599, %swap3A_600] {strides = array<i32>} : memref<4x120x64xi32, #tpu.memory_space<vmem>>, vector<16xi32>,
        tpu.vector_store %arg8[%swap3A_598, %swap3A_599, %swap3A_600], %bitcast3A_594 {strides = array<i32>} : memref<4x120x64xi32, #tpu.memory_space<vmem>>, vector<16xi32>,
        %add3A_602 = arith.constant 1 : i32
        %add3A_603 = arith.addi %add3A_424, %add3A_602 : i32
        %get3A_604 = arith.constant 3 : i32
        %get3A_605 = arith.index_cast %get3A_604 : i32 to index
        %get3A_606 = arith.index_cast %add3A_603 : i32 to index
        %get3A_607 = arith.constant 48 : index
        %get3A_608 = tpu.vector_load %arg6[%get3A_605, %get3A_606, %get3A_607] {strides = array<i32>} : memref<4x120x64xi32, #tpu.memory_space<vmem>>, vector<16xi32>,
        %bitcast3A_609 = vector.bitcast %get3A_608 : vector<16xi32> to vector<32xbf16>
        %add3A_610 = arith.constant 1 : i32
        %add3A_611 = arith.addi %add3A_424, %add3A_610 : i32
        %get3A_612 = arith.constant 3 : i32
        %get3A_613 = arith.index_cast %get3A_612 : i32 to index
        %get3A_614 = arith.index_cast %add3A_611 : i32 to index
        %get3A_615 = arith.constant 48 : index
        %get3A_616 = tpu.vector_load %arg7[%get3A_613, %get3A_614, %get3A_615] {strides = array<i32>} : memref<4x120x64xi32, #tpu.memory_space<vmem>>, vector<16xi32>,
        %bitcast3A_617 = vector.bitcast %get3A_616 : vector<16xi32> to vector<32xbf16>
        %sub3A_618 = arith.subf %bitcast3A_609, %bitcast3A_617 : vector<32xbf16>
        %abs3A_619 = math.absf %sub3A_618 : vector<32xbf16>
        %bitcast3A_620 = vector.bitcast %abs3A_619 : vector<32xbf16> to vector<16xi32>
        %add3A_621 = arith.constant 1 : i32
        %add3A_622 = arith.addi %add3A_424, %add3A_621 : i32
        %swap3A_623 = arith.constant 3 : i32
        %swap3A_624 = arith.index_cast %swap3A_623 : i32 to index
        %swap3A_625 = arith.index_cast %add3A_622 : i32 to index
        %swap3A_626 = arith.constant 48 : index
        %swap3A_627 = tpu.vector_load %arg8[%swap3A_624, %swap3A_625, %swap3A_626] {strides = array<i32>} : memref<4x120x64xi32, #tpu.memory_space<vmem>>, vector<16xi32>,
        tpu.vector_store %arg8[%swap3A_624, %swap3A_625, %swap3A_626], %bitcast3A_620 {strides = array<i32>} : memref<4x120x64xi32, #tpu.memory_space<vmem>>, vector<16xi32>,
        %add3A_628 = arith.constant 2 : i32
        %add3A_629 = arith.addi %add3A_424, %add3A_628 : i32
        %get3A_630 = arith.constant 3 : i32
        %get3A_631 = arith.index_cast %get3A_630 : i32 to index
        %get3A_632 = arith.index_cast %add3A_629 : i32 to index
        %get3A_633 = arith.constant 0 : index
        %get3A_634 = tpu.vector_load %arg6[%get3A_631, %get3A_632, %get3A_633] {strides = array<i32>} : memref<4x120x64xi32, #tpu.memory_space<vmem>>, vector<16xi32>,
        %bitcast3A_635 = vector.bitcast %get3A_634 : vector<16xi32> to vector<32xbf16>
        %add3A_636 = arith.constant 2 : i32
        %add3A_637 = arith.addi %add3A_424, %add3A_636 : i32
        %get3A_638 = arith.constant 3 : i32
        %get3A_639 = arith.index_cast %get3A_638 : i32 to index
        %get3A_640 = arith.index_cast %add3A_637 : i32 to index
        %get3A_641 = arith.constant 0 : index
        %get3A_642 = tpu.vector_load %arg7[%get3A_639, %get3A_640, %get3A_641] {strides = array<i32>} : memref<4x120x64xi32, #tpu.memory_space<vmem>>, vector<16xi32>,
        %bitcast3A_643 = vector.bitcast %get3A_642 : vector<16xi32> to vector<32xbf16>
        %sub3A_644 = arith.subf %bitcast3A_635, %bitcast3A_643 : vector<32xbf16>
        %abs3A_645 = math.absf %sub3A_644 : vector<32xbf16>
        %bitcast3A_646 = vector.bitcast %abs3A_645 : vector<32xbf16> to vector<16xi32>
        %add3A_647 = arith.constant 2 : i32
        %add3A_648 = arith.addi %add3A_424, %add3A_647 : i32
        %swap3A_649 = arith.constant 3 : i32
        %swap3A_650 = arith.index_cast %swap3A_649 : i32 to index
        %swap3A_651 = arith.index_cast %add3A_648 : i32 to index
        %swap3A_652 = arith.constant 0 : index
        %swap3A_653 = tpu.vector_load %arg8[%swap3A_650, %swap3A_651, %swap3A_652] {strides = array<i32>} : memref<4x120x64xi32, #tpu.memory_space<vmem>>, vector<16xi32>,
        tpu.vector_store %arg8[%swap3A_650, %swap3A_651, %swap3A_652], %bitcast3A_646 {strides = array<i32>} : memref<4x120x64xi32, #tpu.memory_space<vmem>>, vector<16xi32>,
        %add3A_654 = arith.constant 2 : i32
        %add3A_655 = arith.addi %add3A_424, %add3A_654 : i32
        %get3A_656 = arith.constant 3 : i32
        %get3A_657 = arith.index_cast %get3A_656 : i32 to index
        %get3A_658 = arith.index_cast %add3A_655 : i32 to index
        %get3A_659 = arith.constant 16 : index
        %get3A_660 = tpu.vector_load %arg6[%get3A_657, %get3A_658, %get3A_659] {strides = array<i32>} : memref<4x120x64xi32, #tpu.memory_space<vmem>>, vector<16xi32>,
        %bitcast3A_661 = vector.bitcast %get3A_660 : vector<16xi32> to vector<32xbf16>
        %add3A_662 = arith.constant 2 : i32
        %add3A_663 = arith.addi %add3A_424, %add3A_662 : i32
        %get3A_664 = arith.constant 3 : i32
        %get3A_665 = arith.index_cast %get3A_664 : i32 to index
        %get3A_666 = arith.index_cast %add3A_663 : i32 to index
        %get3A_667 = arith.constant 16 : index
        %get3A_668 = tpu.vector_load %arg7[%get3A_665, %get3A_666, %get3A_667] {strides = array<i32>} : memref<4x120x64xi32, #tpu.memory_space<vmem>>, vector<16xi32>,
        %bitcast3A_669 = vector.bitcast %get3A_668 : vector<16xi32> to vector<32xbf16>
        %sub3A_670 = arith.subf %bitcast3A_661, %bitcast3A_669 : vector<32xbf16>
        %abs3A_671 = math.absf %sub3A_670 : vector<32xbf16>
        %bitcast3A_672 = vector.bitcast %abs3A_671 : vector<32xbf16> to vector<16xi32>
        %add3A_673 = arith.constant 2 : i32
        %add3A_674 = arith.addi %add3A_424, %add3A_673 : i32
        %swap3A_675 = arith.constant 3 : i32
        %swap3A_676 = arith.index_cast %swap3A_675 : i32 to index
        %swap3A_677 = arith.index_cast %add3A_674 : i32 to index
        %swap3A_678 = arith.constant 16 : index
        %swap3A_679 = tpu.vector_load %arg8[%swap3A_676, %swap3A_677, %swap3A_678] {strides = array<i32>} : memref<4x120x64xi32, #tpu.memory_space<vmem>>, vector<16xi32>,
        tpu.vector_store %arg8[%swap3A_676, %swap3A_677, %swap3A_678], %bitcast3A_672 {strides = array<i32>} : memref<4x120x64xi32, #tpu.memory_space<vmem>>, vector<16xi32>,
        %add3A_680 = arith.constant 2 : i32
        %add3A_681 = arith.addi %add3A_424, %add3A_680 : i32
        %get3A_682 = arith.constant 3 : i32
        %get3A_683 = arith.index_cast %get3A_682 : i32 to index
        %get3A_684 = arith.index_cast %add3A_681 : i32 to index
        %get3A_685 = arith.constant 32 : index
        %get3A_686 = tpu.vector_load %arg6[%get3A_683, %get3A_684, %get3A_685] {strides = array<i32>} : memref<4x120x64xi32, #tpu.memory_space<vmem>>, vector<16xi32>,
        %bitcast3A_687 = vector.bitcast %get3A_686 : vector<16xi32> to vector<32xbf16>
        %add3A_688 = arith.constant 2 : i32
        %add3A_689 = arith.addi %add3A_424, %add3A_688 : i32
        %get3A_690 = arith.constant 3 : i32
        %get3A_691 = arith.index_cast %get3A_690 : i32 to index
        %get3A_692 = arith.index_cast %add3A_689 : i32 to index
        %get3A_693 = arith.constant 32 : index
        %get3A_694 = tpu.vector_load %arg7[%get3A_691, %get3A_692, %get3A_693] {strides = array<i32>} : memref<4x120x64xi32, #tpu.memory_space<vmem>>, vector<16xi32>,
        %bitcast3A_695 = vector.bitcast %get3A_694 : vector<16xi32> to vector<32xbf16>
        %sub3A_696 = arith.subf %bitcast3A_687, %bitcast3A_695 : vector<32xbf16>
        %abs3A_697 = math.absf %sub3A_696 : vector<32xbf16>
        %bitcast3A_698 = vector.bitcast %abs3A_697 : vector<32xbf16> to vector<16xi32>
        %add3A_699 = arith.constant 2 : i32
        %add3A_700 = arith.addi %add3A_424, %add3A_699 : i32
        %swap3A_701 = arith.constant 3 : i32
        %swap3A_702 = arith.index_cast %swap3A_701 : i32 to index
        %swap3A_703 = arith.index_cast %add3A_700 : i32 to index
        %swap3A_704 = arith.constant 32 : index
        %swap3A_705 = tpu.vector_load %arg8[%swap3A_702, %swap3A_703, %swap3A_704] {strides = array<i32>} : memref<4x120x64xi32, #tpu.memory_space<vmem>>, vector<16xi32>,
        tpu.vector_store %arg8[%swap3A_702, %swap3A_703, %swap3A_704], %bitcast3A_698 {strides = array<i32>} : memref<4x120x64xi32, #tpu.memory_space<vmem>>, vector<16xi32>,
        %add3A_706 = arith.constant 2 : i32
        %add3A_707 = arith.addi %add3A_424, %add3A_706 : i32
        %get3A_708 = arith.constant 3 : i32
        %get3A_709 = arith.index_cast %get3A_708 : i32 to index
        %get3A_710 = arith.index_cast %add3A_707 : i32 to index
        %get3A_711 = arith.constant 48 : index
        %get3A_712 = tpu.vector_load %arg6[%get3A_709, %get3A_710, %get3A_711] {strides = array<i32>} : memref<4x120x64xi32, #tpu.memory_space<vmem>>, vector<16xi32>,
        %bitcast3A_713 = vector.bitcast %get3A_712 : vector<16xi32> to vector<32xbf16>
        %add3A_714 = arith.constant 2 : i32
        %add3A_715 = arith.addi %add3A_424, %add3A_714 : i32
        %get3A_716 = arith.constant 3 : i32
        %get3A_717 = arith.index_cast %get3A_716 : i32 to index
        %get3A_718 = arith.index_cast %add3A_715 : i32 to index
        %get3A_719 = arith.constant 48 : index
        %get3A_720 = tpu.vector_load %arg7[%get3A_717, %get3A_718, %get3A_719] {strides = array<i32>} : memref<4x120x64xi32, #tpu.memory_space<vmem>>, vector<16xi32>,
        %bitcast3A_721 = vector.bitcast %get3A_720 : vector<16xi32> to vector<32xbf16>
        %sub3A_722 = arith.subf %bitcast3A_713, %bitcast3A_721 : vector<32xbf16>
        %abs3A_723 = math.absf %sub3A_722 : vector<32xbf16>
        %bitcast3A_724 = vector.bitcast %abs3A_723 : vector<32xbf16> to vector<16xi32>
        %add3A_725 = arith.constant 2 : i32
        %add3A_726 = arith.addi %add3A_424, %add3A_725 : i32
        %swap3A_727 = arith.constant 3 : i32
        %swap3A_728 = arith.index_cast %swap3A_727 : i32 to index
        %swap3A_729 = arith.index_cast %add3A_726 : i32 to index
        %swap3A_730 = arith.constant 48 : index
        %swap3A_731 = tpu.vector_load %arg8[%swap3A_728, %swap3A_729, %swap3A_730] {strides = array<i32>} : memref<4x120x64xi32, #tpu.memory_space<vmem>>, vector<16xi32>,
        tpu.vector_store %arg8[%swap3A_728, %swap3A_729, %swap3A_730], %bitcast3A_724 {strides = array<i32>} : memref<4x120x64xi32, #tpu.memory_space<vmem>>, vector<16xi32>,
        %add3A_732 = arith.constant 3 : i32
        %add3A_733 = arith.addi %add3A_424, %add3A_732 : i32
        %get3A_734 = arith.constant 3 : i32
        %get3A_735 = arith.index_cast %get3A_734 : i32 to index
        %get3A_736 = arith.index_cast %add3A_733 : i32 to index
        %get3A_737 = arith.constant 0 : index
        %get3A_738 = tpu.vector_load %arg6[%get3A_735, %get3A_736, %get3A_737] {strides = array<i32>} : memref<4x120x64xi32, #tpu.memory_space<vmem>>, vector<16xi32>,
        %bitcast3A_739 = vector.bitcast %get3A_738 : vector<16xi32> to vector<32xbf16>
        %add3A_740 = arith.constant 3 : i32
        %add3A_741 = arith.addi %add3A_424, %add3A_740 : i32
        %get3A_742 = arith.constant 3 : i32
        %get3A_743 = arith.index_cast %get3A_742 : i32 to index
        %get3A_744 = arith.index_cast %add3A_741 : i32 to index
        %get3A_745 = arith.constant 0 : index
        %get3A_746 = tpu.vector_load %arg7[%get3A_743, %get3A_744, %get3A_745] {strides = array<i32>} : memref<4x120x64xi32, #tpu.memory_space<vmem>>, vector<16xi32>,
        %bitcast3A_747 = vector.bitcast %get3A_746 : vector<16xi32> to vector<32xbf16>
        %sub3A_748 = arith.subf %bitcast3A_739, %bitcast3A_747 : vector<32xbf16>
        %abs3A_749 = math.absf %sub3A_748 : vector<32xbf16>
        %bitcast3A_750 = vector.bitcast %abs3A_749 : vector<32xbf16> to vector<16xi32>
        %add3A_751 = arith.constant 3 : i32
        %add3A_752 = arith.addi %add3A_424, %add3A_751 : i32
        %swap3A_753 = arith.constant 3 : i32
        %swap3A_754 = arith.index_cast %swap3A_753 : i32 to index
        %swap3A_755 = arith.index_cast %add3A_752 : i32 to index
        %swap3A_756 = arith.constant 0 : index
        %swap3A_757 = tpu.vector_load %arg8[%swap3A_754, %swap3A_755, %swap3A_756] {strides = array<i32>} : memref<4x120x64xi32, #tpu.memory_space<vmem>>, vector<16xi32>,
        tpu.vector_store %arg8[%swap3A_754, %swap3A_755, %swap3A_756], %bitcast3A_750 {strides = array<i32>} : memref<4x120x64xi32, #tpu.memory_space<vmem>>, vector<16xi32>,
        %add3A_758 = arith.constant 3 : i32
        %add3A_759 = arith.addi %add3A_424, %add3A_758 : i32
        %get3A_760 = arith.constant 3 : i32
        %get3A_761 = arith.index_cast %get3A_760 : i32 to index
        %get3A_762 = arith.index_cast %add3A_759 : i32 to index
        %get3A_763 = arith.constant 16 : index
        %get3A_764 = tpu.vector_load %arg6[%get3A_761, %get3A_762, %get3A_763] {strides = array<i32>} : memref<4x120x64xi32, #tpu.memory_space<vmem>>, vector<16xi32>,
        %bitcast3A_765 = vector.bitcast %get3A_764 : vector<16xi32> to vector<32xbf16>
        %add3A_766 = arith.constant 3 : i32
        %add3A_767 = arith.addi %add3A_424, %add3A_766 : i32
        %get3A_768 = arith.constant 3 : i32
        %get3A_769 = arith.index_cast %get3A_768 : i32 to index
        %get3A_770 = arith.index_cast %add3A_767 : i32 to index
        %get3A_771 = arith.constant 16 : index
        %get3A_772 = tpu.vector_load %arg7[%get3A_769, %get3A_770, %get3A_771] {strides = array<i32>} : memref<4x120x64xi32, #tpu.memory_space<vmem>>, vector<16xi32>,
        %bitcast3A_773 = vector.bitcast %get3A_772 : vector<16xi32> to vector<32xbf16>
        %sub3A_774 = arith.subf %bitcast3A_765, %bitcast3A_773 : vector<32xbf16>
        %abs3A_775 = math.absf %sub3A_774 : vector<32xbf16>
        %bitcast3A_776 = vector.bitcast %abs3A_775 : vector<32xbf16> to vector<16xi32>
        %add3A_777 = arith.constant 3 : i32
        %add3A_778 = arith.addi %add3A_424, %add3A_777 : i32
        %swap3A_779 = arith.constant 3 : i32
        %swap3A_780 = arith.index_cast %swap3A_779 : i32 to index
        %swap3A_781 = arith.index_cast %add3A_778 : i32 to index
        %swap3A_782 = arith.constant 16 : index
        %swap3A_783 = tpu.vector_load %arg8[%swap3A_780, %swap3A_781, %swap3A_782] {strides = array<i32>} : memref<4x120x64xi32, #tpu.memory_space<vmem>>, vector<16xi32>,
        tpu.vector_store %arg8[%swap3A_780, %swap3A_781, %swap3A_782], %bitcast3A_776 {strides = array<i32>} : memref<4x120x64xi32, #tpu.memory_space<vmem>>, vector<16xi32>,
        %add3A_784 = arith.constant 3 : i32
        %add3A_785 = arith.addi %add3A_424, %add3A_784 : i32
        %get3A_786 = arith.constant 3 : i32
        %get3A_787 = arith.index_cast %get3A_786 : i32 to index
        %get3A_788 = arith.index_cast %add3A_785 : i32 to index
        %get3A_789 = arith.constant 32 : index
        %get3A_790 = tpu.vector_load %arg6[%get3A_787, %get3A_788, %get3A_789] {strides = array<i32>} : memref<4x120x64xi32, #tpu.memory_space<vmem>>, vector<16xi32>,
        %bitcast3A_791 = vector.bitcast %get3A_790 : vector<16xi32> to vector<32xbf16>
        %add3A_792 = arith.constant 3 : i32
        %add3A_793 = arith.addi %add3A_424, %add3A_792 : i32
        %get3A_794 = arith.constant 3 : i32
        %get3A_795 = arith.index_cast %get3A_794 : i32 to index
        %get3A_796 = arith.index_cast %add3A_793 : i32 to index
        %get3A_797 = arith.constant 32 : index
        %get3A_798 = tpu.vector_load %arg7[%get3A_795, %get3A_796, %get3A_797] {strides = array<i32>} : memref<4x120x64xi32, #tpu.memory_space<vmem>>, vector<16xi32>,
        %bitcast3A_799 = vector.bitcast %get3A_798 : vector<16xi32> to vector<32xbf16>
        %sub3A_800 = arith.subf %bitcast3A_791, %bitcast3A_799 : vector<32xbf16>
        %abs3A_801 = math.absf %sub3A_800 : vector<32xbf16>
        %bitcast3A_802 = vector.bitcast %abs3A_801 : vector<32xbf16> to vector<16xi32>
        %add3A_803 = arith.constant 3 : i32
        %add3A_804 = arith.addi %add3A_424, %add3A_803 : i32
        %swap3A_805 = arith.constant 3 : i32
        %swap3A_806 = arith.index_cast %swap3A_805 : i32 to index
        %swap3A_807 = arith.index_cast %add3A_804 : i32 to index
        %swap3A_808 = arith.constant 32 : index
        %swap3A_809 = tpu.vector_load %arg8[%swap3A_806, %swap3A_807, %swap3A_808] {strides = array<i32>} : memref<4x120x64xi32, #tpu.memory_space<vmem>>, vector<16xi32>,
        tpu.vector_store %arg8[%swap3A_806, %swap3A_807, %swap3A_808], %bitcast3A_802 {strides = array<i32>} : memref<4x120x64xi32, #tpu.memory_space<vmem>>, vector<16xi32>,
        %add3A_810 = arith.constant 3 : i32
        %add3A_811 = arith.addi %add3A_424, %add3A_810 : i32
        %get3A_812 = arith.constant 3 : i32
        %get3A_813 = arith.index_cast %get3A_812 : i32 to index
        %get3A_814 = arith.index_cast %add3A_811 : i32 to index
        %get3A_815 = arith.constant 48 : index
        %get3A_816 = tpu.vector_load %arg6[%get3A_813, %get3A_814, %get3A_815] {strides = array<i32>} : memref<4x120x64xi32, #tpu.memory_space<vmem>>, vector<16xi32>,
        %bitcast3A_817 = vector.bitcast %get3A_816 : vector<16xi32> to vector<32xbf16>
        %add3A_818 = arith.constant 3 : i32
        %add3A_819 = arith.addi %add3A_424, %add3A_818 : i32
        %get3A_820 = arith.constant 3 : i32
        %get3A_821 = arith.index_cast %get3A_820 : i32 to index
        %get3A_822 = arith.index_cast %add3A_819 : i32 to index
        %get3A_823 = arith.constant 48 : index
        %get3A_824 = tpu.vector_load %arg7[%get3A_821, %get3A_822, %get3A_823] {strides = array<i32>} : memref<4x120x64xi32, #tpu.memory_space<vmem>>, vector<16xi32>,
        %bitcast3A_825 = vector.bitcast %get3A_824 : vector<16xi32> to vector<32xbf16>
        %sub3A_826 = arith.subf %bitcast3A_817, %bitcast3A_825 : vector<32xbf16>
        %abs3A_827 = math.absf %sub3A_826 : vector<32xbf16>
        %bitcast3A_828 = vector.bitcast %abs3A_827 : vector<32xbf16> to vector<16xi32>
        %add3A_829 = arith.constant 3 : i32
        %add3A_830 = arith.addi %add3A_424, %add3A_829 : i32
        %swap3A_831 = arith.constant 3 : i32
        %swap3A_832 = arith.index_cast %swap3A_831 : i32 to index
        %swap3A_833 = arith.index_cast %add3A_830 : i32 to index
        %swap3A_834 = arith.constant 48 : index
        %swap3A_835 = tpu.vector_load %arg8[%swap3A_832, %swap3A_833, %swap3A_834] {strides = array<i32>} : memref<4x120x64xi32, #tpu.memory_space<vmem>>, vector<16xi32>,
        tpu.vector_store %arg8[%swap3A_832, %swap3A_833, %swap3A_834], %bitcast3A_828 {strides = array<i32>} : memref<4x120x64xi32, #tpu.memory_space<vmem>>, vector<16xi32>,
      }
      %scan3A_394 = arith.constant 30 : i32
      %add3A_395 = arith.constant 4 : i32
      %add3A_396 = arith.addi %add3A_360, %add3A_395 : i32
      %lt3A_397 = arith.constant 80 : i32
      %lt3A_398 = arith.cmpi slt, %add3A_396, %lt3A_397 : i32
      %convert_element_type3A_399 = arith.extui %lt3A_398 : i1 to i32
      %cond3A_400 = arith.constant 0 : i32
      %cond3A_401 = arith.cmpi ne, %convert_element_type3A_399, %cond3A_400 : i32
      scf.if %cond3A_401 {
        %add3A_420 = arith.constant 4 : i32
        %add3A_421 = arith.addi %add3A_360, %add3A_420 : i32
        %mul3A_422 = arith.constant 2 : i32
        %mul3A_423 = arith.muli %mul3A_422, %add3A_421 : i32
        %dma_start3A_424 = arith.constant 3 : i32
        %dma_start3A_425 = arith.constant 0 : i32
        %dma_start3A_426 = arith.constant 0 : i32
        %dma_start3A_427 = tpu.memref_slice %arg6[%dma_start3A_424, %dma_start3A_425, %dma_start3A_426] : memref<4x120x64xi32, #tpu.memory_space<vmem>> -> memref<1x120x64xi32, #tpu.memory_space<vmem>>
        %dma_start3A_428 = tpu.memref_squeeze %dma_start3A_427 : memref<1x120x64xi32, #tpu.memory_space<vmem>> -> memref<120x64xi32, #tpu.memory_space<vmem>>
        %dma_start3A_429 = arith.constant 0 : i32
        %dma_start3A_430 = tpu.memref_slice %arg5[%mul3A_423, %dma_start3A_429] : memref<160x120xi32, #tpu.memory_space<vmem>> -> memref<1x120xi32, #tpu.memory_space<vmem>>
        %dma_start3A_431 = tpu.memref_squeeze %dma_start3A_430 : memref<1x120xi32, #tpu.memory_space<vmem>> -> memref<120xi32, #tpu.memory_space<vmem>>
        %dma_start3A_432 = arith.constant 0 : i32
        %dma_start3A_433 = arith.constant 0 : i32
        %dma_start3A_434 = tpu.memref_slice %arg2[%dma_start3A_432, %dma_start3A_433] : memref<10240x64xi32, #tpu.memory_space<hbm>> -> memref<10240x64xi32, #tpu.memory_space<hbm>>
        tpu.enqueue_indirect_dma source(%dma_start3A_434 : memref<10240x64xi32, #tpu.memory_space<hbm>>) target(%dma_start3A_428 : memref<120x64xi32, #tpu.memory_space<vmem>>) offsets(%dma_start3A_431 : memref<120xi32, #tpu.memory_space<vmem>>) semaphore(%arg13 : memref<!tpu.dma_semaphore, #tpu.memory_space<semaphore_mem>>)
        %mul3A_435 = arith.constant 2 : i32
        %mul3A_436 = arith.muli %mul3A_435, %add3A_421 : i32
        %add3A_437 = arith.constant 1 : i32
        %add3A_438 = arith.addi %mul3A_436, %add3A_437 : i32
        %dma_start3A_439 = arith.constant 3 : i32
        %dma_start3A_440 = arith.constant 0 : i32
        %dma_start3A_441 = arith.constant 0 : i32
        %dma_start3A_442 = tpu.memref_slice %arg7[%dma_start3A_439, %dma_start3A_440, %dma_start3A_441] : memref<4x120x64xi32, #tpu.memory_space<vmem>> -> memref<1x120x64xi32, #tpu.memory_space<vmem>>
        %dma_start3A_443 = tpu.memref_squeeze %dma_start3A_442 : memref<1x120x64xi32, #tpu.memory_space<vmem>> -> memref<120x64xi32, #tpu.memory_space<vmem>>
        %dma_start3A_444 = arith.constant 0 : i32
        %dma_start3A_445 = tpu.memref_slice %arg5[%add3A_438, %dma_start3A_444] : memref<160x120xi32, #tpu.memory_space<vmem>> -> memref<1x120xi32, #tpu.memory_space<vmem>>
        %dma_start3A_446 = tpu.memref_squeeze %dma_start3A_445 : memref<1x120xi32, #tpu.memory_space<vmem>> -> memref<120xi32, #tpu.memory_space<vmem>>
        %dma_start3A_447 = arith.constant 0 : i32
        %dma_start3A_448 = arith.constant 0 : i32
        %dma_start3A_449 = tpu.memref_slice %arg2[%dma_start3A_447, %dma_start3A_448] : memref<10240x64xi32, #tpu.memory_space<hbm>> -> memref<10240x64xi32, #tpu.memory_space<hbm>>
        tpu.enqueue_indirect_dma source(%dma_start3A_449 : memref<10240x64xi32, #tpu.memory_space<hbm>>) target(%dma_start3A_443 : memref<120x64xi32, #tpu.memory_space<vmem>>) offsets(%dma_start3A_446 : memref<120xi32, #tpu.memory_space<vmem>>) semaphore(%arg17 : memref<!tpu.dma_semaphore, #tpu.memory_space<semaphore_mem>>)
      } else {
      }
      %mul3A_402 = arith.constant 9600 : i32
      %mul3A_403 = arith.muli %add3A, %mul3A_402 : i32
      %mul3A_404 = arith.constant 120 : i32
      %mul3A_405 = arith.muli %add3A_360, %mul3A_404 : i32
      %add3A_406 = arith.addi %mul3A_403, %mul3A_405 : i32
      %dma_start3A_407 = arith.constant 3 : i32
      %dma_start3A_408 = arith.constant 0 : i32
      %dma_start3A_409 = arith.constant 0 : i32
      %dma_start3A_410 = tpu.memref_slice %arg8[%dma_start3A_407, %dma_start3A_408, %dma_start3A_409] : memref<4x120x64xi32, #tpu.memory_space<vmem>> -> memref<1x120x64xi32, #tpu.memory_space<vmem>>
      %dma_start3A_411 = tpu.memref_squeeze %dma_start3A_410 : memref<1x120x64xi32, #tpu.memory_space<vmem>> -> memref<120x64xi32, #tpu.memory_space<vmem>>
      %dma_start3A_412 = arith.constant 0 : i32
      %dma_start3A_413 = tpu.memref_slice %arg4[%add3A_406, %dma_start3A_412] : memref<307200x64xi32, #tpu.memory_space<hbm>> -> memref<120x64xi32, #tpu.memory_space<hbm>>
      %dma_start3A_414 = arith.constant 0 : i32
      %dma_start3A_415 = tpu.memref_slice %arg4[%add3A_406, %dma_start3A_414] : memref<307200x64xi32, #tpu.memory_space<hbm>> -> memref<120x64xi32, #tpu.memory_space<hbm>>
      %dma_start3A_416 = arith.constant 0 : i32
      %dma_start3A_417 = arith.constant 0 : i32
      %dma_start3A_418 = tpu.memref_slice %arg8[%dma_start3A_407, %dma_start3A_416, %dma_start3A_417] : memref<4x120x64xi32, #tpu.memory_space<vmem>> -> memref<1x120x64xi32, #tpu.memory_space<vmem>>
      %dma_start3A_419 = tpu.memref_squeeze %dma_start3A_418 : memref<1x120x64xi32, #tpu.memory_space<vmem>> -> memref<120x64xi32, #tpu.memory_space<vmem>>
      tpu.enqueue_dma source(%dma_start3A_419 : memref<120x64xi32, #tpu.memory_space<vmem>>) target(%dma_start3A_415 : memref<120x64xi32, #tpu.memory_space<hbm>>) target_semaphore(%arg21 : memref<!tpu.dma_semaphore, #tpu.memory_space<semaphore_mem>>)
    }
    %scan3A_114 = arith.constant 20 : i32
    %dma_wait3A_115 = arith.constant 0 : i32
    %dma_wait3A_116 = arith.constant 0 : i32
    %dma_wait3A_117 = arith.constant 0 : i32
    %dma_wait3A_118 = tpu.memref_slice %arg8[%dma_wait3A_115, %dma_wait3A_116, %dma_wait3A_117] : memref<4x120x64xi32, #tpu.memory_space<vmem>> -> memref<1x120x64xi32, #tpu.memory_space<vmem>>
    %dma_wait3A_119 = tpu.memref_squeeze %dma_wait3A_118 : memref<1x120x64xi32, #tpu.memory_space<vmem>> -> memref<120x64xi32, #tpu.memory_space<vmem>>
    %dma_wait3A_120 = arith.constant 0 : i32
    %dma_wait3A_121 = arith.constant 0 : i32
    %dma_wait3A_122 = tpu.memref_slice %arg4[%dma_wait3A_120, %dma_wait3A_121] : memref<307200x64xi32, #tpu.memory_space<hbm>> -> memref<120x64xi32, #tpu.memory_space<hbm>>
    %dma_wait3A_123 = arith.constant 0 : i32
    %dma_wait3A_124 = arith.constant 0 : i32
    %dma_wait3A_125 = tpu.memref_slice %arg4[%dma_wait3A_123, %dma_wait3A_124] : memref<307200x64xi32, #tpu.memory_space<hbm>> -> memref<120x64xi32, #tpu.memory_space<hbm>>
    %dma_wait3A_126 = arith.constant 0 : i32
    %dma_wait3A_127 = arith.constant 0 : i32
    %dma_wait3A_128 = tpu.memref_slice %arg8[%dma_wait3A_115, %dma_wait3A_126, %dma_wait3A_127] : memref<4x120x64xi32, #tpu.memory_space<vmem>> -> memref<1x120x64xi32, #tpu.memory_space<vmem>>
    %dma_wait3A_129 = tpu.memref_squeeze %dma_wait3A_128 : memref<1x120x64xi32, #tpu.memory_space<vmem>> -> memref<120x64xi32, #tpu.memory_space<vmem>>
    tpu.wait_dma2 semaphore(%arg18 : memref<!tpu.dma_semaphore, #tpu.memory_space<semaphore_mem>>) src(%dma_wait3A_129 : memref<120x64xi32, #tpu.memory_space<vmem>>) dst(%dma_wait3A_125 : memref<120x64xi32, #tpu.memory_space<hbm>>)
    %dma_wait3A_130 = arith.constant 1 : i32
    %dma_wait3A_131 = arith.constant 0 : i32
    %dma_wait3A_132 = arith.constant 0 : i32
    %dma_wait3A_133 = tpu.memref_slice %arg8[%dma_wait3A_130, %dma_wait3A_131, %dma_wait3A_132] : memref<4x120x64xi32, #tpu.memory_space<vmem>> -> memref<1x120x64xi32, #tpu.memory_space<vmem>>
    %dma_wait3A_134 = tpu.memref_squeeze %dma_wait3A_133 : memref<1x120x64xi32, #tpu.memory_space<vmem>> -> memref<120x64xi32, #tpu.memory_space<vmem>>
    %dma_wait3A_135 = arith.constant 0 : i32
    %dma_wait3A_136 = arith.constant 0 : i32
    %dma_wait3A_137 = tpu.memref_slice %arg4[%dma_wait3A_135, %dma_wait3A_136] : memref<307200x64xi32, #tpu.memory_space<hbm>> -> memref<120x64xi32, #tpu.memory_space<hbm>>
    %dma_wait3A_138 = arith.constant 0 : i32
    %dma_wait3A_139 = arith.constant 0 : i32
    %dma_wait3A_140 = tpu.memref_slice %arg4[%dma_wait3A_138, %dma_wait3A_139] : memref<307200x64xi32, #tpu.memory_space<hbm>> -> memref<120x64xi32, #tpu.memory_space<hbm>>
    %dma_wait3A_141 = arith.constant 0 : i32
    %dma_wait3A_142 = arith.constant 0 : i32
    %dma_wait3A_143 = tpu.memref_slice %arg8[%dma_wait3A_130, %dma_wait3A_141, %dma_wait3A_142] : memref<4x120x64xi32, #tpu.memory_space<vmem>> -> memref<1x120x64xi32, #tpu.memory_space<vmem>>
    %dma_wait3A_144 = tpu.memref_squeeze %dma_wait3A_143 : memref<1x120x64xi32, #tpu.memory_space<vmem>> -> memref<120x64xi32, #tpu.memory_space<vmem>>
    tpu.wait_dma2 semaphore(%arg19 : memref<!tpu.dma_semaphore, #tpu.memory_space<semaphore_mem>>) src(%dma_wait3A_144 : memref<120x64xi32, #tpu.memory_space<vmem>>) dst(%dma_wait3A_140 : memref<120x64xi32, #tpu.memory_space<hbm>>)
    %dma_wait3A_145 = arith.constant 2 : i32
    %dma_wait3A_146 = arith.constant 0 : i32
    %dma_wait3A_147 = arith.constant 0 : i32
    %dma_wait3A_148 = tpu.memref_slice %arg8[%dma_wait3A_145, %dma_wait3A_146, %dma_wait3A_147] : memref<4x120x64xi32, #tpu.memory_space<vmem>> -> memref<1x120x64xi32, #tpu.memory_space<vmem>>
    %dma_wait3A_149 = tpu.memref_squeeze %dma_wait3A_148 : memref<1x120x64xi32, #tpu.memory_space<vmem>> -> memref<120x64xi32, #tpu.memory_space<vmem>>
    %dma_wait3A_150 = arith.constant 0 : i32
    %dma_wait3A_151 = arith.constant 0 : i32
    %dma_wait3A_152 = tpu.memref_slice %arg4[%dma_wait3A_150, %dma_wait3A_151] : memref<307200x64xi32, #tpu.memory_space<hbm>> -> memref<120x64xi32, #tpu.memory_space<hbm>>
    %dma_wait3A_153 = arith.constant 0 : i32
    %dma_wait3A_154 = arith.constant 0 : i32
    %dma_wait3A_155 = tpu.memref_slice %arg4[%dma_wait3A_153, %dma_wait3A_154] : memref<307200x64xi32, #tpu.memory_space<hbm>> -> memref<120x64xi32, #tpu.memory_space<hbm>>
    %dma_wait3A_156 = arith.constant 0 : i32
    %dma_wait3A_157 = arith.constant 0 : i32
    %dma_wait3A_158 = tpu.memref_slice %arg8[%dma_wait3A_145, %dma_wait3A_156, %dma_wait3A_157] : memref<4x120x64xi32, #tpu.memory_space<vmem>> -> memref<1x120x64xi32, #tpu.memory_space<vmem>>
    %dma_wait3A_159 = tpu.memref_squeeze %dma_wait3A_158 : memref<1x120x64xi32, #tpu.memory_space<vmem>> -> memref<120x64xi32, #tpu.memory_space<vmem>>
    tpu.wait_dma2 semaphore(%arg20 : memref<!tpu.dma_semaphore, #tpu.memory_space<semaphore_mem>>) src(%dma_wait3A_159 : memref<120x64xi32, #tpu.memory_space<vmem>>) dst(%dma_wait3A_155 : memref<120x64xi32, #tpu.memory_space<hbm>>)
    %dma_wait3A_160 = arith.constant 3 : i32
    %dma_wait3A_161 = arith.constant 0 : i32
    %dma_wait3A_162 = arith.constant 0 : i32
    %dma_wait3A_163 = tpu.memref_slice %arg8[%dma_wait3A_160, %dma_wait3A_161, %dma_wait3A_162] : memref<4x120x64xi32, #tpu.memory_space<vmem>> -> memref<1x120x64xi32, #tpu.memory_space<vmem>>
    %dma_wait3A_164 = tpu.memref_squeeze %dma_wait3A_163 : memref<1x120x64xi32, #tpu.memory_space<vmem>> -> memref<120x64xi32, #tpu.memory_space<vmem>>
    %dma_wait3A_165 = arith.constant 0 : i32
    %dma_wait3A_166 = arith.constant 0 : i32
    %dma_wait3A_167 = tpu.memref_slice %arg4[%dma_wait3A_165, %dma_wait3A_166] : memref<307200x64xi32, #tpu.memory_space<hbm>> -> memref<120x64xi32, #tpu.memory_space<hbm>>
    %dma_wait3A_168 = arith.constant 0 : i32
    %dma_wait3A_169 = arith.constant 0 : i32
    %dma_wait3A_170 = tpu.memref_slice %arg4[%dma_wait3A_168, %dma_wait3A_169] : memref<307200x64xi32, #tpu.memory_space<hbm>> -> memref<120x64xi32, #tpu.memory_space<hbm>>
    %dma_wait3A_171 = arith.constant 0 : i32
    %dma_wait3A_172 = arith.constant 0 : i32
    %dma_wait3A_173 = tpu.memref_slice %arg8[%dma_wait3A_160, %dma_wait3A_171, %dma_wait3A_172] : memref<4x120x64xi32, #tpu.memory_space<vmem>> -> memref<1x120x64xi32, #tpu.memory_space<vmem>>
    %dma_wait3A_174 = tpu.memref_squeeze %dma_wait3A_173 : memref<1x120x64xi32, #tpu.memory_space<vmem>> -> memref<120x64xi32, #tpu.memory_space<vmem>>
    tpu.wait_dma2 semaphore(%arg21 : memref<!tpu.dma_semaphore, #tpu.memory_space<semaphore_mem>>) src(%dma_wait3A_174 : memref<120x64xi32, #tpu.memory_space<vmem>>) dst(%dma_wait3A_170 : memref<120x64xi32, #tpu.memory_space<hbm>>)
    return
  }
}

module attributes {stable_mosaic.version = 14 : i64} {
  func.func @body(%arg0: i32, %arg1: memref<400x128xf32, #tpu.memory_space<vmem>>, %arg2: memref<128x128xf32, #tpu.memory_space<vmem>>, %arg3: memref<1x128xf32, #tpu.memory_space<vmem>>, %arg4: memref<2x400x64xf32, #tpu.memory_space<vmem>>) attributes {dimension_semantics = [#tpu.dimension_semantics<arbitrary>], iteration_bounds = array<i64: 25>, scalar_prefetch = 0 : i64, scratch_operands = 0 : i64, tpu.core_type = #tpu.core_type<tc>, window_params = [{transform_indices = @transform_0, window_bounds = array<i64: 400, 128>}, {pipeline_mode = #tpu.pipeline_mode<synchronous>, transform_indices = @transform_1, window_bounds = array<i64: 128, 128>}, {pipeline_mode = #tpu.pipeline_mode<synchronous>, transform_indices = @transform_2, window_bounds = array<i64: 1, 128>}, {transform_indices = @transform_3, window_bounds = array<i64: 2, 400, 64>}]} {
    %get3A = arith.constant 0 : index
    %get3A_0 = arith.constant 0 : index
    %get3A_1 = vector.load %arg1[%get3A, %get3A_0] : memref<400x128xf32, #tpu.memory_space<vmem>>, vector<400x128xf32>
    %get3A_2 = arith.constant 0 : index
    %get3A_3 = arith.constant 0 : index
    %get3A_4 = vector.load %arg2[%get3A_2, %get3A_3] : memref<128x128xf32, #tpu.memory_space<vmem>>, vector<128x128xf32>
    %dot_general3A = arith.constant dense<0.000000e+00> : vector<400x128xf32>
    %dot_general3A_5 = tpu.matmul %get3A_1, %get3A_4, %dot_general3A {dimension_numbers = #tpu.dot_dimension_numbers<[1], [0], [0], [1], [0, 0, 1, 1], [], []>, transpose_lhs_hint = false} : vector<400x128xf32>, vector<128x128xf32>, vector<400x128xf32> -> vector<400x128xf32>
    %get3A_6 = arith.constant 0 : index
    %get3A_7 = arith.constant 0 : index
    %get3A_8 = vector.load %arg3[%get3A_6, %get3A_7] : memref<1x128xf32, #tpu.memory_space<vmem>>, vector<1x128xf32>
    %add3A = vector.broadcast %get3A_8 : vector<1x128xf32> to vector<400x128xf32>
    %add3A_9 = arith.addf %dot_general3A_5, %add3A : vector<400x128xf32>
    %slice3A = vector.extract_strided_slice %add3A_9 {offsets = [0, 0], sizes = [400, 64], strides = [1, 1]} : vector<400x128xf32> to vector<400x64xf32>
    %swap3A = arith.constant 0 : index
    %swap3A_10 = arith.constant 0 : index
    %swap3A_11 = arith.constant 0 : index
    %swap3A_12 = vector.load %arg4[%swap3A, %swap3A_10, %swap3A_11] : memref<2x400x64xf32, #tpu.memory_space<vmem>>, vector<1x400x64xf32>
    %swap3A_13 = vector.shape_cast %swap3A_12 : vector<1x400x64xf32> to vector<400x64xf32>
    %swap3A_14 = vector.shape_cast %slice3A : vector<400x64xf32> to vector<1x400x64xf32>
    tpu.vector_store %arg4[%swap3A, %swap3A_10, %swap3A_11], %swap3A_14 {strides = array<i32>} : memref<2x400x64xf32, #tpu.memory_space<vmem>>, vector<1x400x64xf32>,
    %slice3A_15 = vector.extract_strided_slice %add3A_9 {offsets = [0, 64], sizes = [400, 64], strides = [1, 1]} : vector<400x128xf32> to vector<400x64xf32>
    %swap3A_16 = arith.constant 1 : index
    %swap3A_17 = arith.constant 0 : index
    %swap3A_18 = arith.constant 0 : index
    %swap3A_19 = vector.load %arg4[%swap3A_16, %swap3A_17, %swap3A_18] : memref<2x400x64xf32, #tpu.memory_space<vmem>>, vector<1x400x64xf32>
    %swap3A_20 = vector.shape_cast %swap3A_19 : vector<1x400x64xf32> to vector<400x64xf32>
    %swap3A_21 = vector.shape_cast %slice3A_15 : vector<400x64xf32> to vector<1x400x64xf32>
    tpu.vector_store %arg4[%swap3A_16, %swap3A_17, %swap3A_18], %swap3A_21 {strides = array<i32>} : memref<2x400x64xf32, #tpu.memory_space<vmem>>, vector<1x400x64xf32>,
    return
  }
  func.func @transform_0(%arg0: i32) -> (i32, i32) {
    %c0_i32 = arith.constant 0 : i32
    %c0_i32_0 = arith.constant 0 : i32
    return %arg0, %c0_i32 : i32, i32
  }
  func.func @transform_1(%arg0: i32) -> (i32, i32) {
    %c0_i32 = arith.constant 0 : i32
    %c0_i32_0 = arith.constant 0 : i32
    %c0_i32_1 = arith.constant 0 : i32
    return %c0_i32, %c0_i32_0 : i32, i32
  }
  func.func @transform_2(%arg0: i32) -> (i32, i32) {
    %c0_i32 = arith.constant 0 : i32
    %c0_i32_0 = arith.constant 0 : i32
    %c0_i32_1 = arith.constant 0 : i32
    return %c0_i32, %c0_i32_0 : i32, i32
  }
  func.func @transform_3(%arg0: i32) -> (i32, i32, i32) {
    %c0_i32 = arith.constant 0 : i32
    %c0_i32_0 = arith.constant 0 : i32
    %c0_i32_1 = arith.constant 0 : i32
    return %c0_i32, %arg0, %c0_i32_0 : i32, i32, i32
  }
}

module attributes {stable_mosaic.version = 14 : i64} {
  func.func @body(%arg0: i32, %arg1: memref<2x512x64xf32, #tpu.memory_space<vmem>>, %arg2: memref<512x64xi32, #tpu.memory_space<vmem>>) attributes {dimension_semantics = [#tpu.dimension_semantics<arbitrary>], iteration_bounds = array<i64: 20>, scalar_prefetch = 0 : i64, scratch_operands = 0 : i64, tpu.core_type = #tpu.core_type<tc>, window_params = [{transform_indices = @transform_0, window_bounds = array<i64: 2, 512, 64>}, {transform_indices = @transform_1, window_bounds = array<i64: 512, 64>}]} {
    %get3A = arith.constant 0 : index
    %get3A_0 = arith.constant 0 : index
    %get3A_1 = arith.constant 0 : index
    %get3A_2 = vector.load %arg1[%get3A, %get3A_0, %get3A_1] : memref<2x512x64xf32, #tpu.memory_space<vmem>>, vector<1x512x64xf32>
    %get3A_3 = vector.shape_cast %get3A_2 : vector<1x512x64xf32> to vector<512x64xf32>
    %get3A_4 = arith.constant 1 : index
    %get3A_5 = arith.constant 0 : index
    %get3A_6 = arith.constant 0 : index
    %get3A_7 = vector.load %arg1[%get3A_4, %get3A_5, %get3A_6] : memref<2x512x64xf32, #tpu.memory_space<vmem>>, vector<1x512x64xf32>
    %get3A_8 = vector.shape_cast %get3A_7 : vector<1x512x64xf32> to vector<512x64xf32>
    %iota3A = tpu.iota {dimensions = array<i32: 1>} : vector<512x64xi32>
    %eq3A = arith.constant 36 : i32
    %eq3A_9 = vector.broadcast %eq3A : i32 to vector<512x64xi32>
    %eq3A_10 = arith.cmpi eq, %iota3A, %eq3A_9 : vector<512x64xi32>
    %jit3A = arith.constant 0.000000e+00 : f32
    %broadcast_in_dim3A = vector.broadcast %jit3A : f32 to vector<512x64xf32>
    %select_n3A = arith.select %eq3A_10, %get3A_8, %broadcast_in_dim3A : vector<512x64xi1>, vector<512x64xf32>
    %reduce_sum3A = arith.constant dense<0.000000e+00> : vector<512xf32>
    %reduce_sum3A_11 = vector.multi_reduction <add>, %select_n3A, %reduce_sum3A [1] : vector<512x64xf32> to vector<512xf32>
    %broadcast_in_dim3A_12 = vector.shape_cast %reduce_sum3A_11 : vector<512xf32> to vector<512x1xf32>
    %max3A = arith.constant 1.000000e+00 : f32
    %max3A_13 = vector.broadcast %max3A : f32 to vector<512x1xf32>
    %max3A_14 = arith.maximumf %broadcast_in_dim3A_12, %max3A_13 : vector<512x1xf32>
    %div3A = arith.constant 1.000000e+00 : f32
    %div3A_15 = vector.broadcast %div3A : f32 to vector<512x1xf32>
    %div3A_16 = arith.divf %div3A_15, %max3A_14 : vector<512x1xf32>
    %mul3A = vector.broadcast %div3A_16 : vector<512x1xf32> to vector<512x64xf32>
    %mul3A_17 = arith.mulf %get3A_3, %mul3A : vector<512x64xf32>
    %max3A_18 = arith.constant 0.000000e+00 : f32
    %max3A_19 = vector.broadcast %max3A_18 : f32 to vector<512x64xf32>
    %max3A_20 = arith.maximumf %mul3A_17, %max3A_19 : vector<512x64xf32>
    %mul3A_21 = vector.broadcast %div3A_16 : vector<512x1xf32> to vector<512x64xf32>
    %mul3A_22 = arith.mulf %get3A_8, %mul3A_21 : vector<512x64xf32>
    %max3A_23 = arith.constant 0.000000e+00 : f32
    %max3A_24 = vector.broadcast %max3A_23 : f32 to vector<512x64xf32>
    %max3A_25 = arith.maximumf %mul3A_22, %max3A_24 : vector<512x64xf32>
    %bitcast_convert_type3A = tpu.bitcast %max3A_20 : vector<512x64xf32> -> vector<512x64xi32>
    %add3A = arith.constant 32767 : i32
    %add3A_26 = vector.broadcast %add3A : i32 to vector<512x64xi32>
    %add3A_27 = arith.addi %bitcast_convert_type3A, %add3A_26 : vector<512x64xi32>
    %shift_right_arithmetic3A = arith.constant 16 : i32
    %shift_right_arithmetic3A_28 = vector.broadcast %shift_right_arithmetic3A : i32 to vector<512x64xi32>
    %shift_right_arithmetic3A_29 = arith.shrsi %bitcast_convert_type3A, %shift_right_arithmetic3A_28 : vector<512x64xi32>
    %and3A = arith.constant 1 : i32
    %and3A_30 = vector.broadcast %and3A : i32 to vector<512x64xi32>
    %and3A_31 = arith.andi %shift_right_arithmetic3A_29, %and3A_30 : vector<512x64xi32>
    %add3A_32 = arith.addi %add3A_27, %and3A_31 : vector<512x64xi32>
    %shift_right_logical3A = arith.constant 16 : i32
    %shift_right_logical3A_33 = vector.broadcast %shift_right_logical3A : i32 to vector<512x64xi32>
    %shift_right_logical3A_34 = arith.shrui %add3A_32, %shift_right_logical3A_33 : vector<512x64xi32>
    %bitcast_convert_type3A_35 = tpu.bitcast %max3A_25 : vector<512x64xf32> -> vector<512x64xi32>
    %add3A_36 = arith.constant 32767 : i32
    %add3A_37 = vector.broadcast %add3A_36 : i32 to vector<512x64xi32>
    %add3A_38 = arith.addi %bitcast_convert_type3A_35, %add3A_37 : vector<512x64xi32>
    %shift_right_arithmetic3A_39 = arith.constant 16 : i32
    %shift_right_arithmetic3A_40 = vector.broadcast %shift_right_arithmetic3A_39 : i32 to vector<512x64xi32>
    %shift_right_arithmetic3A_41 = arith.shrsi %bitcast_convert_type3A_35, %shift_right_arithmetic3A_40 : vector<512x64xi32>
    %and3A_42 = arith.constant 1 : i32
    %and3A_43 = vector.broadcast %and3A_42 : i32 to vector<512x64xi32>
    %and3A_44 = arith.andi %shift_right_arithmetic3A_41, %and3A_43 : vector<512x64xi32>
    %add3A_45 = arith.addi %add3A_38, %and3A_44 : vector<512x64xi32>
    %shift_right_logical3A_46 = arith.constant 16 : i32
    %shift_right_logical3A_47 = vector.broadcast %shift_right_logical3A_46 : i32 to vector<512x64xi32>
    %shift_right_logical3A_48 = arith.shrui %add3A_45, %shift_right_logical3A_47 : vector<512x64xi32>
    %shift_left3A = arith.constant 16 : i32
    %shift_left3A_49 = vector.broadcast %shift_left3A : i32 to vector<512x64xi32>
    %shift_left3A_50 = arith.shli %shift_right_logical3A_48, %shift_left3A_49 : vector<512x64xi32>
    %or3A = arith.ori %shift_right_logical3A_34, %shift_left3A_50 : vector<512x64xi32>
    %swap3A = arith.constant 0 : index
    %swap3A_51 = arith.constant 0 : index
    %swap3A_52 = vector.load %arg2[%swap3A, %swap3A_51] : memref<512x64xi32, #tpu.memory_space<vmem>>, vector<512x64xi32>
    tpu.vector_store %arg2[%swap3A, %swap3A_51], %or3A {strides = array<i32>} : memref<512x64xi32, #tpu.memory_space<vmem>>, vector<512x64xi32>,
    return
  }
  func.func @transform_0(%arg0: i32) -> (i32, i32, i32) {
    %c0_i32 = arith.constant 0 : i32
    %c0_i32_0 = arith.constant 0 : i32
    %c0_i32_1 = arith.constant 0 : i32
    return %c0_i32, %arg0, %c0_i32_0 : i32, i32, i32
  }
  func.func @transform_1(%arg0: i32) -> (i32, i32) {
    %c0_i32 = arith.constant 0 : i32
    %c0_i32_0 = arith.constant 0 : i32
    return %arg0, %c0_i32 : i32, i32
  }
}

module attributes {stable_mosaic.version = 14 : i64} {
  func.func @body(%arg0: i32, %arg1: memref<1024x64xi32, #tpu.memory_space<vmem>>, %arg2: memref<64x64xf32, #tpu.memory_space<vmem>>, %arg3: memref<64x64xf32, #tpu.memory_space<vmem>>, %arg4: memref<1x64xf32, #tpu.memory_space<vmem>>, %arg5: memref<1x64xf32, #tpu.memory_space<vmem>>, %arg6: memref<1x1xf32, #tpu.memory_space<vmem>>, %arg7: memref<1024x1xf32, #tpu.memory_space<vmem>>, %arg8: memref<1x1xf32, #tpu.memory_space<vmem>>) attributes {dimension_semantics = [#tpu.dimension_semantics<arbitrary>], iteration_bounds = array<i64: 300>, scalar_prefetch = 0 : i64, scratch_operands = 0 : i64, tpu.core_type = #tpu.core_type<tc>, window_params = [{transform_indices = @transform_0, window_bounds = array<i64: 1024, 64>}, {pipeline_mode = #tpu.pipeline_mode<synchronous>, transform_indices = @transform_1, window_bounds = array<i64: 64, 64>}, {pipeline_mode = #tpu.pipeline_mode<synchronous>, transform_indices = @transform_2, window_bounds = array<i64: 64, 64>}, {pipeline_mode = #tpu.pipeline_mode<synchronous>, transform_indices = @transform_3, window_bounds = array<i64: 1, 64>}, {pipeline_mode = #tpu.pipeline_mode<synchronous>, transform_indices = @transform_4, window_bounds = array<i64: 1, 64>}, {pipeline_mode = #tpu.pipeline_mode<synchronous>, transform_indices = @transform_5, window_bounds = array<i64: 1, 1>}, {transform_indices = @transform_6, window_bounds = array<i64: 1024, 1>}, {pipeline_mode = #tpu.pipeline_mode<synchronous>, transform_indices = @transform_7, window_bounds = array<i64: 1, 1>}]} {
    %get3A = arith.constant 0 : index
    %get3A_0 = arith.constant 0 : index
    %get3A_1 = vector.load %arg1[%get3A, %get3A_0] : memref<1024x64xi32, #tpu.memory_space<vmem>>, vector<1024x64xi32>
    %shift_left3A = arith.constant 16 : i32
    %shift_left3A_2 = vector.broadcast %shift_left3A : i32 to vector<1024x64xi32>
    %shift_left3A_3 = arith.shli %get3A_1, %shift_left3A_2 : vector<1024x64xi32>
    %bitcast_convert_type3A = tpu.bitcast %shift_left3A_3 : vector<1024x64xi32> -> vector<1024x64xf32>
    %and3A = arith.constant -65536 : i32
    %and3A_4 = vector.broadcast %and3A : i32 to vector<1024x64xi32>
    %and3A_5 = arith.andi %get3A_1, %and3A_4 : vector<1024x64xi32>
    %bitcast_convert_type3A_6 = tpu.bitcast %and3A_5 : vector<1024x64xi32> -> vector<1024x64xf32>
    %get3A_7 = arith.constant 0 : index
    %get3A_8 = arith.constant 0 : index
    %get3A_9 = vector.load %arg2[%get3A_7, %get3A_8] : memref<64x64xf32, #tpu.memory_space<vmem>>, vector<64x64xf32>
    %dot_general3A = arith.constant dense<0.000000e+00> : vector<1024x64xf32>
    %dot_general3A_10 = tpu.matmul %bitcast_convert_type3A, %get3A_9, %dot_general3A {dimension_numbers = #tpu.dot_dimension_numbers<[1], [0], [0], [1], [0, 0, 1, 1], [], []>, transpose_lhs_hint = false} : vector<1024x64xf32>, vector<64x64xf32>, vector<1024x64xf32> -> vector<1024x64xf32>
    %get3A_11 = arith.constant 0 : index
    %get3A_12 = arith.constant 0 : index
    %get3A_13 = vector.load %arg3[%get3A_11, %get3A_12] : memref<64x64xf32, #tpu.memory_space<vmem>>, vector<64x64xf32>
    %dot_general3A_14 = arith.constant dense<0.000000e+00> : vector<1024x64xf32>
    %dot_general3A_15 = tpu.matmul %bitcast_convert_type3A_6, %get3A_13, %dot_general3A_14 {dimension_numbers = #tpu.dot_dimension_numbers<[1], [0], [0], [1], [0, 0, 1, 1], [], []>, transpose_lhs_hint = false} : vector<1024x64xf32>, vector<64x64xf32>, vector<1024x64xf32> -> vector<1024x64xf32>
    %add3A = arith.addf %dot_general3A_10, %dot_general3A_15 : vector<1024x64xf32>
    %get3A_16 = arith.constant 0 : index
    %get3A_17 = arith.constant 0 : index
    %get3A_18 = vector.load %arg4[%get3A_16, %get3A_17] : memref<1x64xf32, #tpu.memory_space<vmem>>, vector<1x64xf32>
    %add3A_19 = vector.broadcast %get3A_18 : vector<1x64xf32> to vector<1024x64xf32>
    %add3A_20 = arith.addf %add3A, %add3A_19 : vector<1024x64xf32>
    %max3A = arith.constant 0.000000e+00 : f32
    %max3A_21 = vector.broadcast %max3A : f32 to vector<1024x64xf32>
    %max3A_22 = arith.maximumf %add3A_20, %max3A_21 : vector<1024x64xf32>
    %get3A_23 = arith.constant 0 : index
    %get3A_24 = arith.constant 0 : index
    %get3A_25 = vector.load %arg5[%get3A_23, %get3A_24] : memref<1x64xf32, #tpu.memory_space<vmem>>, vector<1x64xf32>
    %mul3A = vector.broadcast %get3A_25 : vector<1x64xf32> to vector<1024x64xf32>
    %mul3A_26 = arith.mulf %max3A_22, %mul3A : vector<1024x64xf32>
    %reduce_sum3A = arith.constant dense<0.000000e+00> : vector<1024xf32>
    %reduce_sum3A_27 = vector.multi_reduction <add>, %mul3A_26, %reduce_sum3A [1] : vector<1024x64xf32> to vector<1024xf32>
    %broadcast_in_dim3A = vector.shape_cast %reduce_sum3A_27 : vector<1024xf32> to vector<1024x1xf32>
    %get3A_28 = arith.constant 0 : index
    %get3A_29 = arith.constant 0 : index
    %get3A_30 = vector.load %arg6[%get3A_28, %get3A_29] : memref<1x1xf32, #tpu.memory_space<vmem>>, vector<1x1xf32>
    %add3A_31 = vector.broadcast %get3A_30 : vector<1x1xf32> to vector<1024x1xf32>
    %add3A_32 = arith.addf %broadcast_in_dim3A, %add3A_31 : vector<1024x1xf32>
    %get3A_33 = arith.constant 0 : index
    %get3A_34 = arith.constant 0 : index
    %get3A_35 = vector.load %arg7[%get3A_33, %get3A_34] : memref<1024x1xf32, #tpu.memory_space<vmem>>, vector<1024x1xf32>
    %mul3A_36 = arith.constant 1024 : i32
    %mul3A_37 = arith.muli %arg0, %mul3A_36 : i32
    %iota3A = tpu.iota {dimensions = array<i32: 0>} : vector<1024x1xi32>
    %add3A_38 = vector.broadcast %mul3A_37 : i32 to vector<1024x1xi32>
    %add3A_39 = arith.addi %add3A_38, %iota3A : vector<1024x1xi32>
    %ge3A = arith.constant 102400 : i32
    %ge3A_40 = vector.broadcast %ge3A : i32 to vector<1024x1xi32>
    %ge3A_41 = arith.cmpi sge, %add3A_39, %ge3A_40 : vector<1024x1xi32>
    %convert_element_type3A = arith.extui %ge3A_41 : vector<1024x1xi1> to vector<1024x1xi32>
    %ge3A_42 = arith.constant 204800 : i32
    %ge3A_43 = vector.broadcast %ge3A_42 : i32 to vector<1024x1xi32>
    %ge3A_44 = arith.cmpi sge, %add3A_39, %ge3A_43 : vector<1024x1xi32>
    %convert_element_type3A_45 = arith.extui %ge3A_44 : vector<1024x1xi1> to vector<1024x1xi32>
    %add3A_46 = arith.addi %convert_element_type3A, %convert_element_type3A_45 : vector<1024x1xi32>
    %mul3A_47 = arith.constant 102400 : i32
    %mul3A_48 = vector.broadcast %mul3A_47 : i32 to vector<1024x1xi32>
    %mul3A_49 = arith.muli %add3A_46, %mul3A_48 : vector<1024x1xi32>
    %sub3A = arith.subi %add3A_39, %mul3A_49 : vector<1024x1xi32>
    %lt3A = arith.constant 100000 : i32
    %lt3A_50 = vector.broadcast %lt3A : i32 to vector<1024x1xi32>
    %lt3A_51 = arith.cmpi slt, %sub3A, %lt3A_50 : vector<1024x1xi32>
    %jit3A = arith.constant 9.99999974E-6 : f32
    %jit3A_52 = arith.constant 0.000000e+00 : f32
    %broadcast_in_dim3A_53 = vector.broadcast %jit3A : f32 to vector<1024x1xf32>
    %broadcast_in_dim3A_54 = vector.broadcast %jit3A_52 : f32 to vector<1024x1xf32>
    %select_n3A = arith.select %lt3A_51, %broadcast_in_dim3A_53, %broadcast_in_dim3A_54 : vector<1024x1xi1>, vector<1024x1xf32>
    %max3A_55 = arith.constant 0.000000e+00 : f32
    %max3A_56 = vector.broadcast %max3A_55 : f32 to vector<1024x1xf32>
    %max3A_57 = arith.maximumf %add3A_32, %max3A_56 : vector<1024x1xf32>
    %mul3A_58 = arith.mulf %add3A_32, %get3A_35 : vector<1024x1xf32>
    %sub3A_59 = arith.subf %max3A_57, %mul3A_58 : vector<1024x1xf32>
    %abs3A = math.absf %add3A_32 : vector<1024x1xf32>
    %neg3A = arith.constant 0.000000e+00 : f32
    %neg3A_60 = vector.broadcast %neg3A : f32 to vector<1024x1xf32>
    %neg3A_61 = arith.subf %neg3A_60, %abs3A : vector<1024x1xf32>
    %exp3A = math.exp %neg3A_61 : vector<1024x1xf32>
    %log1p3A = math.log1p %exp3A : vector<1024x1xf32>
    %add3A_62 = arith.addf %sub3A_59, %log1p3A : vector<1024x1xf32>
    %mul3A_63 = arith.mulf %add3A_62, %select_n3A : vector<1024x1xf32>
    %reduce_sum3A_64 = vector.shape_cast %mul3A_63 : vector<1024x1xf32> to vector<1x1024x1xf32>
    %reduce_sum3A_65 = arith.constant dense<0.000000e+00> : vector<1xf32>
    %reduce_sum3A_66 = vector.multi_reduction <add>, %reduce_sum3A_64, %reduce_sum3A_65 [1, 2] : vector<1x1024x1xf32> to vector<1xf32>
    %reduce_sum3A_67 = vector.shape_cast %reduce_sum3A_66 : vector<1xf32> to vector<1x1x1xf32>
    %reduce_sum3A_68 = vector.extract %reduce_sum3A_67[0, 0, 0] : f32 from vector<1x1x1xf32>
    %reshape3A = vector.broadcast %reduce_sum3A_68 : f32 to vector<1x1xf32>
    %eq3A = arith.constant 0 : i32
    %eq3A_69 = arith.cmpi eq, %arg0, %eq3A : i32
    %convert_element_type3A_70 = arith.extui %eq3A_69 : i1 to i32
    %cond3A = arith.constant 0 : i32
    %cond3A_71 = arith.cmpi ne, %convert_element_type3A_70, %cond3A : i32
    scf.if %cond3A_71 {
      %swap3A = arith.constant 0 : index
      %swap3A_76 = arith.constant 0 : index
      %swap3A_77 = vector.load %arg8[%swap3A, %swap3A_76] : memref<1x1xf32, #tpu.memory_space<vmem>>, vector<1x1xf32>
      tpu.vector_store %arg8[%swap3A, %swap3A_76], %reshape3A {strides = array<i32>} : memref<1x1xf32, #tpu.memory_space<vmem>>, vector<1x1xf32>,
    } else {
    }
    %gt3A = arith.constant 0 : i32
    %gt3A_72 = arith.cmpi sgt, %arg0, %gt3A : i32
    %convert_element_type3A_73 = arith.extui %gt3A_72 : i1 to i32
    %cond3A_74 = arith.constant 0 : i32
    %cond3A_75 = arith.cmpi ne, %convert_element_type3A_73, %cond3A_74 : i32
    scf.if %cond3A_75 {
      %get3A_76 = arith.constant 0 : index
      %get3A_77 = arith.constant 0 : index
      %get3A_78 = vector.load %arg8[%get3A_76, %get3A_77] : memref<1x1xf32, #tpu.memory_space<vmem>>, vector<1x1xf32>
      %add3A_79 = arith.addf %get3A_78, %reshape3A : vector<1x1xf32>
      %swap3A = arith.constant 0 : index
      %swap3A_80 = arith.constant 0 : index
      %swap3A_81 = vector.load %arg8[%swap3A, %swap3A_80] : memref<1x1xf32, #tpu.memory_space<vmem>>, vector<1x1xf32>
      tpu.vector_store %arg8[%swap3A, %swap3A_80], %add3A_79 {strides = array<i32>} : memref<1x1xf32, #tpu.memory_space<vmem>>, vector<1x1xf32>,
    } else {
    }
    return
  }
  func.func @transform_0(%arg0: i32) -> (i32, i32) {
    %c0_i32 = arith.constant 0 : i32
    %c0_i32_0 = arith.constant 0 : i32
    return %arg0, %c0_i32 : i32, i32
  }
  func.func @transform_1(%arg0: i32) -> (i32, i32) {
    %c0_i32 = arith.constant 0 : i32
    %c0_i32_0 = arith.constant 0 : i32
    %c0_i32_1 = arith.constant 0 : i32
    return %c0_i32, %c0_i32_0 : i32, i32
  }
  func.func @transform_2(%arg0: i32) -> (i32, i32) {
    %c0_i32 = arith.constant 0 : i32
    %c0_i32_0 = arith.constant 0 : i32
    %c0_i32_1 = arith.constant 0 : i32
    return %c0_i32, %c0_i32_0 : i32, i32
  }
  func.func @transform_3(%arg0: i32) -> (i32, i32) {
    %c0_i32 = arith.constant 0 : i32
    %c0_i32_0 = arith.constant 0 : i32
    %c0_i32_1 = arith.constant 0 : i32
    return %c0_i32, %c0_i32_0 : i32, i32
  }
  func.func @transform_4(%arg0: i32) -> (i32, i32) {
    %c0_i32 = arith.constant 0 : i32
    %c0_i32_0 = arith.constant 0 : i32
    %c0_i32_1 = arith.constant 0 : i32
    return %c0_i32, %c0_i32_0 : i32, i32
  }
  func.func @transform_5(%arg0: i32) -> (i32, i32) {
    %c0_i32 = arith.constant 0 : i32
    %c0_i32_0 = arith.constant 0 : i32
    %c0_i32_1 = arith.constant 0 : i32
    return %c0_i32, %c0_i32_0 : i32, i32
  }
  func.func @transform_6(%arg0: i32) -> (i32, i32) {
    %c0_i32 = arith.constant 0 : i32
    %c0_i32_0 = arith.constant 0 : i32
    return %arg0, %c0_i32 : i32, i32
  }
  func.func @transform_7(%arg0: i32) -> (i32, i32) {
    %c0_i32 = arith.constant 0 : i32
    %c0_i32_0 = arith.constant 0 : i32
    %c0_i32_1 = arith.constant 0 : i32
    return %c0_i32, %c0_i32_0 : i32, i32
  }
}

</mosaic_0001>

<sc_bundles>
// kernel: kernel.10.cloned.1.call-start
scs
__scs_entry_jumppad:
0x0: {  	(pc) =	sbr.rel $0x88, $3  }
0x1: {  	(tag) =	ssettag $0x0;
	lr =	simm.s32 $0x1  }
0x2: {  	[smem:$0x3F93] =	sst lr;
	_ =	strace $0xD0000000  }
0x3: {  	_ = 	snop  }
0x4: {  	_ = 	snop  }
0x5: {  	_ = 	snop  }
0x6: {  	_ = 	snop  }
0x7: {  	_ = 	snop  }
__scs_overlays_trampoline_lowered:
0x8: {  	[smem:$0x3FA2] =	sst s0  }
0x9: {  	[smem:$0x3FA3] =	sst s1  }
0xa: {  	[smem:$0x3FA4] =	sst s2  }
0xb: {  	[smem:$0x3FA5] =	sst s3  }
0xc: {  	[smem:$0x3FA6] =	sst s4  }
0xd: {  	[smem:$0x3FA7] =	sst s5  }
0xe: {  	[smem:$0x3FA8] =	sst s6  }
0xf: {  	[smem:$0x3FA9] =	sst s7  }
0x10: {  	[smem:$0x3FAA] =	sst s8  }
0x11: {  	[smem:$0x3FAB] =	sst s9;
	s0 =	simm.s32 @!p0 $0x0  }
0x12: {  	s1 =	sld [smem:$0x3F91];
	s0 =	simm.s32 @p0 $0x1  }
0x13: {  	[smem:$0x3FAC] =	sst s0;
	s0 =	simm.s32 @!p1 $0x0  }
0x14: {  	s2 =	sld [smem:$0x3F90];
	s0 =	simm.s32 @p1 $0x1  }
0x15: {  	[smem:$0x3FAD] =	sst s0;
	s0 =	simm.s32 @!p2 $0x0  }
0x16: {  	s3 =	sld [smem:$0x3FDB];
	s0 =	simm.s32 @p2 $0x1  }
0x17: {  	s4 =	simm.s32 $0x1BF5;
	[smem:$0x3FAF] =	sst s0  }
0x18: {  	s0 =	sld [smem:$0x3F92];
	_ =	swait.ge [sflag:s4], $0x0  }
0x19: {  	s7 =	sld [smem:$0x3F93]  }
0x1a: {  	s8 =	sadd.s32 $0xFFFFE003, lr  }
0x1b: {  	s9 =	sadd.s32 $0xFFFFFEF7, lr;
	s5 =	simm.s32 $0xFFFFFFFF;
	p2 =	slt.u32 s8, $0xFFFFF086  }
0x1c: {  	p1 =	slt.u32 s9, $0xF7A;
	s5 =	simm.s32 @!p2 $0x0  }
0x1d: {  	s5 =	simm.s32 @p1 $0x1;
	p0 =	seq.s32 s7, s2  }
0x1e: {  	s7 =	smul.u32 @!p0 $0xF7A, s2;
	p2 =	seq.s32 @!p0 s5, $0x0  }
0x1f: {  	s9 =	smul.u32 $0xF7A, s1;
	s8 =	simm.s32 @!p0 $0x1BF5;
	p2 =	por !p2, p0  }
0x20: {  	[sflag:s8] =	ssyncset.s32 @!p0 $0xFFFFF086;
	s6 =	sadd.s32 @!p0 s3, s7;
	s7 =	simm.s32 @!p0 $0x108  }
0x21: {  	s3 =	sadd.s32 s3, s9;
	s6 =	sadd.s32 @!p0 $0x88, s6;
	s7 =	simm.s32 @p2 $0x1082  }
0x22: {  	[simem:s7], [sflag:s8] =	dma.local @!p0 [hbm:s6], $0xF7A  }
0x23: {  	s9 =	sor.u32 $0xD0000000, s2;
	s6 =	simm.s32 $0x108;
	_ =	swait.ge @!p0 [sflag:s8], $0x0  }
0x24: {  	s3 =	sadd.s32 $0x88, s3;
	s6 =	simm.s32 @!p1 $0x1082;
	[sflag:s4] =	ssyncset.s32 $0xFFFFF086  }
0x25: {  	[simem:s6], [sflag:s4] =	dma.local [hbm:s3], $0xF7A  }
0x26: {  	[smem:$0x3F93] =	sst s1;
	(tag) =	ssettag s2;
	_ =	strace s9  }
0x27: {  	s1 =	sld [smem:$0x3FA3]  }
0x28: {  	s2 =	sld [smem:$0x3FA4]  }
0x29: {  	s4 =	sld [smem:$0x3FA6]  }
0x2a: {  	p0 =	seq.s32 s5, $0x0;
	s5 =	sld [smem:$0x3FA7]  }
0x2b: {  	s6 =	sld [smem:$0x3FA8]  }
0x2c: {  	s7 =	sld [smem:$0x3FA9]  }
0x2d: {  	s3 =	simm.s32 $0x108;
	s8 =	sld [smem:$0x3FAA]  }
0x2e: {  	s3 =	simm.s32 @!p0 $0x1082;
	s9 =	sld [smem:$0x3FAB]  }
0x2f: {  	lr =	sadd.s32 s0, s3;
	s0 =	sld [smem:$0x3FA2]  }
0x30: {  	s3 =	sld [smem:$0x3FA5]  }
0x31: {  	[smem:$0x3FAE] =	sst s10  }
0x32: {  	s10 =	sld [smem:$0x3FAC];
	_ =	sdelay $0x3  }
0x33: {  	p0 =	seq.s32 s10, $0x1;
	s10 =	sld [smem:$0x3FAE];
	_ =	sdelay $0x3  }
0x34: {  	[smem:$0x3FAE] =	sst s10  }
0x35: {  	s10 =	sld [smem:$0x3FAD];
	_ =	sdelay $0x3  }
0x36: {  	p1 =	seq.s32 s10, $0x1;
	s10 =	sld [smem:$0x3FAE];
	_ =	sdelay $0x3  }
0x37: {  	[smem:$0x3FAE] =	sst s10  }
0x38: {  	s10 =	sld [smem:$0x3FAF]  }
0x39: {  	_ = 	snop;
	(pc) =	sbr.ind lr, $3  }
0x3a: {  	_ = 	snop  }
0x3b: {  	_ = 	snop  }
0x3c: {  	p2 =	seq.s32 s10, $0x1;
	s10 =	sld [smem:$0x3FAE]  }
0x3d: {  	_ =	shalt  }
0x3e: {  	_ =	shalt  }
0x3f: {  	_ =	shalt  }
0x40: {  	_ =	shalt  }
0x41: {  	_ =	shalt  }
0x42: {  	_ =	shalt  }
0x43: {  	_ =	shalt  }
0x44: {  	_ =	shalt  }
0x45: {  	_ =	shalt  }
0x46: {  	_ =	shalt  }
0x47: {  	_ =	shalt  }
0x48: {  	_ =	shalt  }
0x49: {  	_ =	shalt  }
0x4a: {  	_ =	shalt  }
0x4b: {  	_ =	shalt  }
0x4c: {  	_ =	shalt  }
0x4d: {  	_ =	shalt  }
0x4e: {  	_ =	shalt  }
0x4f: {  	_ =	shalt  }
0x50: {  	_ =	shalt  }
0x51: {  	_ =	shalt  }
0x52: {  	_ =	shalt  }
0x53: {  	_ =	shalt  }
0x54: {  	_ =	shalt  }
0x55: {  	_ =	shalt  }
0x56: {  	_ =	shalt  }
0x57: {  	_ =	shalt  }
0x58: {  	_ =	shalt  }
0x59: {  	_ =	shalt  }
0x5a: {  	_ =	shalt  }
0x5b: {  	_ =	shalt  }
0x5c: {  	_ =	shalt  }
0x5d: {  	_ =	shalt  }
0x5e: {  	_ =	shalt  }
0x5f: {  	_ =	shalt  }
0x60: {  	_ =	shalt  }
0x61: {  	_ =	shalt  }
0x62: {  	_ =	shalt  }
0x63: {  	_ =	shalt  }
0x64: {  	_ =	shalt  }
0x65: {  	_ =	shalt  }
0x66: {  	_ =	shalt  }
0x67: {  	_ =	shalt  }
0x68: {  	_ =	shalt  }
0x69: {  	_ =	shalt  }
0x6a: {  	_ =	shalt  }
0x6b: {  	_ =	shalt  }
0x6c: {  	_ =	shalt  }
0x6d: {  	_ =	shalt  }
0x6e: {  	_ =	shalt  }
0x6f: {  	_ =	shalt  }
0x70: {  	_ =	shalt  }
0x71: {  	_ =	shalt  }
0x72: {  	_ =	shalt  }
0x73: {  	_ =	shalt  }
0x74: {  	_ =	shalt  }
0x75: {  	_ =	shalt  }
0x76: {  	_ =	shalt  }
0x77: {  	_ =	shalt  }
0x78: {  	_ =	shalt  }
0x79: {  	_ =	shalt  }
0x7a: {  	_ =	shalt  }
0x7b: {  	_ =	shalt  }
0x7c: {  	_ =	shalt  }
0x7d: {  	_ =	shalt  }
0x7e: {  	_ =	shalt  }
0x7f: {  	_ =	shalt  }
0x80: {  	_ =	shalt  }
0x81: {  	_ =	shalt  }
0x82: {  	_ =	shalt  }
0x83: {  	_ =	shalt  }
0x84: {  	_ =	shalt  }
0x85: {  	_ =	shalt  }
0x86: {  	_ =	shalt  }
0x87: {  	_ =	shalt  }
.Lfunc_end0:
.L_simem_size_0:
called_computation.1_lowered:
.L_overlay_start_0:
0x88: {  	s2 =	sld [smem:$0x3FD9]  }
0x89: {  	s3 =	sld [smem:$0x3FFE];
	_ =	sdelay $0x1  }
0x8a: {  	s1 =	srdreg.scid  }
0x8b: {  	s0 =	sand.u32 $0x1, s1  }
0x8c: {  	s16 =	sshll.u32 s0, $0xA;
	s2 =	sadd.s32 s3, s2  }
0x8d: {  	s2 =	sadd.s32 s2, s16  }
0x8e: {  	[smem:$0x3FBA] =	sst s2  }
0x8f: {  	_ = 	snop  }
0x90: {  	(tm) =	ssettm $0x1  }
0x91: {  	s17 =	sld [smem:$0x3FFB];
	_ =	sdelay $0x3  }
0x92: {  	_ =	strace s17  }
0x93: {  	s2 =	sld [smem:$0x3FFC];
	_ =	sdelay $0x3  }
0x94: {  	_ =	strace s2  }
0x95: {  	s2 =	sld [smem:$0x3FFD];
	_ =	sdelay $0x3  }
0x96: {  	_ =	strace s2  }
0x97: {  	_ =	strace $0x8FFFFFFF  }
0x98: {  	s18 =	sld [smem:$0x3FDB];
	_ =	sdelay $0x1  }
0x99: {  	s19 =	simm.s32 $_scs_section_size  }
0x9a: {  	s4 =	simm.s32 $_size__tile_overlayer_lowered;
	s5 =	simm.s32 $_tile_overlayer_lowered  }
0x9b: {  	s22 =	simm.s32 $0x1BFF;
	s21 =	sshll.u32 s5, $0x1;
	s2 =	sadd.s32 s19, s18  }
0x9c: {  	s6 =	simm.s32 $0x0;
	s20 =	sshll.u32 s4, $0x1;
	s4 =	sadd.s32 s21, s2  }
0x9d: {  	[timem:s6], [sflag:s22] =	dma.local [hbm:s4], s20  }
0x9e: {  	_ =	swait.ge [sflag:s22], s20  }
0x9f: {  	s3 =	ssub.s32 $0x0, s20;
	[sflag:s22] =	ssyncset.done $0x0  }
0xa0: {  	[sflag:s22] =	ssyncadd.s32 s3;
	_ =	sdelay $0x1  }
0xa1: {  	s23 =	simm.s32 $0x1B8B  }
0xa2: {  	_ =	swait.ge [sflag:s23], $0x1  }
0xa3: {  	[sflag:s23] =	ssyncset.done $0x0  }
0xa4: {  	s25 =	simm.s32 $0x1B8E;
	s24 =	sld [smem:$0x3FFE];
	[sflag:s23] =	ssyncadd.s32 $0xFFFFFFFF  }
0xa5: {  	s26 =	simm.s32 $execute0_lowered;
	[smem:$0x3FD2] =	sst s25  }
0xa6: {  	s4 =	sshll.u32 s26, $0x1;
	_ =	strace $0x80000049;
	[dreg:$0x1] =	wrdreg $0xFFFFFFFF  }
0xa7: {  	s28 =	simm.s32 $_size_execute0_lowered;
	s2 =	sadd.s32 s2, s4;
	[dreg:$0x0] =	wrdreg $0x0  }
0xa8: {  	s4 =	sshll.u32 s28, $0x1;
	[dreg:$0x2] =	wrdreg s2  }
0xa9: {  	[dreg:$0x3] =	wrdreg s4  }
0xaa: {  	[dreg:$0x4] =	wrdreg $0xC0  }
0xab: {  	_ =	task [dreg:s6], $0x5FFFF  }
0xac: {  	[dreg:$0x1] =	wrdreg $0xFFFFFFFF  }
0xad: {  	[dreg:$0x0] =	wrdreg $0x60  }
0xae: {  	[dreg:$0x2] =	wrdreg s24  }
0xaf: {  	[dreg:$0x3] =	wrdreg $0x9  }
0xb0: {  	_ =	task.clear_ibuf [dreg:s6], $0x4FFFF;
	_ =	strace $0x90000049  }
0xb1: {  	s29 =	simm.s32 $0x9;
	_ =	strace $0x8000004B  }
0xb2: {  	_ =	swait.ge [sflag:s29], $0x1  }
0xb3: {  	[sflag:s29] =	ssyncadd.s32 $0xFFFFFFFF  }
0xb4: {  	_ =	strace $0x9000004B  }
0xb5: {  	_ =	sfence  }
0xb6: {  	s30 =	sld [smem:$0x0];
	_ =	sdelay $0x2  }
0xb7: {  	s31 =	sshll.u32 s1, $0xD;
	s1 =	sshrl.u32 s1, $0x2  }
0xb8: {  	s3 =	sand.u32 $0x4000, s31;
	s1 =	sadd.s32 s1, s30  }
0xb9: {  	s0 =	sor.u32 s3, s0;
	s1 =	sshll.u32 s1, $0x11  }
0xba: {  	s0 =	sor.u32 s1, s0  }
0xbb: {  	s0 =	sadd.s32 $0x8F2B, s0  }
0xbc: {  	[sflag:s0] =	ssyncadd.remote.s32 $0x1  }
0xbd: {  	_ =	sfence.sel $0xFFFF  }
0xbe: {  	[dreg:$0x0] =	wrdreg $0xFFFFFFFF;
	(pc) =	sbr.abs _section_cstart, $3  }
0xbf: {  	[dreg:$0x1] =	wrdreg $0xFFFFFFFF  }
0xc0: {  	_ =	task.clear_ibuf [dreg:s6], $0x2FFFF;
	_ =	strace $0x9FFFFFFF  }
0xc1: {  	(tm) =	ssettm $0x7FFFFFFF  }
tec
execute0_lowered:
.L_overlay_start_1:
0x0: {  	(tag) =	ssettag $0x1  }
0x1: {  	s0 =	rddreg [dreg:$0x0];
	s1 =	srdreg.scid;
	s2 =	simm.s32 $0x0  }
0x2: {  	s4 =	stileid.u32;
	s12 =	simm.s32 $0x78;
	s28 =	simm.s32 $0x2  }
0x3: {  	s29 =	simm.s32 $0x6;
	s30 =	simm.s32 $0x13B00;
	s31 =	simm.s32 $0x3  }
0x4: {  	s13 =	simm.s32 $0x4;
	s14 =	simm.s32 $0x8;
	s15 =	simm.s32 $0x17700  }
0x5: {  	s16 =	simm.s32 $0x5;
	s17 =	simm.s32 $0x9;
	s18 =	simm.s32 $0x19500  }
0x6: {  	s19 =	simm.s32 $0xA;
	s20 =	simm.s32 $0xB;
	s1 =	sand.u32 $0x1, s1  }
0x7: {  	s21 =	simm.s32 $0xC;
	s22 =	simm.s32 $0xD;
	s3 =	sshll.u32 s1, $0x4  }
0x8: {  	s23 =	simm.s32 $0x0;
	[smem:$0x7FF] =	sst s2;
	s4 =	sor.u32 s4, s3  }
0x9: {  	_ =	strace $0x8000004A;
	s1 =	ssub.s32 $0x2, s1;
	s5 =	smul.u32 $0x960, s4  }
0xa: {  	s3 =	sadd.s32 $0x400, s0;
	s25 =	sshrl.u32 s1, $0x1;
	s4 =	smul.u32 $0x2580, s4  }
0xb: {  	s6 =	sadd.s32 s5, s0;
	s5 =	sadd.s32 $0x75C00, s0;
	s0 =	ssub.s32 s1, s25  }
0xc: {  	s7 =	sor.u32 $0x78, s4;
	s8 =	sadd.s32 $0xF0, s4;
	s26 =	sadd.s32 $0x63000, s6  }
0xd: {  	s9 =	sadd.s32 $0x168, s4;
	s0 =	smax.u32 s0, $0x1;
	[dreg:$0x2] =	wrdreg s26  }
0xe: {  	s1 =	simm.s32 $0x15900;
	[dreg:$0x3] =	wrdreg s0;
	s0 =	simm.s32 $0x7  }
.LBB2_1:
0xf: {  	s6 =	rddreg [dreg:$0x2];
	s26 =	simm.s32 $0x1  }
0x10: {  	[tilespmem:s2], [sflag:$0x1] =	stream.linear.gather [hbm4b:s6+s2], $0x4B00, $0x38;
	[tilespmem:$0x1B300] =	vst v63  }
0x11: {  	_ =	swait.ge [sflag:s26], $0x4B00  }
0x12: {  	[sflag:s26] =	ssyncset.done $0x0  }
0x13: {  	s10 =	simm.s32 $0x4B00;
	[sflag:s26] =	ssyncadd.s32 $0xFFFFB500  }
0x14: {  	[tilespmem:s10], [sflag:$0x2] =	stream.indirect.gather [hbm4b:s3+s12], $0x40, s2, s12, $0xb8;
	[tilespmem:$0x1B300] =	vst v63  }
0x15: {  	s11 =	simm.s32 $0xC300  }
0x16: {  	[tilespmem:s11], [sflag:$0x6] =	stream.indirect.gather [hbm4b:s3+s12], $0x40, s12, s12, $0xb8;
	[tilespmem:$0x1B300] =	vst v63  }
0x17: {  	s24 =	simm.s32 $0xF0;
	s10 =	simm.s32 $0x6900  }
0x18: {  	[tilespmem:s10], [sflag:$0x3] =	stream.indirect.gather [hbm4b:s3+s12], $0x40, s24, s12, $0xb8;
	[tilespmem:$0x1B300] =	vst v63  }
0x19: {  	s25 =	simm.s32 $0x168;
	s26 =	simm.s32 $0xE100  }
0x1a: {  	[tilespmem:s26], [sflag:$0x7] =	stream.indirect.gather [hbm4b:s3+s12], $0x40, s25, s12, $0xb8;
	[tilespmem:$0x1B300] =	vst v63  }
0x1b: {  	s11 =	simm.s32 $0x1E0;
	s24 =	simm.s32 $0x8700  }
0x1c: {  	[tilespmem:s24], [sflag:$0x4] =	stream.indirect.gather [hbm4b:s3+s12], $0x40, s11, s12, $0xb8;
	[tilespmem:$0x1B300] =	vst v63  }
0x1d: {  	s25 =	simm.s32 $0x258;
	s26 =	simm.s32 $0xFF00  }
0x1e: {  	[tilespmem:s26], [sflag:$0x8] =	stream.indirect.gather [hbm4b:s3+s12], $0x40, s25, s12, $0xb8;
	[tilespmem:$0x1B300] =	vst v63  }
0x1f: {  	s11 =	simm.s32 $0x2D0;
	s24 =	simm.s32 $0xA500  }
0x20: {  	[tilespmem:s24], [sflag:$0x5] =	stream.indirect.gather [hbm4b:s3+s12], $0x40, s11, s12, $0xb8;
	[tilespmem:$0x1B300] =	vst v63  }
0x21: {  	s25 =	simm.s32 $0x348;
	s26 =	simm.s32 $0x11D00;
	s24 =	simm.s32 $0x0  }
0x22: {  	[tilespmem:s26], [sflag:$0x9] =	stream.indirect.gather [hbm4b:s3+s12], $0x40, s25, s12, $0xb8;
	[tilespmem:$0x1B300] =	vst v63  }
.LBB2_2:
0x23: {  	_ =	swait.ge [sflag:s28], $0x1E00  }
0x24: {  	[sflag:s28] =	ssyncset.done $0x0  }
0x25: {  	[sflag:s28] =	ssyncadd.s32 $0xFFFFE200  }
0x26: {  	_ =	swait.ge [sflag:s29], $0x1E00  }
0x27: {  	p1 =	seq.s32 s24, $0x0;
	[sflag:s29] =	ssyncset.done $0x0  }
0x28: {  	s6 =	simm.s32 @!p1 $0xA;
	[sflag:s29] =	ssyncadd.s32 $0xFFFFE200  }
0x29: {  	_ =	swait.ge @!p1 [sflag:s6], $0x1E00  }
0x2a: {  	[sflag:s6] =	ssyncset.done @!p1 $0x0  }
0x2b: {  	s25 =	simm.s32 $0x0;
	[sflag:s6] =	ssyncadd.s32 @!p1 $0xFFFFE200  }
0x2c: {  	v0 =	vld [tilespmem:s25+$0x4BF0]  }
0x2d: {  	v1 =	vld [tilespmem:s25+$0xC3F0]  }
0x2e: {  	v2 =	vld [tilespmem:s25+$0x4B00]  }
0x2f: {  	v3 =	vld [tilespmem:s25+$0xC300]  }
0x30: {  	v4 =	vld [tilespmem:s25+$0x4B10]  }
0x31: {  	v5 =	vld [tilespmem:s25+$0xC310]  }
0x32: {  	v6 =	vld [tilespmem:s25+$0x4B20]  }
0x33: {  	v0 =	vsub.bf16 v0, v1;
	v1 =	vld [tilespmem:s25+$0xC320]  }
0x34: {  	v7 =	vld [tilespmem:s25+$0x4B30]  }
0x35: {  	v2 =	vsub.bf16 v2, v3;
	v3 =	vld [tilespmem:s25+$0xC330]  }
0x36: {  	v4 =	vsub.bf16 v4, v5;
	v5 =	vld [tilespmem:s25+$0x4B50];
	v0 =	vand.u32 $0x7FFF7FFF, v0  }
0x37: {  	[tilespmem:s25+$0x13BF0] =	vst v0;
	v0 =	vand.u32 $0x7FFF7FFF, v2;
	v2 =	vld [tilespmem:s25+$0x4B40]  }
0x38: {  	v4 =	vand.u32 $0x7FFF7FFF, v4;
	[tilespmem:s25+$0x13B00] =	vst v0;
	v0 =	vld [tilespmem:s25+$0xC340];
	v1 =	vsub.bf16 v6, v1  }
0x39: {  	[tilespmem:s25+$0x13B10] =	vst v4;
	v4 =	vld [tilespmem:s25+$0xC350]  }
0x3a: {  	v6 =	vld [tilespmem:s25+$0x4B60];
	v1 =	vand.u32 $0x7FFF7FFF, v1  }
0x3b: {  	v3 =	vsub.bf16 v7, v3;
	[tilespmem:s25+$0x13B20] =	vst v1;
	v1 =	vld [tilespmem:s25+$0xC360]  }
0x3c: {  	v7 =	vld [tilespmem:s25+$0x4B70]  }
0x3d: {  	v3 =	vand.u32 $0x7FFF7FFF, v3;
	v0 =	vsub.bf16 v2, v0;
	v2 =	vld [tilespmem:s25+$0xC370]  }
0x3e: {  	[tilespmem:s25+$0x13B30] =	vst v3;
	v3 =	vld [tilespmem:s25+$0x4B80];
	v4 =	vsub.bf16 v5, v4  }
0x3f: {  	v5 =	vld [tilespmem:s25+$0x4B90];
	v0 =	vand.u32 $0x7FFF7FFF, v0  }
0x40: {  	v4 =	vand.u32 $0x7FFF7FFF, v4;
	[tilespmem:s25+$0x13B40] =	vst v0;
	v0 =	vld [tilespmem:s25+$0xC380];
	v1 =	vsub.bf16 v6, v1  }
0x41: {  	[tilespmem:s25+$0x13B50] =	vst v4;
	v4 =	vld [tilespmem:s25+$0xC390]  }
0x42: {  	v6 =	vld [tilespmem:s25+$0x4BA0];
	v2 =	vsub.bf16 v7, v2;
	v1 =	vand.u32 $0x7FFF7FFF, v1  }
0x43: {  	[tilespmem:s25+$0x13B60] =	vst v1;
	v1 =	vld [tilespmem:s25+$0xC3A0]  }
0x44: {  	v7 =	vld [tilespmem:s25+$0x4BB0];
	v2 =	vand.u32 $0x7FFF7FFF, v2  }
0x45: {  	v0 =	vsub.bf16 v3, v0;
	[tilespmem:s25+$0x13B70] =	vst v2;
	v2 =	vld [tilespmem:s25+$0xC3B0]  }
0x46: {  	v8 =	vld [tilespmem:s25+$0x4BC0];
	v3 =	vsub.bf16 v5, v4  }
0x47: {  	v5 =	vld [tilespmem:s25+$0xC3C0];
	v0 =	vand.u32 $0x7FFF7FFF, v0  }
0x48: {  	v3 =	vand.u32 $0x7FFF7FFF, v3;
	[tilespmem:s25+$0x13B80] =	vst v0;
	v0 =	vld [tilespmem:s25+$0x4BD0];
	v1 =	vsub.bf16 v6, v1  }
0x49: {  	[tilespmem:s25+$0x13B90] =	vst v3;
	v3 =	vld [tilespmem:s25+$0xC3D0]  }
0x4a: {  	v6 =	vsub.bf16 v7, v2;
	v4 =	vand.u32 $0x7FFF7FFF, v1;
	v1 =	vld [tilespmem:s25+$0x4BE0]  }
0x4b: {  	s6 =	simm.s32 $0x100;
	[tilespmem:s25+$0x13BA0] =	vst v4;
	v4 =	vld [tilespmem:s25+$0xC3E0]  }
0x4c: {  	s10 =	simm.s32 $0x800;
	v5 =	vsub.bf16 v8, v5;
	v6 =	vand.u32 $0x7FFF7FFF, v6;
	v2 =	vld [tilespmem:s6+$0x4BF0]  }
.LBB2_3:
0x4d: {  	p0 =	sne.s32 s10, $0x7400;
	v7 =	vld [tilespmem:s6+$0xC3F0];
	[tilespmem:s25+$0x13BB0] =	vst v6  }
0x4e: {  	v6 =	vld [tilespmem:s6+$0x4B00];
	v5 =	vand.u32 $0x7FFF7FFF, v5;
	v0 =	vsub.bf16 v0, v3  }
0x4f: {  	v3 =	vld [tilespmem:s6+$0xC300];
	[tilespmem:s25+$0x13BC0] =	vst v5  }
0x50: {  	v5 =	vld [tilespmem:s6+$0x4B10];
	v0 =	vand.u32 $0x7FFF7FFF, v0;
	v1 =	vsub.bf16 v1, v4  }
0x51: {  	v4 =	vld [tilespmem:s6+$0xC310];
	[tilespmem:s25+$0x13BD0] =	vst v0  }
0x52: {  	v0 =	vld [tilespmem:s6+$0x4B20];
	v2 =	vsub.bf16 v2, v7;
	v1 =	vand.u32 $0x7FFF7FFF, v1  }
0x53: {  	v7 =	vld [tilespmem:s6+$0xC320];
	[tilespmem:s25+$0x13BE0] =	vst v1;
	s25 =	smov.u32 s6  }
0x54: {  	v1 =	vsub.bf16 v6, v3;
	v3 =	vld [tilespmem:s25+$0x4B30];
	v2 =	vand.u32 $0x7FFF7FFF, v2  }
0x55: {  	v6 =	vld [tilespmem:s25+$0xC330];
	[tilespmem:s25+$0x13BF0] =	vst v2  }
0x56: {  	v1 =	vand.u32 $0x7FFF7FFF, v1;
	v2 =	vsub.bf16 v5, v4;
	v4 =	vld [tilespmem:s25+$0x4B40]  }
0x57: {  	[tilespmem:s25+$0x13B00] =	vst v1;
	v1 =	vld [tilespmem:s25+$0xC340]  }
0x58: {  	v2 =	vand.u32 $0x7FFF7FFF, v2;
	v0 =	vsub.bf16 v0, v7;
	v5 =	vld [tilespmem:s25+$0x4B50]  }
0x59: {  	[tilespmem:s25+$0x13B10] =	vst v2;
	v2 =	vld [tilespmem:s25+$0xC350]  }
0x5a: {  	v0 =	vand.u32 $0x7FFF7FFF, v0;
	v3 =	vsub.bf16 v3, v6;
	v6 =	vld [tilespmem:s25+$0x4B60]  }
0x5b: {  	[tilespmem:s25+$0x13B20] =	vst v0;
	v0 =	vld [tilespmem:s25+$0xC360]  }
0x5c: {  	v3 =	vand.u32 $0x7FFF7FFF, v3;
	v1 =	vsub.bf16 v4, v1;
	v4 =	vld [tilespmem:s25+$0x4B70]  }
0x5d: {  	[tilespmem:s25+$0x13B30] =	vst v3;
	v3 =	vld [tilespmem:s25+$0xC370]  }
0x5e: {  	v1 =	vand.u32 $0x7FFF7FFF, v1;
	v2 =	vsub.bf16 v5, v2;
	v5 =	vld [tilespmem:s25+$0x4B80]  }
0x5f: {  	[tilespmem:s25+$0x13B40] =	vst v1;
	v1 =	vld [tilespmem:s25+$0xC380]  }
0x60: {  	v2 =	vand.u32 $0x7FFF7FFF, v2;
	v0 =	vsub.bf16 v6, v0;
	v6 =	vld [tilespmem:s25+$0x4B90]  }
0x61: {  	[tilespmem:s25+$0x13B50] =	vst v2;
	v2 =	vld [tilespmem:s25+$0xC390]  }
0x62: {  	v0 =	vand.u32 $0x7FFF7FFF, v0;
	v3 =	vsub.bf16 v4, v3;
	v4 =	vld [tilespmem:s25+$0x4BA0]  }
0x63: {  	[tilespmem:s25+$0x13B60] =	vst v0;
	v0 =	vld [tilespmem:s25+$0xC3A0]  }
0x64: {  	v3 =	vand.u32 $0x7FFF7FFF, v3;
	v1 =	vsub.bf16 v5, v1;
	v5 =	vld [tilespmem:s25+$0x4BB0]  }
0x65: {  	[tilespmem:s25+$0x13B70] =	vst v3;
	v7 =	vld [tilespmem:s25+$0xC3B0]  }
0x66: {  	v1 =	vand.u32 $0x7FFF7FFF, v1;
	v2 =	vsub.bf16 v6, v2;
	v8 =	vld [tilespmem:s25+$0x4BC0]  }
0x67: {  	[tilespmem:s25+$0x13B80] =	vst v1;
	v9 =	vld [tilespmem:s25+$0xC3C0]  }
.Ltmp0:
0x68: {  	v1 =	vand.u32 $0x7FFF7FFF, v2;
	v2 =	vsub.bf16 v4, v0;
	v0 =	vld [tilespmem:s25+$0x4BD0];
	(pc) =	sbr.rel @p0 .LBB2_3-.Ltmp0, $4  }
0x69: {  	[tilespmem:s25+$0x13B90] =	vst v1;
	v3 =	vld [tilespmem:s25+$0xC3D0]  }
0x6a: {  	v2 =	vand.u32 $0x7FFF7FFF, v2;
	v5 =	vsub.bf16 v5, v7;
	v1 =	vld [tilespmem:s25+$0x4BE0]  }
0x6b: {  	s6 =	sshra.s32 s10, $0x2;
	[tilespmem:s25+$0x13BA0] =	vst v2;
	v4 =	vld [tilespmem:s25+$0xC3E0]  }
0x6c: {  	s10 =	sadd.s32 $0x400, s10;
	v2 =	vld [tilespmem:s6+$0x4BF0];
	v6 =	vand.u32 $0x7FFF7FFF, v5;
	v5 =	vsub.bf16 v8, v9  }
0x6d: {  	v7 =	vld [tilespmem:s6+$0xC3F0];
	[tilespmem:s25+$0x13BB0] =	vst v6  }
0x6e: {  	v6 =	vld [tilespmem:s6+$0x4B00];
	v5 =	vand.u32 $0x7FFF7FFF, v5;
	v0 =	vsub.bf16 v0, v3  }
0x6f: {  	v8 =	vld [tilespmem:s6+$0xC300];
	[tilespmem:s25+$0x13BC0] =	vst v5  }
0x70: {  	v3 =	vld [tilespmem:s6+$0x4B10];
	v0 =	vand.u32 $0x7FFF7FFF, v0;
	v1 =	vsub.bf16 v1, v4  }
0x71: {  	v5 =	vld [tilespmem:s6+$0xC310];
	[tilespmem:s25+$0x13BD0] =	vst v0  }
0x72: {  	v0 =	vld [tilespmem:s6+$0x4B20];
	v1 =	vand.u32 $0x7FFF7FFF, v1  }
0x73: {  	v4 =	vld [tilespmem:s6+$0xC320];
	v2 =	vsub.bf16 v2, v7;
	[tilespmem:s25+$0x13BE0] =	vst v1  }
0x74: {  	v6 =	vsub.bf16 v6, v8;
	v1 =	vld [tilespmem:s6+$0x4B30]  }
0x75: {  	v2 =	vand.u32 $0x7FFF7FFF, v2;
	v7 =	vld [tilespmem:s6+$0xC330]  }
0x76: {  	[tilespmem:s6+$0x13BF0] =	vst v2;
	v2 =	vand.u32 $0x7FFF7FFF, v6;
	v6 =	vld [tilespmem:s6+$0x4B40]  }
0x77: {  	v3 =	vsub.bf16 v3, v5;
	v5 =	vld [tilespmem:s6+$0x4B50]  }
0x78: {  	[tilespmem:s6+$0x13B00] =	vst v2;
	v2 =	vld [tilespmem:s6+$0xC340];
	v0 =	vsub.bf16 v0, v4  }
0x79: {  	v3 =	vand.u32 $0x7FFF7FFF, v3;
	v4 =	vld [tilespmem:s6+$0x4B60]  }
0x7a: {  	[tilespmem:s6+$0x13B10] =	vst v3;
	v3 =	vld [tilespmem:s6+$0xC350];
	v0 =	vand.u32 $0x7FFF7FFF, v0  }
0x7b: {  	v1 =	vsub.bf16 v1, v7;
	[tilespmem:s6+$0x13B20] =	vst v0;
	v0 =	vld [tilespmem:s6+$0xC360]  }
0x7c: {  	v7 =	vld [tilespmem:s6+$0x4B70]  }
0x7d: {  	v1 =	vand.u32 $0x7FFF7FFF, v1;
	v2 =	vsub.bf16 v6, v2;
	v6 =	vld [tilespmem:s6+$0x4B80]  }
0x7e: {  	[tilespmem:s6+$0x13B30] =	vst v1;
	v1 =	vld [tilespmem:s6+$0xC370]  }
0x7f: {  	v2 =	vand.u32 $0x7FFF7FFF, v2;
	v3 =	vsub.bf16 v5, v3;
	v5 =	vld [tilespmem:s6+$0x4B90]  }
0x80: {  	[tilespmem:s6+$0x13B40] =	vst v2;
	v2 =	vld [tilespmem:s6+$0xC380];
	v0 =	vsub.bf16 v4, v0  }
0x81: {  	v3 =	vand.u32 $0x7FFF7FFF, v3;
	v4 =	vld [tilespmem:s6+$0x4BA0]  }
0x82: {  	[tilespmem:s6+$0x13B50] =	vst v3;
	v3 =	vld [tilespmem:s6+$0xC390];
	v0 =	vand.u32 $0x7FFF7FFF, v0  }
0x83: {  	v1 =	vsub.bf16 v7, v1;
	[tilespmem:s6+$0x13B60] =	vst v0;
	v0 =	vld [tilespmem:s6+$0xC3A0]  }
0x84: {  	v7 =	vld [tilespmem:s6+$0x4BB0]  }
0x85: {  	v1 =	vand.u32 $0x7FFF7FFF, v1;
	v2 =	vsub.bf16 v6, v2;
	v6 =	vld [tilespmem:s6+$0x4BC0]  }
0x86: {  	[tilespmem:s6+$0x13B70] =	vst v1;
	v1 =	vld [tilespmem:s6+$0xC3B0]  }
0x87: {  	v2 =	vand.u32 $0x7FFF7FFF, v2;
	v3 =	vsub.bf16 v5, v3;
	v5 =	vld [tilespmem:s6+$0x4BD0]  }
0x88: {  	[tilespmem:s6+$0x13B80] =	vst v2;
	v2 =	vld [tilespmem:s6+$0xC3C0];
	v0 =	vsub.bf16 v4, v0  }
0x89: {  	v3 =	vand.u32 $0x7FFF7FFF, v3;
	v4 =	vld [tilespmem:s6+$0x4BE0]  }
0x8a: {  	[tilespmem:s6+$0x13B90] =	vst v3;
	v3 =	vld [tilespmem:s6+$0xC3D0];
	v0 =	vand.u32 $0x7FFF7FFF, v0  }
0x8b: {  	[tilespmem:s6+$0x13BA0] =	vst v0;
	v0 =	vld [tilespmem:s6+$0xC3E0];
	_ =	sdelay $0x1  }
0x8c: {  	v1 =	vsub.bf16 v7, v1  }
0x8d: {  	v2 =	vsub.bf16 v6, v2  }
0x8e: {  	p0 =	seq.s32 s24, $0x13;
	v1 =	vand.u32 $0x7FFF7FFF, v1;
	v3 =	vsub.bf16 v5, v3  }
0x8f: {  	s10 =	smul.u32 @!p0 $0xF00, s24;
	[tilespmem:s6+$0x13BB0] =	vst v1;
	v1 =	vand.u32 $0x7FFF7FFF, v2;
	v0 =	vsub.bf16 v4, v0  }
0x90: {  	[tilespmem:s6+$0x13BC0] =	vst v1;
	v1 =	vand.u32 $0x7FFF7FFF, v3  }
0x91: {  	s25 =	sshra.s32 @!p0 s10, $0x2;
	[tilespmem:s6+$0x13BD0] =	vst v1;
	v0 =	vand.u32 $0x7FFF7FFF, v0  }
0x92: {  	s11 =	simm.s32 @!p0 $0x4B00;
	s10 =	simm.s32 @!p0 $0x78;
	[tilespmem:s6+$0x13BE0] =	vst v0;
	s6 =	sadd.s32 @!p0 $0x3C0, s25  }
0x93: {  	[tilespmem:s11], [sflag:$0x2] =	stream.indirect.gather @!p0 [hbm4b:s3+s10], $0x40, s6, s10, $0xb8;
	[tilespmem:$0x1B300] =	vst v63  }
0x94: {  	s26 =	smul.u32 $0x1E0, s24;
	s6 =	sadd.s32 @!p0 $0x438, s25;
	s11 =	simm.s32 @!p0 $0xC300  }
0x95: {  	[tilespmem:s11], [sflag:$0x6] =	stream.indirect.gather @!p0 [hbm4b:s3+s10], $0x40, s6, s10, $0xb8;
	[tilespmem:$0x1B300] =	vst v63  }
0x96: {  	s11 =	sadd.s32 s4, s26  }
0x97: {  	s6 =	sshll.u32 s11, $0x3  }
0x98: {  	s6 =	sadd.s32 s5, s6  }
0x99: {  	[hbm4b:s6+s2] =	stream.linear.scatter [tilespmem:s30], [sflag:$0xA], $0x1E00, $0x38;
	[tilespmem:$0x1B300] =	vst v63  }
0x9a: {  	_ =	swait.ge [sflag:s31], $0x1E00  }
0x9b: {  	[sflag:s31] =	ssyncset.done $0x0  }
0x9c: {  	[sflag:s31] =	ssyncadd.s32 $0xFFFFE200  }
0x9d: {  	_ =	swait.ge [sflag:s0], $0x1E00  }
0x9e: {  	[sflag:s0] =	ssyncset.done $0x0  }
0x9f: {  	s6 =	simm.s32 @!p1 $0xB;
	[sflag:s0] =	ssyncadd.s32 $0xFFFFE200  }
0xa0: {  	_ =	swait.ge @!p1 [sflag:s6], $0x1E00  }
0xa1: {  	[sflag:s6] =	ssyncset.done @!p1 $0x0  }
0xa2: {  	[sflag:s6] =	ssyncadd.s32 @!p1 $0xFFFFE200;
	s6 =	simm.s32 $0x0  }
0xa3: {  	v0 =	vld [tilespmem:s6+$0x69F0]  }
0xa4: {  	v1 =	vld [tilespmem:s6+$0xE1F0]  }
0xa5: {  	v2 =	vld [tilespmem:s6+$0x6900]  }
0xa6: {  	v3 =	vld [tilespmem:s6+$0xE100]  }
0xa7: {  	v4 =	vld [tilespmem:s6+$0x6910]  }
0xa8: {  	v5 =	vld [tilespmem:s6+$0xE110]  }
0xa9: {  	v6 =	vld [tilespmem:s6+$0x6920]  }
0xaa: {  	v0 =	vsub.bf16 v0, v1;
	v1 =	vld [tilespmem:s6+$0xE120]  }
0xab: {  	v7 =	vld [tilespmem:s6+$0x6930]  }
0xac: {  	v2 =	vsub.bf16 v2, v3;
	v3 =	vld [tilespmem:s6+$0xE130]  }
0xad: {  	v4 =	vsub.bf16 v4, v5;
	v5 =	vld [tilespmem:s6+$0x6950];
	v0 =	vand.u32 $0x7FFF7FFF, v0  }
0xae: {  	[tilespmem:s6+$0x159F0] =	vst v0;
	v0 =	vand.u32 $0x7FFF7FFF, v2;
	v2 =	vld [tilespmem:s6+$0x6940]  }
0xaf: {  	v4 =	vand.u32 $0x7FFF7FFF, v4;
	[tilespmem:s6+$0x15900] =	vst v0;
	v0 =	vld [tilespmem:s6+$0xE140];
	v1 =	vsub.bf16 v6, v1  }
0xb0: {  	[tilespmem:s6+$0x15910] =	vst v4;
	v4 =	vld [tilespmem:s6+$0xE150]  }
0xb1: {  	v6 =	vld [tilespmem:s6+$0x6960];
	v1 =	vand.u32 $0x7FFF7FFF, v1  }
0xb2: {  	v3 =	vsub.bf16 v7, v3;
	[tilespmem:s6+$0x15920] =	vst v1;
	v1 =	vld [tilespmem:s6+$0xE160]  }
0xb3: {  	v7 =	vld [tilespmem:s6+$0x6970]  }
0xb4: {  	v3 =	vand.u32 $0x7FFF7FFF, v3;
	v0 =	vsub.bf16 v2, v0;
	v2 =	vld [tilespmem:s6+$0xE170]  }
0xb5: {  	[tilespmem:s6+$0x15930] =	vst v3;
	v3 =	vld [tilespmem:s6+$0x6980];
	v4 =	vsub.bf16 v5, v4  }
0xb6: {  	v5 =	vld [tilespmem:s6+$0x6990];
	v0 =	vand.u32 $0x7FFF7FFF, v0  }
0xb7: {  	v4 =	vand.u32 $0x7FFF7FFF, v4;
	[tilespmem:s6+$0x15940] =	vst v0;
	v0 =	vld [tilespmem:s6+$0xE180];
	v1 =	vsub.bf16 v6, v1  }
0xb8: {  	[tilespmem:s6+$0x15950] =	vst v4;
	v4 =	vld [tilespmem:s6+$0xE190]  }
0xb9: {  	v6 =	vld [tilespmem:s6+$0x69A0];
	v2 =	vsub.bf16 v7, v2;
	v1 =	vand.u32 $0x7FFF7FFF, v1  }
0xba: {  	[tilespmem:s6+$0x15960] =	vst v1;
	v1 =	vld [tilespmem:s6+$0xE1A0]  }
0xbb: {  	v7 =	vld [tilespmem:s6+$0x69B0];
	v2 =	vand.u32 $0x7FFF7FFF, v2  }
0xbc: {  	v0 =	vsub.bf16 v3, v0;
	[tilespmem:s6+$0x15970] =	vst v2;
	v2 =	vld [tilespmem:s6+$0xE1B0]  }
0xbd: {  	v8 =	vld [tilespmem:s6+$0x69C0];
	v3 =	vsub.bf16 v5, v4  }
0xbe: {  	v5 =	vld [tilespmem:s6+$0xE1C0];
	v0 =	vand.u32 $0x7FFF7FFF, v0  }
0xbf: {  	v3 =	vand.u32 $0x7FFF7FFF, v3;
	[tilespmem:s6+$0x15980] =	vst v0;
	v0 =	vld [tilespmem:s6+$0x69D0];
	v1 =	vsub.bf16 v6, v1  }
0xc0: {  	[tilespmem:s6+$0x15990] =	vst v3;
	v3 =	vld [tilespmem:s6+$0xE1D0]  }
0xc1: {  	v6 =	vsub.bf16 v7, v2;
	v4 =	vand.u32 $0x7FFF7FFF, v1;
	v1 =	vld [tilespmem:s6+$0x69E0]  }
0xc2: {  	s10 =	simm.s32 $0x100;
	[tilespmem:s6+$0x159A0] =	vst v4;
	v4 =	vld [tilespmem:s6+$0xE1E0]  }
0xc3: {  	s11 =	simm.s32 $0x800;
	v5 =	vsub.bf16 v8, v5;
	v6 =	vand.u32 $0x7FFF7FFF, v6;
	v2 =	vld [tilespmem:s10+$0x69F0]  }
.LBB2_5:
0xc4: {  	p2 =	sne.s32 s11, $0x7400;
	v7 =	vld [tilespmem:s10+$0xE1F0];
	[tilespmem:s6+$0x159B0] =	vst v6  }
0xc5: {  	v6 =	vld [tilespmem:s10+$0x6900];
	v5 =	vand.u32 $0x7FFF7FFF, v5;
	v0 =	vsub.bf16 v0, v3  }
0xc6: {  	v3 =	vld [tilespmem:s10+$0xE100];
	[tilespmem:s6+$0x159C0] =	vst v5  }
0xc7: {  	v5 =	vld [tilespmem:s10+$0x6910];
	v0 =	vand.u32 $0x7FFF7FFF, v0;
	v1 =	vsub.bf16 v1, v4  }
0xc8: {  	v4 =	vld [tilespmem:s10+$0xE110];
	[tilespmem:s6+$0x159D0] =	vst v0  }
0xc9: {  	v0 =	vld [tilespmem:s10+$0x6920];
	v2 =	vsub.bf16 v2, v7;
	v1 =	vand.u32 $0x7FFF7FFF, v1  }
0xca: {  	v7 =	vld [tilespmem:s10+$0xE120];
	[tilespmem:s6+$0x159E0] =	vst v1;
	s6 =	smov.u32 s10  }
0xcb: {  	v1 =	vsub.bf16 v6, v3;
	v3 =	vld [tilespmem:s6+$0x6930];
	v2 =	vand.u32 $0x7FFF7FFF, v2  }
0xcc: {  	v6 =	vld [tilespmem:s6+$0xE130];
	[tilespmem:s6+$0x159F0] =	vst v2  }
0xcd: {  	v1 =	vand.u32 $0x7FFF7FFF, v1;
	v2 =	vsub.bf16 v5, v4;
	v4 =	vld [tilespmem:s6+$0x6940]  }
0xce: {  	[tilespmem:s6+$0x15900] =	vst v1;
	v1 =	vld [tilespmem:s6+$0xE140]  }
0xcf: {  	v2 =	vand.u32 $0x7FFF7FFF, v2;
	v0 =	vsub.bf16 v0, v7;
	v5 =	vld [tilespmem:s6+$0x6950]  }
0xd0: {  	[tilespmem:s6+$0x15910] =	vst v2;
	v2 =	vld [tilespmem:s6+$0xE150]  }
0xd1: {  	v0 =	vand.u32 $0x7FFF7FFF, v0;
	v3 =	vsub.bf16 v3, v6;
	v6 =	vld [tilespmem:s6+$0x6960]  }
0xd2: {  	[tilespmem:s6+$0x15920] =	vst v0;
	v0 =	vld [tilespmem:s6+$0xE160]  }
0xd3: {  	v3 =	vand.u32 $0x7FFF7FFF, v3;
	v1 =	vsub.bf16 v4, v1;
	v4 =	vld [tilespmem:s6+$0x6970]  }
0xd4: {  	[tilespmem:s6+$0x15930] =	vst v3;
	v3 =	vld [tilespmem:s6+$0xE170]  }
0xd5: {  	v1 =	vand.u32 $0x7FFF7FFF, v1;
	v2 =	vsub.bf16 v5, v2;
	v5 =	vld [tilespmem:s6+$0x6980]  }
0xd6: {  	[tilespmem:s6+$0x15940] =	vst v1;
	v1 =	vld [tilespmem:s6+$0xE180]  }
0xd7: {  	v2 =	vand.u32 $0x7FFF7FFF, v2;
	v0 =	vsub.bf16 v6, v0;
	v6 =	vld [tilespmem:s6+$0x6990]  }
0xd8: {  	[tilespmem:s6+$0x15950] =	vst v2;
	v2 =	vld [tilespmem:s6+$0xE190]  }
0xd9: {  	v0 =	vand.u32 $0x7FFF7FFF, v0;
	v3 =	vsub.bf16 v4, v3;
	v4 =	vld [tilespmem:s6+$0x69A0]  }
0xda: {  	[tilespmem:s6+$0x15960] =	vst v0;
	v0 =	vld [tilespmem:s6+$0xE1A0]  }
0xdb: {  	v3 =	vand.u32 $0x7FFF7FFF, v3;
	v1 =	vsub.bf16 v5, v1;
	v5 =	vld [tilespmem:s6+$0x69B0]  }
0xdc: {  	[tilespmem:s6+$0x15970] =	vst v3;
	v7 =	vld [tilespmem:s6+$0xE1B0]  }
0xdd: {  	v1 =	vand.u32 $0x7FFF7FFF, v1;
	v2 =	vsub.bf16 v6, v2;
	v8 =	vld [tilespmem:s6+$0x69C0]  }
0xde: {  	[tilespmem:s6+$0x15980] =	vst v1;
	v9 =	vld [tilespmem:s6+$0xE1C0]  }
.Ltmp1:
0xdf: {  	v1 =	vand.u32 $0x7FFF7FFF, v2;
	v2 =	vsub.bf16 v4, v0;
	v0 =	vld [tilespmem:s6+$0x69D0];
	(pc) =	sbr.rel @p2 .LBB2_5-.Ltmp1, $4  }
0xe0: {  	[tilespmem:s6+$0x15990] =	vst v1;
	v3 =	vld [tilespmem:s6+$0xE1D0]  }
0xe1: {  	v2 =	vand.u32 $0x7FFF7FFF, v2;
	v5 =	vsub.bf16 v5, v7;
	v1 =	vld [tilespmem:s6+$0x69E0]  }
0xe2: {  	s10 =	sshra.s32 s11, $0x2;
	[tilespmem:s6+$0x159A0] =	vst v2;
	v4 =	vld [tilespmem:s6+$0xE1E0]  }
0xe3: {  	s11 =	sadd.s32 $0x400, s11;
	v2 =	vld [tilespmem:s10+$0x69F0];
	v6 =	vand.u32 $0x7FFF7FFF, v5;
	v5 =	vsub.bf16 v8, v9  }
0xe4: {  	v7 =	vld [tilespmem:s10+$0xE1F0];
	[tilespmem:s6+$0x159B0] =	vst v6  }
0xe5: {  	v6 =	vld [tilespmem:s10+$0x6900];
	v5 =	vand.u32 $0x7FFF7FFF, v5;
	v0 =	vsub.bf16 v0, v3  }
0xe6: {  	v8 =	vld [tilespmem:s10+$0xE100];
	[tilespmem:s6+$0x159C0] =	vst v5  }
0xe7: {  	v3 =	vld [tilespmem:s10+$0x6910];
	v0 =	vand.u32 $0x7FFF7FFF, v0;
	v1 =	vsub.bf16 v1, v4  }
0xe8: {  	v5 =	vld [tilespmem:s10+$0xE110];
	[tilespmem:s6+$0x159D0] =	vst v0  }
0xe9: {  	v0 =	vld [tilespmem:s10+$0x6920];
	v1 =	vand.u32 $0x7FFF7FFF, v1  }
0xea: {  	v4 =	vld [tilespmem:s10+$0xE120];
	v2 =	vsub.bf16 v2, v7;
	[tilespmem:s6+$0x159E0] =	vst v1  }
0xeb: {  	v6 =	vsub.bf16 v6, v8;
	v1 =	vld [tilespmem:s10+$0x6930]  }
0xec: {  	v2 =	vand.u32 $0x7FFF7FFF, v2;
	v7 =	vld [tilespmem:s10+$0xE130]  }
0xed: {  	[tilespmem:s10+$0x159F0] =	vst v2;
	v2 =	vand.u32 $0x7FFF7FFF, v6;
	v6 =	vld [tilespmem:s10+$0x6940]  }
0xee: {  	v3 =	vsub.bf16 v3, v5;
	v5 =	vld [tilespmem:s10+$0x6950]  }
0xef: {  	[tilespmem:s10+$0x15900] =	vst v2;
	v2 =	vld [tilespmem:s10+$0xE140];
	v0 =	vsub.bf16 v0, v4  }
0xf0: {  	v3 =	vand.u32 $0x7FFF7FFF, v3;
	v4 =	vld [tilespmem:s10+$0x6960]  }
0xf1: {  	[tilespmem:s10+$0x15910] =	vst v3;
	v3 =	vld [tilespmem:s10+$0xE150];
	v0 =	vand.u32 $0x7FFF7FFF, v0  }
0xf2: {  	v1 =	vsub.bf16 v1, v7;
	[tilespmem:s10+$0x15920] =	vst v0;
	v0 =	vld [tilespmem:s10+$0xE160]  }
0xf3: {  	v7 =	vld [tilespmem:s10+$0x6970]  }
0xf4: {  	v1 =	vand.u32 $0x7FFF7FFF, v1;
	v2 =	vsub.bf16 v6, v2;
	v6 =	vld [tilespmem:s10+$0x6980]  }
0xf5: {  	[tilespmem:s10+$0x15930] =	vst v1;
	v1 =	vld [tilespmem:s10+$0xE170]  }
0xf6: {  	v2 =	vand.u32 $0x7FFF7FFF, v2;
	v3 =	vsub.bf16 v5, v3;
	v5 =	vld [tilespmem:s10+$0x6990]  }
0xf7: {  	[tilespmem:s10+$0x15940] =	vst v2;
	v2 =	vld [tilespmem:s10+$0xE180];
	v0 =	vsub.bf16 v4, v0  }
0xf8: {  	v3 =	vand.u32 $0x7FFF7FFF, v3;
	v4 =	vld [tilespmem:s10+$0x69A0]  }
0xf9: {  	[tilespmem:s10+$0x15950] =	vst v3;
	v3 =	vld [tilespmem:s10+$0xE190];
	v0 =	vand.u32 $0x7FFF7FFF, v0  }
0xfa: {  	v1 =	vsub.bf16 v7, v1;
	[tilespmem:s10+$0x15960] =	vst v0;
	v0 =	vld [tilespmem:s10+$0xE1A0]  }
0xfb: {  	v7 =	vld [tilespmem:s10+$0x69B0]  }
0xfc: {  	v1 =	vand.u32 $0x7FFF7FFF, v1;
	v2 =	vsub.bf16 v6, v2;
	v6 =	vld [tilespmem:s10+$0x69C0]  }
0xfd: {  	[tilespmem:s10+$0x15970] =	vst v1;
	v1 =	vld [tilespmem:s10+$0xE1B0]  }
0xfe: {  	v2 =	vand.u32 $0x7FFF7FFF, v2;
	v3 =	vsub.bf16 v5, v3;
	v5 =	vld [tilespmem:s10+$0x69D0]  }
0xff: {  	[tilespmem:s10+$0x15980] =	vst v2;
	v2 =	vld [tilespmem:s10+$0xE1C0];
	v0 =	vsub.bf16 v4, v0  }
0x100: {  	v3 =	vand.u32 $0x7FFF7FFF, v3;
	v4 =	vld [tilespmem:s10+$0x69E0]  }
0x101: {  	[tilespmem:s10+$0x15990] =	vst v3;
	v3 =	vld [tilespmem:s10+$0xE1D0];
	v0 =	vand.u32 $0x7FFF7FFF, v0  }
0x102: {  	[tilespmem:s10+$0x159A0] =	vst v0;
	v0 =	vld [tilespmem:s10+$0xE1E0];
	_ =	sdelay $0x1  }
0x103: {  	v1 =	vsub.bf16 v7, v1  }
0x104: {  	v2 =	vsub.bf16 v6, v2  }
0x105: {  	v1 =	vand.u32 $0x7FFF7FFF, v1;
	v3 =	vsub.bf16 v5, v3  }
0x106: {  	[tilespmem:s10+$0x159B0] =	vst v1;
	v1 =	vand.u32 $0x7FFF7FFF, v2;
	v0 =	vsub.bf16 v4, v0  }
0x107: {  	[tilespmem:s10+$0x159C0] =	vst v1;
	v1 =	vand.u32 $0x7FFF7FFF, v3  }
0x108: {  	[tilespmem:s10+$0x159D0] =	vst v1;
	v0 =	vand.u32 $0x7FFF7FFF, v0  }
0x109: {  	s11 =	simm.s32 @!p0 $0x6900;
	s6 =	sadd.s32 @!p0 $0x4B0, s25;
	[tilespmem:s10+$0x159E0] =	vst v0;
	s10 =	simm.s32 @!p0 $0x78  }
0x10a: {  	[tilespmem:s11], [sflag:$0x3] =	stream.indirect.gather @!p0 [hbm4b:s3+s10], $0x40, s6, s10, $0xb8;
	[tilespmem:$0x1B300] =	vst v63  }
0x10b: {  	s6 =	sadd.s32 @!p0 $0x528, s25;
	s11 =	simm.s32 @!p0 $0xE100  }
0x10c: {  	[tilespmem:s11], [sflag:$0x7] =	stream.indirect.gather @!p0 [hbm4b:s3+s10], $0x40, s6, s10, $0xb8;
	[tilespmem:$0x1B300] =	vst v63  }
0x10d: {  	s11 =	sadd.s32 s7, s26  }
0x10e: {  	s6 =	sshll.u32 s11, $0x3  }
0x10f: {  	s6 =	sand.u32 $0x1FFFFFC0, s6  }
0x110: {  	s6 =	sadd.s32 s5, s6  }
0x111: {  	[hbm4b:s6+s2] =	stream.linear.scatter [tilespmem:s1], [sflag:$0xB], $0x1E00, $0x38;
	[tilespmem:$0x1B300] =	vst v63  }
0x112: {  	_ =	swait.ge [sflag:s13], $0x1E00  }
0x113: {  	[sflag:s13] =	ssyncset.done $0x0  }
0x114: {  	[sflag:s13] =	ssyncadd.s32 $0xFFFFE200  }
0x115: {  	_ =	swait.ge [sflag:s14], $0x1E00  }
0x116: {  	[sflag:s14] =	ssyncset.done $0x0  }
0x117: {  	s6 =	simm.s32 @!p1 $0xC;
	[sflag:s14] =	ssyncadd.s32 $0xFFFFE200  }
0x118: {  	_ =	swait.ge @!p1 [sflag:s6], $0x1E00  }
0x119: {  	[sflag:s6] =	ssyncset.done @!p1 $0x0  }
0x11a: {  	[sflag:s6] =	ssyncadd.s32 @!p1 $0xFFFFE200;
	s6 =	simm.s32 $0x0  }
0x11b: {  	v0 =	vld [tilespmem:s6+$0x87F0]  }
0x11c: {  	v1 =	vld [tilespmem:s6+$0xFFF0]  }
0x11d: {  	v2 =	vld [tilespmem:s6+$0x8700]  }
0x11e: {  	v3 =	vld [tilespmem:s6+$0xFF00]  }
0x11f: {  	v4 =	vld [tilespmem:s6+$0x8710]  }
0x120: {  	v5 =	vld [tilespmem:s6+$0xFF10]  }
0x121: {  	v6 =	vld [tilespmem:s6+$0x8720]  }
0x122: {  	v0 =	vsub.bf16 v0, v1;
	v1 =	vld [tilespmem:s6+$0xFF20]  }
0x123: {  	v7 =	vld [tilespmem:s6+$0x8730]  }
0x124: {  	v2 =	vsub.bf16 v2, v3;
	v3 =	vld [tilespmem:s6+$0xFF30]  }
0x125: {  	v4 =	vsub.bf16 v4, v5;
	v5 =	vld [tilespmem:s6+$0x8750];
	v0 =	vand.u32 $0x7FFF7FFF, v0  }
0x126: {  	[tilespmem:s6+$0x177F0] =	vst v0;
	v0 =	vand.u32 $0x7FFF7FFF, v2;
	v2 =	vld [tilespmem:s6+$0x8740]  }
0x127: {  	v4 =	vand.u32 $0x7FFF7FFF, v4;
	[tilespmem:s6+$0x17700] =	vst v0;
	v0 =	vld [tilespmem:s6+$0xFF40];
	v1 =	vsub.bf16 v6, v1  }
0x128: {  	[tilespmem:s6+$0x17710] =	vst v4;
	v4 =	vld [tilespmem:s6+$0xFF50]  }
0x129: {  	v6 =	vld [tilespmem:s6+$0x8760];
	v1 =	vand.u32 $0x7FFF7FFF, v1  }
0x12a: {  	v3 =	vsub.bf16 v7, v3;
	[tilespmem:s6+$0x17720] =	vst v1;
	v1 =	vld [tilespmem:s6+$0xFF60]  }
0x12b: {  	v7 =	vld [tilespmem:s6+$0x8770]  }
0x12c: {  	v3 =	vand.u32 $0x7FFF7FFF, v3;
	v0 =	vsub.bf16 v2, v0;
	v2 =	vld [tilespmem:s6+$0xFF70]  }
0x12d: {  	[tilespmem:s6+$0x17730] =	vst v3;
	v3 =	vld [tilespmem:s6+$0x8780];
	v4 =	vsub.bf16 v5, v4  }
0x12e: {  	v5 =	vld [tilespmem:s6+$0x8790];
	v0 =	vand.u32 $0x7FFF7FFF, v0  }
0x12f: {  	v4 =	vand.u32 $0x7FFF7FFF, v4;
	[tilespmem:s6+$0x17740] =	vst v0;
	v0 =	vld [tilespmem:s6+$0xFF80];
	v1 =	vsub.bf16 v6, v1  }
0x130: {  	[tilespmem:s6+$0x17750] =	vst v4;
	v4 =	vld [tilespmem:s6+$0xFF90]  }
0x131: {  	v6 =	vld [tilespmem:s6+$0x87A0];
	v2 =	vsub.bf16 v7, v2;
	v1 =	vand.u32 $0x7FFF7FFF, v1  }
0x132: {  	[tilespmem:s6+$0x17760] =	vst v1;
	v1 =	vld [tilespmem:s6+$0xFFA0]  }
0x133: {  	v7 =	vld [tilespmem:s6+$0x87B0];
	v2 =	vand.u32 $0x7FFF7FFF, v2  }
0x134: {  	v0 =	vsub.bf16 v3, v0;
	[tilespmem:s6+$0x17770] =	vst v2;
	v2 =	vld [tilespmem:s6+$0xFFB0]  }
0x135: {  	v8 =	vld [tilespmem:s6+$0x87C0];
	v3 =	vsub.bf16 v5, v4  }
0x136: {  	v5 =	vld [tilespmem:s6+$0xFFC0];
	v0 =	vand.u32 $0x7FFF7FFF, v0  }
0x137: {  	v3 =	vand.u32 $0x7FFF7FFF, v3;
	[tilespmem:s6+$0x17780] =	vst v0;
	v0 =	vld [tilespmem:s6+$0x87D0];
	v1 =	vsub.bf16 v6, v1  }
0x138: {  	[tilespmem:s6+$0x17790] =	vst v3;
	v3 =	vld [tilespmem:s6+$0xFFD0]  }
0x139: {  	v6 =	vsub.bf16 v7, v2;
	v4 =	vand.u32 $0x7FFF7FFF, v1;
	v1 =	vld [tilespmem:s6+$0x87E0]  }
0x13a: {  	s10 =	simm.s32 $0x100;
	[tilespmem:s6+$0x177A0] =	vst v4;
	v4 =	vld [tilespmem:s6+$0xFFE0]  }
0x13b: {  	s11 =	simm.s32 $0x800;
	v5 =	vsub.bf16 v8, v5;
	v6 =	vand.u32 $0x7FFF7FFF, v6;
	v2 =	vld [tilespmem:s10+$0x87F0]  }
.LBB2_7:
0x13c: {  	p2 =	sne.s32 s11, $0x7400;
	v7 =	vld [tilespmem:s10+$0xFFF0];
	[tilespmem:s6+$0x177B0] =	vst v6  }
0x13d: {  	v6 =	vld [tilespmem:s10+$0x8700];
	v5 =	vand.u32 $0x7FFF7FFF, v5;
	v0 =	vsub.bf16 v0, v3  }
0x13e: {  	v3 =	vld [tilespmem:s10+$0xFF00];
	[tilespmem:s6+$0x177C0] =	vst v5  }
0x13f: {  	v5 =	vld [tilespmem:s10+$0x8710];
	v0 =	vand.u32 $0x7FFF7FFF, v0;
	v1 =	vsub.bf16 v1, v4  }
0x140: {  	v4 =	vld [tilespmem:s10+$0xFF10];
	[tilespmem:s6+$0x177D0] =	vst v0  }
0x141: {  	v0 =	vld [tilespmem:s10+$0x8720];
	v2 =	vsub.bf16 v2, v7;
	v1 =	vand.u32 $0x7FFF7FFF, v1  }
0x142: {  	v7 =	vld [tilespmem:s10+$0xFF20];
	[tilespmem:s6+$0x177E0] =	vst v1;
	s6 =	smov.u32 s10  }
0x143: {  	v1 =	vsub.bf16 v6, v3;
	v3 =	vld [tilespmem:s6+$0x8730];
	v2 =	vand.u32 $0x7FFF7FFF, v2  }
0x144: {  	v6 =	vld [tilespmem:s6+$0xFF30];
	[tilespmem:s6+$0x177F0] =	vst v2  }
0x145: {  	v1 =	vand.u32 $0x7FFF7FFF, v1;
	v2 =	vsub.bf16 v5, v4;
	v4 =	vld [tilespmem:s6+$0x8740]  }
0x146: {  	[tilespmem:s6+$0x17700] =	vst v1;
	v1 =	vld [tilespmem:s6+$0xFF40]  }
0x147: {  	v2 =	vand.u32 $0x7FFF7FFF, v2;
	v0 =	vsub.bf16 v0, v7;
	v5 =	vld [tilespmem:s6+$0x8750]  }
0x148: {  	[tilespmem:s6+$0x17710] =	vst v2;
	v2 =	vld [tilespmem:s6+$0xFF50]  }
0x149: {  	v0 =	vand.u32 $0x7FFF7FFF, v0;
	v3 =	vsub.bf16 v3, v6;
	v6 =	vld [tilespmem:s6+$0x8760]  }
0x14a: {  	[tilespmem:s6+$0x17720] =	vst v0;
	v0 =	vld [tilespmem:s6+$0xFF60]  }
0x14b: {  	v3 =	vand.u32 $0x7FFF7FFF, v3;
	v1 =	vsub.bf16 v4, v1;
	v4 =	vld [tilespmem:s6+$0x8770]  }
0x14c: {  	[tilespmem:s6+$0x17730] =	vst v3;
	v3 =	vld [tilespmem:s6+$0xFF70]  }
0x14d: {  	v1 =	vand.u32 $0x7FFF7FFF, v1;
	v2 =	vsub.bf16 v5, v2;
	v5 =	vld [tilespmem:s6+$0x8780]  }
0x14e: {  	[tilespmem:s6+$0x17740] =	vst v1;
	v1 =	vld [tilespmem:s6+$0xFF80]  }
0x14f: {  	v2 =	vand.u32 $0x7FFF7FFF, v2;
	v0 =	vsub.bf16 v6, v0;
	v6 =	vld [tilespmem:s6+$0x8790]  }
0x150: {  	[tilespmem:s6+$0x17750] =	vst v2;
	v2 =	vld [tilespmem:s6+$0xFF90]  }
0x151: {  	v0 =	vand.u32 $0x7FFF7FFF, v0;
	v3 =	vsub.bf16 v4, v3;
	v4 =	vld [tilespmem:s6+$0x87A0]  }
0x152: {  	[tilespmem:s6+$0x17760] =	vst v0;
	v0 =	vld [tilespmem:s6+$0xFFA0]  }
0x153: {  	v3 =	vand.u32 $0x7FFF7FFF, v3;
	v1 =	vsub.bf16 v5, v1;
	v5 =	vld [tilespmem:s6+$0x87B0]  }
0x154: {  	[tilespmem:s6+$0x17770] =	vst v3;
	v7 =	vld [tilespmem:s6+$0xFFB0]  }
0x155: {  	v1 =	vand.u32 $0x7FFF7FFF, v1;
	v2 =	vsub.bf16 v6, v2;
	v8 =	vld [tilespmem:s6+$0x87C0]  }
0x156: {  	[tilespmem:s6+$0x17780] =	vst v1;
	v9 =	vld [tilespmem:s6+$0xFFC0]  }
.Ltmp2:
0x157: {  	v1 =	vand.u32 $0x7FFF7FFF, v2;
	v2 =	vsub.bf16 v4, v0;
	v0 =	vld [tilespmem:s6+$0x87D0];
	(pc) =	sbr.rel @p2 .LBB2_7-.Ltmp2, $4  }
0x158: {  	[tilespmem:s6+$0x17790] =	vst v1;
	v3 =	vld [tilespmem:s6+$0xFFD0]  }
0x159: {  	v2 =	vand.u32 $0x7FFF7FFF, v2;
	v5 =	vsub.bf16 v5, v7;
	v1 =	vld [tilespmem:s6+$0x87E0]  }
0x15a: {  	s10 =	sshra.s32 s11, $0x2;
	[tilespmem:s6+$0x177A0] =	vst v2;
	v4 =	vld [tilespmem:s6+$0xFFE0]  }
0x15b: {  	s11 =	sadd.s32 $0x400, s11;
	v2 =	vld [tilespmem:s10+$0x87F0];
	v6 =	vand.u32 $0x7FFF7FFF, v5;
	v5 =	vsub.bf16 v8, v9  }
0x15c: {  	v7 =	vld [tilespmem:s10+$0xFFF0];
	[tilespmem:s6+$0x177B0] =	vst v6  }
0x15d: {  	v6 =	vld [tilespmem:s10+$0x8700];
	v5 =	vand.u32 $0x7FFF7FFF, v5;
	v0 =	vsub.bf16 v0, v3  }
0x15e: {  	v8 =	vld [tilespmem:s10+$0xFF00];
	[tilespmem:s6+$0x177C0] =	vst v5  }
0x15f: {  	v3 =	vld [tilespmem:s10+$0x8710];
	v0 =	vand.u32 $0x7FFF7FFF, v0;
	v1 =	vsub.bf16 v1, v4  }
0x160: {  	v5 =	vld [tilespmem:s10+$0xFF10];
	[tilespmem:s6+$0x177D0] =	vst v0  }
0x161: {  	v0 =	vld [tilespmem:s10+$0x8720];
	v1 =	vand.u32 $0x7FFF7FFF, v1  }
0x162: {  	v4 =	vld [tilespmem:s10+$0xFF20];
	v2 =	vsub.bf16 v2, v7;
	[tilespmem:s6+$0x177E0] =	vst v1  }
0x163: {  	v6 =	vsub.bf16 v6, v8;
	v1 =	vld [tilespmem:s10+$0x8730]  }
0x164: {  	v2 =	vand.u32 $0x7FFF7FFF, v2;
	v7 =	vld [tilespmem:s10+$0xFF30]  }
0x165: {  	[tilespmem:s10+$0x177F0] =	vst v2;
	v2 =	vand.u32 $0x7FFF7FFF, v6;
	v6 =	vld [tilespmem:s10+$0x8740]  }
0x166: {  	v3 =	vsub.bf16 v3, v5;
	v5 =	vld [tilespmem:s10+$0x8750]  }
0x167: {  	[tilespmem:s10+$0x17700] =	vst v2;
	v2 =	vld [tilespmem:s10+$0xFF40];
	v0 =	vsub.bf16 v0, v4  }
0x168: {  	v3 =	vand.u32 $0x7FFF7FFF, v3;
	v4 =	vld [tilespmem:s10+$0x8760]  }
0x169: {  	[tilespmem:s10+$0x17710] =	vst v3;
	v3 =	vld [tilespmem:s10+$0xFF50];
	v0 =	vand.u32 $0x7FFF7FFF, v0  }
0x16a: {  	v1 =	vsub.bf16 v1, v7;
	[tilespmem:s10+$0x17720] =	vst v0;
	v0 =	vld [tilespmem:s10+$0xFF60]  }
0x16b: {  	v7 =	vld [tilespmem:s10+$0x8770]  }
0x16c: {  	v1 =	vand.u32 $0x7FFF7FFF, v1;
	v2 =	vsub.bf16 v6, v2;
	v6 =	vld [tilespmem:s10+$0x8780]  }
0x16d: {  	[tilespmem:s10+$0x17730] =	vst v1;
	v1 =	vld [tilespmem:s10+$0xFF70]  }
0x16e: {  	v2 =	vand.u32 $0x7FFF7FFF, v2;
	v3 =	vsub.bf16 v5, v3;
	v5 =	vld [tilespmem:s10+$0x8790]  }
0x16f: {  	[tilespmem:s10+$0x17740] =	vst v2;
	v2 =	vld [tilespmem:s10+$0xFF80];
	v0 =	vsub.bf16 v4, v0  }
0x170: {  	v3 =	vand.u32 $0x7FFF7FFF, v3;
	v4 =	vld [tilespmem:s10+$0x87A0]  }
0x171: {  	[tilespmem:s10+$0x17750] =	vst v3;
	v3 =	vld [tilespmem:s10+$0xFF90];
	v0 =	vand.u32 $0x7FFF7FFF, v0  }
0x172: {  	v1 =	vsub.bf16 v7, v1;
	[tilespmem:s10+$0x17760] =	vst v0;
	v0 =	vld [tilespmem:s10+$0xFFA0]  }
0x173: {  	v7 =	vld [tilespmem:s10+$0x87B0]  }
0x174: {  	v1 =	vand.u32 $0x7FFF7FFF, v1;
	v2 =	vsub.bf16 v6, v2;
	v6 =	vld [tilespmem:s10+$0x87C0]  }
0x175: {  	[tilespmem:s10+$0x17770] =	vst v1;
	v1 =	vld [tilespmem:s10+$0xFFB0]  }
0x176: {  	v2 =	vand.u32 $0x7FFF7FFF, v2;
	v3 =	vsub.bf16 v5, v3;
	v5 =	vld [tilespmem:s10+$0x87D0]  }
0x177: {  	[tilespmem:s10+$0x17780] =	vst v2;
	v2 =	vld [tilespmem:s10+$0xFFC0];
	v0 =	vsub.bf16 v4, v0  }
0x178: {  	v3 =	vand.u32 $0x7FFF7FFF, v3;
	v4 =	vld [tilespmem:s10+$0x87E0]  }
0x179: {  	[tilespmem:s10+$0x17790] =	vst v3;
	v3 =	vld [tilespmem:s10+$0xFFD0];
	v0 =	vand.u32 $0x7FFF7FFF, v0  }
0x17a: {  	[tilespmem:s10+$0x177A0] =	vst v0;
	v0 =	vld [tilespmem:s10+$0xFFE0];
	_ =	sdelay $0x1  }
0x17b: {  	v1 =	vsub.bf16 v7, v1  }
0x17c: {  	v2 =	vsub.bf16 v6, v2  }
0x17d: {  	v1 =	vand.u32 $0x7FFF7FFF, v1;
	v3 =	vsub.bf16 v5, v3  }
0x17e: {  	[tilespmem:s10+$0x177B0] =	vst v1;
	v1 =	vand.u32 $0x7FFF7FFF, v2;
	v0 =	vsub.bf16 v4, v0  }
0x17f: {  	[tilespmem:s10+$0x177C0] =	vst v1;
	v1 =	vand.u32 $0x7FFF7FFF, v3  }
0x180: {  	[tilespmem:s10+$0x177D0] =	vst v1;
	v0 =	vand.u32 $0x7FFF7FFF, v0  }
0x181: {  	s11 =	simm.s32 @!p0 $0x8700;
	s6 =	sadd.s32 @!p0 $0x5A0, s25;
	[tilespmem:s10+$0x177E0] =	vst v0;
	s10 =	simm.s32 @!p0 $0x78  }
0x182: {  	[tilespmem:s11], [sflag:$0x4] =	stream.indirect.gather @!p0 [hbm4b:s3+s10], $0x40, s6, s10, $0xb8;
	[tilespmem:$0x1B300] =	vst v63  }
0x183: {  	s6 =	sadd.s32 @!p0 $0x618, s25;
	s11 =	simm.s32 @!p0 $0xFF00  }
0x184: {  	[tilespmem:s11], [sflag:$0x8] =	stream.indirect.gather @!p0 [hbm4b:s3+s10], $0x40, s6, s10, $0xb8;
	[tilespmem:$0x1B300] =	vst v63  }
0x185: {  	s11 =	sadd.s32 s8, s26  }
0x186: {  	s6 =	sshll.u32 s11, $0x3  }
0x187: {  	s6 =	sand.u32 $0x1FFFFF80, s6  }
0x188: {  	s6 =	sadd.s32 s5, s6  }
0x189: {  	[hbm4b:s6+s2] =	stream.linear.scatter [tilespmem:s15], [sflag:$0xC], $0x1E00, $0x38;
	[tilespmem:$0x1B300] =	vst v63  }
0x18a: {  	_ =	swait.ge [sflag:s16], $0x1E00  }
0x18b: {  	[sflag:s16] =	ssyncset.done $0x0  }
0x18c: {  	[sflag:s16] =	ssyncadd.s32 $0xFFFFE200  }
0x18d: {  	_ =	swait.ge [sflag:s17], $0x1E00  }
0x18e: {  	[sflag:s17] =	ssyncset.done $0x0  }
0x18f: {  	s6 =	simm.s32 @!p1 $0xD;
	[sflag:s17] =	ssyncadd.s32 $0xFFFFE200  }
0x190: {  	_ =	swait.ge @!p1 [sflag:s6], $0x1E00  }
0x191: {  	[sflag:s6] =	ssyncset.done @!p1 $0x0  }
0x192: {  	[sflag:s6] =	ssyncadd.s32 @!p1 $0xFFFFE200;
	s6 =	simm.s32 $0x0  }
0x193: {  	v0 =	vld [tilespmem:s6+$0xA5F0]  }
0x194: {  	v1 =	vld [tilespmem:s6+$0x11DF0]  }
0x195: {  	v2 =	vld [tilespmem:s6+$0xA500]  }
0x196: {  	v3 =	vld [tilespmem:s6+$0x11D00]  }
0x197: {  	v4 =	vld [tilespmem:s6+$0xA510]  }
0x198: {  	v5 =	vld [tilespmem:s6+$0x11D10]  }
0x199: {  	v6 =	vld [tilespmem:s6+$0xA520]  }
0x19a: {  	v0 =	vsub.bf16 v0, v1;
	v1 =	vld [tilespmem:s6+$0x11D20]  }
0x19b: {  	v7 =	vld [tilespmem:s6+$0xA530]  }
0x19c: {  	v2 =	vsub.bf16 v2, v3;
	v3 =	vld [tilespmem:s6+$0x11D30]  }
0x19d: {  	v4 =	vsub.bf16 v4, v5;
	v5 =	vld [tilespmem:s6+$0xA550];
	v0 =	vand.u32 $0x7FFF7FFF, v0  }
0x19e: {  	[tilespmem:s6+$0x195F0] =	vst v0;
	v0 =	vand.u32 $0x7FFF7FFF, v2;
	v2 =	vld [tilespmem:s6+$0xA540]  }
0x19f: {  	v4 =	vand.u32 $0x7FFF7FFF, v4;
	[tilespmem:s6+$0x19500] =	vst v0;
	v0 =	vld [tilespmem:s6+$0x11D40];
	v1 =	vsub.bf16 v6, v1  }
0x1a0: {  	[tilespmem:s6+$0x19510] =	vst v4;
	v4 =	vld [tilespmem:s6+$0x11D50]  }
0x1a1: {  	v6 =	vld [tilespmem:s6+$0xA560];
	v1 =	vand.u32 $0x7FFF7FFF, v1  }
0x1a2: {  	v3 =	vsub.bf16 v7, v3;
	[tilespmem:s6+$0x19520] =	vst v1;
	v1 =	vld [tilespmem:s6+$0x11D60]  }
0x1a3: {  	v7 =	vld [tilespmem:s6+$0xA570]  }
0x1a4: {  	v3 =	vand.u32 $0x7FFF7FFF, v3;
	v0 =	vsub.bf16 v2, v0;
	v2 =	vld [tilespmem:s6+$0x11D70]  }
0x1a5: {  	[tilespmem:s6+$0x19530] =	vst v3;
	v3 =	vld [tilespmem:s6+$0xA580];
	v4 =	vsub.bf16 v5, v4  }
0x1a6: {  	v5 =	vld [tilespmem:s6+$0xA590];
	v0 =	vand.u32 $0x7FFF7FFF, v0  }
0x1a7: {  	v4 =	vand.u32 $0x7FFF7FFF, v4;
	[tilespmem:s6+$0x19540] =	vst v0;
	v0 =	vld [tilespmem:s6+$0x11D80];
	v1 =	vsub.bf16 v6, v1  }
0x1a8: {  	[tilespmem:s6+$0x19550] =	vst v4;
	v4 =	vld [tilespmem:s6+$0x11D90]  }
0x1a9: {  	v6 =	vld [tilespmem:s6+$0xA5A0];
	v2 =	vsub.bf16 v7, v2;
	v1 =	vand.u32 $0x7FFF7FFF, v1  }
0x1aa: {  	[tilespmem:s6+$0x19560] =	vst v1;
	v1 =	vld [tilespmem:s6+$0x11DA0]  }
0x1ab: {  	v7 =	vld [tilespmem:s6+$0xA5B0];
	v2 =	vand.u32 $0x7FFF7FFF, v2  }
0x1ac: {  	v0 =	vsub.bf16 v3, v0;
	[tilespmem:s6+$0x19570] =	vst v2;
	v2 =	vld [tilespmem:s6+$0x11DB0]  }
0x1ad: {  	v8 =	vld [tilespmem:s6+$0xA5C0];
	v3 =	vsub.bf16 v5, v4  }
0x1ae: {  	v5 =	vld [tilespmem:s6+$0x11DC0];
	v0 =	vand.u32 $0x7FFF7FFF, v0  }
0x1af: {  	v3 =	vand.u32 $0x7FFF7FFF, v3;
	[tilespmem:s6+$0x19580] =	vst v0;
	v0 =	vld [tilespmem:s6+$0xA5D0];
	v1 =	vsub.bf16 v6, v1  }
0x1b0: {  	[tilespmem:s6+$0x19590] =	vst v3;
	v3 =	vld [tilespmem:s6+$0x11DD0]  }
0x1b1: {  	v6 =	vsub.bf16 v7, v2;
	v4 =	vand.u32 $0x7FFF7FFF, v1;
	v1 =	vld [tilespmem:s6+$0xA5E0]  }
0x1b2: {  	s10 =	simm.s32 $0x100;
	[tilespmem:s6+$0x195A0] =	vst v4;
	v4 =	vld [tilespmem:s6+$0x11DE0]  }
0x1b3: {  	s11 =	simm.s32 $0x800;
	v5 =	vsub.bf16 v8, v5;
	v6 =	vand.u32 $0x7FFF7FFF, v6;
	v2 =	vld [tilespmem:s10+$0xA5F0]  }
.LBB2_9:
0x1b4: {  	p1 =	sne.s32 s11, $0x7400;
	v7 =	vld [tilespmem:s10+$0x11DF0];
	[tilespmem:s6+$0x195B0] =	vst v6  }
0x1b5: {  	v6 =	vld [tilespmem:s10+$0xA500];
	v5 =	vand.u32 $0x7FFF7FFF, v5;
	v0 =	vsub.bf16 v0, v3  }
0x1b6: {  	v3 =	vld [tilespmem:s10+$0x11D00];
	[tilespmem:s6+$0x195C0] =	vst v5  }
0x1b7: {  	v5 =	vld [tilespmem:s10+$0xA510];
	v0 =	vand.u32 $0x7FFF7FFF, v0;
	v1 =	vsub.bf16 v1, v4  }
0x1b8: {  	v4 =	vld [tilespmem:s10+$0x11D10];
	[tilespmem:s6+$0x195D0] =	vst v0  }
0x1b9: {  	v0 =	vld [tilespmem:s10+$0xA520];
	v2 =	vsub.bf16 v2, v7;
	v1 =	vand.u32 $0x7FFF7FFF, v1  }
0x1ba: {  	v7 =	vld [tilespmem:s10+$0x11D20];
	[tilespmem:s6+$0x195E0] =	vst v1;
	s6 =	smov.u32 s10  }
0x1bb: {  	v1 =	vsub.bf16 v6, v3;
	v3 =	vld [tilespmem:s6+$0xA530];
	v2 =	vand.u32 $0x7FFF7FFF, v2  }
0x1bc: {  	v6 =	vld [tilespmem:s6+$0x11D30];
	[tilespmem:s6+$0x195F0] =	vst v2  }
0x1bd: {  	v1 =	vand.u32 $0x7FFF7FFF, v1;
	v2 =	vsub.bf16 v5, v4;
	v4 =	vld [tilespmem:s6+$0xA540]  }
0x1be: {  	[tilespmem:s6+$0x19500] =	vst v1;
	v1 =	vld [tilespmem:s6+$0x11D40]  }
0x1bf: {  	v2 =	vand.u32 $0x7FFF7FFF, v2;
	v0 =	vsub.bf16 v0, v7;
	v5 =	vld [tilespmem:s6+$0xA550]  }
0x1c0: {  	[tilespmem:s6+$0x19510] =	vst v2;
	v2 =	vld [tilespmem:s6+$0x11D50]  }
0x1c1: {  	v0 =	vand.u32 $0x7FFF7FFF, v0;
	v3 =	vsub.bf16 v3, v6;
	v6 =	vld [tilespmem:s6+$0xA560]  }
0x1c2: {  	[tilespmem:s6+$0x19520] =	vst v0;
	v0 =	vld [tilespmem:s6+$0x11D60]  }
0x1c3: {  	v3 =	vand.u32 $0x7FFF7FFF, v3;
	v1 =	vsub.bf16 v4, v1;
	v4 =	vld [tilespmem:s6+$0xA570]  }
0x1c4: {  	[tilespmem:s6+$0x19530] =	vst v3;
	v3 =	vld [tilespmem:s6+$0x11D70]  }
0x1c5: {  	v1 =	vand.u32 $0x7FFF7FFF, v1;
	v2 =	vsub.bf16 v5, v2;
	v5 =	vld [tilespmem:s6+$0xA580]  }
0x1c6: {  	[tilespmem:s6+$0x19540] =	vst v1;
	v1 =	vld [tilespmem:s6+$0x11D80]  }
0x1c7: {  	v2 =	vand.u32 $0x7FFF7FFF, v2;
	v0 =	vsub.bf16 v6, v0;
	v6 =	vld [tilespmem:s6+$0xA590]  }
0x1c8: {  	[tilespmem:s6+$0x19550] =	vst v2;
	v2 =	vld [tilespmem:s6+$0x11D90]  }
0x1c9: {  	v0 =	vand.u32 $0x7FFF7FFF, v0;
	v3 =	vsub.bf16 v4, v3;
	v4 =	vld [tilespmem:s6+$0xA5A0]  }
0x1ca: {  	[tilespmem:s6+$0x19560] =	vst v0;
	v0 =	vld [tilespmem:s6+$0x11DA0]  }
0x1cb: {  	v3 =	vand.u32 $0x7FFF7FFF, v3;
	v1 =	vsub.bf16 v5, v1;
	v5 =	vld [tilespmem:s6+$0xA5B0]  }
0x1cc: {  	[tilespmem:s6+$0x19570] =	vst v3;
	v7 =	vld [tilespmem:s6+$0x11DB0]  }
0x1cd: {  	v1 =	vand.u32 $0x7FFF7FFF, v1;
	v2 =	vsub.bf16 v6, v2;
	v8 =	vld [tilespmem:s6+$0xA5C0]  }
0x1ce: {  	[tilespmem:s6+$0x19580] =	vst v1;
	v9 =	vld [tilespmem:s6+$0x11DC0]  }
.Ltmp3:
0x1cf: {  	v1 =	vand.u32 $0x7FFF7FFF, v2;
	v2 =	vsub.bf16 v4, v0;
	v0 =	vld [tilespmem:s6+$0xA5D0];
	(pc) =	sbr.rel @p1 .LBB2_9-.Ltmp3, $4  }
0x1d0: {  	[tilespmem:s6+$0x19590] =	vst v1;
	v3 =	vld [tilespmem:s6+$0x11DD0]  }
0x1d1: {  	v2 =	vand.u32 $0x7FFF7FFF, v2;
	v5 =	vsub.bf16 v5, v7;
	v1 =	vld [tilespmem:s6+$0xA5E0]  }
0x1d2: {  	s10 =	sshra.s32 s11, $0x2;
	[tilespmem:s6+$0x195A0] =	vst v2;
	v4 =	vld [tilespmem:s6+$0x11DE0]  }
0x1d3: {  	s11 =	sadd.s32 $0x400, s11;
	v2 =	vld [tilespmem:s10+$0xA5F0];
	v6 =	vand.u32 $0x7FFF7FFF, v5;
	v5 =	vsub.bf16 v8, v9  }
0x1d4: {  	v7 =	vld [tilespmem:s10+$0x11DF0];
	[tilespmem:s6+$0x195B0] =	vst v6  }
0x1d5: {  	v6 =	vld [tilespmem:s10+$0xA500];
	v5 =	vand.u32 $0x7FFF7FFF, v5;
	v0 =	vsub.bf16 v0, v3  }
0x1d6: {  	v8 =	vld [tilespmem:s10+$0x11D00];
	[tilespmem:s6+$0x195C0] =	vst v5  }
0x1d7: {  	v36 =	vld [tilespmem:s10+$0xA510];
	v0 =	vand.u32 $0x7FFF7FFF, v0;
	v1 =	vsub.bf16 v1, v4  }
0x1d8: {  	v5 =	vld [tilespmem:s10+$0x11D10];
	[tilespmem:s6+$0x195D0] =	vst v0  }
0x1d9: {  	v0 =	vld [tilespmem:s10+$0xA520];
	v1 =	vand.u32 $0x7FFF7FFF, v1  }
0x1da: {  	v37 =	vld [tilespmem:s10+$0x11D20];
	[tilespmem:s6+$0x195E0] =	vst v1  }
0x1db: {  	v1 =	vld [tilespmem:s10+$0xA530]  }
0x1dc: {  	v38 =	vld [tilespmem:s10+$0x11D30]  }
0x1dd: {  	v40 =	vld [tilespmem:s10+$0xA540]  }
0x1de: {  	v41 =	vld [tilespmem:s10+$0x11D40]  }
0x1df: {  	v42 =	vld [tilespmem:s10+$0xA550]  }
0x1e0: {  	v43 =	vld [tilespmem:s10+$0x11D50]  }
0x1e1: {  	v44 =	vld [tilespmem:s10+$0xA560]  }
0x1e2: {  	v45 =	vld [tilespmem:s10+$0x11D60]  }
0x1e3: {  	v46 =	vld [tilespmem:s10+$0xA570]  }
0x1e4: {  	v47 =	vld [tilespmem:s10+$0x11D70]  }
0x1e5: {  	v48 =	vld [tilespmem:s10+$0xA580]  }
0x1e6: {  	v49 =	vld [tilespmem:s10+$0x11D80]  }
0x1e7: {  	v50 =	vld [tilespmem:s10+$0xA590]  }
0x1e8: {  	v2 =	vsub.bf16 v2, v7;
	v51 =	vld [tilespmem:s10+$0x11D90]  }
0x1e9: {  	v6 =	vsub.bf16 v6, v8;
	v52 =	vld [tilespmem:s10+$0xA5A0]  }
0x1ea: {  	v2 =	vand.u32 $0x7FFF7FFF, v2;
	v53 =	vld [tilespmem:s10+$0x11DA0];
	v3 =	vsub.bf16 v36, v5  }
0x1eb: {  	v54 =	vld [tilespmem:s10+$0xA5B0];
	[tilespmem:s10+$0x195F0] =	vst v2;
	v39 =	vand.u32 $0x7FFF7FFF, v6;
	v0 =	vsub.bf16 v0, v37  }
0x1ec: {  	v55 =	vld [tilespmem:s10+$0x11DB0];
	[tilespmem:s10+$0x19500] =	vst v39;
	v3 =	vand.u32 $0x7FFF7FFF, v3;
	v1 =	vsub.bf16 v1, v38  }
0x1ed: {  	v56 =	vld [tilespmem:s10+$0xA5C0];
	[tilespmem:s10+$0x19510] =	vst v3;
	v0 =	vand.u32 $0x7FFF7FFF, v0;
	v2 =	vsub.bf16 v40, v41  }
0x1ee: {  	v57 =	vld [tilespmem:s10+$0x11DC0];
	v3 =	vsub.bf16 v42, v43;
	[tilespmem:s10+$0x19520] =	vst v0;
	v1 =	vand.u32 $0x7FFF7FFF, v1  }
0x1ef: {  	v58 =	vld [tilespmem:s10+$0xA5D0];
	v0 =	vsub.bf16 v44, v45;
	v2 =	vand.u32 $0x7FFF7FFF, v2;
	[tilespmem:s10+$0x19530] =	vst v1  }
0x1f0: {  	v59 =	vld [tilespmem:s10+$0x11DD0];
	v3 =	vand.u32 $0x7FFF7FFF, v3;
	[tilespmem:s10+$0x19540] =	vst v2;
	v1 =	vsub.bf16 v46, v47  }
0x1f1: {  	v60 =	vld [tilespmem:s10+$0xA5E0];
	[tilespmem:s10+$0x19550] =	vst v3;
	v0 =	vand.u32 $0x7FFF7FFF, v0;
	v2 =	vsub.bf16 v48, v49  }
0x1f2: {  	v61 =	vld [tilespmem:s10+$0x11DE0];
	v3 =	vsub.bf16 v50, v51;
	[tilespmem:s10+$0x19560] =	vst v0;
	v1 =	vand.u32 $0x7FFF7FFF, v1  }
0x1f3: {  	v0 =	vsub.bf16 v52, v53;
	v2 =	vand.u32 $0x7FFF7FFF, v2;
	[tilespmem:s10+$0x19570] =	vst v1  }
0x1f4: {  	v3 =	vand.u32 $0x7FFF7FFF, v3;
	[tilespmem:s10+$0x19580] =	vst v2;
	v1 =	vsub.bf16 v54, v55  }
0x1f5: {  	[tilespmem:s10+$0x19590] =	vst v3;
	v0 =	vand.u32 $0x7FFF7FFF, v0;
	v2 =	vsub.bf16 v56, v57  }
0x1f6: {  	v3 =	vsub.bf16 v58, v59;
	[tilespmem:s10+$0x195A0] =	vst v0;
	v1 =	vand.u32 $0x7FFF7FFF, v1  }
0x1f7: {  	v0 =	vsub.bf16 v60, v61;
	v62 =	vand.u32 $0x7FFF7FFF, v2;
	[tilespmem:s10+$0x195B0] =	vst v1  }
0x1f8: {  	v63 =	vand.u32 $0x7FFF7FFF, v3;
	[tilespmem:s10+$0x195C0] =	vst v62  }
0x1f9: {  	[tilespmem:s10+$0x195D0] =	vst v63;
	v0 =	vand.u32 $0x7FFF7FFF, v0  }
0x1fa: {  	s11 =	simm.s32 @!p0 $0xA500;
	s6 =	sadd.s32 @!p0 $0x690, s25;
	[tilespmem:s10+$0x195E0] =	vst v0;
	s10 =	simm.s32 @!p0 $0x78  }
0x1fb: {  	[tilespmem:s11], [sflag:$0x5] =	stream.indirect.gather @!p0 [hbm4b:s3+s10], $0x40, s6, s10, $0xb8;
	[tilespmem:$0x1B300] =	vst v63  }
0x1fc: {  	s24 =	sadd.s32 $0x1, s24;
	s6 =	sadd.s32 @!p0 $0x708, s25;
	s11 =	simm.s32 @!p0 $0x11D00  }
0x1fd: {  	[tilespmem:s11], [sflag:$0x9] =	stream.indirect.gather @!p0 [hbm4b:s3+s10], $0x40, s6, s10, $0xb8;
	[tilespmem:$0x1B300] =	vst v63  }
0x1fe: {  	p0 =	sne.s32 s24, $0x14  }
.Ltmp4:
0x1ff: {  	s26 =	sadd.s32 s9, s26;
	(pc) =	sbr.rel @p0 .LBB2_2-.Ltmp4, $4  }
0x200: {  	s6 =	sshll.u32 s26, $0x3  }
0x201: {  	s6 =	sand.u32 $0x1FFFFF40, s6  }
0x202: {  	s6 =	sadd.s32 s5, s6  }
0x203: {  	[hbm4b:s6+s2] =	stream.linear.scatter [tilespmem:s18], [sflag:$0xD], $0x1E00, $0x38;
	[tilespmem:$0x1B300] =	vst v63  }
0x204: {  	_ =	swait.ge [sflag:s19], $0x1E00  }
0x205: {  	[sflag:s19] =	ssyncset.done $0x0  }
0x206: {  	[sflag:s19] =	ssyncadd.s32 $0xFFFFE200  }
0x207: {  	_ =	swait.ge [sflag:s20], $0x1E00  }
0x208: {  	[sflag:s20] =	ssyncset.done $0x0  }
0x209: {  	[sflag:s20] =	ssyncadd.s32 $0xFFFFE200  }
0x20a: {  	_ =	swait.ge [sflag:s21], $0x1E00  }
0x20b: {  	[sflag:s21] =	ssyncset.done $0x0  }
0x20c: {  	[sflag:s21] =	ssyncadd.s32 $0xFFFFE200  }
0x20d: {  	_ =	swait.ge [sflag:s22], $0x1E00  }
0x20e: {  	s23 =	sadd.s32 $0x1, s23;
	s6 =	rddreg [dreg:$0x3]  }
0x20f: {  	p0 =	sne.s32 s23, s6  }
.Ltmp5:
0x210: {  	_ = 	snop;
	(pc) =	sbr.rel @p0 .LBB2_1-.Ltmp5, $3  }
0x211: {  	_ =	sdelay $0x1  }
0x212: {  	[sflag:s22] =	ssyncset.done $0x0  }
0x213: {  	[sflag:s22] =	ssyncadd.s32 $0xFFFFE200  }
0x214: {  	_ =	sfence.sel $0x180000  }
0x215: {  	[bflag:$0x0] =	sbarrier.arrive $0xFFFF  }
0x216: {  	_ =	strace $0x9000004A  }
0x217: {  	s0 =	stileid.u32;
	[bflag:$0x2] =	sbarrier.arrive $0xFFFF  }
0x218: {  	p0 =	sne.s32 s0, $0x0;
	s0 =	rddreg [dreg:$0x1]  }
0x219: {  	s0 =	sadd.s32 @!p0 $0x100000, s0  }
0x21a: {  	[sflag:s0] =	ssyncadd.tile.s32 @!p0 $0x1;
	_ =	shalt  }
.Lfunc_end2:
_tile_overlayer_lowered:
.L_overlay_start_2:
0x21b: {  	(tag) =	ssettag $0x2  }
0x21c: {  	s0 =	rddreg [dreg:$0x0];
	s2 =	stileid.u32  }
0x21d: {  	s1 =	rddreg [dreg:$0x1];
	p0 =	sne.s32 s2, $0x0  }
0x21e: {  	s3 =	rddreg [dreg:$0x2];
	[bflag:$0x3] =	sbarrier.arrive $0xFFFF;
	s2 =	simm.s32 @!p0 $0x1C0E  }
0x21f: {  	[timem:s3], [sflag:s2] =	dma.local @!p0 [hbm:s0], s1  }
0x220: {  	s0 =	simm.s32 @!p0 $0xE  }
0x221: {  	_ =	swait.ge @!p0 [sflag:s0], s1  }
0x222: {  	s1 =	ssub.s32 @!p0 $0x0, s1;
	[sflag:s0] =	ssyncset.done @!p0 $0x0  }
0x223: {  	[sflag:s0] =	ssyncadd.s32 @!p0 s1  }
0x224: {  	[bflag:$0x3] =	sbarrier.arrive $0xFFFF  }
0x225: {  	_ =	shalt  }

// kernel: kernel.7.cloned.1.call-start
scs
__scs_entry_jumppad:
0x0: {  	(pc) =	sbr.rel $0x88, $3  }
0x1: {  	(tag) =	ssettag $0x0;
	lr =	simm.s32 $0x1  }
0x2: {  	[smem:$0x3F93] =	sst lr;
	_ =	strace $0xD0000000  }
0x3: {  	_ = 	snop  }
0x4: {  	_ = 	snop  }
0x5: {  	_ = 	snop  }
0x6: {  	_ = 	snop  }
0x7: {  	_ = 	snop  }
__scs_overlays_trampoline_lowered:
0x8: {  	[smem:$0x3FA2] =	sst s0  }
0x9: {  	[smem:$0x3FA3] =	sst s1  }
0xa: {  	[smem:$0x3FA4] =	sst s2  }
0xb: {  	[smem:$0x3FA5] =	sst s3  }
0xc: {  	[smem:$0x3FA6] =	sst s4  }
0xd: {  	[smem:$0x3FA7] =	sst s5  }
0xe: {  	[smem:$0x3FA8] =	sst s6  }
0xf: {  	[smem:$0x3FA9] =	sst s7  }
0x10: {  	[smem:$0x3FAA] =	sst s8  }
0x11: {  	[smem:$0x3FAB] =	sst s9;
	s0 =	simm.s32 @!p0 $0x0  }
0x12: {  	s1 =	sld [smem:$0x3F91];
	s0 =	simm.s32 @p0 $0x1  }
0x13: {  	[smem:$0x3FAC] =	sst s0;
	s0 =	simm.s32 @!p1 $0x0  }
0x14: {  	s2 =	sld [smem:$0x3F90];
	s0 =	simm.s32 @p1 $0x1  }
0x15: {  	[smem:$0x3FAD] =	sst s0;
	s0 =	simm.s32 @!p2 $0x0  }
0x16: {  	s3 =	sld [smem:$0x3FDB];
	s0 =	simm.s32 @p2 $0x1  }
0x17: {  	s4 =	simm.s32 $0x1BF5;
	[smem:$0x3FAF] =	sst s0  }
0x18: {  	s0 =	sld [smem:$0x3F92];
	_ =	swait.ge [sflag:s4], $0x0  }
0x19: {  	s7 =	sld [smem:$0x3F93]  }
0x1a: {  	s8 =	sadd.s32 $0xFFFFE003, lr  }
0x1b: {  	s9 =	sadd.s32 $0xFFFFFEF7, lr;
	s5 =	simm.s32 $0xFFFFFFFF;
	p2 =	slt.u32 s8, $0xFFFFF086  }
0x1c: {  	p1 =	slt.u32 s9, $0xF7A;
	s5 =	simm.s32 @!p2 $0x0  }
0x1d: {  	s5 =	simm.s32 @p1 $0x1;
	p0 =	seq.s32 s7, s2  }
0x1e: {  	s7 =	smul.u32 @!p0 $0xF7A, s2;
	p2 =	seq.s32 @!p0 s5, $0x0  }
0x1f: {  	s9 =	smul.u32 $0xF7A, s1;
	s8 =	simm.s32 @!p0 $0x1BF5;
	p2 =	por !p2, p0  }
0x20: {  	[sflag:s8] =	ssyncset.s32 @!p0 $0xFFFFF086;
	s6 =	sadd.s32 @!p0 s3, s7;
	s7 =	simm.s32 @!p0 $0x108  }
0x21: {  	s3 =	sadd.s32 s3, s9;
	s6 =	sadd.s32 @!p0 $0x88, s6;
	s7 =	simm.s32 @p2 $0x1082  }
0x22: {  	[simem:s7], [sflag:s8] =	dma.local @!p0 [hbm:s6], $0xF7A  }
0x23: {  	s9 =	sor.u32 $0xD0000000, s2;
	s6 =	simm.s32 $0x108;
	_ =	swait.ge @!p0 [sflag:s8], $0x0  }
0x24: {  	s3 =	sadd.s32 $0x88, s3;
	s6 =	simm.s32 @!p1 $0x1082;
	[sflag:s4] =	ssyncset.s32 $0xFFFFF086  }
0x25: {  	[simem:s6], [sflag:s4] =	dma.local [hbm:s3], $0xF7A  }
0x26: {  	[smem:$0x3F93] =	sst s1;
	(tag) =	ssettag s2;
	_ =	strace s9  }
0x27: {  	s1 =	sld [smem:$0x3FA3]  }
0x28: {  	s2 =	sld [smem:$0x3FA4]  }
0x29: {  	s4 =	sld [smem:$0x3FA6]  }
0x2a: {  	p0 =	seq.s32 s5, $0x0;
	s5 =	sld [smem:$0x3FA7]  }
0x2b: {  	s6 =	sld [smem:$0x3FA8]  }
0x2c: {  	s7 =	sld [smem:$0x3FA9]  }
0x2d: {  	s3 =	simm.s32 $0x108;
	s8 =	sld [smem:$0x3FAA]  }
0x2e: {  	s3 =	simm.s32 @!p0 $0x1082;
	s9 =	sld [smem:$0x3FAB]  }
0x2f: {  	lr =	sadd.s32 s0, s3;
	s0 =	sld [smem:$0x3FA2]  }
0x30: {  	s3 =	sld [smem:$0x3FA5]  }
0x31: {  	[smem:$0x3FAE] =	sst s10  }
0x32: {  	s10 =	sld [smem:$0x3FAC];
	_ =	sdelay $0x3  }
0x33: {  	p0 =	seq.s32 s10, $0x1;
	s10 =	sld [smem:$0x3FAE];
	_ =	sdelay $0x3  }
0x34: {  	[smem:$0x3FAE] =	sst s10  }
0x35: {  	s10 =	sld [smem:$0x3FAD];
	_ =	sdelay $0x3  }
0x36: {  	p1 =	seq.s32 s10, $0x1;
	s10 =	sld [smem:$0x3FAE];
	_ =	sdelay $0x3  }
0x37: {  	[smem:$0x3FAE] =	sst s10  }
0x38: {  	s10 =	sld [smem:$0x3FAF]  }
0x39: {  	_ = 	snop;
	(pc) =	sbr.ind lr, $3  }
0x3a: {  	_ = 	snop  }
0x3b: {  	_ = 	snop  }
0x3c: {  	p2 =	seq.s32 s10, $0x1;
	s10 =	sld [smem:$0x3FAE]  }
0x3d: {  	_ =	shalt  }
0x3e: {  	_ =	shalt  }
0x3f: {  	_ =	shalt  }
0x40: {  	_ =	shalt  }
0x41: {  	_ =	shalt  }
0x42: {  	_ =	shalt  }
0x43: {  	_ =	shalt  }
0x44: {  	_ =	shalt  }
0x45: {  	_ =	shalt  }
0x46: {  	_ =	shalt  }
0x47: {  	_ =	shalt  }
0x48: {  	_ =	shalt  }
0x49: {  	_ =	shalt  }
0x4a: {  	_ =	shalt  }
0x4b: {  	_ =	shalt  }
0x4c: {  	_ =	shalt  }
0x4d: {  	_ =	shalt  }
0x4e: {  	_ =	shalt  }
0x4f: {  	_ =	shalt  }
0x50: {  	_ =	shalt  }
0x51: {  	_ =	shalt  }
0x52: {  	_ =	shalt  }
0x53: {  	_ =	shalt  }
0x54: {  	_ =	shalt  }
0x55: {  	_ =	shalt  }
0x56: {  	_ =	shalt  }
0x57: {  	_ =	shalt  }
0x58: {  	_ =	shalt  }
0x59: {  	_ =	shalt  }
0x5a: {  	_ =	shalt  }
0x5b: {  	_ =	shalt  }
0x5c: {  	_ =	shalt  }
0x5d: {  	_ =	shalt  }
0x5e: {  	_ =	shalt  }
0x5f: {  	_ =	shalt  }
0x60: {  	_ =	shalt  }
0x61: {  	_ =	shalt  }
0x62: {  	_ =	shalt  }
0x63: {  	_ =	shalt  }
0x64: {  	_ =	shalt  }
0x65: {  	_ =	shalt  }
0x66: {  	_ =	shalt  }
0x67: {  	_ =	shalt  }
0x68: {  	_ =	shalt  }
0x69: {  	_ =	shalt  }
0x6a: {  	_ =	shalt  }
0x6b: {  	_ =	shalt  }
0x6c: {  	_ =	shalt  }
0x6d: {  	_ =	shalt  }
0x6e: {  	_ =	shalt  }
0x6f: {  	_ =	shalt  }
0x70: {  	_ =	shalt  }
0x71: {  	_ =	shalt  }
0x72: {  	_ =	shalt  }
0x73: {  	_ =	shalt  }
0x74: {  	_ =	shalt  }
0x75: {  	_ =	shalt  }
0x76: {  	_ =	shalt  }
0x77: {  	_ =	shalt  }
0x78: {  	_ =	shalt  }
0x79: {  	_ =	shalt  }
0x7a: {  	_ =	shalt  }
0x7b: {  	_ =	shalt  }
0x7c: {  	_ =	shalt  }
0x7d: {  	_ =	shalt  }
0x7e: {  	_ =	shalt  }
0x7f: {  	_ =	shalt  }
0x80: {  	_ =	shalt  }
0x81: {  	_ =	shalt  }
0x82: {  	_ =	shalt  }
0x83: {  	_ =	shalt  }
0x84: {  	_ =	shalt  }
0x85: {  	_ =	shalt  }
0x86: {  	_ =	shalt  }
0x87: {  	_ =	shalt  }
.Lfunc_end0:
.L_simem_size_0:
called_computation_lowered:
.L_overlay_start_0:
0x88: {  	s2 =	sld [smem:$0x3FD9]  }
0x89: {  	s3 =	sld [smem:$0x3FFE];
	_ =	sdelay $0x1  }
0x8a: {  	s1 =	srdreg.scid  }
0x8b: {  	s0 =	sand.u32 $0x1, s1  }
0x8c: {  	s16 =	sshll.u32 s0, $0xA;
	s2 =	sadd.s32 s3, s2  }
0x8d: {  	s2 =	sadd.s32 s2, s16  }
0x8e: {  	[smem:$0x3FBA] =	sst s2  }
0x8f: {  	_ = 	snop  }
0x90: {  	(tm) =	ssettm $0x1  }
0x91: {  	s17 =	sld [smem:$0x3FFB];
	_ =	sdelay $0x3  }
0x92: {  	_ =	strace s17  }
0x93: {  	s2 =	sld [smem:$0x3FFC];
	_ =	sdelay $0x3  }
0x94: {  	_ =	strace s2  }
0x95: {  	s2 =	sld [smem:$0x3FFD];
	_ =	sdelay $0x3  }
0x96: {  	_ =	strace s2  }
0x97: {  	_ =	strace $0x8FFFFFFF  }
0x98: {  	s18 =	sld [smem:$0x3FDB];
	_ =	sdelay $0x1  }
0x99: {  	s19 =	simm.s32 $_scs_section_size  }
0x9a: {  	s4 =	simm.s32 $_size__tile_overlayer_lowered;
	s5 =	simm.s32 $_tile_overlayer_lowered  }
0x9b: {  	s22 =	simm.s32 $0x1BFF;
	s21 =	sshll.u32 s5, $0x1;
	s2 =	sadd.s32 s19, s18  }
0x9c: {  	s6 =	simm.s32 $0x0;
	s20 =	sshll.u32 s4, $0x1;
	s4 =	sadd.s32 s21, s2  }
0x9d: {  	[timem:s6], [sflag:s22] =	dma.local [hbm:s4], s20  }
0x9e: {  	_ =	swait.ge [sflag:s22], s20  }
0x9f: {  	s3 =	ssub.s32 $0x0, s20;
	[sflag:s22] =	ssyncset.done $0x0  }
0xa0: {  	[sflag:s22] =	ssyncadd.s32 s3;
	_ =	sdelay $0x1  }
0xa1: {  	s23 =	simm.s32 $0x1B8B  }
0xa2: {  	_ =	swait.ge [sflag:s23], $0x1  }
0xa3: {  	[sflag:s23] =	ssyncset.done $0x0  }
0xa4: {  	s25 =	simm.s32 $0x1B8E;
	s24 =	sld [smem:$0x3FFE];
	[sflag:s23] =	ssyncadd.s32 $0xFFFFFFFF  }
0xa5: {  	s26 =	simm.s32 $execute0_lowered;
	[smem:$0x3FD2] =	sst s25  }
0xa6: {  	s4 =	sshll.u32 s26, $0x1;
	_ =	strace $0x80000046;
	[dreg:$0x1] =	wrdreg $0xFFFFFFFF  }
0xa7: {  	s28 =	simm.s32 $_size_execute0_lowered;
	s2 =	sadd.s32 s2, s4;
	[dreg:$0x0] =	wrdreg $0x0  }
0xa8: {  	s4 =	sshll.u32 s28, $0x1;
	[dreg:$0x2] =	wrdreg s2  }
0xa9: {  	[dreg:$0x3] =	wrdreg s4  }
0xaa: {  	[dreg:$0x4] =	wrdreg $0xC0  }
0xab: {  	_ =	task [dreg:s6], $0x5FFFF  }
0xac: {  	[dreg:$0x1] =	wrdreg $0xFFFFFFFF  }
0xad: {  	[dreg:$0x0] =	wrdreg $0x60  }
0xae: {  	[dreg:$0x2] =	wrdreg s24  }
0xaf: {  	[dreg:$0x3] =	wrdreg $0xC4400  }
0xb0: {  	[dreg:$0x4] =	wrdreg $0x9  }
0xb1: {  	_ =	task.clear_ibuf [dreg:s6], $0x5FFFF;
	_ =	strace $0x90000046  }
0xb2: {  	s29 =	simm.s32 $0x9;
	_ =	strace $0x80000048  }
0xb3: {  	_ =	swait.ge [sflag:s29], $0x1  }
0xb4: {  	[sflag:s29] =	ssyncadd.s32 $0xFFFFFFFF  }
0xb5: {  	_ =	strace $0x90000048  }
0xb6: {  	_ =	sfence  }
0xb7: {  	s30 =	sld [smem:$0x0];
	_ =	sdelay $0x2  }
0xb8: {  	s31 =	sshll.u32 s1, $0xD;
	s1 =	sshrl.u32 s1, $0x2  }
0xb9: {  	s3 =	sand.u32 $0x4000, s31;
	s1 =	sadd.s32 s1, s30  }
0xba: {  	s0 =	sor.u32 s3, s0;
	s1 =	sshll.u32 s1, $0x11  }
0xbb: {  	s0 =	sor.u32 s1, s0  }
0xbc: {  	s0 =	sadd.s32 $0x8F2B, s0  }
0xbd: {  	[sflag:s0] =	ssyncadd.remote.s32 $0x1  }
0xbe: {  	_ =	sfence.sel $0xFFFF  }
0xbf: {  	[dreg:$0x0] =	wrdreg $0xFFFFFFFF;
	(pc) =	sbr.abs _section_cstart, $3  }
0xc0: {  	[dreg:$0x1] =	wrdreg $0xFFFFFFFF  }
0xc1: {  	_ =	task.clear_ibuf [dreg:s6], $0x2FFFF;
	_ =	strace $0x9FFFFFFF  }
0xc2: {  	(tm) =	ssettm $0x7FFFFFFF  }
0xc3: {  	_ =	shalt  }
tec
execute0_lowered:
.L_overlay_start_1:
0x0: {  	(tag) =	ssettag $0x1  }
0x1: {  	s0 =	rddreg [dreg:$0x0]  }
0x2: {  	s1 =	rddreg [dreg:$0x1]  }
0x3: {  	s2 =	srdreg.scid;
	s3 =	simm.s32 $0x0;
	s7 =	stileid.u32  }
0x4: {  	s29 =	simm.s32 $0xB040;
	s30 =	simm.s32 $0x2;
	s5 =	smul.u32 $0x1388, s7  }
0x5: {  	s31 =	simm.s32 $0x4;
	s2 =	sand.u32 $0x1, s2;
	s13 =	smul.u32 $0xA000, s7  }
0x6: {  	s28 =	simm.s32 $0x5;
	[smem:$0x7FF] =	sst s3;
	s4 =	smul.u32 $0x13880, s2  }
0x7: {  	_ =	strace $0x80000047;
	s6 =	ssub.s32 $0x2, s2;
	s2 =	smul.u32 $0xA0000, s2  }
0x8: {  	s5 =	sadd.s32 s5, s0;
	s25 =	sshrl.u32 s6, $0x1;
	s15 =	sor.u32 $0x1400, s13  }
0x9: {  	s16 =	sadd.s32 $0x2800, s13;
	s17 =	sadd.s32 $0x3C00, s13;
	s18 =	sadd.s32 $0x5000, s13  }
0xa: {  	s19 =	sadd.s32 $0x6400, s13;
	s20 =	sadd.s32 $0x7800, s13;
	s21 =	sadd.s32 $0x8C00, s13  }
0xb: {  	s4 =	sadd.s32 s4, s0;
	s0 =	sadd.s32 $0x3B000, s0;
	s14 =	ssub.s32 s6, s25  }
0xc: {  	s5 =	sadd.s32 $0x400, s5;
	s6 =	sadd.s32 s15, s1;
	s7 =	sadd.s32 s16, s1  }
0xd: {  	s8 =	sadd.s32 s17, s1;
	s9 =	sadd.s32 s18, s1;
	s10 =	sadd.s32 s19, s1  }
0xe: {  	s11 =	sadd.s32 s20, s1;
	s12 =	sadd.s32 s21, s1;
	s22 =	sadd.s32 s13, s2  }
0xf: {  	s15 =	sadd.s32 s2, s15;
	s16 =	sadd.s32 s2, s16;
	s17 =	sadd.s32 s2, s17  }
0x10: {  	s18 =	sadd.s32 s2, s18;
	s24 =	sadd.s32 s2, s19;
	s25 =	sadd.s32 s2, s20  }
0x11: {  	s2 =	sadd.s32 s2, s21;
	[dreg:$0x3] =	wrdreg s5;
	s5 =	sadd.s32 s13, s1  }
0x12: {  	s13 =	sadd.s32 $0x13E00, s4;
	s26 =	sshrl.u32 s22, $0x3;
	s15 =	sshrl.u32 s15, $0x3  }
0x13: {  	s22 =	sshrl.u32 s17, $0x3;
	s23 =	sshrl.u32 s18, $0x3;
	s2 =	sshrl.u32 s2, $0x3  }
0x14: {  	s4 =	sadd.s32 s0, s26;
	s15 =	sadd.s32 s0, s15;
	s17 =	sadd.s32 s0, s22  }
0x15: {  	s18 =	sadd.s32 s0, s23;
	s26 =	sshrl.u32 s25, $0x3;
	s21 =	sadd.s32 s0, s2  }
0x16: {  	s22 =	smax.u32 s14, $0x1;
	s23 =	simm.s32 $0x9C40;
	s25 =	simm.s32 $0x1  }
0x17: {  	s2 =	simm.s32 $0x0;
	[dreg:$0x4] =	wrdreg s4;
	s4 =	sshrl.u32 s16, $0x3  }
0x18: {  	[dreg:$0x5] =	wrdreg s15;
	s20 =	sadd.s32 s0, s26;
	s4 =	sadd.s32 s0, s4  }
0x19: {  	s26 =	simm.s32 $0x50;
	[dreg:$0x6] =	wrdreg s4;
	s4 =	sshrl.u32 s24, $0x3  }
0x1a: {  	v0 =	vimm.f32 $0.0e+00;
	s24 =	simm.s32 $0x6;
	s19 =	sadd.s32 s0, s4;
	s0 =	simm.s32 $0x3  }
.LBB2_1:
0x1b: {  	s4 =	rddreg [dreg:$0x3]  }
0x1c: {  	[tilespmem:s3], [sflag:$0x1] =	stream.linear.gather [hbm4b:s4+s3], $0x9C40, $0x38;
	[tilespmem:$0x16440] =	vst v63  }
0x1d: {  	s14 =	simm.s32 $0x800;
	s4 =	simm.s32 $0x0  }
.LBB2_2:
0x1e: {  	p0 =	sne.s32 s14, $0x4800;
	[tilespmem:s4+$0x9E30] =	vst v0  }
0x1f: {  	[tilespmem:s4+$0x9C40] =	vst v0  }
0x20: {  	[tilespmem:s4+$0x9C50] =	vst v0  }
0x21: {  	[tilespmem:s4+$0x9C60] =	vst v0  }
0x22: {  	[tilespmem:s4+$0x9C70] =	vst v0  }
0x23: {  	[tilespmem:s4+$0x9C80] =	vst v0  }
0x24: {  	[tilespmem:s4+$0x9C90] =	vst v0  }
0x25: {  	[tilespmem:s4+$0x9CA0] =	vst v0  }
0x26: {  	[tilespmem:s4+$0x9CB0] =	vst v0  }
0x27: {  	[tilespmem:s4+$0x9CC0] =	vst v0  }
0x28: {  	[tilespmem:s4+$0x9CD0] =	vst v0  }
0x29: {  	[tilespmem:s4+$0x9CE0] =	vst v0  }
0x2a: {  	[tilespmem:s4+$0x9CF0] =	vst v0  }
0x2b: {  	[tilespmem:s4+$0x9D00] =	vst v0  }
0x2c: {  	[tilespmem:s4+$0x9D10] =	vst v0  }
0x2d: {  	[tilespmem:s4+$0x9D20] =	vst v0  }
0x2e: {  	[tilespmem:s4+$0x9D30] =	vst v0  }
0x2f: {  	[tilespmem:s4+$0x9D40] =	vst v0  }
0x30: {  	[tilespmem:s4+$0x9D50] =	vst v0  }
0x31: {  	[tilespmem:s4+$0x9D60] =	vst v0  }
0x32: {  	[tilespmem:s4+$0x9D70] =	vst v0  }
0x33: {  	[tilespmem:s4+$0x9D80] =	vst v0  }
0x34: {  	[tilespmem:s4+$0x9D90] =	vst v0  }
0x35: {  	[tilespmem:s4+$0x9DA0] =	vst v0  }
0x36: {  	[tilespmem:s4+$0x9DB0] =	vst v0  }
0x37: {  	[tilespmem:s4+$0x9DC0] =	vst v0  }
0x38: {  	[tilespmem:s4+$0x9DD0] =	vst v0  }
.Ltmp0:
0x39: {  	[tilespmem:s4+$0x9DE0] =	vst v0;
	(pc) =	sbr.rel @p0 .LBB2_2-.Ltmp0, $4  }
0x3a: {  	[tilespmem:s4+$0x9DF0] =	vst v0  }
0x3b: {  	[tilespmem:s4+$0x9E00] =	vst v0  }
0x3c: {  	[tilespmem:s4+$0x9E10] =	vst v0  }
0x3d: {  	[tilespmem:s4+$0x9E20] =	vst v0;
	s4 =	sshra.s32 s14, $0x2;
	s14 =	sadd.s32 $0x800, s14  }
0x3e: {  	[tilespmem:s4+$0x9E30] =	vst v0  }
0x3f: {  	[tilespmem:s4+$0x9C40] =	vst v0  }
0x40: {  	[tilespmem:s4+$0x9C50] =	vst v0  }
0x41: {  	[tilespmem:s4+$0x9C60] =	vst v0  }
0x42: {  	[tilespmem:s4+$0x9C70] =	vst v0  }
0x43: {  	[tilespmem:s4+$0x9C80] =	vst v0  }
0x44: {  	[tilespmem:s4+$0x9C90] =	vst v0  }
0x45: {  	[tilespmem:s4+$0x9CA0] =	vst v0  }
0x46: {  	[tilespmem:s4+$0x9CB0] =	vst v0  }
0x47: {  	[tilespmem:s4+$0x9CC0] =	vst v0  }
0x48: {  	[tilespmem:s4+$0x9CD0] =	vst v0  }
0x49: {  	[tilespmem:s4+$0x9CE0] =	vst v0  }
0x4a: {  	[tilespmem:s4+$0x9CF0] =	vst v0  }
0x4b: {  	[tilespmem:s4+$0x9D00] =	vst v0  }
0x4c: {  	[tilespmem:s4+$0x9D10] =	vst v0  }
0x4d: {  	[tilespmem:s4+$0x9D20] =	vst v0  }
0x4e: {  	[tilespmem:s4+$0x9D30] =	vst v0  }
0x4f: {  	[tilespmem:s4+$0x9D40] =	vst v0  }
0x50: {  	[tilespmem:s4+$0x9D50] =	vst v0  }
0x51: {  	[tilespmem:s4+$0x9D60] =	vst v0  }
0x52: {  	[tilespmem:s4+$0x9D70] =	vst v0  }
0x53: {  	[tilespmem:s4+$0x9D80] =	vst v0  }
0x54: {  	[tilespmem:s4+$0x9D90] =	vst v0  }
0x55: {  	[tilespmem:s4+$0x9DA0] =	vst v0  }
0x56: {  	[tilespmem:s4+$0x9DB0] =	vst v0  }
0x57: {  	[tilespmem:s4+$0x9DC0] =	vst v0  }
0x58: {  	[tilespmem:s4+$0x9DD0] =	vst v0  }
0x59: {  	[tilespmem:s4+$0x9DE0] =	vst v0  }
0x5a: {  	[tilespmem:s4+$0x9DF0] =	vst v0  }
0x5b: {  	[tilespmem:s4+$0x9E00] =	vst v0  }
0x5c: {  	[tilespmem:s4+$0x9E10] =	vst v0  }
0x5d: {  	[tilespmem:s4+$0x9E20] =	vst v0  }
0x5e: {  	[spmem:s5] =	stream.linear.scatter [tilespmem:s23], [sflag:$0x6], $0x1400, $0x38;
	[tilespmem:$0x16440] =	vst v63  }
0x5f: {  	_ =	swait.ge [sflag:s24], $0x1400  }
0x60: {  	[sflag:s24] =	ssyncset.done $0x0  }
0x61: {  	[sflag:s24] =	ssyncadd.s32 $0xFFFFEC00  }
0x62: {  	[spmem:s6] =	stream.linear.scatter [tilespmem:s23], [sflag:$0x6], $0x1400, $0x38;
	[tilespmem:$0x16440] =	vst v63  }
0x63: {  	_ =	swait.ge [sflag:s24], $0x1400  }
0x64: {  	[sflag:s24] =	ssyncset.done $0x0  }
0x65: {  	[sflag:s24] =	ssyncadd.s32 $0xFFFFEC00  }
0x66: {  	[spmem:s7] =	stream.linear.scatter [tilespmem:s23], [sflag:$0x6], $0x1400, $0x38;
	[tilespmem:$0x16440] =	vst v63  }
0x67: {  	_ =	swait.ge [sflag:s24], $0x1400  }
0x68: {  	[sflag:s24] =	ssyncset.done $0x0  }
0x69: {  	[sflag:s24] =	ssyncadd.s32 $0xFFFFEC00  }
0x6a: {  	[spmem:s8] =	stream.linear.scatter [tilespmem:s23], [sflag:$0x6], $0x1400, $0x38;
	[tilespmem:$0x16440] =	vst v63  }
0x6b: {  	_ =	swait.ge [sflag:s24], $0x1400  }
0x6c: {  	[sflag:s24] =	ssyncset.done $0x0  }
0x6d: {  	[sflag:s24] =	ssyncadd.s32 $0xFFFFEC00  }
0x6e: {  	[spmem:s9] =	stream.linear.scatter [tilespmem:s23], [sflag:$0x6], $0x1400, $0x38;
	[tilespmem:$0x16440] =	vst v63  }
0x6f: {  	_ =	swait.ge [sflag:s24], $0x1400  }
0x70: {  	[sflag:s24] =	ssyncset.done $0x0  }
0x71: {  	[sflag:s24] =	ssyncadd.s32 $0xFFFFEC00  }
0x72: {  	[spmem:s10] =	stream.linear.scatter [tilespmem:s23], [sflag:$0x6], $0x1400, $0x38;
	[tilespmem:$0x16440] =	vst v63  }
0x73: {  	_ =	swait.ge [sflag:s24], $0x1400  }
0x74: {  	[sflag:s24] =	ssyncset.done $0x0  }
0x75: {  	[sflag:s24] =	ssyncadd.s32 $0xFFFFEC00  }
0x76: {  	[spmem:s11] =	stream.linear.scatter [tilespmem:s23], [sflag:$0x6], $0x1400, $0x38;
	[tilespmem:$0x16440] =	vst v63  }
0x77: {  	_ =	swait.ge [sflag:s24], $0x1400  }
0x78: {  	[sflag:s24] =	ssyncset.done $0x0  }
0x79: {  	[sflag:s24] =	ssyncadd.s32 $0xFFFFEC00  }
0x7a: {  	[spmem:s12] =	stream.linear.scatter [tilespmem:s23], [sflag:$0x6], $0x1400, $0x38;
	[tilespmem:$0x16440] =	vst v63  }
0x7b: {  	_ =	swait.ge [sflag:s24], $0x1400  }
0x7c: {  	[sflag:s24] =	ssyncset.done $0x0  }
0x7d: {  	[sflag:s24] =	ssyncadd.s32 $0xFFFFEC00  }
0x7e: {  	_ =	swait.ge [sflag:s25], $0x9C40  }
0x7f: {  	[sflag:s25] =	ssyncset.done $0x0  }
0x80: {  	[sflag:s25] =	ssyncadd.s32 $0xFFFF63C0  }
0x81: {  	[bflag:$0x0] =	sbarrier.arrive $0xFFFF  }
0x82: {  	[tilespmem:s23], [sflag:$0x2] =	stream.indirect.gather [hbm4b:s13+s26], $0x40, s3, s26, $0xb8;
	[tilespmem:$0x16440] =	vst v63  }
0x83: {  	s15 =	simm.s32 $0xA0  }
0x84: {  	[tilespmem:s29], [sflag:$0x3] =	stream.indirect.gather [hbm4b:s13+s26], $0x40, s15, s26, $0xb8;
	[tilespmem:$0x16440] =	vst v63  }
0x85: {  	_ =	swait.ge [sflag:s30], $0x1400  }
0x86: {  	[sflag:s30] =	ssyncset.done $0x0  }
0x87: {  	[sflag:s30] =	ssyncadd.s32 $0xFFFFEC00  }
0x88: {  	[spmem:s1] =	stream.indirect.scatter.add.f32 [tilespmem:s23], [sflag:$0x4], $0x40, s26, s26, $0xb8;
	[tilespmem:$0x16440] =	vst v63  }
0x89: {  	s16 =	simm.s32 $0x140  }
0x8a: {  	[tilespmem:s23], [sflag:$0x2] =	stream.indirect.gather [hbm4b:s13+s26], $0x40, s16, s26, $0xb8;
	[tilespmem:$0x16440] =	vst v63  }
0x8b: {  	_ =	swait.ge [sflag:s0], $0x1400  }
0x8c: {  	[sflag:s0] =	ssyncset.done $0x0  }
0x8d: {  	s14 =	simm.s32 $0xF0;
	[sflag:s0] =	ssyncadd.s32 $0xFFFFEC00  }
0x8e: {  	[spmem:s1] =	stream.indirect.scatter.add.f32 [tilespmem:s29], [sflag:$0x5], $0x40, s14, s26, $0xb8;
	[tilespmem:$0x16440] =	vst v63  }
0x8f: {  	s15 =	simm.s32 $0x1E0  }
0x90: {  	[tilespmem:s29], [sflag:$0x3] =	stream.indirect.gather [hbm4b:s13+s26], $0x40, s15, s26, $0xb8;
	[tilespmem:$0x16440] =	vst v63  }
0x91: {  	_ =	swait.ge [sflag:s30], $0x1400  }
0x92: {  	[sflag:s30] =	ssyncset.done $0x0  }
0x93: {  	[sflag:s30] =	ssyncadd.s32 $0xFFFFEC00  }
0x94: {  	_ =	swait.ge [sflag:s31], $0x1400  }
0x95: {  	[sflag:s31] =	ssyncset.done $0x0  }
0x96: {  	s16 =	simm.s32 $0x190;
	[sflag:s31] =	ssyncadd.s32 $0xFFFFEC00  }
0x97: {  	[spmem:s1] =	stream.indirect.scatter.add.f32 [tilespmem:s23], [sflag:$0x4], $0x40, s16, s26, $0xb8;
	[tilespmem:$0x16440] =	vst v63  }
0x98: {  	s14 =	simm.s32 $0x280  }
0x99: {  	[tilespmem:s23], [sflag:$0x2] =	stream.indirect.gather [hbm4b:s13+s26], $0x40, s14, s26, $0xb8;
	[tilespmem:$0x16440] =	vst v63  }
0x9a: {  	_ =	swait.ge [sflag:s0], $0x1400  }
0x9b: {  	[sflag:s0] =	ssyncset.done $0x0  }
0x9c: {  	[sflag:s0] =	ssyncadd.s32 $0xFFFFEC00  }
0x9d: {  	_ =	swait.ge [sflag:s28], $0x1400  }
0x9e: {  	[sflag:s28] =	ssyncset.done $0x0  }
0x9f: {  	s15 =	simm.s32 $0x230;
	[sflag:s28] =	ssyncadd.s32 $0xFFFFEC00  }
0xa0: {  	[spmem:s1] =	stream.indirect.scatter.add.f32 [tilespmem:s29], [sflag:$0x5], $0x40, s15, s26, $0xb8;
	[tilespmem:$0x16440] =	vst v63  }
0xa1: {  	s16 =	simm.s32 $0x320  }
0xa2: {  	[tilespmem:s29], [sflag:$0x3] =	stream.indirect.gather [hbm4b:s13+s26], $0x40, s16, s26, $0xb8;
	[tilespmem:$0x16440] =	vst v63  }
0xa3: {  	_ =	swait.ge [sflag:s30], $0x1400  }
0xa4: {  	[sflag:s30] =	ssyncset.done $0x0  }
0xa5: {  	[sflag:s30] =	ssyncadd.s32 $0xFFFFEC00  }
0xa6: {  	_ =	swait.ge [sflag:s31], $0x1400  }
0xa7: {  	s4 =	simm.s32 $0xFFFDA300;
	[sflag:s31] =	ssyncset.done $0x0  }
0xa8: {  	s14 =	simm.s32 $0xFFFF6780;
	s15 =	simm.s32 $0x2D0;
	[sflag:s31] =	ssyncadd.s32 $0xFFFFEC00  }
.LBB2_4:
0xa9: {  	[spmem:s1] =	stream.indirect.scatter.add.f32 [tilespmem:s23], [sflag:$0x4], $0x40, s15, s26, $0xb8;
	[tilespmem:$0x16440] =	vst v63  }
0xaa: {  	s16 =	sshra.s32 s4, $0x2;
	s4 =	sadd.s32 $0x500, s4;
	s15 =	sadd.s32 $0x9C40, s14  }
0xab: {  	[tilespmem:s23], [sflag:$0x2] =	stream.indirect.gather [hbm4b:s13+s26], $0x40, s15, s26, $0xb8;
	[tilespmem:$0x16440] =	vst v63  }
0xac: {  	p0 =	sne.s32 s4, $0x0;
	_ =	swait.ge [sflag:s0], $0x1400  }
0xad: {  	[sflag:s0] =	ssyncset.done $0x0  }
0xae: {  	[sflag:s0] =	ssyncadd.s32 $0xFFFFEC00  }
0xaf: {  	_ =	swait.ge [sflag:s28], $0x1400  }
0xb0: {  	[sflag:s28] =	ssyncset.done $0x0  }
0xb1: {  	s15 =	sadd.s32 $0x9BF0, s14;
	[sflag:s28] =	ssyncadd.s32 $0xFFFFEC00  }
0xb2: {  	[spmem:s1] =	stream.indirect.scatter.add.f32 [tilespmem:s29], [sflag:$0x5], $0x40, s15, s26, $0xb8;
	[tilespmem:$0x16440] =	vst v63  }
0xb3: {  	s15 =	sadd.s32 $0x9CE0, s14  }
0xb4: {  	[tilespmem:s29], [sflag:$0x3] =	stream.indirect.gather [hbm4b:s13+s26], $0x40, s15, s26, $0xb8;
	[tilespmem:$0x16440] =	vst v63  }
0xb5: {  	_ =	swait.ge [sflag:s30], $0x1400  }
.Ltmp1:
0xb6: {  	[sflag:s30] =	ssyncset.done $0x0;
	(pc) =	sbr.rel @p0 .LBB2_4-.Ltmp1, $4  }
0xb7: {  	[sflag:s30] =	ssyncadd.s32 $0xFFFFEC00  }
0xb8: {  	_ =	swait.ge [sflag:s31], $0x1400  }
0xb9: {  	[sflag:s31] =	ssyncset.done $0x0  }
0xba: {  	s15 =	sadd.s32 $0x9C90, s14;
	s14 =	smov.u32 s16;
	[sflag:s31] =	ssyncadd.s32 $0xFFFFEC00  }
0xbb: {  	[spmem:s1] =	stream.indirect.scatter.add.f32 [tilespmem:s23], [sflag:$0x4], $0x40, s15, s26, $0xb8;
	[tilespmem:$0x16440] =	vst v63  }
0xbc: {  	s16 =	sadd.s32 $0x9C40, s14  }
0xbd: {  	[tilespmem:s23], [sflag:$0x2] =	stream.indirect.gather [hbm4b:s13+s26], $0x40, s16, s26, $0xb8;
	[tilespmem:$0x16440] =	vst v63  }
0xbe: {  	_ =	swait.ge [sflag:s0], $0x1400  }
0xbf: {  	[sflag:s0] =	ssyncset.done $0x0  }
0xc0: {  	[sflag:s0] =	ssyncadd.s32 $0xFFFFEC00  }
0xc1: {  	_ =	swait.ge [sflag:s28], $0x1400  }
0xc2: {  	[sflag:s28] =	ssyncset.done $0x0  }
0xc3: {  	s16 =	sadd.s32 $0x9BF0, s14;
	[sflag:s28] =	ssyncadd.s32 $0xFFFFEC00  }
0xc4: {  	[spmem:s1] =	stream.indirect.scatter.add.f32 [tilespmem:s29], [sflag:$0x5], $0x40, s16, s26, $0xb8;
	[tilespmem:$0x16440] =	vst v63  }
0xc5: {  	s16 =	sadd.s32 $0x9CE0, s14  }
0xc6: {  	[tilespmem:s29], [sflag:$0x3] =	stream.indirect.gather [hbm4b:s13+s26], $0x40, s16, s26, $0xb8;
	[tilespmem:$0x16440] =	vst v63  }
0xc7: {  	_ =	swait.ge [sflag:s30], $0x1400  }
0xc8: {  	[sflag:s30] =	ssyncset.done $0x0  }
0xc9: {  	[sflag:s30] =	ssyncadd.s32 $0xFFFFEC00  }
0xca: {  	_ =	swait.ge [sflag:s31], $0x1400  }
0xcb: {  	[sflag:s31] =	ssyncset.done $0x0  }
0xcc: {  	s16 =	sadd.s32 $0x9C90, s14;
	[sflag:s31] =	ssyncadd.s32 $0xFFFFEC00  }
0xcd: {  	[spmem:s1] =	stream.indirect.scatter.add.f32 [tilespmem:s23], [sflag:$0x4], $0x40, s16, s26, $0xb8;
	[tilespmem:$0x16440] =	vst v63  }
0xce: {  	_ =	swait.ge [sflag:s0], $0x1400  }
0xcf: {  	[sflag:s0] =	ssyncset.done $0x0  }
0xd0: {  	[sflag:s0] =	ssyncadd.s32 $0xFFFFEC00  }
0xd1: {  	_ =	swait.ge [sflag:s28], $0x1400  }
0xd2: {  	s4 =	sshra.s32 s4, $0x2;
	[sflag:s28] =	ssyncset.done $0x0  }
0xd3: {  	s4 =	sadd.s32 $0x9BF0, s4;
	[sflag:s28] =	ssyncadd.s32 $0xFFFFEC00  }
0xd4: {  	[spmem:s1] =	stream.indirect.scatter.add.f32 [tilespmem:s29], [sflag:$0x5], $0x40, s4, s26, $0xb8;
	[tilespmem:$0x16440] =	vst v63  }
0xd5: {  	_ =	swait.ge [sflag:s31], $0x1400  }
0xd6: {  	[sflag:s31] =	ssyncset.done $0x0  }
0xd7: {  	[sflag:s31] =	ssyncadd.s32 $0xFFFFEC00  }
0xd8: {  	_ =	swait.ge [sflag:s28], $0x1400  }
0xd9: {  	[sflag:s28] =	ssyncset.done $0x0  }
0xda: {  	[sflag:s28] =	ssyncadd.s32 $0xFFFFEC00  }
0xdb: {  	[bflag:$0x0] =	sbarrier.arrive $0xFFFF  }
0xdc: {  	[tilespmem:s23], [sflag:$0x6] =	stream.linear.gather [spmem:s5], $0x1400, $0x38;
	[tilespmem:$0x16440] =	vst v63  }
0xdd: {  	_ =	swait.ge [sflag:s24], $0x1400  }
0xde: {  	[sflag:s24] =	ssyncset.done $0x0  }
0xdf: {  	s14 =	rddreg [dreg:$0x4];
	[sflag:s24] =	ssyncadd.s32 $0xFFFFEC00  }
0xe0: {  	[hbm4b:s14+s3] =	stream.linear.scatter [tilespmem:s23], [sflag:$0x6], $0x1400, $0x38;
	[tilespmem:$0x16440] =	vst v63  }
0xe1: {  	_ =	swait.ge [sflag:s24], $0x1400  }
0xe2: {  	[sflag:s24] =	ssyncset.done $0x0  }
0xe3: {  	[sflag:s24] =	ssyncadd.s32 $0xFFFFEC00  }
0xe4: {  	[tilespmem:s23], [sflag:$0x6] =	stream.linear.gather [spmem:s6], $0x1400, $0x38;
	[tilespmem:$0x16440] =	vst v63  }
0xe5: {  	_ =	swait.ge [sflag:s24], $0x1400  }
0xe6: {  	[sflag:s24] =	ssyncset.done $0x0  }
0xe7: {  	s15 =	rddreg [dreg:$0x5];
	[sflag:s24] =	ssyncadd.s32 $0xFFFFEC00  }
0xe8: {  	[hbm4b:s15+s3] =	stream.linear.scatter [tilespmem:s23], [sflag:$0x6], $0x1400, $0x38;
	[tilespmem:$0x16440] =	vst v63  }
0xe9: {  	_ =	swait.ge [sflag:s24], $0x1400  }
0xea: {  	[sflag:s24] =	ssyncset.done $0x0  }
0xeb: {  	[sflag:s24] =	ssyncadd.s32 $0xFFFFEC00  }
0xec: {  	[tilespmem:s23], [sflag:$0x6] =	stream.linear.gather [spmem:s7], $0x1400, $0x38;
	[tilespmem:$0x16440] =	vst v63  }
0xed: {  	_ =	swait.ge [sflag:s24], $0x1400  }
0xee: {  	[sflag:s24] =	ssyncset.done $0x0  }
0xef: {  	s16 =	rddreg [dreg:$0x6];
	[sflag:s24] =	ssyncadd.s32 $0xFFFFEC00  }
0xf0: {  	[hbm4b:s16+s3] =	stream.linear.scatter [tilespmem:s23], [sflag:$0x6], $0x1400, $0x38;
	[tilespmem:$0x16440] =	vst v63  }
0xf1: {  	_ =	swait.ge [sflag:s24], $0x1400  }
0xf2: {  	[sflag:s24] =	ssyncset.done $0x0  }
0xf3: {  	[sflag:s24] =	ssyncadd.s32 $0xFFFFEC00  }
0xf4: {  	[tilespmem:s23], [sflag:$0x6] =	stream.linear.gather [spmem:s8], $0x1400, $0x38;
	[tilespmem:$0x16440] =	vst v63  }
0xf5: {  	_ =	swait.ge [sflag:s24], $0x1400  }
0xf6: {  	[sflag:s24] =	ssyncset.done $0x0  }
0xf7: {  	[sflag:s24] =	ssyncadd.s32 $0xFFFFEC00  }
0xf8: {  	[hbm4b:s17+s3] =	stream.linear.scatter [tilespmem:s23], [sflag:$0x6], $0x1400, $0x38;
	[tilespmem:$0x16440] =	vst v63  }
0xf9: {  	_ =	swait.ge [sflag:s24], $0x1400  }
0xfa: {  	[sflag:s24] =	ssyncset.done $0x0  }
0xfb: {  	[sflag:s24] =	ssyncadd.s32 $0xFFFFEC00  }
0xfc: {  	[tilespmem:s23], [sflag:$0x6] =	stream.linear.gather [spmem:s9], $0x1400, $0x38;
	[tilespmem:$0x16440] =	vst v63  }
0xfd: {  	_ =	swait.ge [sflag:s24], $0x1400  }
0xfe: {  	[sflag:s24] =	ssyncset.done $0x0  }
0xff: {  	[sflag:s24] =	ssyncadd.s32 $0xFFFFEC00  }
0x100: {  	[hbm4b:s18+s3] =	stream.linear.scatter [tilespmem:s23], [sflag:$0x6], $0x1400, $0x38;
	[tilespmem:$0x16440] =	vst v63  }
0x101: {  	_ =	swait.ge [sflag:s24], $0x1400  }
0x102: {  	[sflag:s24] =	ssyncset.done $0x0  }
0x103: {  	[sflag:s24] =	ssyncadd.s32 $0xFFFFEC00  }
0x104: {  	[tilespmem:s23], [sflag:$0x6] =	stream.linear.gather [spmem:s10], $0x1400, $0x38;
	[tilespmem:$0x16440] =	vst v63  }
0x105: {  	_ =	swait.ge [sflag:s24], $0x1400  }
0x106: {  	[sflag:s24] =	ssyncset.done $0x0  }
0x107: {  	[sflag:s24] =	ssyncadd.s32 $0xFFFFEC00  }
0x108: {  	[hbm4b:s19+s3] =	stream.linear.scatter [tilespmem:s23], [sflag:$0x6], $0x1400, $0x38;
	[tilespmem:$0x16440] =	vst v63  }
0x109: {  	_ =	swait.ge [sflag:s24], $0x1400  }
0x10a: {  	[sflag:s24] =	ssyncset.done $0x0  }
0x10b: {  	[sflag:s24] =	ssyncadd.s32 $0xFFFFEC00  }
0x10c: {  	[tilespmem:s23], [sflag:$0x6] =	stream.linear.gather [spmem:s11], $0x1400, $0x38;
	[tilespmem:$0x16440] =	vst v63  }
0x10d: {  	_ =	swait.ge [sflag:s24], $0x1400  }
0x10e: {  	[sflag:s24] =	ssyncset.done $0x0  }
0x10f: {  	[sflag:s24] =	ssyncadd.s32 $0xFFFFEC00  }
0x110: {  	[hbm4b:s20+s3] =	stream.linear.scatter [tilespmem:s23], [sflag:$0x6], $0x1400, $0x38;
	[tilespmem:$0x16440] =	vst v63  }
0x111: {  	_ =	swait.ge [sflag:s24], $0x1400  }
0x112: {  	[sflag:s24] =	ssyncset.done $0x0  }
0x113: {  	[sflag:s24] =	ssyncadd.s32 $0xFFFFEC00  }
0x114: {  	[tilespmem:s23], [sflag:$0x6] =	stream.linear.gather [spmem:s12], $0x1400, $0x38;
	[tilespmem:$0x16440] =	vst v63  }
0x115: {  	s2 =	sadd.s32 $0x1, s2;
	_ =	swait.ge [sflag:s24], $0x1400  }
0x116: {  	p0 =	sne.s32 s2, s22;
	[sflag:s24] =	ssyncset.done $0x0  }
.Ltmp2:
0x117: {  	[sflag:s24] =	ssyncadd.s32 $0xFFFFEC00;
	(pc) =	sbr.rel @p0 .LBB2_1-.Ltmp2, $4  }
0x118: {  	[hbm4b:s21+s3] =	stream.linear.scatter [tilespmem:s23], [sflag:$0x6], $0x1400, $0x38;
	[tilespmem:$0x16440] =	vst v63  }
0x119: {  	_ =	swait.ge [sflag:s24], $0x1400  }
0x11a: {  	[sflag:s24] =	ssyncset.done $0x0  }
0x11b: {  	[sflag:s24] =	ssyncadd.s32 $0xFFFFEC00  }
0x11c: {  	_ =	sfence.sel $0x180000  }
0x11d: {  	[bflag:$0x0] =	sbarrier.arrive $0xFFFF  }
0x11e: {  	_ =	strace $0x90000047  }
0x11f: {  	s0 =	stileid.u32;
	[bflag:$0x2] =	sbarrier.arrive $0xFFFF  }
0x120: {  	p0 =	sne.s32 s0, $0x0;
	s0 =	rddreg [dreg:$0x2]  }
0x121: {  	s0 =	sadd.s32 @!p0 $0x100000, s0  }
0x122: {  	[sflag:s0] =	ssyncadd.tile.s32 @!p0 $0x1;
	_ =	shalt  }
.Lfunc_end2:
_tile_overlayer_lowered:
.L_overlay_start_2:
0x123: {  	(tag) =	ssettag $0x2  }
0x124: {  	s0 =	rddreg [dreg:$0x0];
	s2 =	stileid.u32  }
0x125: {  	s1 =	rddreg [dreg:$0x1];
	p0 =	sne.s32 s2, $0x0  }
0x126: {  	s3 =	rddreg [dreg:$0x2];
	[bflag:$0x3] =	sbarrier.arrive $0xFFFF;
	s2 =	simm.s32 @!p0 $0x1C06  }
0x127: {  	[timem:s3], [sflag:s2] =	dma.local @!p0 [hbm:s0], s1  }
0x128: {  	s0 =	simm.s32 @!p0 $0x6  }
0x129: {  	_ =	swait.ge @!p0 [sflag:s0], s1  }
0x12a: {  	s1 =	ssub.s32 @!p0 $0x0, s1;
	[sflag:s0] =	ssyncset.done @!p0 $0x0  }
0x12b: {  	[sflag:s0] =	ssyncadd.s32 @!p0 s1  }
0x12c: {  	[bflag:$0x3] =	sbarrier.arrive $0xFFFF  }
0x12d: {  	_ =	shalt  }

</sc_bundles>
